<compile_context>
chip_gen: v7x
topology: tpu7x:2x2x1
jax: 0.10.2.dev20260603
libtpu: 0.0.44.dev20260713+nightly
codegen_flags: <defaults>
</compile_context>

<pallas_src>
import functools

import jax
import jax.numpy as jnp
from jax import lax
from jax.experimental import pallas as pl
from jax.experimental.pallas import tpu as pltpu
from jax.experimental.pallas import tpu_sc as plsc

N = 10000
E = 320000
D = 128

NPAD = 10240
EPAD = 327680
NC, NS = 2, 16
NW = NC * NS
EPT = EPAD // NW
CHUNK = 128
NCHUNK = EPT // CHUNK
RPT = NPAD // NS
CW = 8

def _mesh():
    return plsc.VectorSubcoreMesh(
        core_axis_name="c", subcore_axis_name="s", num_cores=NC, num_subcores=NS)


@functools.cache
def _sc_count_kernel():
    @functools.partial(
        pl.kernel,
        out_type=jax.ShapeDtypeStruct((NW, NPAD), jnp.float32),
        mesh=_mesh(),
        compiler_params=pltpu.CompilerParams(needs_layout_passes=False),
        scratch_types=[
            pltpu.VMEM((NCHUNK, CHUNK), jnp.int32),
            pltpu.VMEM((NPAD,), jnp.float32),
        ],
    )
    def _sc_count(dst_hbm, zeros_hbm, out_hbm, idx_v, cnt_v):
        c = lax.axis_index("c")
        s = lax.axis_index("s")
        w = c * NS + s
        pltpu.sync_copy(zeros_hbm, cnt_v)
        pltpu.sync_copy(dst_hbm.at[pl.ds(w * NCHUNK, NCHUNK)], idx_v)
        ones = jnp.full((16,), 1.0, jnp.float32)

        def body(j, carry):
            for k in range(CHUNK // 16):
                idx = idx_v[j, pl.ds(k * 16, 16)]
                plsc.addupdate_scatter(cnt_v, [idx], ones)
            return carry

        lax.fori_loop(0, NCHUNK, body, 0)
        pltpu.sync_copy(cnt_v, out_hbm.at[w])

    return _sc_count


def _sc_count(dst, zeros_n):
    return _sc_count_kernel()(dst, zeros_n)


NCH_ALL = EPAD // CHUNK
FAST_CORE = 0
QF = 112
QS = NCH_ALL // NS - QF
G = 8
PAIRS_F = QF // G // 2
PAIRS_S = QS // G // 2


@functools.cache
def _sc_agg_kernel():
    @functools.partial(
        pl.kernel,
        out_type=jax.ShapeDtypeStruct((NC, NPAD, D), jnp.float32),
        mesh=_mesh(),
        scratch_types=[
            pltpu.VMEM_SHARED((NPAD, D), jnp.float32),
            pltpu.SemaphoreType.DMA,
            pltpu.SemaphoreType.DMA,
        ],
    )
    def _sc_agg_k(y_hbm, src_hbm, dst_hbm, zeros_hbm, out_hbm, acc, sem, semi):
        pl.run_scoped(
            functools.partial(_agg_body, y_hbm, src_hbm, dst_hbm, zeros_hbm,
                              out_hbm, acc, sem, semi),
            pltpu.VMEM((G, CHUNK), jnp.int32),
            pltpu.VMEM((G, CHUNK), jnp.int32),
            pltpu.VMEM((G, CHUNK), jnp.int32),
            pltpu.VMEM((G, CHUNK), jnp.int32),
            pltpu.VMEM((CHUNK, D), jnp.float32),
            pltpu.VMEM((CHUNK, D), jnp.float32),
        )

    def _agg_body(y_hbm, src_hbm, dst_hbm, zeros_hbm, out_hbm, acc, sem, semi,
                  srcA, dstA, srcB, dstB, rows0, rows1):
        c = lax.axis_index("c")
        s = lax.axis_index("s")
        npairs = jnp.where(c == FAST_CORE, PAIRS_F, PAIRS_S)
        tb = jnp.where(c == FAST_CORE, s * QF, NS * QF + s * QS)
        pltpu.sync_copy(zeros_hbm.at[pl.ds(s * RPT, RPT)], acc.at[pl.ds(s * RPT, RPT)])
        pltpu.sync_copy(src_hbm.at[pl.ds(tb, G)], srcA)
        pltpu.sync_copy(dst_hbm.at[pl.ds(tb, G)], dstA)
        pltpu.async_copy(y_hbm.at[srcA.at[0]], rows0, sem)
        plsc.subcore_barrier()

        bufs = (rows0, rows1)

        def half(src_cur, dst_cur, src_nxt, dst_nxt, base_nxt, has_next):
            def when_next(fn):
                if has_next is True:
                    fn()
                else:
                    pl.when(has_next)(fn)

            for k in range(G):
                cur = bufs[k % 2]
                nxt = bufs[(k + 1) % 2]
                pltpu.make_async_copy(y_hbm.at[src_cur.at[k]], cur, sem).wait()
                if k == 0:
                    def fire_idx():
                        pltpu.async_copy(src_hbm.at[pl.ds(base_nxt, G)], src_nxt, semi)
                        pltpu.async_copy(dst_hbm.at[pl.ds(base_nxt, G)], dst_nxt, semi)
                    when_next(fire_idx)
                if k < G - 1:
                    pltpu.async_copy(y_hbm.at[src_cur.at[k + 1]], nxt, sem)
                else:
                    def wait_prime():
                        pltpu.make_async_copy(
                            src_hbm.at[pl.ds(base_nxt, G)], src_nxt, semi).wait()
                        pltpu.make_async_copy(
                            dst_hbm.at[pl.ds(base_nxt, G)], dst_nxt, semi).wait()
                        pltpu.async_copy(y_hbm.at[src_nxt.at[0]], nxt, sem)
                    when_next(wait_prime)
                pltpu.sync_copy(cur, acc.at[dst_cur.at[k]], add=True)

        def body(m, carry):
            baseA = tb + m * 2 * G
            baseB = baseA + G
            baseA2 = baseB + G
            not_last = m < npairs - 1
            half(srcA, dstA, srcB, dstB, baseB, True)
            half(srcB, dstB, srcA, dstA, baseA2, not_last)
            return carry

        lax.fori_loop(0, npairs, body, 0)
        plsc.subcore_barrier()
        pltpu.sync_copy(acc.at[pl.ds(s * RPT, RPT)], out_hbm.at[c, pl.ds(s * RPT, RPT)])

    return _sc_agg_k


def _sc_agg(y, src, dst, zeros_d):
    return _sc_agg_kernel()(y, src, dst, zeros_d)


BLK = 1024
GRID = NPAD // BLK


def _tc_first(feat_ref, w_ref, c_ref, y_ref, dis_ref):
    cnt = jnp.sum(c_ref[...], axis=0)
    dis = lax.rsqrt(cnt + 1.0)[:, None]
    xw = jnp.dot(feat_ref[...], w_ref[...], preferred_element_type=jnp.float32)
    y_ref[...] = xw * dis
    dis_ref[...] = jnp.broadcast_to(dis, (BLK, CW))


def _tc_mid(y_ref, p_ref, dis_ref, b_ref, w_ref, y2_ref):
    d = dis_ref[...][:, 0:1]
    z = jnp.maximum(d * (y_ref[...] + p_ref[0] + p_ref[1]) + b_ref[...], 0.0)
    y2_ref[...] = jnp.dot(z, w_ref[...], preferred_element_type=jnp.float32) * d


def _tc_last(y_ref, p_ref, dis_ref, b_ref, o_ref):
    d = dis_ref[...][:, 0:1]
    o_ref[...] = jnp.maximum(d * (y_ref[...] + p_ref[0] + p_ref[1]) + b_ref[...], 0.0)


def _row_spec(width):
    return pl.BlockSpec((BLK, width), lambda i: (i, 0))


def _pair_spec(width):
    return pl.BlockSpec((NC, BLK, width), lambda i: (0, i, 0))


def _full_spec(shape):
    return pl.BlockSpec(shape, lambda i: tuple(0 for _ in shape))


def kernel(feat, edge_index, W1, b1, W2, b2):
    src = edge_index[0].astype(jnp.int32)
    dst = edge_index[1].astype(jnp.int32)
    pad_e = EPAD - E
    pad_dst = N + (jnp.arange(pad_e, dtype=jnp.int32) % (NPAD - N))
    src = jnp.concatenate([src, jnp.full((pad_e,), N, jnp.int32)]).reshape(NCH_ALL, CHUNK)
    dst = jnp.concatenate([dst, pad_dst]).reshape(NCH_ALL, CHUNK)
    featp = jnp.zeros((NPAD, D), jnp.float32).at[:N].set(feat)
    zeros_n = jnp.zeros((NPAD,), jnp.float32)
    zeros_d = jnp.zeros((NPAD, D), jnp.float32)
    b1r = b1.reshape(1, D)
    b2r = b2.reshape(1, D)

    cnt = _sc_count(dst, zeros_n)

    y1, dis = pl.pallas_call(
        _tc_first,
        grid=(GRID,),
        in_specs=[_row_spec(D), _full_spec((D, D)),
                  pl.BlockSpec((NW, BLK), lambda i: (0, i))],
        out_specs=[_row_spec(D), _row_spec(CW)],
        out_shape=[jax.ShapeDtypeStruct((NPAD, D), jnp.float32),
                   jax.ShapeDtypeStruct((NPAD, CW), jnp.float32)],
    )(featp, W1, cnt)

    p1 = _sc_agg(y1, src, dst, zeros_d)

    y2 = pl.pallas_call(
        _tc_mid,
        grid=(GRID,),
        in_specs=[_row_spec(D), _pair_spec(D), _row_spec(CW),
                  _full_spec((1, D)), _full_spec((D, D))],
        out_specs=_row_spec(D),
        out_shape=jax.ShapeDtypeStruct((NPAD, D), jnp.float32),
    )(y1, p1, dis, b1r, W2)

    p2 = _sc_agg(y2, src, dst, zeros_d)

    out = pl.pallas_call(
        _tc_last,
        grid=(GRID,),
        in_specs=[_row_spec(D), _pair_spec(D), _row_spec(CW), _full_spec((1, D))],
        out_specs=_row_spec(D),
        out_shape=jax.ShapeDtypeStruct((NPAD, D), jnp.float32),
    )(y2, p2, dis, b2r)

    return out[:N]

# --- scband reference (transcript-rebuilt; emitter-appended) ---
"""Pipeline reference for scband-encoder-39281770889454 (READ-ONLY COPY).

The authoritative reference and input builder live on the scoring server;
editing this copy changes nothing except your own understanding.
"""

import jax, jax.numpy as jnp
import numpy as np

N_NODES = 10000
N_EDGES = 320000
D = 128


def gcn_conv(x, src, dst, W, b, num_nodes):
    # Linear transform
    x = x @ W
    # Add self-loops (PyG GCNConv default add_self_loops=True)
    loop = jnp.arange(num_nodes, dtype=src.dtype)
    src_sl = jnp.concatenate([src, loop])
    dst_sl = jnp.concatenate([dst, loop])
    # Symmetric normalization: deg computed over destination (col) with unit edge weights
    deg = jnp.zeros((num_nodes,), dtype=x.dtype).at[dst_sl].add(1.0)
    deg_inv_sqrt = jnp.where(deg > 0, deg ** -0.5, 0.0)
    norm = deg_inv_sqrt[src_sl] * deg_inv_sqrt[dst_sl]
    # Message passing: gather from src, scale, scatter-add to dst
    msg = x[src_sl] * norm[:, None]
    out = jnp.zeros_like(x).at[dst_sl].add(msg)
    return out + b


def setup_inputs(seed: int = 0) -> dict:
    key = jax.random.key(seed)
    k1, k2, k3, k4, k5 = jax.random.split(key, 5)
    feat = jax.random.normal(k1, (N_NODES, D), dtype=jnp.float32)
    edge_index = jax.random.randint(k2, (2, N_EDGES), 0, N_NODES, dtype=jnp.int64)
    # Glorot-ish init for GCN weights
    scale = (2.0 / (D + D)) ** 0.5
    W1 = jax.random.normal(k3, (D, D), dtype=jnp.float32) * scale
    b1 = jnp.zeros((D,), dtype=jnp.float32)
    W2 = jax.random.normal(k4, (D, D), dtype=jnp.float32) * scale
    b2 = jnp.zeros((D,), dtype=jnp.float32)
    return {"feat": feat, "edge_index": edge_index, "W1": W1, "b1": b1, "W2": W2, "b2": b2}


def reference(feat, edge_index, W1, b1, W2, b2):
    # Encoder.forward: for each GCN layer -> relu -> dropout(p=0.0, no-op)
    src = edge_index[0]
    dst = edge_index[1]
    num_nodes = feat.shape[0]
    z = feat
    z = gcn_conv(z, src, dst, W1, b1, num_nodes)
    z = jax.nn.relu(z)
    # dropout p=0.0 -> identity
    z = gcn_conv(z, src, dst, W2, b2, num_nodes)
    z = jax.nn.relu(z)
    return z

if __name__ == "__main__":
    import jax
    _d = setup_inputs()
    print(jax.jit(kernel)(*tuple(_d.values())))

</pallas_src>

<mosaic_0001>
#map = affine_map<(d0, d1) -> (0, 0)>
#map1 = affine_map<(d0, d1) -> (0, 0, 0)>
module attributes {stable_mosaic.version = 14 : i64} {
  func.func @_sc_agg_k(%arg0: i32, %arg1: i32, %arg2: memref<10240x128xf32, #tpu.memory_space<hbm>>, %arg3: memref<2560x128xi32, #tpu.memory_space<hbm>>, %arg4: memref<2560x128xi32, #tpu.memory_space<hbm>>, %arg5: memref<10240x128xf32, #tpu.memory_space<hbm>>, %arg6: memref<2x10240x128xf32, #tpu.memory_space<hbm>>, %arg7: memref<10240x128xf32, #tpu.memory_space<vmem_shared>>, %arg8: memref<!tpu.dma_semaphore, #tpu.memory_space<semaphore_mem>>, %arg9: memref<!tpu.dma_semaphore, #tpu.memory_space<semaphore_mem>>) attributes {dimension_semantics = [#tpu.dimension_semantics<core_parallel>, #tpu.dimension_semantics<subcore_parallel>], iteration_bounds = array<i64: 2, 16>, scalar_prefetch = 0 : i64, scratch_operands = 3 : i64, tpu.core_type = #tpu.core_type<sc_vector_subcore>, window_params = [{transform_indices = #map}, {transform_indices = #map}, {transform_indices = #map}, {transform_indices = #map}, {transform_indices = #map1}]} {
    "tpu.region"() ({
      %run_scoped3A = memref.alloca() : memref<8x128xi32, #tpu.memory_space<vmem>>
      %run_scoped3A_0 = memref.alloca() : memref<8x128xi32, #tpu.memory_space<vmem>>
      %run_scoped3A_1 = memref.alloca() : memref<8x128xi32, #tpu.memory_space<vmem>>
      %run_scoped3A_2 = memref.alloca() : memref<8x128xi32, #tpu.memory_space<vmem>>
      %run_scoped3A_3 = memref.alloca() : memref<128x128xf32, #tpu.memory_space<vmem>>
      %run_scoped3A_4 = memref.alloca() : memref<128x128xf32, #tpu.memory_space<vmem>>
      %eq3A = arith.constant 0 : i32
      %eq3A_5 = arith.cmpi eq, %arg0, %eq3A : i32
      %jit3A = arith.constant 7 : i32
      %jit3A_6 = arith.constant 3 : i32
      %select_n3A = arith.select %eq3A_5, %jit3A, %jit3A_6 : i32
      %eq3A_7 = arith.constant 0 : i32
      %eq3A_8 = arith.cmpi eq, %arg0, %eq3A_7 : i32
      %mul3A = arith.constant 112 : i32
      %mul3A_9 = arith.muli %arg1, %mul3A : i32
      %mul3A_10 = arith.constant 48 : i32
      %mul3A_11 = arith.muli %arg1, %mul3A_10 : i32
      %add3A = arith.constant 1792 : i32
      %add3A_12 = arith.addi %add3A, %mul3A_11 : i32
      %select_n3A_13 = arith.select %eq3A_8, %mul3A_9, %add3A_12 : i32
      %mul3A_14 = arith.constant 640 : i32
      %mul3A_15 = arith.muli %arg1, %mul3A_14 : i32
      %mul3A_16 = arith.constant 640 : i32
      %mul3A_17 = arith.muli %arg1, %mul3A_16 : i32
      "tpu.region"() ({
        %run_scoped3A_38 = tpu.sem_alloc : memref<!tpu.dma_semaphore, #tpu.memory_space<semaphore_mem>>
        %dma_start3A_39 = arith.constant 0 : i32
        %dma_start3A_40 = tpu.memref_slice %arg7[%mul3A_17, %dma_start3A_39] : memref<10240x128xf32, #tpu.memory_space<vmem_shared>> -> memref<640x128xf32, #tpu.memory_space<vmem_shared>>
        %dma_start3A_41 = arith.constant 0 : i32
        %dma_start3A_42 = tpu.memref_slice %arg5[%mul3A_15, %dma_start3A_41] : memref<10240x128xf32, #tpu.memory_space<hbm>> -> memref<640x128xf32, #tpu.memory_space<hbm>>
        tpu.enqueue_dma source(%dma_start3A_42 : memref<640x128xf32, #tpu.memory_space<hbm>>) target(%dma_start3A_40 : memref<640x128xf32, #tpu.memory_space<vmem_shared>>) target_semaphore(%run_scoped3A_38 : memref<!tpu.dma_semaphore, #tpu.memory_space<semaphore_mem>>)
        %dma_wait3A = arith.constant 0 : i32
        %dma_wait3A_43 = tpu.memref_slice %arg7[%mul3A_17, %dma_wait3A] : memref<10240x128xf32, #tpu.memory_space<vmem_shared>> -> memref<640x128xf32, #tpu.memory_space<vmem_shared>>
        %dma_wait3A_44 = arith.constant 0 : i32
        %dma_wait3A_45 = tpu.memref_slice %arg5[%mul3A_15, %dma_wait3A_44] : memref<10240x128xf32, #tpu.memory_space<hbm>> -> memref<640x128xf32, #tpu.memory_space<hbm>>
        tpu.wait_dma2 semaphore(%run_scoped3A_38 : memref<!tpu.dma_semaphore, #tpu.memory_space<semaphore_mem>>) src(%dma_wait3A_45 : memref<640x128xf32, #tpu.memory_space<hbm>>) dst(%dma_wait3A_43 : memref<640x128xf32, #tpu.memory_space<vmem_shared>>)
        tpu.yield
      }) : () -> ()
      "tpu.region"() ({
        %run_scoped3A_38 = tpu.sem_alloc : memref<!tpu.dma_semaphore, #tpu.memory_space<semaphore_mem>>
        %dma_start3A_39 = arith.constant 0 : i32
        %dma_start3A_40 = tpu.memref_slice %arg3[%select_n3A_13, %dma_start3A_39] : memref<2560x128xi32, #tpu.memory_space<hbm>> -> memref<8x128xi32, #tpu.memory_space<hbm>>
        %dma_start3A_41 = arith.constant 0 : i32
        %dma_start3A_42 = tpu.memref_slice %arg3[%select_n3A_13, %dma_start3A_41] : memref<2560x128xi32, #tpu.memory_space<hbm>> -> memref<8x128xi32, #tpu.memory_space<hbm>>
        tpu.enqueue_dma source(%dma_start3A_42 : memref<8x128xi32, #tpu.memory_space<hbm>>) target(%run_scoped3A : memref<8x128xi32, #tpu.memory_space<vmem>>) target_semaphore(%run_scoped3A_38 : memref<!tpu.dma_semaphore, #tpu.memory_space<semaphore_mem>>)
        %dma_wait3A = arith.constant 0 : i32
        %dma_wait3A_43 = tpu.memref_slice %arg3[%select_n3A_13, %dma_wait3A] : memref<2560x128xi32, #tpu.memory_space<hbm>> -> memref<8x128xi32, #tpu.memory_space<hbm>>
        %dma_wait3A_44 = arith.constant 0 : i32
        %dma_wait3A_45 = tpu.memref_slice %arg3[%select_n3A_13, %dma_wait3A_44] : memref<2560x128xi32, #tpu.memory_space<hbm>> -> memref<8x128xi32, #tpu.memory_space<hbm>>
        tpu.wait_dma2 semaphore(%run_scoped3A_38 : memref<!tpu.dma_semaphore, #tpu.memory_space<semaphore_mem>>) src(%dma_wait3A_45 : memref<8x128xi32, #tpu.memory_space<hbm>>) dst(%run_scoped3A : memref<8x128xi32, #tpu.memory_space<vmem>>)
        tpu.yield
      }) : () -> ()
      "tpu.region"() ({
        %run_scoped3A_38 = tpu.sem_alloc : memref<!tpu.dma_semaphore, #tpu.memory_space<semaphore_mem>>
        %dma_start3A_39 = arith.constant 0 : i32
        %dma_start3A_40 = tpu.memref_slice %arg4[%select_n3A_13, %dma_start3A_39] : memref<2560x128xi32, #tpu.memory_space<hbm>> -> memref<8x128xi32, #tpu.memory_space<hbm>>
        %dma_start3A_41 = arith.constant 0 : i32
        %dma_start3A_42 = tpu.memref_slice %arg4[%select_n3A_13, %dma_start3A_41] : memref<2560x128xi32, #tpu.memory_space<hbm>> -> memref<8x128xi32, #tpu.memory_space<hbm>>
        tpu.enqueue_dma source(%dma_start3A_42 : memref<8x128xi32, #tpu.memory_space<hbm>>) target(%run_scoped3A_0 : memref<8x128xi32, #tpu.memory_space<vmem>>) target_semaphore(%run_scoped3A_38 : memref<!tpu.dma_semaphore, #tpu.memory_space<semaphore_mem>>)
        %dma_wait3A = arith.constant 0 : i32
        %dma_wait3A_43 = tpu.memref_slice %arg4[%select_n3A_13, %dma_wait3A] : memref<2560x128xi32, #tpu.memory_space<hbm>> -> memref<8x128xi32, #tpu.memory_space<hbm>>
        %dma_wait3A_44 = arith.constant 0 : i32
        %dma_wait3A_45 = tpu.memref_slice %arg4[%select_n3A_13, %dma_wait3A_44] : memref<2560x128xi32, #tpu.memory_space<hbm>> -> memref<8x128xi32, #tpu.memory_space<hbm>>
        tpu.wait_dma2 semaphore(%run_scoped3A_38 : memref<!tpu.dma_semaphore, #tpu.memory_space<semaphore_mem>>) src(%dma_wait3A_45 : memref<8x128xi32, #tpu.memory_space<hbm>>) dst(%run_scoped3A_0 : memref<8x128xi32, #tpu.memory_space<vmem>>)
        tpu.yield
      }) : () -> ()
      %dma_start3A = arith.constant 0 : i32
      %dma_start3A_18 = arith.constant 0 : i32
      %dma_start3A_19 = tpu.memref_slice %run_scoped3A[%dma_start3A, %dma_start3A_18] : memref<8x128xi32, #tpu.memory_space<vmem>> -> memref<1x128xi32, #tpu.memory_space<vmem>>
      %dma_start3A_20 = tpu.memref_squeeze %dma_start3A_19 : memref<1x128xi32, #tpu.memory_space<vmem>> -> memref<128xi32, #tpu.memory_space<vmem>>
      %dma_start3A_21 = arith.constant 0 : i32
      %dma_start3A_22 = arith.constant 0 : i32
      %dma_start3A_23 = tpu.memref_slice %arg2[%dma_start3A_21, %dma_start3A_22] : memref<10240x128xf32, #tpu.memory_space<hbm>> -> memref<10240x128xf32, #tpu.memory_space<hbm>>
      tpu.enqueue_indirect_dma source(%dma_start3A_23 : memref<10240x128xf32, #tpu.memory_space<hbm>>) target(%run_scoped3A_3 : memref<128x128xf32, #tpu.memory_space<vmem>>) offsets(%dma_start3A_20 : memref<128xi32, #tpu.memory_space<vmem>>) semaphore(%arg8 : memref<!tpu.dma_semaphore, #tpu.memory_space<semaphore_mem>>)
      %barrier3A = arith.constant 0 : index
      tpu.barrier barrier_id(%barrier3A)
      %while3A = arith.constant 0 : i32
      %while3A_24 = arith.constant 0 : i32
      %while3A_25 = arith.subi %select_n3A, %while3A_24 : i32
      %while3A_26 = arith.addi %while3A_24, %while3A_25 : i32
      %while3A_27 = arith.constant 1 : i32
      %while3A_28 = arith.divsi %while3A_25, %while3A_27 : i32
      %while3A_29 = arith.muli %while3A_28, %while3A_27 : i32
      %while3A_30 = arith.addi %while3A_24, %while3A_29 : i32
      %while3A_31 = arith.constant 1 : i32
      scf.for %while3A_38 = %while3A_24 to %while3A_30 step %while3A_31  : i32 {
        %mul3A_39 = arith.constant 2 : i32
        %mul3A_40 = arith.muli %while3A_38, %mul3A_39 : i32
        %mul3A_41 = arith.constant 8 : i32
        %mul3A_42 = arith.muli %mul3A_40, %mul3A_41 : i32
        %add3A_43 = arith.addi %select_n3A_13, %mul3A_42 : i32
        %add3A_44 = arith.constant 8 : i32
        %add3A_45 = arith.addi %add3A_43, %add3A_44 : i32
        %add3A_46 = arith.constant 8 : i32
        %add3A_47 = arith.addi %add3A_45, %add3A_46 : i32
        %sub3A = arith.constant 1 : i32
        %sub3A_48 = arith.subi %select_n3A, %sub3A : i32
        %lt3A = arith.cmpi slt, %while3A_38, %sub3A_48 : i32
        %dma_wait3A = arith.constant 0 : i32
        %dma_wait3A_49 = arith.constant 0 : i32
        %dma_wait3A_50 = tpu.memref_slice %run_scoped3A[%dma_wait3A, %dma_wait3A_49] : memref<8x128xi32, #tpu.memory_space<vmem>> -> memref<1x128xi32, #tpu.memory_space<vmem>>
        %dma_wait3A_51 = tpu.memref_squeeze %dma_wait3A_50 : memref<1x128xi32, #tpu.memory_space<vmem>> -> memref<128xi32, #tpu.memory_space<vmem>>
        %dma_wait3A_52 = arith.constant 0 : i32
        %dma_wait3A_53 = arith.constant 0 : i32
        %dma_wait3A_54 = tpu.memref_slice %arg2[%dma_wait3A_52, %dma_wait3A_53] : memref<10240x128xf32, #tpu.memory_space<hbm>> -> memref<10240x128xf32, #tpu.memory_space<hbm>>
        tpu.wait_indirect_dma semaphore(%arg8 : memref<!tpu.dma_semaphore, #tpu.memory_space<semaphore_mem>>) src(%dma_wait3A_54 : memref<10240x128xf32, #tpu.memory_space<hbm>>) dst(%run_scoped3A_3 : memref<128x128xf32, #tpu.memory_space<vmem>>)
        %dma_start3A_55 = arith.constant 0 : i32
        %dma_start3A_56 = tpu.memref_slice %arg3[%add3A_45, %dma_start3A_55] : memref<2560x128xi32, #tpu.memory_space<hbm>> -> memref<8x128xi32, #tpu.memory_space<hbm>>
        %dma_start3A_57 = arith.constant 0 : i32
        %dma_start3A_58 = tpu.memref_slice %arg3[%add3A_45, %dma_start3A_57] : memref<2560x128xi32, #tpu.memory_space<hbm>> -> memref<8x128xi32, #tpu.memory_space<hbm>>
        tpu.enqueue_dma source(%dma_start3A_58 : memref<8x128xi32, #tpu.memory_space<hbm>>) target(%run_scoped3A_1 : memref<8x128xi32, #tpu.memory_space<vmem>>) target_semaphore(%arg9 : memref<!tpu.dma_semaphore, #tpu.memory_space<semaphore_mem>>)
        %dma_start3A_59 = arith.constant 0 : i32
        %dma_start3A_60 = tpu.memref_slice %arg4[%add3A_45, %dma_start3A_59] : memref<2560x128xi32, #tpu.memory_space<hbm>> -> memref<8x128xi32, #tpu.memory_space<hbm>>
        %dma_start3A_61 = arith.constant 0 : i32
        %dma_start3A_62 = tpu.memref_slice %arg4[%add3A_45, %dma_start3A_61] : memref<2560x128xi32, #tpu.memory_space<hbm>> -> memref<8x128xi32, #tpu.memory_space<hbm>>
        tpu.enqueue_dma source(%dma_start3A_62 : memref<8x128xi32, #tpu.memory_space<hbm>>) target(%run_scoped3A_2 : memref<8x128xi32, #tpu.memory_space<vmem>>) target_semaphore(%arg9 : memref<!tpu.dma_semaphore, #tpu.memory_space<semaphore_mem>>)
        %dma_start3A_63 = arith.constant 1 : i32
        %dma_start3A_64 = arith.constant 0 : i32
        %dma_start3A_65 = tpu.memref_slice %run_scoped3A[%dma_start3A_63, %dma_start3A_64] : memref<8x128xi32, #tpu.memory_space<vmem>> -> memref<1x128xi32, #tpu.memory_space<vmem>>
        %dma_start3A_66 = tpu.memref_squeeze %dma_start3A_65 : memref<1x128xi32, #tpu.memory_space<vmem>> -> memref<128xi32, #tpu.memory_space<vmem>>
        %dma_start3A_67 = arith.constant 0 : i32
        %dma_start3A_68 = arith.constant 0 : i32
        %dma_start3A_69 = tpu.memref_slice %arg2[%dma_start3A_67, %dma_start3A_68] : memref<10240x128xf32, #tpu.memory_space<hbm>> -> memref<10240x128xf32, #tpu.memory_space<hbm>>
        tpu.enqueue_indirect_dma source(%dma_start3A_69 : memref<10240x128xf32, #tpu.memory_space<hbm>>) target(%run_scoped3A_4 : memref<128x128xf32, #tpu.memory_space<vmem>>) offsets(%dma_start3A_66 : memref<128xi32, #tpu.memory_space<vmem>>) semaphore(%arg8 : memref<!tpu.dma_semaphore, #tpu.memory_space<semaphore_mem>>)
        %run_scoped3A_70 = arith.constant 0 : i32
        "tpu.region"() ({
          %run_scoped3A_301 = tpu.sem_alloc : memref<!tpu.dma_semaphore, #tpu.memory_space<semaphore_mem>>
          %dma_start3A_302 = arith.constant 0 : i32
          %dma_start3A_303 = tpu.memref_slice %run_scoped3A_0[%run_scoped3A_70, %dma_start3A_302] : memref<8x128xi32, #tpu.memory_space<vmem>> -> memref<1x128xi32, #tpu.memory_space<vmem>>
          %dma_start3A_304 = tpu.memref_squeeze %dma_start3A_303 : memref<1x128xi32, #tpu.memory_space<vmem>> -> memref<128xi32, #tpu.memory_space<vmem>>
          %dma_start3A_305 = arith.constant 0 : i32
          %dma_start3A_306 = arith.constant 0 : i32
          %dma_start3A_307 = tpu.memref_slice %arg7[%dma_start3A_305, %dma_start3A_306] : memref<10240x128xf32, #tpu.memory_space<vmem_shared>> -> memref<10240x128xf32, #tpu.memory_space<vmem_shared>>
          tpu.enqueue_indirect_dma source(%run_scoped3A_3 : memref<128x128xf32, #tpu.memory_space<vmem>>) target(%dma_start3A_307 : memref<10240x128xf32, #tpu.memory_space<vmem_shared>>) offsets(%dma_start3A_304 : memref<128xi32, #tpu.memory_space<vmem>>) semaphore(%run_scoped3A_301 : memref<!tpu.dma_semaphore, #tpu.memory_space<semaphore_mem>>) {add = true}
          %dma_wait3A_308 = arith.constant 0 : i32
          %dma_wait3A_309 = tpu.memref_slice %run_scoped3A_0[%run_scoped3A_70, %dma_wait3A_308] : memref<8x128xi32, #tpu.memory_space<vmem>> -> memref<1x128xi32, #tpu.memory_space<vmem>>
          %dma_wait3A_310 = tpu.memref_squeeze %dma_wait3A_309 : memref<1x128xi32, #tpu.memory_space<vmem>> -> memref<128xi32, #tpu.memory_space<vmem>>
          %dma_wait3A_311 = arith.constant 0 : i32
          %dma_wait3A_312 = arith.constant 0 : i32
          %dma_wait3A_313 = tpu.memref_slice %arg7[%dma_wait3A_311, %dma_wait3A_312] : memref<10240x128xf32, #tpu.memory_space<vmem_shared>> -> memref<10240x128xf32, #tpu.memory_space<vmem_shared>>
          tpu.wait_indirect_dma semaphore(%run_scoped3A_301 : memref<!tpu.dma_semaphore, #tpu.memory_space<semaphore_mem>>) src(%run_scoped3A_3 : memref<128x128xf32, #tpu.memory_space<vmem>>) dst(%dma_wait3A_313 : memref<10240x128xf32, #tpu.memory_space<vmem_shared>>)
          tpu.yield
        }) : () -> ()
        %dma_wait3A_71 = arith.constant 1 : i32
        %dma_wait3A_72 = arith.constant 0 : i32
        %dma_wait3A_73 = tpu.memref_slice %run_scoped3A[%dma_wait3A_71, %dma_wait3A_72] : memref<8x128xi32, #tpu.memory_space<vmem>> -> memref<1x128xi32, #tpu.memory_space<vmem>>
        %dma_wait3A_74 = tpu.memref_squeeze %dma_wait3A_73 : memref<1x128xi32, #tpu.memory_space<vmem>> -> memref<128xi32, #tpu.memory_space<vmem>>
        %dma_wait3A_75 = arith.constant 0 : i32
        %dma_wait3A_76 = arith.constant 0 : i32
        %dma_wait3A_77 = tpu.memref_slice %arg2[%dma_wait3A_75, %dma_wait3A_76] : memref<10240x128xf32, #tpu.memory_space<hbm>> -> memref<10240x128xf32, #tpu.memory_space<hbm>>
        tpu.wait_indirect_dma semaphore(%arg8 : memref<!tpu.dma_semaphore, #tpu.memory_space<semaphore_mem>>) src(%dma_wait3A_77 : memref<10240x128xf32, #tpu.memory_space<hbm>>) dst(%run_scoped3A_4 : memref<128x128xf32, #tpu.memory_space<vmem>>)
        %dma_start3A_78 = arith.constant 2 : i32
        %dma_start3A_79 = arith.constant 0 : i32
        %dma_start3A_80 = tpu.memref_slice %run_scoped3A[%dma_start3A_78, %dma_start3A_79] : memref<8x128xi32, #tpu.memory_space<vmem>> -> memref<1x128xi32, #tpu.memory_space<vmem>>
        %dma_start3A_81 = tpu.memref_squeeze %dma_start3A_80 : memref<1x128xi32, #tpu.memory_space<vmem>> -> memref<128xi32, #tpu.memory_space<vmem>>
        %dma_start3A_82 = arith.constant 0 : i32
        %dma_start3A_83 = arith.constant 0 : i32
        %dma_start3A_84 = tpu.memref_slice %arg2[%dma_start3A_82, %dma_start3A_83] : memref<10240x128xf32, #tpu.memory_space<hbm>> -> memref<10240x128xf32, #tpu.memory_space<hbm>>
        tpu.enqueue_indirect_dma source(%dma_start3A_84 : memref<10240x128xf32, #tpu.memory_space<hbm>>) target(%run_scoped3A_3 : memref<128x128xf32, #tpu.memory_space<vmem>>) offsets(%dma_start3A_81 : memref<128xi32, #tpu.memory_space<vmem>>) semaphore(%arg8 : memref<!tpu.dma_semaphore, #tpu.memory_space<semaphore_mem>>)
        %run_scoped3A_85 = arith.constant 1 : i32
        "tpu.region"() ({
          %run_scoped3A_301 = tpu.sem_alloc : memref<!tpu.dma_semaphore, #tpu.memory_space<semaphore_mem>>
          %dma_start3A_302 = arith.constant 0 : i32
          %dma_start3A_303 = tpu.memref_slice %run_scoped3A_0[%run_scoped3A_85, %dma_start3A_302] : memref<8x128xi32, #tpu.memory_space<vmem>> -> memref<1x128xi32, #tpu.memory_space<vmem>>
          %dma_start3A_304 = tpu.memref_squeeze %dma_start3A_303 : memref<1x128xi32, #tpu.memory_space<vmem>> -> memref<128xi32, #tpu.memory_space<vmem>>
          %dma_start3A_305 = arith.constant 0 : i32
          %dma_start3A_306 = arith.constant 0 : i32
          %dma_start3A_307 = tpu.memref_slice %arg7[%dma_start3A_305, %dma_start3A_306] : memref<10240x128xf32, #tpu.memory_space<vmem_shared>> -> memref<10240x128xf32, #tpu.memory_space<vmem_shared>>
          tpu.enqueue_indirect_dma source(%run_scoped3A_4 : memref<128x128xf32, #tpu.memory_space<vmem>>) target(%dma_start3A_307 : memref<10240x128xf32, #tpu.memory_space<vmem_shared>>) offsets(%dma_start3A_304 : memref<128xi32, #tpu.memory_space<vmem>>) semaphore(%run_scoped3A_301 : memref<!tpu.dma_semaphore, #tpu.memory_space<semaphore_mem>>) {add = true}
          %dma_wait3A_308 = arith.constant 0 : i32
          %dma_wait3A_309 = tpu.memref_slice %run_scoped3A_0[%run_scoped3A_85, %dma_wait3A_308] : memref<8x128xi32, #tpu.memory_space<vmem>> -> memref<1x128xi32, #tpu.memory_space<vmem>>
          %dma_wait3A_310 = tpu.memref_squeeze %dma_wait3A_309 : memref<1x128xi32, #tpu.memory_space<vmem>> -> memref<128xi32, #tpu.memory_space<vmem>>
          %dma_wait3A_311 = arith.constant 0 : i32
          %dma_wait3A_312 = arith.constant 0 : i32
          %dma_wait3A_313 = tpu.memref_slice %arg7[%dma_wait3A_311, %dma_wait3A_312] : memref<10240x128xf32, #tpu.memory_space<vmem_shared>> -> memref<10240x128xf32, #tpu.memory_space<vmem_shared>>
          tpu.wait_indirect_dma semaphore(%run_scoped3A_301 : memref<!tpu.dma_semaphore, #tpu.memory_space<semaphore_mem>>) src(%run_scoped3A_4 : memref<128x128xf32, #tpu.memory_space<vmem>>) dst(%dma_wait3A_313 : memref<10240x128xf32, #tpu.memory_space<vmem_shared>>)
          tpu.yield
        }) : () -> ()
        %dma_wait3A_86 = arith.constant 2 : i32
        %dma_wait3A_87 = arith.constant 0 : i32
        %dma_wait3A_88 = tpu.memref_slice %run_scoped3A[%dma_wait3A_86, %dma_wait3A_87] : memref<8x128xi32, #tpu.memory_space<vmem>> -> memref<1x128xi32, #tpu.memory_space<vmem>>
        %dma_wait3A_89 = tpu.memref_squeeze %dma_wait3A_88 : memref<1x128xi32, #tpu.memory_space<vmem>> -> memref<128xi32, #tpu.memory_space<vmem>>
        %dma_wait3A_90 = arith.constant 0 : i32
        %dma_wait3A_91 = arith.constant 0 : i32
        %dma_wait3A_92 = tpu.memref_slice %arg2[%dma_wait3A_90, %dma_wait3A_91] : memref<10240x128xf32, #tpu.memory_space<hbm>> -> memref<10240x128xf32, #tpu.memory_space<hbm>>
        tpu.wait_indirect_dma semaphore(%arg8 : memref<!tpu.dma_semaphore, #tpu.memory_space<semaphore_mem>>) src(%dma_wait3A_92 : memref<10240x128xf32, #tpu.memory_space<hbm>>) dst(%run_scoped3A_3 : memref<128x128xf32, #tpu.memory_space<vmem>>)
        %dma_start3A_93 = arith.constant 3 : i32
        %dma_start3A_94 = arith.constant 0 : i32
        %dma_start3A_95 = tpu.memref_slice %run_scoped3A[%dma_start3A_93, %dma_start3A_94] : memref<8x128xi32, #tpu.memory_space<vmem>> -> memref<1x128xi32, #tpu.memory_space<vmem>>
        %dma_start3A_96 = tpu.memref_squeeze %dma_start3A_95 : memref<1x128xi32, #tpu.memory_space<vmem>> -> memref<128xi32, #tpu.memory_space<vmem>>
        %dma_start3A_97 = arith.constant 0 : i32
        %dma_start3A_98 = arith.constant 0 : i32
        %dma_start3A_99 = tpu.memref_slice %arg2[%dma_start3A_97, %dma_start3A_98] : memref<10240x128xf32, #tpu.memory_space<hbm>> -> memref<10240x128xf32, #tpu.memory_space<hbm>>
        tpu.enqueue_indirect_dma source(%dma_start3A_99 : memref<10240x128xf32, #tpu.memory_space<hbm>>) target(%run_scoped3A_4 : memref<128x128xf32, #tpu.memory_space<vmem>>) offsets(%dma_start3A_96 : memref<128xi32, #tpu.memory_space<vmem>>) semaphore(%arg8 : memref<!tpu.dma_semaphore, #tpu.memory_space<semaphore_mem>>)
        %run_scoped3A_100 = arith.constant 2 : i32
        "tpu.region"() ({
          %run_scoped3A_301 = tpu.sem_alloc : memref<!tpu.dma_semaphore, #tpu.memory_space<semaphore_mem>>
          %dma_start3A_302 = arith.constant 0 : i32
          %dma_start3A_303 = tpu.memref_slice %run_scoped3A_0[%run_scoped3A_100, %dma_start3A_302] : memref<8x128xi32, #tpu.memory_space<vmem>> -> memref<1x128xi32, #tpu.memory_space<vmem>>
          %dma_start3A_304 = tpu.memref_squeeze %dma_start3A_303 : memref<1x128xi32, #tpu.memory_space<vmem>> -> memref<128xi32, #tpu.memory_space<vmem>>
          %dma_start3A_305 = arith.constant 0 : i32
          %dma_start3A_306 = arith.constant 0 : i32
          %dma_start3A_307 = tpu.memref_slice %arg7[%dma_start3A_305, %dma_start3A_306] : memref<10240x128xf32, #tpu.memory_space<vmem_shared>> -> memref<10240x128xf32, #tpu.memory_space<vmem_shared>>
          tpu.enqueue_indirect_dma source(%run_scoped3A_3 : memref<128x128xf32, #tpu.memory_space<vmem>>) target(%dma_start3A_307 : memref<10240x128xf32, #tpu.memory_space<vmem_shared>>) offsets(%dma_start3A_304 : memref<128xi32, #tpu.memory_space<vmem>>) semaphore(%run_scoped3A_301 : memref<!tpu.dma_semaphore, #tpu.memory_space<semaphore_mem>>) {add = true}
          %dma_wait3A_308 = arith.constant 0 : i32
          %dma_wait3A_309 = tpu.memref_slice %run_scoped3A_0[%run_scoped3A_100, %dma_wait3A_308] : memref<8x128xi32, #tpu.memory_space<vmem>> -> memref<1x128xi32, #tpu.memory_space<vmem>>
          %dma_wait3A_310 = tpu.memref_squeeze %dma_wait3A_309 : memref<1x128xi32, #tpu.memory_space<vmem>> -> memref<128xi32, #tpu.memory_space<vmem>>
          %dma_wait3A_311 = arith.constant 0 : i32
          %dma_wait3A_312 = arith.constant 0 : i32
          %dma_wait3A_313 = tpu.memref_slice %arg7[%dma_wait3A_311, %dma_wait3A_312] : memref<10240x128xf32, #tpu.memory_space<vmem_shared>> -> memref<10240x128xf32, #tpu.memory_space<vmem_shared>>
          tpu.wait_indirect_dma semaphore(%run_scoped3A_301 : memref<!tpu.dma_semaphore, #tpu.memory_space<semaphore_mem>>) src(%run_scoped3A_3 : memref<128x128xf32, #tpu.memory_space<vmem>>) dst(%dma_wait3A_313 : memref<10240x128xf32, #tpu.memory_space<vmem_shared>>)
          tpu.yield
        }) : () -> ()
        %dma_wait3A_101 = arith.constant 3 : i32
        %dma_wait3A_102 = arith.constant 0 : i32
        %dma_wait3A_103 = tpu.memref_slice %run_scoped3A[%dma_wait3A_101, %dma_wait3A_102] : memref<8x128xi32, #tpu.memory_space<vmem>> -> memref<1x128xi32, #tpu.memory_space<vmem>>
        %dma_wait3A_104 = tpu.memref_squeeze %dma_wait3A_103 : memref<1x128xi32, #tpu.memory_space<vmem>> -> memref<128xi32, #tpu.memory_space<vmem>>
        %dma_wait3A_105 = arith.constant 0 : i32
        %dma_wait3A_106 = arith.constant 0 : i32
        %dma_wait3A_107 = tpu.memref_slice %arg2[%dma_wait3A_105, %dma_wait3A_106] : memref<10240x128xf32, #tpu.memory_space<hbm>> -> memref<10240x128xf32, #tpu.memory_space<hbm>>
        tpu.wait_indirect_dma semaphore(%arg8 : memref<!tpu.dma_semaphore, #tpu.memory_space<semaphore_mem>>) src(%dma_wait3A_107 : memref<10240x128xf32, #tpu.memory_space<hbm>>) dst(%run_scoped3A_4 : memref<128x128xf32, #tpu.memory_space<vmem>>)
        %dma_start3A_108 = arith.constant 4 : i32
        %dma_start3A_109 = arith.constant 0 : i32
        %dma_start3A_110 = tpu.memref_slice %run_scoped3A[%dma_start3A_108, %dma_start3A_109] : memref<8x128xi32, #tpu.memory_space<vmem>> -> memref<1x128xi32, #tpu.memory_space<vmem>>
        %dma_start3A_111 = tpu.memref_squeeze %dma_start3A_110 : memref<1x128xi32, #tpu.memory_space<vmem>> -> memref<128xi32, #tpu.memory_space<vmem>>
        %dma_start3A_112 = arith.constant 0 : i32
        %dma_start3A_113 = arith.constant 0 : i32
        %dma_start3A_114 = tpu.memref_slice %arg2[%dma_start3A_112, %dma_start3A_113] : memref<10240x128xf32, #tpu.memory_space<hbm>> -> memref<10240x128xf32, #tpu.memory_space<hbm>>
        tpu.enqueue_indirect_dma source(%dma_start3A_114 : memref<10240x128xf32, #tpu.memory_space<hbm>>) target(%run_scoped3A_3 : memref<128x128xf32, #tpu.memory_space<vmem>>) offsets(%dma_start3A_111 : memref<128xi32, #tpu.memory_space<vmem>>) semaphore(%arg8 : memref<!tpu.dma_semaphore, #tpu.memory_space<semaphore_mem>>)
        %run_scoped3A_115 = arith.constant 3 : i32
        "tpu.region"() ({
          %run_scoped3A_301 = tpu.sem_alloc : memref<!tpu.dma_semaphore, #tpu.memory_space<semaphore_mem>>
          %dma_start3A_302 = arith.constant 0 : i32
          %dma_start3A_303 = tpu.memref_slice %run_scoped3A_0[%run_scoped3A_115, %dma_start3A_302] : memref<8x128xi32, #tpu.memory_space<vmem>> -> memref<1x128xi32, #tpu.memory_space<vmem>>
          %dma_start3A_304 = tpu.memref_squeeze %dma_start3A_303 : memref<1x128xi32, #tpu.memory_space<vmem>> -> memref<128xi32, #tpu.memory_space<vmem>>
          %dma_start3A_305 = arith.constant 0 : i32
          %dma_start3A_306 = arith.constant 0 : i32
          %dma_start3A_307 = tpu.memref_slice %arg7[%dma_start3A_305, %dma_start3A_306] : memref<10240x128xf32, #tpu.memory_space<vmem_shared>> -> memref<10240x128xf32, #tpu.memory_space<vmem_shared>>
          tpu.enqueue_indirect_dma source(%run_scoped3A_4 : memref<128x128xf32, #tpu.memory_space<vmem>>) target(%dma_start3A_307 : memref<10240x128xf32, #tpu.memory_space<vmem_shared>>) offsets(%dma_start3A_304 : memref<128xi32, #tpu.memory_space<vmem>>) semaphore(%run_scoped3A_301 : memref<!tpu.dma_semaphore, #tpu.memory_space<semaphore_mem>>) {add = true}
          %dma_wait3A_308 = arith.constant 0 : i32
          %dma_wait3A_309 = tpu.memref_slice %run_scoped3A_0[%run_scoped3A_115, %dma_wait3A_308] : memref<8x128xi32, #tpu.memory_space<vmem>> -> memref<1x128xi32, #tpu.memory_space<vmem>>
          %dma_wait3A_310 = tpu.memref_squeeze %dma_wait3A_309 : memref<1x128xi32, #tpu.memory_space<vmem>> -> memref<128xi32, #tpu.memory_space<vmem>>
          %dma_wait3A_311 = arith.constant 0 : i32
          %dma_wait3A_312 = arith.constant 0 : i32
          %dma_wait3A_313 = tpu.memref_slice %arg7[%dma_wait3A_311, %dma_wait3A_312] : memref<10240x128xf32, #tpu.memory_space<vmem_shared>> -> memref<10240x128xf32, #tpu.memory_space<vmem_shared>>
          tpu.wait_indirect_dma semaphore(%run_scoped3A_301 : memref<!tpu.dma_semaphore, #tpu.memory_space<semaphore_mem>>) src(%run_scoped3A_4 : memref<128x128xf32, #tpu.memory_space<vmem>>) dst(%dma_wait3A_313 : memref<10240x128xf32, #tpu.memory_space<vmem_shared>>)
          tpu.yield
        }) : () -> ()
        %dma_wait3A_116 = arith.constant 4 : i32
        %dma_wait3A_117 = arith.constant 0 : i32
        %dma_wait3A_118 = tpu.memref_slice %run_scoped3A[%dma_wait3A_116, %dma_wait3A_117] : memref<8x128xi32, #tpu.memory_space<vmem>> -> memref<1x128xi32, #tpu.memory_space<vmem>>
        %dma_wait3A_119 = tpu.memref_squeeze %dma_wait3A_118 : memref<1x128xi32, #tpu.memory_space<vmem>> -> memref<128xi32, #tpu.memory_space<vmem>>
        %dma_wait3A_120 = arith.constant 0 : i32
        %dma_wait3A_121 = arith.constant 0 : i32
        %dma_wait3A_122 = tpu.memref_slice %arg2[%dma_wait3A_120, %dma_wait3A_121] : memref<10240x128xf32, #tpu.memory_space<hbm>> -> memref<10240x128xf32, #tpu.memory_space<hbm>>
        tpu.wait_indirect_dma semaphore(%arg8 : memref<!tpu.dma_semaphore, #tpu.memory_space<semaphore_mem>>) src(%dma_wait3A_122 : memref<10240x128xf32, #tpu.memory_space<hbm>>) dst(%run_scoped3A_3 : memref<128x128xf32, #tpu.memory_space<vmem>>)
        %dma_start3A_123 = arith.constant 5 : i32
        %dma_start3A_124 = arith.constant 0 : i32
        %dma_start3A_125 = tpu.memref_slice %run_scoped3A[%dma_start3A_123, %dma_start3A_124] : memref<8x128xi32, #tpu.memory_space<vmem>> -> memref<1x128xi32, #tpu.memory_space<vmem>>
        %dma_start3A_126 = tpu.memref_squeeze %dma_start3A_125 : memref<1x128xi32, #tpu.memory_space<vmem>> -> memref<128xi32, #tpu.memory_space<vmem>>
        %dma_start3A_127 = arith.constant 0 : i32
        %dma_start3A_128 = arith.constant 0 : i32
        %dma_start3A_129 = tpu.memref_slice %arg2[%dma_start3A_127, %dma_start3A_128] : memref<10240x128xf32, #tpu.memory_space<hbm>> -> memref<10240x128xf32, #tpu.memory_space<hbm>>
        tpu.enqueue_indirect_dma source(%dma_start3A_129 : memref<10240x128xf32, #tpu.memory_space<hbm>>) target(%run_scoped3A_4 : memref<128x128xf32, #tpu.memory_space<vmem>>) offsets(%dma_start3A_126 : memref<128xi32, #tpu.memory_space<vmem>>) semaphore(%arg8 : memref<!tpu.dma_semaphore, #tpu.memory_space<semaphore_mem>>)
        %run_scoped3A_130 = arith.constant 4 : i32
        "tpu.region"() ({
          %run_scoped3A_301 = tpu.sem_alloc : memref<!tpu.dma_semaphore, #tpu.memory_space<semaphore_mem>>
          %dma_start3A_302 = arith.constant 0 : i32
          %dma_start3A_303 = tpu.memref_slice %run_scoped3A_0[%run_scoped3A_130, %dma_start3A_302] : memref<8x128xi32, #tpu.memory_space<vmem>> -> memref<1x128xi32, #tpu.memory_space<vmem>>
          %dma_start3A_304 = tpu.memref_squeeze %dma_start3A_303 : memref<1x128xi32, #tpu.memory_space<vmem>> -> memref<128xi32, #tpu.memory_space<vmem>>
          %dma_start3A_305 = arith.constant 0 : i32
          %dma_start3A_306 = arith.constant 0 : i32
          %dma_start3A_307 = tpu.memref_slice %arg7[%dma_start3A_305, %dma_start3A_306] : memref<10240x128xf32, #tpu.memory_space<vmem_shared>> -> memref<10240x128xf32, #tpu.memory_space<vmem_shared>>
          tpu.enqueue_indirect_dma source(%run_scoped3A_3 : memref<128x128xf32, #tpu.memory_space<vmem>>) target(%dma_start3A_307 : memref<10240x128xf32, #tpu.memory_space<vmem_shared>>) offsets(%dma_start3A_304 : memref<128xi32, #tpu.memory_space<vmem>>) semaphore(%run_scoped3A_301 : memref<!tpu.dma_semaphore, #tpu.memory_space<semaphore_mem>>) {add = true}
          %dma_wait3A_308 = arith.constant 0 : i32
          %dma_wait3A_309 = tpu.memref_slice %run_scoped3A_0[%run_scoped3A_130, %dma_wait3A_308] : memref<8x128xi32, #tpu.memory_space<vmem>> -> memref<1x128xi32, #tpu.memory_space<vmem>>
          %dma_wait3A_310 = tpu.memref_squeeze %dma_wait3A_309 : memref<1x128xi32, #tpu.memory_space<vmem>> -> memref<128xi32, #tpu.memory_space<vmem>>
          %dma_wait3A_311 = arith.constant 0 : i32
          %dma_wait3A_312 = arith.constant 0 : i32
          %dma_wait3A_313 = tpu.memref_slice %arg7[%dma_wait3A_311, %dma_wait3A_312] : memref<10240x128xf32, #tpu.memory_space<vmem_shared>> -> memref<10240x128xf32, #tpu.memory_space<vmem_shared>>
          tpu.wait_indirect_dma semaphore(%run_scoped3A_301 : memref<!tpu.dma_semaphore, #tpu.memory_space<semaphore_mem>>) src(%run_scoped3A_3 : memref<128x128xf32, #tpu.memory_space<vmem>>) dst(%dma_wait3A_313 : memref<10240x128xf32, #tpu.memory_space<vmem_shared>>)
          tpu.yield
        }) : () -> ()
        %dma_wait3A_131 = arith.constant 5 : i32
        %dma_wait3A_132 = arith.constant 0 : i32
        %dma_wait3A_133 = tpu.memref_slice %run_scoped3A[%dma_wait3A_131, %dma_wait3A_132] : memref<8x128xi32, #tpu.memory_space<vmem>> -> memref<1x128xi32, #tpu.memory_space<vmem>>
        %dma_wait3A_134 = tpu.memref_squeeze %dma_wait3A_133 : memref<1x128xi32, #tpu.memory_space<vmem>> -> memref<128xi32, #tpu.memory_space<vmem>>
        %dma_wait3A_135 = arith.constant 0 : i32
        %dma_wait3A_136 = arith.constant 0 : i32
        %dma_wait3A_137 = tpu.memref_slice %arg2[%dma_wait3A_135, %dma_wait3A_136] : memref<10240x128xf32, #tpu.memory_space<hbm>> -> memref<10240x128xf32, #tpu.memory_space<hbm>>
        tpu.wait_indirect_dma semaphore(%arg8 : memref<!tpu.dma_semaphore, #tpu.memory_space<semaphore_mem>>) src(%dma_wait3A_137 : memref<10240x128xf32, #tpu.memory_space<hbm>>) dst(%run_scoped3A_4 : memref<128x128xf32, #tpu.memory_space<vmem>>)
        %dma_start3A_138 = arith.constant 6 : i32
        %dma_start3A_139 = arith.constant 0 : i32
        %dma_start3A_140 = tpu.memref_slice %run_scoped3A[%dma_start3A_138, %dma_start3A_139] : memref<8x128xi32, #tpu.memory_space<vmem>> -> memref<1x128xi32, #tpu.memory_space<vmem>>
        %dma_start3A_141 = tpu.memref_squeeze %dma_start3A_140 : memref<1x128xi32, #tpu.memory_space<vmem>> -> memref<128xi32, #tpu.memory_space<vmem>>
        %dma_start3A_142 = arith.constant 0 : i32
        %dma_start3A_143 = arith.constant 0 : i32
        %dma_start3A_144 = tpu.memref_slice %arg2[%dma_start3A_142, %dma_start3A_143] : memref<10240x128xf32, #tpu.memory_space<hbm>> -> memref<10240x128xf32, #tpu.memory_space<hbm>>
        tpu.enqueue_indirect_dma source(%dma_start3A_144 : memref<10240x128xf32, #tpu.memory_space<hbm>>) target(%run_scoped3A_3 : memref<128x128xf32, #tpu.memory_space<vmem>>) offsets(%dma_start3A_141 : memref<128xi32, #tpu.memory_space<vmem>>) semaphore(%arg8 : memref<!tpu.dma_semaphore, #tpu.memory_space<semaphore_mem>>)
        %run_scoped3A_145 = arith.constant 5 : i32
        "tpu.region"() ({
          %run_scoped3A_301 = tpu.sem_alloc : memref<!tpu.dma_semaphore, #tpu.memory_space<semaphore_mem>>
          %dma_start3A_302 = arith.constant 0 : i32
          %dma_start3A_303 = tpu.memref_slice %run_scoped3A_0[%run_scoped3A_145, %dma_start3A_302] : memref<8x128xi32, #tpu.memory_space<vmem>> -> memref<1x128xi32, #tpu.memory_space<vmem>>
          %dma_start3A_304 = tpu.memref_squeeze %dma_start3A_303 : memref<1x128xi32, #tpu.memory_space<vmem>> -> memref<128xi32, #tpu.memory_space<vmem>>
          %dma_start3A_305 = arith.constant 0 : i32
          %dma_start3A_306 = arith.constant 0 : i32
          %dma_start3A_307 = tpu.memref_slice %arg7[%dma_start3A_305, %dma_start3A_306] : memref<10240x128xf32, #tpu.memory_space<vmem_shared>> -> memref<10240x128xf32, #tpu.memory_space<vmem_shared>>
          tpu.enqueue_indirect_dma source(%run_scoped3A_4 : memref<128x128xf32, #tpu.memory_space<vmem>>) target(%dma_start3A_307 : memref<10240x128xf32, #tpu.memory_space<vmem_shared>>) offsets(%dma_start3A_304 : memref<128xi32, #tpu.memory_space<vmem>>) semaphore(%run_scoped3A_301 : memref<!tpu.dma_semaphore, #tpu.memory_space<semaphore_mem>>) {add = true}
          %dma_wait3A_308 = arith.constant 0 : i32
          %dma_wait3A_309 = tpu.memref_slice %run_scoped3A_0[%run_scoped3A_145, %dma_wait3A_308] : memref<8x128xi32, #tpu.memory_space<vmem>> -> memref<1x128xi32, #tpu.memory_space<vmem>>
          %dma_wait3A_310 = tpu.memref_squeeze %dma_wait3A_309 : memref<1x128xi32, #tpu.memory_space<vmem>> -> memref<128xi32, #tpu.memory_space<vmem>>
          %dma_wait3A_311 = arith.constant 0 : i32
          %dma_wait3A_312 = arith.constant 0 : i32
          %dma_wait3A_313 = tpu.memref_slice %arg7[%dma_wait3A_311, %dma_wait3A_312] : memref<10240x128xf32, #tpu.memory_space<vmem_shared>> -> memref<10240x128xf32, #tpu.memory_space<vmem_shared>>
          tpu.wait_indirect_dma semaphore(%run_scoped3A_301 : memref<!tpu.dma_semaphore, #tpu.memory_space<semaphore_mem>>) src(%run_scoped3A_4 : memref<128x128xf32, #tpu.memory_space<vmem>>) dst(%dma_wait3A_313 : memref<10240x128xf32, #tpu.memory_space<vmem_shared>>)
          tpu.yield
        }) : () -> ()
        %dma_wait3A_146 = arith.constant 6 : i32
        %dma_wait3A_147 = arith.constant 0 : i32
        %dma_wait3A_148 = tpu.memref_slice %run_scoped3A[%dma_wait3A_146, %dma_wait3A_147] : memref<8x128xi32, #tpu.memory_space<vmem>> -> memref<1x128xi32, #tpu.memory_space<vmem>>
        %dma_wait3A_149 = tpu.memref_squeeze %dma_wait3A_148 : memref<1x128xi32, #tpu.memory_space<vmem>> -> memref<128xi32, #tpu.memory_space<vmem>>
        %dma_wait3A_150 = arith.constant 0 : i32
        %dma_wait3A_151 = arith.constant 0 : i32
        %dma_wait3A_152 = tpu.memref_slice %arg2[%dma_wait3A_150, %dma_wait3A_151] : memref<10240x128xf32, #tpu.memory_space<hbm>> -> memref<10240x128xf32, #tpu.memory_space<hbm>>
        tpu.wait_indirect_dma semaphore(%arg8 : memref<!tpu.dma_semaphore, #tpu.memory_space<semaphore_mem>>) src(%dma_wait3A_152 : memref<10240x128xf32, #tpu.memory_space<hbm>>) dst(%run_scoped3A_3 : memref<128x128xf32, #tpu.memory_space<vmem>>)
        %dma_start3A_153 = arith.constant 7 : i32
        %dma_start3A_154 = arith.constant 0 : i32
        %dma_start3A_155 = tpu.memref_slice %run_scoped3A[%dma_start3A_153, %dma_start3A_154] : memref<8x128xi32, #tpu.memory_space<vmem>> -> memref<1x128xi32, #tpu.memory_space<vmem>>
        %dma_start3A_156 = tpu.memref_squeeze %dma_start3A_155 : memref<1x128xi32, #tpu.memory_space<vmem>> -> memref<128xi32, #tpu.memory_space<vmem>>
        %dma_start3A_157 = arith.constant 0 : i32
        %dma_start3A_158 = arith.constant 0 : i32
        %dma_start3A_159 = tpu.memref_slice %arg2[%dma_start3A_157, %dma_start3A_158] : memref<10240x128xf32, #tpu.memory_space<hbm>> -> memref<10240x128xf32, #tpu.memory_space<hbm>>
        tpu.enqueue_indirect_dma source(%dma_start3A_159 : memref<10240x128xf32, #tpu.memory_space<hbm>>) target(%run_scoped3A_4 : memref<128x128xf32, #tpu.memory_space<vmem>>) offsets(%dma_start3A_156 : memref<128xi32, #tpu.memory_space<vmem>>) semaphore(%arg8 : memref<!tpu.dma_semaphore, #tpu.memory_space<semaphore_mem>>)
        %run_scoped3A_160 = arith.constant 6 : i32
        "tpu.region"() ({
          %run_scoped3A_301 = tpu.sem_alloc : memref<!tpu.dma_semaphore, #tpu.memory_space<semaphore_mem>>
          %dma_start3A_302 = arith.constant 0 : i32
          %dma_start3A_303 = tpu.memref_slice %run_scoped3A_0[%run_scoped3A_160, %dma_start3A_302] : memref<8x128xi32, #tpu.memory_space<vmem>> -> memref<1x128xi32, #tpu.memory_space<vmem>>
          %dma_start3A_304 = tpu.memref_squeeze %dma_start3A_303 : memref<1x128xi32, #tpu.memory_space<vmem>> -> memref<128xi32, #tpu.memory_space<vmem>>
          %dma_start3A_305 = arith.constant 0 : i32
          %dma_start3A_306 = arith.constant 0 : i32
          %dma_start3A_307 = tpu.memref_slice %arg7[%dma_start3A_305, %dma_start3A_306] : memref<10240x128xf32, #tpu.memory_space<vmem_shared>> -> memref<10240x128xf32, #tpu.memory_space<vmem_shared>>
          tpu.enqueue_indirect_dma source(%run_scoped3A_3 : memref<128x128xf32, #tpu.memory_space<vmem>>) target(%dma_start3A_307 : memref<10240x128xf32, #tpu.memory_space<vmem_shared>>) offsets(%dma_start3A_304 : memref<128xi32, #tpu.memory_space<vmem>>) semaphore(%run_scoped3A_301 : memref<!tpu.dma_semaphore, #tpu.memory_space<semaphore_mem>>) {add = true}
          %dma_wait3A_308 = arith.constant 0 : i32
          %dma_wait3A_309 = tpu.memref_slice %run_scoped3A_0[%run_scoped3A_160, %dma_wait3A_308] : memref<8x128xi32, #tpu.memory_space<vmem>> -> memref<1x128xi32, #tpu.memory_space<vmem>>
          %dma_wait3A_310 = tpu.memref_squeeze %dma_wait3A_309 : memref<1x128xi32, #tpu.memory_space<vmem>> -> memref<128xi32, #tpu.memory_space<vmem>>
          %dma_wait3A_311 = arith.constant 0 : i32
          %dma_wait3A_312 = arith.constant 0 : i32
          %dma_wait3A_313 = tpu.memref_slice %arg7[%dma_wait3A_311, %dma_wait3A_312] : memref<10240x128xf32, #tpu.memory_space<vmem_shared>> -> memref<10240x128xf32, #tpu.memory_space<vmem_shared>>
          tpu.wait_indirect_dma semaphore(%run_scoped3A_301 : memref<!tpu.dma_semaphore, #tpu.memory_space<semaphore_mem>>) src(%run_scoped3A_3 : memref<128x128xf32, #tpu.memory_space<vmem>>) dst(%dma_wait3A_313 : memref<10240x128xf32, #tpu.memory_space<vmem_shared>>)
          tpu.yield
        }) : () -> ()
        %dma_wait3A_161 = arith.constant 7 : i32
        %dma_wait3A_162 = arith.constant 0 : i32
        %dma_wait3A_163 = tpu.memref_slice %run_scoped3A[%dma_wait3A_161, %dma_wait3A_162] : memref<8x128xi32, #tpu.memory_space<vmem>> -> memref<1x128xi32, #tpu.memory_space<vmem>>
        %dma_wait3A_164 = tpu.memref_squeeze %dma_wait3A_163 : memref<1x128xi32, #tpu.memory_space<vmem>> -> memref<128xi32, #tpu.memory_space<vmem>>
        %dma_wait3A_165 = arith.constant 0 : i32
        %dma_wait3A_166 = arith.constant 0 : i32
        %dma_wait3A_167 = tpu.memref_slice %arg2[%dma_wait3A_165, %dma_wait3A_166] : memref<10240x128xf32, #tpu.memory_space<hbm>> -> memref<10240x128xf32, #tpu.memory_space<hbm>>
        tpu.wait_indirect_dma semaphore(%arg8 : memref<!tpu.dma_semaphore, #tpu.memory_space<semaphore_mem>>) src(%dma_wait3A_167 : memref<10240x128xf32, #tpu.memory_space<hbm>>) dst(%run_scoped3A_4 : memref<128x128xf32, #tpu.memory_space<vmem>>)
        %dma_wait3A_168 = arith.constant 0 : i32
        %dma_wait3A_169 = tpu.memref_slice %arg3[%add3A_45, %dma_wait3A_168] : memref<2560x128xi32, #tpu.memory_space<hbm>> -> memref<8x128xi32, #tpu.memory_space<hbm>>
        %dma_wait3A_170 = arith.constant 0 : i32
        %dma_wait3A_171 = tpu.memref_slice %arg3[%add3A_45, %dma_wait3A_170] : memref<2560x128xi32, #tpu.memory_space<hbm>> -> memref<8x128xi32, #tpu.memory_space<hbm>>
        tpu.wait_dma2 semaphore(%arg9 : memref<!tpu.dma_semaphore, #tpu.memory_space<semaphore_mem>>) src(%dma_wait3A_171 : memref<8x128xi32, #tpu.memory_space<hbm>>) dst(%run_scoped3A_1 : memref<8x128xi32, #tpu.memory_space<vmem>>)
        %dma_wait3A_172 = arith.constant 0 : i32
        %dma_wait3A_173 = tpu.memref_slice %arg4[%add3A_45, %dma_wait3A_172] : memref<2560x128xi32, #tpu.memory_space<hbm>> -> memref<8x128xi32, #tpu.memory_space<hbm>>
        %dma_wait3A_174 = arith.constant 0 : i32
        %dma_wait3A_175 = tpu.memref_slice %arg4[%add3A_45, %dma_wait3A_174] : memref<2560x128xi32, #tpu.memory_space<hbm>> -> memref<8x128xi32, #tpu.memory_space<hbm>>
        tpu.wait_dma2 semaphore(%arg9 : memref<!tpu.dma_semaphore, #tpu.memory_space<semaphore_mem>>) src(%dma_wait3A_175 : memref<8x128xi32, #tpu.memory_space<hbm>>) dst(%run_scoped3A_2 : memref<8x128xi32, #tpu.memory_space<vmem>>)
        %dma_start3A_176 = arith.constant 0 : i32
        %dma_start3A_177 = arith.constant 0 : i32
        %dma_start3A_178 = tpu.memref_slice %run_scoped3A_1[%dma_start3A_176, %dma_start3A_177] : memref<8x128xi32, #tpu.memory_space<vmem>> -> memref<1x128xi32, #tpu.memory_space<vmem>>
        %dma_start3A_179 = tpu.memref_squeeze %dma_start3A_178 : memref<1x128xi32, #tpu.memory_space<vmem>> -> memref<128xi32, #tpu.memory_space<vmem>>
        %dma_start3A_180 = arith.constant 0 : i32
        %dma_start3A_181 = arith.constant 0 : i32
        %dma_start3A_182 = tpu.memref_slice %arg2[%dma_start3A_180, %dma_start3A_181] : memref<10240x128xf32, #tpu.memory_space<hbm>> -> memref<10240x128xf32, #tpu.memory_space<hbm>>
        tpu.enqueue_indirect_dma source(%dma_start3A_182 : memref<10240x128xf32, #tpu.memory_space<hbm>>) target(%run_scoped3A_3 : memref<128x128xf32, #tpu.memory_space<vmem>>) offsets(%dma_start3A_179 : memref<128xi32, #tpu.memory_space<vmem>>) semaphore(%arg8 : memref<!tpu.dma_semaphore, #tpu.memory_space<semaphore_mem>>)
        %run_scoped3A_183 = arith.constant 7 : i32
        "tpu.region"() ({
          %run_scoped3A_301 = tpu.sem_alloc : memref<!tpu.dma_semaphore, #tpu.memory_space<semaphore_mem>>
          %dma_start3A_302 = arith.constant 0 : i32
          %dma_start3A_303 = tpu.memref_slice %run_scoped3A_0[%run_scoped3A_183, %dma_start3A_302] : memref<8x128xi32, #tpu.memory_space<vmem>> -> memref<1x128xi32, #tpu.memory_space<vmem>>
          %dma_start3A_304 = tpu.memref_squeeze %dma_start3A_303 : memref<1x128xi32, #tpu.memory_space<vmem>> -> memref<128xi32, #tpu.memory_space<vmem>>
          %dma_start3A_305 = arith.constant 0 : i32
          %dma_start3A_306 = arith.constant 0 : i32
          %dma_start3A_307 = tpu.memref_slice %arg7[%dma_start3A_305, %dma_start3A_306] : memref<10240x128xf32, #tpu.memory_space<vmem_shared>> -> memref<10240x128xf32, #tpu.memory_space<vmem_shared>>
          tpu.enqueue_indirect_dma source(%run_scoped3A_4 : memref<128x128xf32, #tpu.memory_space<vmem>>) target(%dma_start3A_307 : memref<10240x128xf32, #tpu.memory_space<vmem_shared>>) offsets(%dma_start3A_304 : memref<128xi32, #tpu.memory_space<vmem>>) semaphore(%run_scoped3A_301 : memref<!tpu.dma_semaphore, #tpu.memory_space<semaphore_mem>>) {add = true}
          %dma_wait3A_308 = arith.constant 0 : i32
          %dma_wait3A_309 = tpu.memref_slice %run_scoped3A_0[%run_scoped3A_183, %dma_wait3A_308] : memref<8x128xi32, #tpu.memory_space<vmem>> -> memref<1x128xi32, #tpu.memory_space<vmem>>
          %dma_wait3A_310 = tpu.memref_squeeze %dma_wait3A_309 : memref<1x128xi32, #tpu.memory_space<vmem>> -> memref<128xi32, #tpu.memory_space<vmem>>
          %dma_wait3A_311 = arith.constant 0 : i32
          %dma_wait3A_312 = arith.constant 0 : i32
          %dma_wait3A_313 = tpu.memref_slice %arg7[%dma_wait3A_311, %dma_wait3A_312] : memref<10240x128xf32, #tpu.memory_space<vmem_shared>> -> memref<10240x128xf32, #tpu.memory_space<vmem_shared>>
          tpu.wait_indirect_dma semaphore(%run_scoped3A_301 : memref<!tpu.dma_semaphore, #tpu.memory_space<semaphore_mem>>) src(%run_scoped3A_4 : memref<128x128xf32, #tpu.memory_space<vmem>>) dst(%dma_wait3A_313 : memref<10240x128xf32, #tpu.memory_space<vmem_shared>>)
          tpu.yield
        }) : () -> ()
        %dma_wait3A_184 = arith.constant 0 : i32
        %dma_wait3A_185 = arith.constant 0 : i32
        %dma_wait3A_186 = tpu.memref_slice %run_scoped3A_1[%dma_wait3A_184, %dma_wait3A_185] : memref<8x128xi32, #tpu.memory_space<vmem>> -> memref<1x128xi32, #tpu.memory_space<vmem>>
        %dma_wait3A_187 = tpu.memref_squeeze %dma_wait3A_186 : memref<1x128xi32, #tpu.memory_space<vmem>> -> memref<128xi32, #tpu.memory_space<vmem>>
        %dma_wait3A_188 = arith.constant 0 : i32
        %dma_wait3A_189 = arith.constant 0 : i32
        %dma_wait3A_190 = tpu.memref_slice %arg2[%dma_wait3A_188, %dma_wait3A_189] : memref<10240x128xf32, #tpu.memory_space<hbm>> -> memref<10240x128xf32, #tpu.memory_space<hbm>>
        tpu.wait_indirect_dma semaphore(%arg8 : memref<!tpu.dma_semaphore, #tpu.memory_space<semaphore_mem>>) src(%dma_wait3A_190 : memref<10240x128xf32, #tpu.memory_space<hbm>>) dst(%run_scoped3A_3 : memref<128x128xf32, #tpu.memory_space<vmem>>)
        %convert_element_type3A = arith.extui %lt3A : i1 to i32
        %cond3A = arith.constant 0 : i32
        %cond3A_191 = arith.cmpi ne, %convert_element_type3A, %cond3A : i32
        scf.if %cond3A_191 {
          %dma_start3A_301 = arith.constant 0 : i32
          %dma_start3A_302 = tpu.memref_slice %arg3[%add3A_47, %dma_start3A_301] : memref<2560x128xi32, #tpu.memory_space<hbm>> -> memref<8x128xi32, #tpu.memory_space<hbm>>
          %dma_start3A_303 = arith.constant 0 : i32
          %dma_start3A_304 = tpu.memref_slice %arg3[%add3A_47, %dma_start3A_303] : memref<2560x128xi32, #tpu.memory_space<hbm>> -> memref<8x128xi32, #tpu.memory_space<hbm>>
          tpu.enqueue_dma source(%dma_start3A_304 : memref<8x128xi32, #tpu.memory_space<hbm>>) target(%run_scoped3A : memref<8x128xi32, #tpu.memory_space<vmem>>) target_semaphore(%arg9 : memref<!tpu.dma_semaphore, #tpu.memory_space<semaphore_mem>>)
          %dma_start3A_305 = arith.constant 0 : i32
          %dma_start3A_306 = tpu.memref_slice %arg4[%add3A_47, %dma_start3A_305] : memref<2560x128xi32, #tpu.memory_space<hbm>> -> memref<8x128xi32, #tpu.memory_space<hbm>>
          %dma_start3A_307 = arith.constant 0 : i32
          %dma_start3A_308 = tpu.memref_slice %arg4[%add3A_47, %dma_start3A_307] : memref<2560x128xi32, #tpu.memory_space<hbm>> -> memref<8x128xi32, #tpu.memory_space<hbm>>
          tpu.enqueue_dma source(%dma_start3A_308 : memref<8x128xi32, #tpu.memory_space<hbm>>) target(%run_scoped3A_0 : memref<8x128xi32, #tpu.memory_space<vmem>>) target_semaphore(%arg9 : memref<!tpu.dma_semaphore, #tpu.memory_space<semaphore_mem>>)
        } else {
        }
        %dma_start3A_192 = arith.constant 1 : i32
        %dma_start3A_193 = arith.constant 0 : i32
        %dma_start3A_194 = tpu.memref_slice %run_scoped3A_1[%dma_start3A_192, %dma_start3A_193] : memref<8x128xi32, #tpu.memory_space<vmem>> -> memref<1x128xi32, #tpu.memory_space<vmem>>
        %dma_start3A_195 = tpu.memref_squeeze %dma_start3A_194 : memref<1x128xi32, #tpu.memory_space<vmem>> -> memref<128xi32, #tpu.memory_space<vmem>>
        %dma_start3A_196 = arith.constant 0 : i32
        %dma_start3A_197 = arith.constant 0 : i32
        %dma_start3A_198 = tpu.memref_slice %arg2[%dma_start3A_196, %dma_start3A_197] : memref<10240x128xf32, #tpu.memory_space<hbm>> -> memref<10240x128xf32, #tpu.memory_space<hbm>>
        tpu.enqueue_indirect_dma source(%dma_start3A_198 : memref<10240x128xf32, #tpu.memory_space<hbm>>) target(%run_scoped3A_4 : memref<128x128xf32, #tpu.memory_space<vmem>>) offsets(%dma_start3A_195 : memref<128xi32, #tpu.memory_space<vmem>>) semaphore(%arg8 : memref<!tpu.dma_semaphore, #tpu.memory_space<semaphore_mem>>)
        %run_scoped3A_199 = arith.constant 0 : i32
        "tpu.region"() ({
          %run_scoped3A_301 = tpu.sem_alloc : memref<!tpu.dma_semaphore, #tpu.memory_space<semaphore_mem>>
          %dma_start3A_302 = arith.constant 0 : i32
          %dma_start3A_303 = tpu.memref_slice %run_scoped3A_2[%run_scoped3A_199, %dma_start3A_302] : memref<8x128xi32, #tpu.memory_space<vmem>> -> memref<1x128xi32, #tpu.memory_space<vmem>>
          %dma_start3A_304 = tpu.memref_squeeze %dma_start3A_303 : memref<1x128xi32, #tpu.memory_space<vmem>> -> memref<128xi32, #tpu.memory_space<vmem>>
          %dma_start3A_305 = arith.constant 0 : i32
          %dma_start3A_306 = arith.constant 0 : i32
          %dma_start3A_307 = tpu.memref_slice %arg7[%dma_start3A_305, %dma_start3A_306] : memref<10240x128xf32, #tpu.memory_space<vmem_shared>> -> memref<10240x128xf32, #tpu.memory_space<vmem_shared>>
          tpu.enqueue_indirect_dma source(%run_scoped3A_3 : memref<128x128xf32, #tpu.memory_space<vmem>>) target(%dma_start3A_307 : memref<10240x128xf32, #tpu.memory_space<vmem_shared>>) offsets(%dma_start3A_304 : memref<128xi32, #tpu.memory_space<vmem>>) semaphore(%run_scoped3A_301 : memref<!tpu.dma_semaphore, #tpu.memory_space<semaphore_mem>>) {add = true}
          %dma_wait3A_308 = arith.constant 0 : i32
          %dma_wait3A_309 = tpu.memref_slice %run_scoped3A_2[%run_scoped3A_199, %dma_wait3A_308] : memref<8x128xi32, #tpu.memory_space<vmem>> -> memref<1x128xi32, #tpu.memory_space<vmem>>
          %dma_wait3A_310 = tpu.memref_squeeze %dma_wait3A_309 : memref<1x128xi32, #tpu.memory_space<vmem>> -> memref<128xi32, #tpu.memory_space<vmem>>
          %dma_wait3A_311 = arith.constant 0 : i32
          %dma_wait3A_312 = arith.constant 0 : i32
          %dma_wait3A_313 = tpu.memref_slice %arg7[%dma_wait3A_311, %dma_wait3A_312] : memref<10240x128xf32, #tpu.memory_space<vmem_shared>> -> memref<10240x128xf32, #tpu.memory_space<vmem_shared>>
          tpu.wait_indirect_dma semaphore(%run_scoped3A_301 : memref<!tpu.dma_semaphore, #tpu.memory_space<semaphore_mem>>) src(%run_scoped3A_3 : memref<128x128xf32, #tpu.memory_space<vmem>>) dst(%dma_wait3A_313 : memref<10240x128xf32, #tpu.memory_space<vmem_shared>>)
          tpu.yield
        }) : () -> ()
        %dma_wait3A_200 = arith.constant 1 : i32
        %dma_wait3A_201 = arith.constant 0 : i32
        %dma_wait3A_202 = tpu.memref_slice %run_scoped3A_1[%dma_wait3A_200, %dma_wait3A_201] : memref<8x128xi32, #tpu.memory_space<vmem>> -> memref<1x128xi32, #tpu.memory_space<vmem>>
        %dma_wait3A_203 = tpu.memref_squeeze %dma_wait3A_202 : memref<1x128xi32, #tpu.memory_space<vmem>> -> memref<128xi32, #tpu.memory_space<vmem>>
        %dma_wait3A_204 = arith.constant 0 : i32
        %dma_wait3A_205 = arith.constant 0 : i32
        %dma_wait3A_206 = tpu.memref_slice %arg2[%dma_wait3A_204, %dma_wait3A_205] : memref<10240x128xf32, #tpu.memory_space<hbm>> -> memref<10240x128xf32, #tpu.memory_space<hbm>>
        tpu.wait_indirect_dma semaphore(%arg8 : memref<!tpu.dma_semaphore, #tpu.memory_space<semaphore_mem>>) src(%dma_wait3A_206 : memref<10240x128xf32, #tpu.memory_space<hbm>>) dst(%run_scoped3A_4 : memref<128x128xf32, #tpu.memory_space<vmem>>)
        %dma_start3A_207 = arith.constant 2 : i32
        %dma_start3A_208 = arith.constant 0 : i32
        %dma_start3A_209 = tpu.memref_slice %run_scoped3A_1[%dma_start3A_207, %dma_start3A_208] : memref<8x128xi32, #tpu.memory_space<vmem>> -> memref<1x128xi32, #tpu.memory_space<vmem>>
        %dma_start3A_210 = tpu.memref_squeeze %dma_start3A_209 : memref<1x128xi32, #tpu.memory_space<vmem>> -> memref<128xi32, #tpu.memory_space<vmem>>
        %dma_start3A_211 = arith.constant 0 : i32
        %dma_start3A_212 = arith.constant 0 : i32
        %dma_start3A_213 = tpu.memref_slice %arg2[%dma_start3A_211, %dma_start3A_212] : memref<10240x128xf32, #tpu.memory_space<hbm>> -> memref<10240x128xf32, #tpu.memory_space<hbm>>
        tpu.enqueue_indirect_dma source(%dma_start3A_213 : memref<10240x128xf32, #tpu.memory_space<hbm>>) target(%run_scoped3A_3 : memref<128x128xf32, #tpu.memory_space<vmem>>) offsets(%dma_start3A_210 : memref<128xi32, #tpu.memory_space<vmem>>) semaphore(%arg8 : memref<!tpu.dma_semaphore, #tpu.memory_space<semaphore_mem>>)
        %run_scoped3A_214 = arith.constant 1 : i32
        "tpu.region"() ({
          %run_scoped3A_301 = tpu.sem_alloc : memref<!tpu.dma_semaphore, #tpu.memory_space<semaphore_mem>>
          %dma_start3A_302 = arith.constant 0 : i32
          %dma_start3A_303 = tpu.memref_slice %run_scoped3A_2[%run_scoped3A_214, %dma_start3A_302] : memref<8x128xi32, #tpu.memory_space<vmem>> -> memref<1x128xi32, #tpu.memory_space<vmem>>
          %dma_start3A_304 = tpu.memref_squeeze %dma_start3A_303 : memref<1x128xi32, #tpu.memory_space<vmem>> -> memref<128xi32, #tpu.memory_space<vmem>>
          %dma_start3A_305 = arith.constant 0 : i32
          %dma_start3A_306 = arith.constant 0 : i32
          %dma_start3A_307 = tpu.memref_slice %arg7[%dma_start3A_305, %dma_start3A_306] : memref<10240x128xf32, #tpu.memory_space<vmem_shared>> -> memref<10240x128xf32, #tpu.memory_space<vmem_shared>>
          tpu.enqueue_indirect_dma source(%run_scoped3A_4 : memref<128x128xf32, #tpu.memory_space<vmem>>) target(%dma_start3A_307 : memref<10240x128xf32, #tpu.memory_space<vmem_shared>>) offsets(%dma_start3A_304 : memref<128xi32, #tpu.memory_space<vmem>>) semaphore(%run_scoped3A_301 : memref<!tpu.dma_semaphore, #tpu.memory_space<semaphore_mem>>) {add = true}
          %dma_wait3A_308 = arith.constant 0 : i32
          %dma_wait3A_309 = tpu.memref_slice %run_scoped3A_2[%run_scoped3A_214, %dma_wait3A_308] : memref<8x128xi32, #tpu.memory_space<vmem>> -> memref<1x128xi32, #tpu.memory_space<vmem>>
          %dma_wait3A_310 = tpu.memref_squeeze %dma_wait3A_309 : memref<1x128xi32, #tpu.memory_space<vmem>> -> memref<128xi32, #tpu.memory_space<vmem>>
          %dma_wait3A_311 = arith.constant 0 : i32
          %dma_wait3A_312 = arith.constant 0 : i32
          %dma_wait3A_313 = tpu.memref_slice %arg7[%dma_wait3A_311, %dma_wait3A_312] : memref<10240x128xf32, #tpu.memory_space<vmem_shared>> -> memref<10240x128xf32, #tpu.memory_space<vmem_shared>>
          tpu.wait_indirect_dma semaphore(%run_scoped3A_301 : memref<!tpu.dma_semaphore, #tpu.memory_space<semaphore_mem>>) src(%run_scoped3A_4 : memref<128x128xf32, #tpu.memory_space<vmem>>) dst(%dma_wait3A_313 : memref<10240x128xf32, #tpu.memory_space<vmem_shared>>)
          tpu.yield
        }) : () -> ()
        %dma_wait3A_215 = arith.constant 2 : i32
        %dma_wait3A_216 = arith.constant 0 : i32
        %dma_wait3A_217 = tpu.memref_slice %run_scoped3A_1[%dma_wait3A_215, %dma_wait3A_216] : memref<8x128xi32, #tpu.memory_space<vmem>> -> memref<1x128xi32, #tpu.memory_space<vmem>>
        %dma_wait3A_218 = tpu.memref_squeeze %dma_wait3A_217 : memref<1x128xi32, #tpu.memory_space<vmem>> -> memref<128xi32, #tpu.memory_space<vmem>>
        %dma_wait3A_219 = arith.constant 0 : i32
        %dma_wait3A_220 = arith.constant 0 : i32
        %dma_wait3A_221 = tpu.memref_slice %arg2[%dma_wait3A_219, %dma_wait3A_220] : memref<10240x128xf32, #tpu.memory_space<hbm>> -> memref<10240x128xf32, #tpu.memory_space<hbm>>
        tpu.wait_indirect_dma semaphore(%arg8 : memref<!tpu.dma_semaphore, #tpu.memory_space<semaphore_mem>>) src(%dma_wait3A_221 : memref<10240x128xf32, #tpu.memory_space<hbm>>) dst(%run_scoped3A_3 : memref<128x128xf32, #tpu.memory_space<vmem>>)
        %dma_start3A_222 = arith.constant 3 : i32
        %dma_start3A_223 = arith.constant 0 : i32
        %dma_start3A_224 = tpu.memref_slice %run_scoped3A_1[%dma_start3A_222, %dma_start3A_223] : memref<8x128xi32, #tpu.memory_space<vmem>> -> memref<1x128xi32, #tpu.memory_space<vmem>>
        %dma_start3A_225 = tpu.memref_squeeze %dma_start3A_224 : memref<1x128xi32, #tpu.memory_space<vmem>> -> memref<128xi32, #tpu.memory_space<vmem>>
        %dma_start3A_226 = arith.constant 0 : i32
        %dma_start3A_227 = arith.constant 0 : i32
        %dma_start3A_228 = tpu.memref_slice %arg2[%dma_start3A_226, %dma_start3A_227] : memref<10240x128xf32, #tpu.memory_space<hbm>> -> memref<10240x128xf32, #tpu.memory_space<hbm>>
        tpu.enqueue_indirect_dma source(%dma_start3A_228 : memref<10240x128xf32, #tpu.memory_space<hbm>>) target(%run_scoped3A_4 : memref<128x128xf32, #tpu.memory_space<vmem>>) offsets(%dma_start3A_225 : memref<128xi32, #tpu.memory_space<vmem>>) semaphore(%arg8 : memref<!tpu.dma_semaphore, #tpu.memory_space<semaphore_mem>>)
        %run_scoped3A_229 = arith.constant 2 : i32
        "tpu.region"() ({
          %run_scoped3A_301 = tpu.sem_alloc : memref<!tpu.dma_semaphore, #tpu.memory_space<semaphore_mem>>
          %dma_start3A_302 = arith.constant 0 : i32
          %dma_start3A_303 = tpu.memref_slice %run_scoped3A_2[%run_scoped3A_229, %dma_start3A_302] : memref<8x128xi32, #tpu.memory_space<vmem>> -> memref<1x128xi32, #tpu.memory_space<vmem>>
          %dma_start3A_304 = tpu.memref_squeeze %dma_start3A_303 : memref<1x128xi32, #tpu.memory_space<vmem>> -> memref<128xi32, #tpu.memory_space<vmem>>
          %dma_start3A_305 = arith.constant 0 : i32
          %dma_start3A_306 = arith.constant 0 : i32
          %dma_start3A_307 = tpu.memref_slice %arg7[%dma_start3A_305, %dma_start3A_306] : memref<10240x128xf32, #tpu.memory_space<vmem_shared>> -> memref<10240x128xf32, #tpu.memory_space<vmem_shared>>
          tpu.enqueue_indirect_dma source(%run_scoped3A_3 : memref<128x128xf32, #tpu.memory_space<vmem>>) target(%dma_start3A_307 : memref<10240x128xf32, #tpu.memory_space<vmem_shared>>) offsets(%dma_start3A_304 : memref<128xi32, #tpu.memory_space<vmem>>) semaphore(%run_scoped3A_301 : memref<!tpu.dma_semaphore, #tpu.memory_space<semaphore_mem>>) {add = true}
          %dma_wait3A_308 = arith.constant 0 : i32
          %dma_wait3A_309 = tpu.memref_slice %run_scoped3A_2[%run_scoped3A_229, %dma_wait3A_308] : memref<8x128xi32, #tpu.memory_space<vmem>> -> memref<1x128xi32, #tpu.memory_space<vmem>>
          %dma_wait3A_310 = tpu.memref_squeeze %dma_wait3A_309 : memref<1x128xi32, #tpu.memory_space<vmem>> -> memref<128xi32, #tpu.memory_space<vmem>>
          %dma_wait3A_311 = arith.constant 0 : i32
          %dma_wait3A_312 = arith.constant 0 : i32
          %dma_wait3A_313 = tpu.memref_slice %arg7[%dma_wait3A_311, %dma_wait3A_312] : memref<10240x128xf32, #tpu.memory_space<vmem_shared>> -> memref<10240x128xf32, #tpu.memory_space<vmem_shared>>
          tpu.wait_indirect_dma semaphore(%run_scoped3A_301 : memref<!tpu.dma_semaphore, #tpu.memory_space<semaphore_mem>>) src(%run_scoped3A_3 : memref<128x128xf32, #tpu.memory_space<vmem>>) dst(%dma_wait3A_313 : memref<10240x128xf32, #tpu.memory_space<vmem_shared>>)
          tpu.yield
        }) : () -> ()
        %dma_wait3A_230 = arith.constant 3 : i32
        %dma_wait3A_231 = arith.constant 0 : i32
        %dma_wait3A_232 = tpu.memref_slice %run_scoped3A_1[%dma_wait3A_230, %dma_wait3A_231] : memref<8x128xi32, #tpu.memory_space<vmem>> -> memref<1x128xi32, #tpu.memory_space<vmem>>
        %dma_wait3A_233 = tpu.memref_squeeze %dma_wait3A_232 : memref<1x128xi32, #tpu.memory_space<vmem>> -> memref<128xi32, #tpu.memory_space<vmem>>
        %dma_wait3A_234 = arith.constant 0 : i32
        %dma_wait3A_235 = arith.constant 0 : i32
        %dma_wait3A_236 = tpu.memref_slice %arg2[%dma_wait3A_234, %dma_wait3A_235] : memref<10240x128xf32, #tpu.memory_space<hbm>> -> memref<10240x128xf32, #tpu.memory_space<hbm>>
        tpu.wait_indirect_dma semaphore(%arg8 : memref<!tpu.dma_semaphore, #tpu.memory_space<semaphore_mem>>) src(%dma_wait3A_236 : memref<10240x128xf32, #tpu.memory_space<hbm>>) dst(%run_scoped3A_4 : memref<128x128xf32, #tpu.memory_space<vmem>>)
        %dma_start3A_237 = arith.constant 4 : i32
        %dma_start3A_238 = arith.constant 0 : i32
        %dma_start3A_239 = tpu.memref_slice %run_scoped3A_1[%dma_start3A_237, %dma_start3A_238] : memref<8x128xi32, #tpu.memory_space<vmem>> -> memref<1x128xi32, #tpu.memory_space<vmem>>
        %dma_start3A_240 = tpu.memref_squeeze %dma_start3A_239 : memref<1x128xi32, #tpu.memory_space<vmem>> -> memref<128xi32, #tpu.memory_space<vmem>>
        %dma_start3A_241 = arith.constant 0 : i32
        %dma_start3A_242 = arith.constant 0 : i32
        %dma_start3A_243 = tpu.memref_slice %arg2[%dma_start3A_241, %dma_start3A_242] : memref<10240x128xf32, #tpu.memory_space<hbm>> -> memref<10240x128xf32, #tpu.memory_space<hbm>>
        tpu.enqueue_indirect_dma source(%dma_start3A_243 : memref<10240x128xf32, #tpu.memory_space<hbm>>) target(%run_scoped3A_3 : memref<128x128xf32, #tpu.memory_space<vmem>>) offsets(%dma_start3A_240 : memref<128xi32, #tpu.memory_space<vmem>>) semaphore(%arg8 : memref<!tpu.dma_semaphore, #tpu.memory_space<semaphore_mem>>)
        %run_scoped3A_244 = arith.constant 3 : i32
        "tpu.region"() ({
          %run_scoped3A_301 = tpu.sem_alloc : memref<!tpu.dma_semaphore, #tpu.memory_space<semaphore_mem>>
          %dma_start3A_302 = arith.constant 0 : i32
          %dma_start3A_303 = tpu.memref_slice %run_scoped3A_2[%run_scoped3A_244, %dma_start3A_302] : memref<8x128xi32, #tpu.memory_space<vmem>> -> memref<1x128xi32, #tpu.memory_space<vmem>>
          %dma_start3A_304 = tpu.memref_squeeze %dma_start3A_303 : memref<1x128xi32, #tpu.memory_space<vmem>> -> memref<128xi32, #tpu.memory_space<vmem>>
          %dma_start3A_305 = arith.constant 0 : i32
          %dma_start3A_306 = arith.constant 0 : i32
          %dma_start3A_307 = tpu.memref_slice %arg7[%dma_start3A_305, %dma_start3A_306] : memref<10240x128xf32, #tpu.memory_space<vmem_shared>> -> memref<10240x128xf32, #tpu.memory_space<vmem_shared>>
          tpu.enqueue_indirect_dma source(%run_scoped3A_4 : memref<128x128xf32, #tpu.memory_space<vmem>>) target(%dma_start3A_307 : memref<10240x128xf32, #tpu.memory_space<vmem_shared>>) offsets(%dma_start3A_304 : memref<128xi32, #tpu.memory_space<vmem>>) semaphore(%run_scoped3A_301 : memref<!tpu.dma_semaphore, #tpu.memory_space<semaphore_mem>>) {add = true}
          %dma_wait3A_308 = arith.constant 0 : i32
          %dma_wait3A_309 = tpu.memref_slice %run_scoped3A_2[%run_scoped3A_244, %dma_wait3A_308] : memref<8x128xi32, #tpu.memory_space<vmem>> -> memref<1x128xi32, #tpu.memory_space<vmem>>
          %dma_wait3A_310 = tpu.memref_squeeze %dma_wait3A_309 : memref<1x128xi32, #tpu.memory_space<vmem>> -> memref<128xi32, #tpu.memory_space<vmem>>
          %dma_wait3A_311 = arith.constant 0 : i32
          %dma_wait3A_312 = arith.constant 0 : i32
          %dma_wait3A_313 = tpu.memref_slice %arg7[%dma_wait3A_311, %dma_wait3A_312] : memref<10240x128xf32, #tpu.memory_space<vmem_shared>> -> memref<10240x128xf32, #tpu.memory_space<vmem_shared>>
          tpu.wait_indirect_dma semaphore(%run_scoped3A_301 : memref<!tpu.dma_semaphore, #tpu.memory_space<semaphore_mem>>) src(%run_scoped3A_4 : memref<128x128xf32, #tpu.memory_space<vmem>>) dst(%dma_wait3A_313 : memref<10240x128xf32, #tpu.memory_space<vmem_shared>>)
          tpu.yield
        }) : () -> ()
        %dma_wait3A_245 = arith.constant 4 : i32
        %dma_wait3A_246 = arith.constant 0 : i32
        %dma_wait3A_247 = tpu.memref_slice %run_scoped3A_1[%dma_wait3A_245, %dma_wait3A_246] : memref<8x128xi32, #tpu.memory_space<vmem>> -> memref<1x128xi32, #tpu.memory_space<vmem>>
        %dma_wait3A_248 = tpu.memref_squeeze %dma_wait3A_247 : memref<1x128xi32, #tpu.memory_space<vmem>> -> memref<128xi32, #tpu.memory_space<vmem>>
        %dma_wait3A_249 = arith.constant 0 : i32
        %dma_wait3A_250 = arith.constant 0 : i32
        %dma_wait3A_251 = tpu.memref_slice %arg2[%dma_wait3A_249, %dma_wait3A_250] : memref<10240x128xf32, #tpu.memory_space<hbm>> -> memref<10240x128xf32, #tpu.memory_space<hbm>>
        tpu.wait_indirect_dma semaphore(%arg8 : memref<!tpu.dma_semaphore, #tpu.memory_space<semaphore_mem>>) src(%dma_wait3A_251 : memref<10240x128xf32, #tpu.memory_space<hbm>>) dst(%run_scoped3A_3 : memref<128x128xf32, #tpu.memory_space<vmem>>)
        %dma_start3A_252 = arith.constant 5 : i32
        %dma_start3A_253 = arith.constant 0 : i32
        %dma_start3A_254 = tpu.memref_slice %run_scoped3A_1[%dma_start3A_252, %dma_start3A_253] : memref<8x128xi32, #tpu.memory_space<vmem>> -> memref<1x128xi32, #tpu.memory_space<vmem>>
        %dma_start3A_255 = tpu.memref_squeeze %dma_start3A_254 : memref<1x128xi32, #tpu.memory_space<vmem>> -> memref<128xi32, #tpu.memory_space<vmem>>
        %dma_start3A_256 = arith.constant 0 : i32
        %dma_start3A_257 = arith.constant 0 : i32
        %dma_start3A_258 = tpu.memref_slice %arg2[%dma_start3A_256, %dma_start3A_257] : memref<10240x128xf32, #tpu.memory_space<hbm>> -> memref<10240x128xf32, #tpu.memory_space<hbm>>
        tpu.enqueue_indirect_dma source(%dma_start3A_258 : memref<10240x128xf32, #tpu.memory_space<hbm>>) target(%run_scoped3A_4 : memref<128x128xf32, #tpu.memory_space<vmem>>) offsets(%dma_start3A_255 : memref<128xi32, #tpu.memory_space<vmem>>) semaphore(%arg8 : memref<!tpu.dma_semaphore, #tpu.memory_space<semaphore_mem>>)
        %run_scoped3A_259 = arith.constant 4 : i32
        "tpu.region"() ({
          %run_scoped3A_301 = tpu.sem_alloc : memref<!tpu.dma_semaphore, #tpu.memory_space<semaphore_mem>>
          %dma_start3A_302 = arith.constant 0 : i32
          %dma_start3A_303 = tpu.memref_slice %run_scoped3A_2[%run_scoped3A_259, %dma_start3A_302] : memref<8x128xi32, #tpu.memory_space<vmem>> -> memref<1x128xi32, #tpu.memory_space<vmem>>
          %dma_start3A_304 = tpu.memref_squeeze %dma_start3A_303 : memref<1x128xi32, #tpu.memory_space<vmem>> -> memref<128xi32, #tpu.memory_space<vmem>>
          %dma_start3A_305 = arith.constant 0 : i32
          %dma_start3A_306 = arith.constant 0 : i32
          %dma_start3A_307 = tpu.memref_slice %arg7[%dma_start3A_305, %dma_start3A_306] : memref<10240x128xf32, #tpu.memory_space<vmem_shared>> -> memref<10240x128xf32, #tpu.memory_space<vmem_shared>>
          tpu.enqueue_indirect_dma source(%run_scoped3A_3 : memref<128x128xf32, #tpu.memory_space<vmem>>) target(%dma_start3A_307 : memref<10240x128xf32, #tpu.memory_space<vmem_shared>>) offsets(%dma_start3A_304 : memref<128xi32, #tpu.memory_space<vmem>>) semaphore(%run_scoped3A_301 : memref<!tpu.dma_semaphore, #tpu.memory_space<semaphore_mem>>) {add = true}
          %dma_wait3A_308 = arith.constant 0 : i32
          %dma_wait3A_309 = tpu.memref_slice %run_scoped3A_2[%run_scoped3A_259, %dma_wait3A_308] : memref<8x128xi32, #tpu.memory_space<vmem>> -> memref<1x128xi32, #tpu.memory_space<vmem>>
          %dma_wait3A_310 = tpu.memref_squeeze %dma_wait3A_309 : memref<1x128xi32, #tpu.memory_space<vmem>> -> memref<128xi32, #tpu.memory_space<vmem>>
          %dma_wait3A_311 = arith.constant 0 : i32
          %dma_wait3A_312 = arith.constant 0 : i32
          %dma_wait3A_313 = tpu.memref_slice %arg7[%dma_wait3A_311, %dma_wait3A_312] : memref<10240x128xf32, #tpu.memory_space<vmem_shared>> -> memref<10240x128xf32, #tpu.memory_space<vmem_shared>>
          tpu.wait_indirect_dma semaphore(%run_scoped3A_301 : memref<!tpu.dma_semaphore, #tpu.memory_space<semaphore_mem>>) src(%run_scoped3A_3 : memref<128x128xf32, #tpu.memory_space<vmem>>) dst(%dma_wait3A_313 : memref<10240x128xf32, #tpu.memory_space<vmem_shared>>)
          tpu.yield
        }) : () -> ()
        %dma_wait3A_260 = arith.constant 5 : i32
        %dma_wait3A_261 = arith.constant 0 : i32
        %dma_wait3A_262 = tpu.memref_slice %run_scoped3A_1[%dma_wait3A_260, %dma_wait3A_261] : memref<8x128xi32, #tpu.memory_space<vmem>> -> memref<1x128xi32, #tpu.memory_space<vmem>>
        %dma_wait3A_263 = tpu.memref_squeeze %dma_wait3A_262 : memref<1x128xi32, #tpu.memory_space<vmem>> -> memref<128xi32, #tpu.memory_space<vmem>>
        %dma_wait3A_264 = arith.constant 0 : i32
        %dma_wait3A_265 = arith.constant 0 : i32
        %dma_wait3A_266 = tpu.memref_slice %arg2[%dma_wait3A_264, %dma_wait3A_265] : memref<10240x128xf32, #tpu.memory_space<hbm>> -> memref<10240x128xf32, #tpu.memory_space<hbm>>
        tpu.wait_indirect_dma semaphore(%arg8 : memref<!tpu.dma_semaphore, #tpu.memory_space<semaphore_mem>>) src(%dma_wait3A_266 : memref<10240x128xf32, #tpu.memory_space<hbm>>) dst(%run_scoped3A_4 : memref<128x128xf32, #tpu.memory_space<vmem>>)
        %dma_start3A_267 = arith.constant 6 : i32
        %dma_start3A_268 = arith.constant 0 : i32
        %dma_start3A_269 = tpu.memref_slice %run_scoped3A_1[%dma_start3A_267, %dma_start3A_268] : memref<8x128xi32, #tpu.memory_space<vmem>> -> memref<1x128xi32, #tpu.memory_space<vmem>>
        %dma_start3A_270 = tpu.memref_squeeze %dma_start3A_269 : memref<1x128xi32, #tpu.memory_space<vmem>> -> memref<128xi32, #tpu.memory_space<vmem>>
        %dma_start3A_271 = arith.constant 0 : i32
        %dma_start3A_272 = arith.constant 0 : i32
        %dma_start3A_273 = tpu.memref_slice %arg2[%dma_start3A_271, %dma_start3A_272] : memref<10240x128xf32, #tpu.memory_space<hbm>> -> memref<10240x128xf32, #tpu.memory_space<hbm>>
        tpu.enqueue_indirect_dma source(%dma_start3A_273 : memref<10240x128xf32, #tpu.memory_space<hbm>>) target(%run_scoped3A_3 : memref<128x128xf32, #tpu.memory_space<vmem>>) offsets(%dma_start3A_270 : memref<128xi32, #tpu.memory_space<vmem>>) semaphore(%arg8 : memref<!tpu.dma_semaphore, #tpu.memory_space<semaphore_mem>>)
        %run_scoped3A_274 = arith.constant 5 : i32
        "tpu.region"() ({
          %run_scoped3A_301 = tpu.sem_alloc : memref<!tpu.dma_semaphore, #tpu.memory_space<semaphore_mem>>
          %dma_start3A_302 = arith.constant 0 : i32
          %dma_start3A_303 = tpu.memref_slice %run_scoped3A_2[%run_scoped3A_274, %dma_start3A_302] : memref<8x128xi32, #tpu.memory_space<vmem>> -> memref<1x128xi32, #tpu.memory_space<vmem>>
          %dma_start3A_304 = tpu.memref_squeeze %dma_start3A_303 : memref<1x128xi32, #tpu.memory_space<vmem>> -> memref<128xi32, #tpu.memory_space<vmem>>
          %dma_start3A_305 = arith.constant 0 : i32
          %dma_start3A_306 = arith.constant 0 : i32
          %dma_start3A_307 = tpu.memref_slice %arg7[%dma_start3A_305, %dma_start3A_306] : memref<10240x128xf32, #tpu.memory_space<vmem_shared>> -> memref<10240x128xf32, #tpu.memory_space<vmem_shared>>
          tpu.enqueue_indirect_dma source(%run_scoped3A_4 : memref<128x128xf32, #tpu.memory_space<vmem>>) target(%dma_start3A_307 : memref<10240x128xf32, #tpu.memory_space<vmem_shared>>) offsets(%dma_start3A_304 : memref<128xi32, #tpu.memory_space<vmem>>) semaphore(%run_scoped3A_301 : memref<!tpu.dma_semaphore, #tpu.memory_space<semaphore_mem>>) {add = true}
          %dma_wait3A_308 = arith.constant 0 : i32
          %dma_wait3A_309 = tpu.memref_slice %run_scoped3A_2[%run_scoped3A_274, %dma_wait3A_308] : memref<8x128xi32, #tpu.memory_space<vmem>> -> memref<1x128xi32, #tpu.memory_space<vmem>>
          %dma_wait3A_310 = tpu.memref_squeeze %dma_wait3A_309 : memref<1x128xi32, #tpu.memory_space<vmem>> -> memref<128xi32, #tpu.memory_space<vmem>>
          %dma_wait3A_311 = arith.constant 0 : i32
          %dma_wait3A_312 = arith.constant 0 : i32
          %dma_wait3A_313 = tpu.memref_slice %arg7[%dma_wait3A_311, %dma_wait3A_312] : memref<10240x128xf32, #tpu.memory_space<vmem_shared>> -> memref<10240x128xf32, #tpu.memory_space<vmem_shared>>
          tpu.wait_indirect_dma semaphore(%run_scoped3A_301 : memref<!tpu.dma_semaphore, #tpu.memory_space<semaphore_mem>>) src(%run_scoped3A_4 : memref<128x128xf32, #tpu.memory_space<vmem>>) dst(%dma_wait3A_313 : memref<10240x128xf32, #tpu.memory_space<vmem_shared>>)
          tpu.yield
        }) : () -> ()
        %dma_wait3A_275 = arith.constant 6 : i32
        %dma_wait3A_276 = arith.constant 0 : i32
        %dma_wait3A_277 = tpu.memref_slice %run_scoped3A_1[%dma_wait3A_275, %dma_wait3A_276] : memref<8x128xi32, #tpu.memory_space<vmem>> -> memref<1x128xi32, #tpu.memory_space<vmem>>
        %dma_wait3A_278 = tpu.memref_squeeze %dma_wait3A_277 : memref<1x128xi32, #tpu.memory_space<vmem>> -> memref<128xi32, #tpu.memory_space<vmem>>
        %dma_wait3A_279 = arith.constant 0 : i32
        %dma_wait3A_280 = arith.constant 0 : i32
        %dma_wait3A_281 = tpu.memref_slice %arg2[%dma_wait3A_279, %dma_wait3A_280] : memref<10240x128xf32, #tpu.memory_space<hbm>> -> memref<10240x128xf32, #tpu.memory_space<hbm>>
        tpu.wait_indirect_dma semaphore(%arg8 : memref<!tpu.dma_semaphore, #tpu.memory_space<semaphore_mem>>) src(%dma_wait3A_281 : memref<10240x128xf32, #tpu.memory_space<hbm>>) dst(%run_scoped3A_3 : memref<128x128xf32, #tpu.memory_space<vmem>>)
        %dma_start3A_282 = arith.constant 7 : i32
        %dma_start3A_283 = arith.constant 0 : i32
        %dma_start3A_284 = tpu.memref_slice %run_scoped3A_1[%dma_start3A_282, %dma_start3A_283] : memref<8x128xi32, #tpu.memory_space<vmem>> -> memref<1x128xi32, #tpu.memory_space<vmem>>
        %dma_start3A_285 = tpu.memref_squeeze %dma_start3A_284 : memref<1x128xi32, #tpu.memory_space<vmem>> -> memref<128xi32, #tpu.memory_space<vmem>>
        %dma_start3A_286 = arith.constant 0 : i32
        %dma_start3A_287 = arith.constant 0 : i32
        %dma_start3A_288 = tpu.memref_slice %arg2[%dma_start3A_286, %dma_start3A_287] : memref<10240x128xf32, #tpu.memory_space<hbm>> -> memref<10240x128xf32, #tpu.memory_space<hbm>>
        tpu.enqueue_indirect_dma source(%dma_start3A_288 : memref<10240x128xf32, #tpu.memory_space<hbm>>) target(%run_scoped3A_4 : memref<128x128xf32, #tpu.memory_space<vmem>>) offsets(%dma_start3A_285 : memref<128xi32, #tpu.memory_space<vmem>>) semaphore(%arg8 : memref<!tpu.dma_semaphore, #tpu.memory_space<semaphore_mem>>)
        %run_scoped3A_289 = arith.constant 6 : i32
        "tpu.region"() ({
          %run_scoped3A_301 = tpu.sem_alloc : memref<!tpu.dma_semaphore, #tpu.memory_space<semaphore_mem>>
          %dma_start3A_302 = arith.constant 0 : i32
          %dma_start3A_303 = tpu.memref_slice %run_scoped3A_2[%run_scoped3A_289, %dma_start3A_302] : memref<8x128xi32, #tpu.memory_space<vmem>> -> memref<1x128xi32, #tpu.memory_space<vmem>>
          %dma_start3A_304 = tpu.memref_squeeze %dma_start3A_303 : memref<1x128xi32, #tpu.memory_space<vmem>> -> memref<128xi32, #tpu.memory_space<vmem>>
          %dma_start3A_305 = arith.constant 0 : i32
          %dma_start3A_306 = arith.constant 0 : i32
          %dma_start3A_307 = tpu.memref_slice %arg7[%dma_start3A_305, %dma_start3A_306] : memref<10240x128xf32, #tpu.memory_space<vmem_shared>> -> memref<10240x128xf32, #tpu.memory_space<vmem_shared>>
          tpu.enqueue_indirect_dma source(%run_scoped3A_3 : memref<128x128xf32, #tpu.memory_space<vmem>>) target(%dma_start3A_307 : memref<10240x128xf32, #tpu.memory_space<vmem_shared>>) offsets(%dma_start3A_304 : memref<128xi32, #tpu.memory_space<vmem>>) semaphore(%run_scoped3A_301 : memref<!tpu.dma_semaphore, #tpu.memory_space<semaphore_mem>>) {add = true}
          %dma_wait3A_308 = arith.constant 0 : i32
          %dma_wait3A_309 = tpu.memref_slice %run_scoped3A_2[%run_scoped3A_289, %dma_wait3A_308] : memref<8x128xi32, #tpu.memory_space<vmem>> -> memref<1x128xi32, #tpu.memory_space<vmem>>
          %dma_wait3A_310 = tpu.memref_squeeze %dma_wait3A_309 : memref<1x128xi32, #tpu.memory_space<vmem>> -> memref<128xi32, #tpu.memory_space<vmem>>
          %dma_wait3A_311 = arith.constant 0 : i32
          %dma_wait3A_312 = arith.constant 0 : i32
          %dma_wait3A_313 = tpu.memref_slice %arg7[%dma_wait3A_311, %dma_wait3A_312] : memref<10240x128xf32, #tpu.memory_space<vmem_shared>> -> memref<10240x128xf32, #tpu.memory_space<vmem_shared>>
          tpu.wait_indirect_dma semaphore(%run_scoped3A_301 : memref<!tpu.dma_semaphore, #tpu.memory_space<semaphore_mem>>) src(%run_scoped3A_3 : memref<128x128xf32, #tpu.memory_space<vmem>>) dst(%dma_wait3A_313 : memref<10240x128xf32, #tpu.memory_space<vmem_shared>>)
          tpu.yield
        }) : () -> ()
        %dma_wait3A_290 = arith.constant 7 : i32
        %dma_wait3A_291 = arith.constant 0 : i32
        %dma_wait3A_292 = tpu.memref_slice %run_scoped3A_1[%dma_wait3A_290, %dma_wait3A_291] : memref<8x128xi32, #tpu.memory_space<vmem>> -> memref<1x128xi32, #tpu.memory_space<vmem>>
        %dma_wait3A_293 = tpu.memref_squeeze %dma_wait3A_292 : memref<1x128xi32, #tpu.memory_space<vmem>> -> memref<128xi32, #tpu.memory_space<vmem>>
        %dma_wait3A_294 = arith.constant 0 : i32
        %dma_wait3A_295 = arith.constant 0 : i32
        %dma_wait3A_296 = tpu.memref_slice %arg2[%dma_wait3A_294, %dma_wait3A_295] : memref<10240x128xf32, #tpu.memory_space<hbm>> -> memref<10240x128xf32, #tpu.memory_space<hbm>>
        tpu.wait_indirect_dma semaphore(%arg8 : memref<!tpu.dma_semaphore, #tpu.memory_space<semaphore_mem>>) src(%dma_wait3A_296 : memref<10240x128xf32, #tpu.memory_space<hbm>>) dst(%run_scoped3A_4 : memref<128x128xf32, #tpu.memory_space<vmem>>)
        %convert_element_type3A_297 = arith.extui %lt3A : i1 to i32
        %cond3A_298 = arith.constant 0 : i32
        %cond3A_299 = arith.cmpi ne, %convert_element_type3A_297, %cond3A_298 : i32
        scf.if %cond3A_299 {
          %dma_wait3A_301 = arith.constant 0 : i32
          %dma_wait3A_302 = tpu.memref_slice %arg3[%add3A_47, %dma_wait3A_301] : memref<2560x128xi32, #tpu.memory_space<hbm>> -> memref<8x128xi32, #tpu.memory_space<hbm>>
          %dma_wait3A_303 = arith.constant 0 : i32
          %dma_wait3A_304 = tpu.memref_slice %arg3[%add3A_47, %dma_wait3A_303] : memref<2560x128xi32, #tpu.memory_space<hbm>> -> memref<8x128xi32, #tpu.memory_space<hbm>>
          tpu.wait_dma2 semaphore(%arg9 : memref<!tpu.dma_semaphore, #tpu.memory_space<semaphore_mem>>) src(%dma_wait3A_304 : memref<8x128xi32, #tpu.memory_space<hbm>>) dst(%run_scoped3A : memref<8x128xi32, #tpu.memory_space<vmem>>)
          %dma_wait3A_305 = arith.constant 0 : i32
          %dma_wait3A_306 = tpu.memref_slice %arg4[%add3A_47, %dma_wait3A_305] : memref<2560x128xi32, #tpu.memory_space<hbm>> -> memref<8x128xi32, #tpu.memory_space<hbm>>
          %dma_wait3A_307 = arith.constant 0 : i32
          %dma_wait3A_308 = tpu.memref_slice %arg4[%add3A_47, %dma_wait3A_307] : memref<2560x128xi32, #tpu.memory_space<hbm>> -> memref<8x128xi32, #tpu.memory_space<hbm>>
          tpu.wait_dma2 semaphore(%arg9 : memref<!tpu.dma_semaphore, #tpu.memory_space<semaphore_mem>>) src(%dma_wait3A_308 : memref<8x128xi32, #tpu.memory_space<hbm>>) dst(%run_scoped3A_0 : memref<8x128xi32, #tpu.memory_space<vmem>>)
          %dma_start3A_309 = arith.constant 0 : i32
          %dma_start3A_310 = arith.constant 0 : i32
          %dma_start3A_311 = tpu.memref_slice %run_scoped3A[%dma_start3A_309, %dma_start3A_310] : memref<8x128xi32, #tpu.memory_space<vmem>> -> memref<1x128xi32, #tpu.memory_space<vmem>>
          %dma_start3A_312 = tpu.memref_squeeze %dma_start3A_311 : memref<1x128xi32, #tpu.memory_space<vmem>> -> memref<128xi32, #tpu.memory_space<vmem>>
          %dma_start3A_313 = arith.constant 0 : i32
          %dma_start3A_314 = arith.constant 0 : i32
          %dma_start3A_315 = tpu.memref_slice %arg2[%dma_start3A_313, %dma_start3A_314] : memref<10240x128xf32, #tpu.memory_space<hbm>> -> memref<10240x128xf32, #tpu.memory_space<hbm>>
          tpu.enqueue_indirect_dma source(%dma_start3A_315 : memref<10240x128xf32, #tpu.memory_space<hbm>>) target(%run_scoped3A_3 : memref<128x128xf32, #tpu.memory_space<vmem>>) offsets(%dma_start3A_312 : memref<128xi32, #tpu.memory_space<vmem>>) semaphore(%arg8 : memref<!tpu.dma_semaphore, #tpu.memory_space<semaphore_mem>>)
        } else {
        }
        %run_scoped3A_300 = arith.constant 7 : i32
        "tpu.region"() ({
          %run_scoped3A_301 = tpu.sem_alloc : memref<!tpu.dma_semaphore, #tpu.memory_space<semaphore_mem>>
          %dma_start3A_302 = arith.constant 0 : i32
          %dma_start3A_303 = tpu.memref_slice %run_scoped3A_2[%run_scoped3A_300, %dma_start3A_302] : memref<8x128xi32, #tpu.memory_space<vmem>> -> memref<1x128xi32, #tpu.memory_space<vmem>>
          %dma_start3A_304 = tpu.memref_squeeze %dma_start3A_303 : memref<1x128xi32, #tpu.memory_space<vmem>> -> memref<128xi32, #tpu.memory_space<vmem>>
          %dma_start3A_305 = arith.constant 0 : i32
          %dma_start3A_306 = arith.constant 0 : i32
          %dma_start3A_307 = tpu.memref_slice %arg7[%dma_start3A_305, %dma_start3A_306] : memref<10240x128xf32, #tpu.memory_space<vmem_shared>> -> memref<10240x128xf32, #tpu.memory_space<vmem_shared>>
          tpu.enqueue_indirect_dma source(%run_scoped3A_4 : memref<128x128xf32, #tpu.memory_space<vmem>>) target(%dma_start3A_307 : memref<10240x128xf32, #tpu.memory_space<vmem_shared>>) offsets(%dma_start3A_304 : memref<128xi32, #tpu.memory_space<vmem>>) semaphore(%run_scoped3A_301 : memref<!tpu.dma_semaphore, #tpu.memory_space<semaphore_mem>>) {add = true}
          %dma_wait3A_308 = arith.constant 0 : i32
          %dma_wait3A_309 = tpu.memref_slice %run_scoped3A_2[%run_scoped3A_300, %dma_wait3A_308] : memref<8x128xi32, #tpu.memory_space<vmem>> -> memref<1x128xi32, #tpu.memory_space<vmem>>
          %dma_wait3A_310 = tpu.memref_squeeze %dma_wait3A_309 : memref<1x128xi32, #tpu.memory_space<vmem>> -> memref<128xi32, #tpu.memory_space<vmem>>
          %dma_wait3A_311 = arith.constant 0 : i32
          %dma_wait3A_312 = arith.constant 0 : i32
          %dma_wait3A_313 = tpu.memref_slice %arg7[%dma_wait3A_311, %dma_wait3A_312] : memref<10240x128xf32, #tpu.memory_space<vmem_shared>> -> memref<10240x128xf32, #tpu.memory_space<vmem_shared>>
          tpu.wait_indirect_dma semaphore(%run_scoped3A_301 : memref<!tpu.dma_semaphore, #tpu.memory_space<semaphore_mem>>) src(%run_scoped3A_4 : memref<128x128xf32, #tpu.memory_space<vmem>>) dst(%dma_wait3A_313 : memref<10240x128xf32, #tpu.memory_space<vmem_shared>>)
          tpu.yield
        }) : () -> ()
      }
      %while3A_32 = arith.constant 1 : i32
      scf.for %while3A_38 = %while3A_30 to %while3A_26 step %while3A_32  : i32 {
        %mul3A_39 = arith.constant 2 : i32
        %mul3A_40 = arith.muli %while3A_38, %mul3A_39 : i32
        %mul3A_41 = arith.constant 8 : i32
        %mul3A_42 = arith.muli %mul3A_40, %mul3A_41 : i32
        %add3A_43 = arith.addi %select_n3A_13, %mul3A_42 : i32
        %add3A_44 = arith.constant 8 : i32
        %add3A_45 = arith.addi %add3A_43, %add3A_44 : i32
        %add3A_46 = arith.constant 8 : i32
        %add3A_47 = arith.addi %add3A_45, %add3A_46 : i32
        %sub3A = arith.constant 1 : i32
        %sub3A_48 = arith.subi %select_n3A, %sub3A : i32
        %lt3A = arith.cmpi slt, %while3A_38, %sub3A_48 : i32
        %dma_wait3A = arith.constant 0 : i32
        %dma_wait3A_49 = arith.constant 0 : i32
        %dma_wait3A_50 = tpu.memref_slice %run_scoped3A[%dma_wait3A, %dma_wait3A_49] : memref<8x128xi32, #tpu.memory_space<vmem>> -> memref<1x128xi32, #tpu.memory_space<vmem>>
        %dma_wait3A_51 = tpu.memref_squeeze %dma_wait3A_50 : memref<1x128xi32, #tpu.memory_space<vmem>> -> memref<128xi32, #tpu.memory_space<vmem>>
        %dma_wait3A_52 = arith.constant 0 : i32
        %dma_wait3A_53 = arith.constant 0 : i32
        %dma_wait3A_54 = tpu.memref_slice %arg2[%dma_wait3A_52, %dma_wait3A_53] : memref<10240x128xf32, #tpu.memory_space<hbm>> -> memref<10240x128xf32, #tpu.memory_space<hbm>>
        tpu.wait_indirect_dma semaphore(%arg8 : memref<!tpu.dma_semaphore, #tpu.memory_space<semaphore_mem>>) src(%dma_wait3A_54 : memref<10240x128xf32, #tpu.memory_space<hbm>>) dst(%run_scoped3A_3 : memref<128x128xf32, #tpu.memory_space<vmem>>)
        %dma_start3A_55 = arith.constant 0 : i32
        %dma_start3A_56 = tpu.memref_slice %arg3[%add3A_45, %dma_start3A_55] : memref<2560x128xi32, #tpu.memory_space<hbm>> -> memref<8x128xi32, #tpu.memory_space<hbm>>
        %dma_start3A_57 = arith.constant 0 : i32
        %dma_start3A_58 = tpu.memref_slice %arg3[%add3A_45, %dma_start3A_57] : memref<2560x128xi32, #tpu.memory_space<hbm>> -> memref<8x128xi32, #tpu.memory_space<hbm>>
        tpu.enqueue_dma source(%dma_start3A_58 : memref<8x128xi32, #tpu.memory_space<hbm>>) target(%run_scoped3A_1 : memref<8x128xi32, #tpu.memory_space<vmem>>) target_semaphore(%arg9 : memref<!tpu.dma_semaphore, #tpu.memory_space<semaphore_mem>>)
        %dma_start3A_59 = arith.constant 0 : i32
        %dma_start3A_60 = tpu.memref_slice %arg4[%add3A_45, %dma_start3A_59] : memref<2560x128xi32, #tpu.memory_space<hbm>> -> memref<8x128xi32, #tpu.memory_space<hbm>>
        %dma_start3A_61 = arith.constant 0 : i32
        %dma_start3A_62 = tpu.memref_slice %arg4[%add3A_45, %dma_start3A_61] : memref<2560x128xi32, #tpu.memory_space<hbm>> -> memref<8x128xi32, #tpu.memory_space<hbm>>
        tpu.enqueue_dma source(%dma_start3A_62 : memref<8x128xi32, #tpu.memory_space<hbm>>) target(%run_scoped3A_2 : memref<8x128xi32, #tpu.memory_space<vmem>>) target_semaphore(%arg9 : memref<!tpu.dma_semaphore, #tpu.memory_space<semaphore_mem>>)
        %dma_start3A_63 = arith.constant 1 : i32
        %dma_start3A_64 = arith.constant 0 : i32
        %dma_start3A_65 = tpu.memref_slice %run_scoped3A[%dma_start3A_63, %dma_start3A_64] : memref<8x128xi32, #tpu.memory_space<vmem>> -> memref<1x128xi32, #tpu.memory_space<vmem>>
        %dma_start3A_66 = tpu.memref_squeeze %dma_start3A_65 : memref<1x128xi32, #tpu.memory_space<vmem>> -> memref<128xi32, #tpu.memory_space<vmem>>
        %dma_start3A_67 = arith.constant 0 : i32
        %dma_start3A_68 = arith.constant 0 : i32
        %dma_start3A_69 = tpu.memref_slice %arg2[%dma_start3A_67, %dma_start3A_68] : memref<10240x128xf32, #tpu.memory_space<hbm>> -> memref<10240x128xf32, #tpu.memory_space<hbm>>
        tpu.enqueue_indirect_dma source(%dma_start3A_69 : memref<10240x128xf32, #tpu.memory_space<hbm>>) target(%run_scoped3A_4 : memref<128x128xf32, #tpu.memory_space<vmem>>) offsets(%dma_start3A_66 : memref<128xi32, #tpu.memory_space<vmem>>) semaphore(%arg8 : memref<!tpu.dma_semaphore, #tpu.memory_space<semaphore_mem>>)
        %run_scoped3A_70 = arith.constant 0 : i32
        "tpu.region"() ({
          %run_scoped3A_301 = tpu.sem_alloc : memref<!tpu.dma_semaphore, #tpu.memory_space<semaphore_mem>>
          %dma_start3A_302 = arith.constant 0 : i32
          %dma_start3A_303 = tpu.memref_slice %run_scoped3A_0[%run_scoped3A_70, %dma_start3A_302] : memref<8x128xi32, #tpu.memory_space<vmem>> -> memref<1x128xi32, #tpu.memory_space<vmem>>
          %dma_start3A_304 = tpu.memref_squeeze %dma_start3A_303 : memref<1x128xi32, #tpu.memory_space<vmem>> -> memref<128xi32, #tpu.memory_space<vmem>>
          %dma_start3A_305 = arith.constant 0 : i32
          %dma_start3A_306 = arith.constant 0 : i32
          %dma_start3A_307 = tpu.memref_slice %arg7[%dma_start3A_305, %dma_start3A_306] : memref<10240x128xf32, #tpu.memory_space<vmem_shared>> -> memref<10240x128xf32, #tpu.memory_space<vmem_shared>>
          tpu.enqueue_indirect_dma source(%run_scoped3A_3 : memref<128x128xf32, #tpu.memory_space<vmem>>) target(%dma_start3A_307 : memref<10240x128xf32, #tpu.memory_space<vmem_shared>>) offsets(%dma_start3A_304 : memref<128xi32, #tpu.memory_space<vmem>>) semaphore(%run_scoped3A_301 : memref<!tpu.dma_semaphore, #tpu.memory_space<semaphore_mem>>) {add = true}
          %dma_wait3A_308 = arith.constant 0 : i32
          %dma_wait3A_309 = tpu.memref_slice %run_scoped3A_0[%run_scoped3A_70, %dma_wait3A_308] : memref<8x128xi32, #tpu.memory_space<vmem>> -> memref<1x128xi32, #tpu.memory_space<vmem>>
          %dma_wait3A_310 = tpu.memref_squeeze %dma_wait3A_309 : memref<1x128xi32, #tpu.memory_space<vmem>> -> memref<128xi32, #tpu.memory_space<vmem>>
          %dma_wait3A_311 = arith.constant 0 : i32
          %dma_wait3A_312 = arith.constant 0 : i32
          %dma_wait3A_313 = tpu.memref_slice %arg7[%dma_wait3A_311, %dma_wait3A_312] : memref<10240x128xf32, #tpu.memory_space<vmem_shared>> -> memref<10240x128xf32, #tpu.memory_space<vmem_shared>>
          tpu.wait_indirect_dma semaphore(%run_scoped3A_301 : memref<!tpu.dma_semaphore, #tpu.memory_space<semaphore_mem>>) src(%run_scoped3A_3 : memref<128x128xf32, #tpu.memory_space<vmem>>) dst(%dma_wait3A_313 : memref<10240x128xf32, #tpu.memory_space<vmem_shared>>)
          tpu.yield
        }) : () -> ()
        %dma_wait3A_71 = arith.constant 1 : i32
        %dma_wait3A_72 = arith.constant 0 : i32
        %dma_wait3A_73 = tpu.memref_slice %run_scoped3A[%dma_wait3A_71, %dma_wait3A_72] : memref<8x128xi32, #tpu.memory_space<vmem>> -> memref<1x128xi32, #tpu.memory_space<vmem>>
        %dma_wait3A_74 = tpu.memref_squeeze %dma_wait3A_73 : memref<1x128xi32, #tpu.memory_space<vmem>> -> memref<128xi32, #tpu.memory_space<vmem>>
        %dma_wait3A_75 = arith.constant 0 : i32
        %dma_wait3A_76 = arith.constant 0 : i32
        %dma_wait3A_77 = tpu.memref_slice %arg2[%dma_wait3A_75, %dma_wait3A_76] : memref<10240x128xf32, #tpu.memory_space<hbm>> -> memref<10240x128xf32, #tpu.memory_space<hbm>>
        tpu.wait_indirect_dma semaphore(%arg8 : memref<!tpu.dma_semaphore, #tpu.memory_space<semaphore_mem>>) src(%dma_wait3A_77 : memref<10240x128xf32, #tpu.memory_space<hbm>>) dst(%run_scoped3A_4 : memref<128x128xf32, #tpu.memory_space<vmem>>)
        %dma_start3A_78 = arith.constant 2 : i32
        %dma_start3A_79 = arith.constant 0 : i32
        %dma_start3A_80 = tpu.memref_slice %run_scoped3A[%dma_start3A_78, %dma_start3A_79] : memref<8x128xi32, #tpu.memory_space<vmem>> -> memref<1x128xi32, #tpu.memory_space<vmem>>
        %dma_start3A_81 = tpu.memref_squeeze %dma_start3A_80 : memref<1x128xi32, #tpu.memory_space<vmem>> -> memref<128xi32, #tpu.memory_space<vmem>>
        %dma_start3A_82 = arith.constant 0 : i32
        %dma_start3A_83 = arith.constant 0 : i32
        %dma_start3A_84 = tpu.memref_slice %arg2[%dma_start3A_82, %dma_start3A_83] : memref<10240x128xf32, #tpu.memory_space<hbm>> -> memref<10240x128xf32, #tpu.memory_space<hbm>>
        tpu.enqueue_indirect_dma source(%dma_start3A_84 : memref<10240x128xf32, #tpu.memory_space<hbm>>) target(%run_scoped3A_3 : memref<128x128xf32, #tpu.memory_space<vmem>>) offsets(%dma_start3A_81 : memref<128xi32, #tpu.memory_space<vmem>>) semaphore(%arg8 : memref<!tpu.dma_semaphore, #tpu.memory_space<semaphore_mem>>)
        %run_scoped3A_85 = arith.constant 1 : i32
        "tpu.region"() ({
          %run_scoped3A_301 = tpu.sem_alloc : memref<!tpu.dma_semaphore, #tpu.memory_space<semaphore_mem>>
          %dma_start3A_302 = arith.constant 0 : i32
          %dma_start3A_303 = tpu.memref_slice %run_scoped3A_0[%run_scoped3A_85, %dma_start3A_302] : memref<8x128xi32, #tpu.memory_space<vmem>> -> memref<1x128xi32, #tpu.memory_space<vmem>>
          %dma_start3A_304 = tpu.memref_squeeze %dma_start3A_303 : memref<1x128xi32, #tpu.memory_space<vmem>> -> memref<128xi32, #tpu.memory_space<vmem>>
          %dma_start3A_305 = arith.constant 0 : i32
          %dma_start3A_306 = arith.constant 0 : i32
          %dma_start3A_307 = tpu.memref_slice %arg7[%dma_start3A_305, %dma_start3A_306] : memref<10240x128xf32, #tpu.memory_space<vmem_shared>> -> memref<10240x128xf32, #tpu.memory_space<vmem_shared>>
          tpu.enqueue_indirect_dma source(%run_scoped3A_4 : memref<128x128xf32, #tpu.memory_space<vmem>>) target(%dma_start3A_307 : memref<10240x128xf32, #tpu.memory_space<vmem_shared>>) offsets(%dma_start3A_304 : memref<128xi32, #tpu.memory_space<vmem>>) semaphore(%run_scoped3A_301 : memref<!tpu.dma_semaphore, #tpu.memory_space<semaphore_mem>>) {add = true}
          %dma_wait3A_308 = arith.constant 0 : i32
          %dma_wait3A_309 = tpu.memref_slice %run_scoped3A_0[%run_scoped3A_85, %dma_wait3A_308] : memref<8x128xi32, #tpu.memory_space<vmem>> -> memref<1x128xi32, #tpu.memory_space<vmem>>
          %dma_wait3A_310 = tpu.memref_squeeze %dma_wait3A_309 : memref<1x128xi32, #tpu.memory_space<vmem>> -> memref<128xi32, #tpu.memory_space<vmem>>
          %dma_wait3A_311 = arith.constant 0 : i32
          %dma_wait3A_312 = arith.constant 0 : i32
          %dma_wait3A_313 = tpu.memref_slice %arg7[%dma_wait3A_311, %dma_wait3A_312] : memref<10240x128xf32, #tpu.memory_space<vmem_shared>> -> memref<10240x128xf32, #tpu.memory_space<vmem_shared>>
          tpu.wait_indirect_dma semaphore(%run_scoped3A_301 : memref<!tpu.dma_semaphore, #tpu.memory_space<semaphore_mem>>) src(%run_scoped3A_4 : memref<128x128xf32, #tpu.memory_space<vmem>>) dst(%dma_wait3A_313 : memref<10240x128xf32, #tpu.memory_space<vmem_shared>>)
          tpu.yield
        }) : () -> ()
        %dma_wait3A_86 = arith.constant 2 : i32
        %dma_wait3A_87 = arith.constant 0 : i32
        %dma_wait3A_88 = tpu.memref_slice %run_scoped3A[%dma_wait3A_86, %dma_wait3A_87] : memref<8x128xi32, #tpu.memory_space<vmem>> -> memref<1x128xi32, #tpu.memory_space<vmem>>
        %dma_wait3A_89 = tpu.memref_squeeze %dma_wait3A_88 : memref<1x128xi32, #tpu.memory_space<vmem>> -> memref<128xi32, #tpu.memory_space<vmem>>
        %dma_wait3A_90 = arith.constant 0 : i32
        %dma_wait3A_91 = arith.constant 0 : i32
        %dma_wait3A_92 = tpu.memref_slice %arg2[%dma_wait3A_90, %dma_wait3A_91] : memref<10240x128xf32, #tpu.memory_space<hbm>> -> memref<10240x128xf32, #tpu.memory_space<hbm>>
        tpu.wait_indirect_dma semaphore(%arg8 : memref<!tpu.dma_semaphore, #tpu.memory_space<semaphore_mem>>) src(%dma_wait3A_92 : memref<10240x128xf32, #tpu.memory_space<hbm>>) dst(%run_scoped3A_3 : memref<128x128xf32, #tpu.memory_space<vmem>>)
        %dma_start3A_93 = arith.constant 3 : i32
        %dma_start3A_94 = arith.constant 0 : i32
        %dma_start3A_95 = tpu.memref_slice %run_scoped3A[%dma_start3A_93, %dma_start3A_94] : memref<8x128xi32, #tpu.memory_space<vmem>> -> memref<1x128xi32, #tpu.memory_space<vmem>>
        %dma_start3A_96 = tpu.memref_squeeze %dma_start3A_95 : memref<1x128xi32, #tpu.memory_space<vmem>> -> memref<128xi32, #tpu.memory_space<vmem>>
        %dma_start3A_97 = arith.constant 0 : i32
        %dma_start3A_98 = arith.constant 0 : i32
        %dma_start3A_99 = tpu.memref_slice %arg2[%dma_start3A_97, %dma_start3A_98] : memref<10240x128xf32, #tpu.memory_space<hbm>> -> memref<10240x128xf32, #tpu.memory_space<hbm>>
        tpu.enqueue_indirect_dma source(%dma_start3A_99 : memref<10240x128xf32, #tpu.memory_space<hbm>>) target(%run_scoped3A_4 : memref<128x128xf32, #tpu.memory_space<vmem>>) offsets(%dma_start3A_96 : memref<128xi32, #tpu.memory_space<vmem>>) semaphore(%arg8 : memref<!tpu.dma_semaphore, #tpu.memory_space<semaphore_mem>>)
        %run_scoped3A_100 = arith.constant 2 : i32
        "tpu.region"() ({
          %run_scoped3A_301 = tpu.sem_alloc : memref<!tpu.dma_semaphore, #tpu.memory_space<semaphore_mem>>
          %dma_start3A_302 = arith.constant 0 : i32
          %dma_start3A_303 = tpu.memref_slice %run_scoped3A_0[%run_scoped3A_100, %dma_start3A_302] : memref<8x128xi32, #tpu.memory_space<vmem>> -> memref<1x128xi32, #tpu.memory_space<vmem>>
          %dma_start3A_304 = tpu.memref_squeeze %dma_start3A_303 : memref<1x128xi32, #tpu.memory_space<vmem>> -> memref<128xi32, #tpu.memory_space<vmem>>
          %dma_start3A_305 = arith.constant 0 : i32
          %dma_start3A_306 = arith.constant 0 : i32
          %dma_start3A_307 = tpu.memref_slice %arg7[%dma_start3A_305, %dma_start3A_306] : memref<10240x128xf32, #tpu.memory_space<vmem_shared>> -> memref<10240x128xf32, #tpu.memory_space<vmem_shared>>
          tpu.enqueue_indirect_dma source(%run_scoped3A_3 : memref<128x128xf32, #tpu.memory_space<vmem>>) target(%dma_start3A_307 : memref<10240x128xf32, #tpu.memory_space<vmem_shared>>) offsets(%dma_start3A_304 : memref<128xi32, #tpu.memory_space<vmem>>) semaphore(%run_scoped3A_301 : memref<!tpu.dma_semaphore, #tpu.memory_space<semaphore_mem>>) {add = true}
          %dma_wait3A_308 = arith.constant 0 : i32
          %dma_wait3A_309 = tpu.memref_slice %run_scoped3A_0[%run_scoped3A_100, %dma_wait3A_308] : memref<8x128xi32, #tpu.memory_space<vmem>> -> memref<1x128xi32, #tpu.memory_space<vmem>>
          %dma_wait3A_310 = tpu.memref_squeeze %dma_wait3A_309 : memref<1x128xi32, #tpu.memory_space<vmem>> -> memref<128xi32, #tpu.memory_space<vmem>>
          %dma_wait3A_311 = arith.constant 0 : i32
          %dma_wait3A_312 = arith.constant 0 : i32
          %dma_wait3A_313 = tpu.memref_slice %arg7[%dma_wait3A_311, %dma_wait3A_312] : memref<10240x128xf32, #tpu.memory_space<vmem_shared>> -> memref<10240x128xf32, #tpu.memory_space<vmem_shared>>
          tpu.wait_indirect_dma semaphore(%run_scoped3A_301 : memref<!tpu.dma_semaphore, #tpu.memory_space<semaphore_mem>>) src(%run_scoped3A_3 : memref<128x128xf32, #tpu.memory_space<vmem>>) dst(%dma_wait3A_313 : memref<10240x128xf32, #tpu.memory_space<vmem_shared>>)
          tpu.yield
        }) : () -> ()
        %dma_wait3A_101 = arith.constant 3 : i32
        %dma_wait3A_102 = arith.constant 0 : i32
        %dma_wait3A_103 = tpu.memref_slice %run_scoped3A[%dma_wait3A_101, %dma_wait3A_102] : memref<8x128xi32, #tpu.memory_space<vmem>> -> memref<1x128xi32, #tpu.memory_space<vmem>>
        %dma_wait3A_104 = tpu.memref_squeeze %dma_wait3A_103 : memref<1x128xi32, #tpu.memory_space<vmem>> -> memref<128xi32, #tpu.memory_space<vmem>>
        %dma_wait3A_105 = arith.constant 0 : i32
        %dma_wait3A_106 = arith.constant 0 : i32
        %dma_wait3A_107 = tpu.memref_slice %arg2[%dma_wait3A_105, %dma_wait3A_106] : memref<10240x128xf32, #tpu.memory_space<hbm>> -> memref<10240x128xf32, #tpu.memory_space<hbm>>
        tpu.wait_indirect_dma semaphore(%arg8 : memref<!tpu.dma_semaphore, #tpu.memory_space<semaphore_mem>>) src(%dma_wait3A_107 : memref<10240x128xf32, #tpu.memory_space<hbm>>) dst(%run_scoped3A_4 : memref<128x128xf32, #tpu.memory_space<vmem>>)
        %dma_start3A_108 = arith.constant 4 : i32
        %dma_start3A_109 = arith.constant 0 : i32
        %dma_start3A_110 = tpu.memref_slice %run_scoped3A[%dma_start3A_108, %dma_start3A_109] : memref<8x128xi32, #tpu.memory_space<vmem>> -> memref<1x128xi32, #tpu.memory_space<vmem>>
        %dma_start3A_111 = tpu.memref_squeeze %dma_start3A_110 : memref<1x128xi32, #tpu.memory_space<vmem>> -> memref<128xi32, #tpu.memory_space<vmem>>
        %dma_start3A_112 = arith.constant 0 : i32
        %dma_start3A_113 = arith.constant 0 : i32
        %dma_start3A_114 = tpu.memref_slice %arg2[%dma_start3A_112, %dma_start3A_113] : memref<10240x128xf32, #tpu.memory_space<hbm>> -> memref<10240x128xf32, #tpu.memory_space<hbm>>
        tpu.enqueue_indirect_dma source(%dma_start3A_114 : memref<10240x128xf32, #tpu.memory_space<hbm>>) target(%run_scoped3A_3 : memref<128x128xf32, #tpu.memory_space<vmem>>) offsets(%dma_start3A_111 : memref<128xi32, #tpu.memory_space<vmem>>) semaphore(%arg8 : memref<!tpu.dma_semaphore, #tpu.memory_space<semaphore_mem>>)
        %run_scoped3A_115 = arith.constant 3 : i32
        "tpu.region"() ({
          %run_scoped3A_301 = tpu.sem_alloc : memref<!tpu.dma_semaphore, #tpu.memory_space<semaphore_mem>>
          %dma_start3A_302 = arith.constant 0 : i32
          %dma_start3A_303 = tpu.memref_slice %run_scoped3A_0[%run_scoped3A_115, %dma_start3A_302] : memref<8x128xi32, #tpu.memory_space<vmem>> -> memref<1x128xi32, #tpu.memory_space<vmem>>
          %dma_start3A_304 = tpu.memref_squeeze %dma_start3A_303 : memref<1x128xi32, #tpu.memory_space<vmem>> -> memref<128xi32, #tpu.memory_space<vmem>>
          %dma_start3A_305 = arith.constant 0 : i32
          %dma_start3A_306 = arith.constant 0 : i32
          %dma_start3A_307 = tpu.memref_slice %arg7[%dma_start3A_305, %dma_start3A_306] : memref<10240x128xf32, #tpu.memory_space<vmem_shared>> -> memref<10240x128xf32, #tpu.memory_space<vmem_shared>>
          tpu.enqueue_indirect_dma source(%run_scoped3A_4 : memref<128x128xf32, #tpu.memory_space<vmem>>) target(%dma_start3A_307 : memref<10240x128xf32, #tpu.memory_space<vmem_shared>>) offsets(%dma_start3A_304 : memref<128xi32, #tpu.memory_space<vmem>>) semaphore(%run_scoped3A_301 : memref<!tpu.dma_semaphore, #tpu.memory_space<semaphore_mem>>) {add = true}
          %dma_wait3A_308 = arith.constant 0 : i32
          %dma_wait3A_309 = tpu.memref_slice %run_scoped3A_0[%run_scoped3A_115, %dma_wait3A_308] : memref<8x128xi32, #tpu.memory_space<vmem>> -> memref<1x128xi32, #tpu.memory_space<vmem>>
          %dma_wait3A_310 = tpu.memref_squeeze %dma_wait3A_309 : memref<1x128xi32, #tpu.memory_space<vmem>> -> memref<128xi32, #tpu.memory_space<vmem>>
          %dma_wait3A_311 = arith.constant 0 : i32
          %dma_wait3A_312 = arith.constant 0 : i32
          %dma_wait3A_313 = tpu.memref_slice %arg7[%dma_wait3A_311, %dma_wait3A_312] : memref<10240x128xf32, #tpu.memory_space<vmem_shared>> -> memref<10240x128xf32, #tpu.memory_space<vmem_shared>>
          tpu.wait_indirect_dma semaphore(%run_scoped3A_301 : memref<!tpu.dma_semaphore, #tpu.memory_space<semaphore_mem>>) src(%run_scoped3A_4 : memref<128x128xf32, #tpu.memory_space<vmem>>) dst(%dma_wait3A_313 : memref<10240x128xf32, #tpu.memory_space<vmem_shared>>)
          tpu.yield
        }) : () -> ()
        %dma_wait3A_116 = arith.constant 4 : i32
        %dma_wait3A_117 = arith.constant 0 : i32
        %dma_wait3A_118 = tpu.memref_slice %run_scoped3A[%dma_wait3A_116, %dma_wait3A_117] : memref<8x128xi32, #tpu.memory_space<vmem>> -> memref<1x128xi32, #tpu.memory_space<vmem>>
        %dma_wait3A_119 = tpu.memref_squeeze %dma_wait3A_118 : memref<1x128xi32, #tpu.memory_space<vmem>> -> memref<128xi32, #tpu.memory_space<vmem>>
        %dma_wait3A_120 = arith.constant 0 : i32
        %dma_wait3A_121 = arith.constant 0 : i32
        %dma_wait3A_122 = tpu.memref_slice %arg2[%dma_wait3A_120, %dma_wait3A_121] : memref<10240x128xf32, #tpu.memory_space<hbm>> -> memref<10240x128xf32, #tpu.memory_space<hbm>>
        tpu.wait_indirect_dma semaphore(%arg8 : memref<!tpu.dma_semaphore, #tpu.memory_space<semaphore_mem>>) src(%dma_wait3A_122 : memref<10240x128xf32, #tpu.memory_space<hbm>>) dst(%run_scoped3A_3 : memref<128x128xf32, #tpu.memory_space<vmem>>)
        %dma_start3A_123 = arith.constant 5 : i32
        %dma_start3A_124 = arith.constant 0 : i32
        %dma_start3A_125 = tpu.memref_slice %run_scoped3A[%dma_start3A_123, %dma_start3A_124] : memref<8x128xi32, #tpu.memory_space<vmem>> -> memref<1x128xi32, #tpu.memory_space<vmem>>
        %dma_start3A_126 = tpu.memref_squeeze %dma_start3A_125 : memref<1x128xi32, #tpu.memory_space<vmem>> -> memref<128xi32, #tpu.memory_space<vmem>>
        %dma_start3A_127 = arith.constant 0 : i32
        %dma_start3A_128 = arith.constant 0 : i32
        %dma_start3A_129 = tpu.memref_slice %arg2[%dma_start3A_127, %dma_start3A_128] : memref<10240x128xf32, #tpu.memory_space<hbm>> -> memref<10240x128xf32, #tpu.memory_space<hbm>>
        tpu.enqueue_indirect_dma source(%dma_start3A_129 : memref<10240x128xf32, #tpu.memory_space<hbm>>) target(%run_scoped3A_4 : memref<128x128xf32, #tpu.memory_space<vmem>>) offsets(%dma_start3A_126 : memref<128xi32, #tpu.memory_space<vmem>>) semaphore(%arg8 : memref<!tpu.dma_semaphore, #tpu.memory_space<semaphore_mem>>)
        %run_scoped3A_130 = arith.constant 4 : i32
        "tpu.region"() ({
          %run_scoped3A_301 = tpu.sem_alloc : memref<!tpu.dma_semaphore, #tpu.memory_space<semaphore_mem>>
          %dma_start3A_302 = arith.constant 0 : i32
          %dma_start3A_303 = tpu.memref_slice %run_scoped3A_0[%run_scoped3A_130, %dma_start3A_302] : memref<8x128xi32, #tpu.memory_space<vmem>> -> memref<1x128xi32, #tpu.memory_space<vmem>>
          %dma_start3A_304 = tpu.memref_squeeze %dma_start3A_303 : memref<1x128xi32, #tpu.memory_space<vmem>> -> memref<128xi32, #tpu.memory_space<vmem>>
          %dma_start3A_305 = arith.constant 0 : i32
          %dma_start3A_306 = arith.constant 0 : i32
          %dma_start3A_307 = tpu.memref_slice %arg7[%dma_start3A_305, %dma_start3A_306] : memref<10240x128xf32, #tpu.memory_space<vmem_shared>> -> memref<10240x128xf32, #tpu.memory_space<vmem_shared>>
          tpu.enqueue_indirect_dma source(%run_scoped3A_3 : memref<128x128xf32, #tpu.memory_space<vmem>>) target(%dma_start3A_307 : memref<10240x128xf32, #tpu.memory_space<vmem_shared>>) offsets(%dma_start3A_304 : memref<128xi32, #tpu.memory_space<vmem>>) semaphore(%run_scoped3A_301 : memref<!tpu.dma_semaphore, #tpu.memory_space<semaphore_mem>>) {add = true}
          %dma_wait3A_308 = arith.constant 0 : i32
          %dma_wait3A_309 = tpu.memref_slice %run_scoped3A_0[%run_scoped3A_130, %dma_wait3A_308] : memref<8x128xi32, #tpu.memory_space<vmem>> -> memref<1x128xi32, #tpu.memory_space<vmem>>
          %dma_wait3A_310 = tpu.memref_squeeze %dma_wait3A_309 : memref<1x128xi32, #tpu.memory_space<vmem>> -> memref<128xi32, #tpu.memory_space<vmem>>
          %dma_wait3A_311 = arith.constant 0 : i32
          %dma_wait3A_312 = arith.constant 0 : i32
          %dma_wait3A_313 = tpu.memref_slice %arg7[%dma_wait3A_311, %dma_wait3A_312] : memref<10240x128xf32, #tpu.memory_space<vmem_shared>> -> memref<10240x128xf32, #tpu.memory_space<vmem_shared>>
          tpu.wait_indirect_dma semaphore(%run_scoped3A_301 : memref<!tpu.dma_semaphore, #tpu.memory_space<semaphore_mem>>) src(%run_scoped3A_3 : memref<128x128xf32, #tpu.memory_space<vmem>>) dst(%dma_wait3A_313 : memref<10240x128xf32, #tpu.memory_space<vmem_shared>>)
          tpu.yield
        }) : () -> ()
        %dma_wait3A_131 = arith.constant 5 : i32
        %dma_wait3A_132 = arith.constant 0 : i32
        %dma_wait3A_133 = tpu.memref_slice %run_scoped3A[%dma_wait3A_131, %dma_wait3A_132] : memref<8x128xi32, #tpu.memory_space<vmem>> -> memref<1x128xi32, #tpu.memory_space<vmem>>
        %dma_wait3A_134 = tpu.memref_squeeze %dma_wait3A_133 : memref<1x128xi32, #tpu.memory_space<vmem>> -> memref<128xi32, #tpu.memory_space<vmem>>
        %dma_wait3A_135 = arith.constant 0 : i32
        %dma_wait3A_136 = arith.constant 0 : i32
        %dma_wait3A_137 = tpu.memref_slice %arg2[%dma_wait3A_135, %dma_wait3A_136] : memref<10240x128xf32, #tpu.memory_space<hbm>> -> memref<10240x128xf32, #tpu.memory_space<hbm>>
        tpu.wait_indirect_dma semaphore(%arg8 : memref<!tpu.dma_semaphore, #tpu.memory_space<semaphore_mem>>) src(%dma_wait3A_137 : memref<10240x128xf32, #tpu.memory_space<hbm>>) dst(%run_scoped3A_4 : memref<128x128xf32, #tpu.memory_space<vmem>>)
        %dma_start3A_138 = arith.constant 6 : i32
        %dma_start3A_139 = arith.constant 0 : i32
        %dma_start3A_140 = tpu.memref_slice %run_scoped3A[%dma_start3A_138, %dma_start3A_139] : memref<8x128xi32, #tpu.memory_space<vmem>> -> memref<1x128xi32, #tpu.memory_space<vmem>>
        %dma_start3A_141 = tpu.memref_squeeze %dma_start3A_140 : memref<1x128xi32, #tpu.memory_space<vmem>> -> memref<128xi32, #tpu.memory_space<vmem>>
        %dma_start3A_142 = arith.constant 0 : i32
        %dma_start3A_143 = arith.constant 0 : i32
        %dma_start3A_144 = tpu.memref_slice %arg2[%dma_start3A_142, %dma_start3A_143] : memref<10240x128xf32, #tpu.memory_space<hbm>> -> memref<10240x128xf32, #tpu.memory_space<hbm>>
        tpu.enqueue_indirect_dma source(%dma_start3A_144 : memref<10240x128xf32, #tpu.memory_space<hbm>>) target(%run_scoped3A_3 : memref<128x128xf32, #tpu.memory_space<vmem>>) offsets(%dma_start3A_141 : memref<128xi32, #tpu.memory_space<vmem>>) semaphore(%arg8 : memref<!tpu.dma_semaphore, #tpu.memory_space<semaphore_mem>>)
        %run_scoped3A_145 = arith.constant 5 : i32
        "tpu.region"() ({
          %run_scoped3A_301 = tpu.sem_alloc : memref<!tpu.dma_semaphore, #tpu.memory_space<semaphore_mem>>
          %dma_start3A_302 = arith.constant 0 : i32
          %dma_start3A_303 = tpu.memref_slice %run_scoped3A_0[%run_scoped3A_145, %dma_start3A_302] : memref<8x128xi32, #tpu.memory_space<vmem>> -> memref<1x128xi32, #tpu.memory_space<vmem>>
          %dma_start3A_304 = tpu.memref_squeeze %dma_start3A_303 : memref<1x128xi32, #tpu.memory_space<vmem>> -> memref<128xi32, #tpu.memory_space<vmem>>
          %dma_start3A_305 = arith.constant 0 : i32
          %dma_start3A_306 = arith.constant 0 : i32
          %dma_start3A_307 = tpu.memref_slice %arg7[%dma_start3A_305, %dma_start3A_306] : memref<10240x128xf32, #tpu.memory_space<vmem_shared>> -> memref<10240x128xf32, #tpu.memory_space<vmem_shared>>
          tpu.enqueue_indirect_dma source(%run_scoped3A_4 : memref<128x128xf32, #tpu.memory_space<vmem>>) target(%dma_start3A_307 : memref<10240x128xf32, #tpu.memory_space<vmem_shared>>) offsets(%dma_start3A_304 : memref<128xi32, #tpu.memory_space<vmem>>) semaphore(%run_scoped3A_301 : memref<!tpu.dma_semaphore, #tpu.memory_space<semaphore_mem>>) {add = true}
          %dma_wait3A_308 = arith.constant 0 : i32
          %dma_wait3A_309 = tpu.memref_slice %run_scoped3A_0[%run_scoped3A_145, %dma_wait3A_308] : memref<8x128xi32, #tpu.memory_space<vmem>> -> memref<1x128xi32, #tpu.memory_space<vmem>>
          %dma_wait3A_310 = tpu.memref_squeeze %dma_wait3A_309 : memref<1x128xi32, #tpu.memory_space<vmem>> -> memref<128xi32, #tpu.memory_space<vmem>>
          %dma_wait3A_311 = arith.constant 0 : i32
          %dma_wait3A_312 = arith.constant 0 : i32
          %dma_wait3A_313 = tpu.memref_slice %arg7[%dma_wait3A_311, %dma_wait3A_312] : memref<10240x128xf32, #tpu.memory_space<vmem_shared>> -> memref<10240x128xf32, #tpu.memory_space<vmem_shared>>
          tpu.wait_indirect_dma semaphore(%run_scoped3A_301 : memref<!tpu.dma_semaphore, #tpu.memory_space<semaphore_mem>>) src(%run_scoped3A_4 : memref<128x128xf32, #tpu.memory_space<vmem>>) dst(%dma_wait3A_313 : memref<10240x128xf32, #tpu.memory_space<vmem_shared>>)
          tpu.yield
        }) : () -> ()
        %dma_wait3A_146 = arith.constant 6 : i32
        %dma_wait3A_147 = arith.constant 0 : i32
        %dma_wait3A_148 = tpu.memref_slice %run_scoped3A[%dma_wait3A_146, %dma_wait3A_147] : memref<8x128xi32, #tpu.memory_space<vmem>> -> memref<1x128xi32, #tpu.memory_space<vmem>>
        %dma_wait3A_149 = tpu.memref_squeeze %dma_wait3A_148 : memref<1x128xi32, #tpu.memory_space<vmem>> -> memref<128xi32, #tpu.memory_space<vmem>>
        %dma_wait3A_150 = arith.constant 0 : i32
        %dma_wait3A_151 = arith.constant 0 : i32
        %dma_wait3A_152 = tpu.memref_slice %arg2[%dma_wait3A_150, %dma_wait3A_151] : memref<10240x128xf32, #tpu.memory_space<hbm>> -> memref<10240x128xf32, #tpu.memory_space<hbm>>
        tpu.wait_indirect_dma semaphore(%arg8 : memref<!tpu.dma_semaphore, #tpu.memory_space<semaphore_mem>>) src(%dma_wait3A_152 : memref<10240x128xf32, #tpu.memory_space<hbm>>) dst(%run_scoped3A_3 : memref<128x128xf32, #tpu.memory_space<vmem>>)
        %dma_start3A_153 = arith.constant 7 : i32
        %dma_start3A_154 = arith.constant 0 : i32
        %dma_start3A_155 = tpu.memref_slice %run_scoped3A[%dma_start3A_153, %dma_start3A_154] : memref<8x128xi32, #tpu.memory_space<vmem>> -> memref<1x128xi32, #tpu.memory_space<vmem>>
        %dma_start3A_156 = tpu.memref_squeeze %dma_start3A_155 : memref<1x128xi32, #tpu.memory_space<vmem>> -> memref<128xi32, #tpu.memory_space<vmem>>
        %dma_start3A_157 = arith.constant 0 : i32
        %dma_start3A_158 = arith.constant 0 : i32
        %dma_start3A_159 = tpu.memref_slice %arg2[%dma_start3A_157, %dma_start3A_158] : memref<10240x128xf32, #tpu.memory_space<hbm>> -> memref<10240x128xf32, #tpu.memory_space<hbm>>
        tpu.enqueue_indirect_dma source(%dma_start3A_159 : memref<10240x128xf32, #tpu.memory_space<hbm>>) target(%run_scoped3A_4 : memref<128x128xf32, #tpu.memory_space<vmem>>) offsets(%dma_start3A_156 : memref<128xi32, #tpu.memory_space<vmem>>) semaphore(%arg8 : memref<!tpu.dma_semaphore, #tpu.memory_space<semaphore_mem>>)
        %run_scoped3A_160 = arith.constant 6 : i32
        "tpu.region"() ({
          %run_scoped3A_301 = tpu.sem_alloc : memref<!tpu.dma_semaphore, #tpu.memory_space<semaphore_mem>>
          %dma_start3A_302 = arith.constant 0 : i32
          %dma_start3A_303 = tpu.memref_slice %run_scoped3A_0[%run_scoped3A_160, %dma_start3A_302] : memref<8x128xi32, #tpu.memory_space<vmem>> -> memref<1x128xi32, #tpu.memory_space<vmem>>
          %dma_start3A_304 = tpu.memref_squeeze %dma_start3A_303 : memref<1x128xi32, #tpu.memory_space<vmem>> -> memref<128xi32, #tpu.memory_space<vmem>>
          %dma_start3A_305 = arith.constant 0 : i32
          %dma_start3A_306 = arith.constant 0 : i32
          %dma_start3A_307 = tpu.memref_slice %arg7[%dma_start3A_305, %dma_start3A_306] : memref<10240x128xf32, #tpu.memory_space<vmem_shared>> -> memref<10240x128xf32, #tpu.memory_space<vmem_shared>>
          tpu.enqueue_indirect_dma source(%run_scoped3A_3 : memref<128x128xf32, #tpu.memory_space<vmem>>) target(%dma_start3A_307 : memref<10240x128xf32, #tpu.memory_space<vmem_shared>>) offsets(%dma_start3A_304 : memref<128xi32, #tpu.memory_space<vmem>>) semaphore(%run_scoped3A_301 : memref<!tpu.dma_semaphore, #tpu.memory_space<semaphore_mem>>) {add = true}
          %dma_wait3A_308 = arith.constant 0 : i32
          %dma_wait3A_309 = tpu.memref_slice %run_scoped3A_0[%run_scoped3A_160, %dma_wait3A_308] : memref<8x128xi32, #tpu.memory_space<vmem>> -> memref<1x128xi32, #tpu.memory_space<vmem>>
          %dma_wait3A_310 = tpu.memref_squeeze %dma_wait3A_309 : memref<1x128xi32, #tpu.memory_space<vmem>> -> memref<128xi32, #tpu.memory_space<vmem>>
          %dma_wait3A_311 = arith.constant 0 : i32
          %dma_wait3A_312 = arith.constant 0 : i32
          %dma_wait3A_313 = tpu.memref_slice %arg7[%dma_wait3A_311, %dma_wait3A_312] : memref<10240x128xf32, #tpu.memory_space<vmem_shared>> -> memref<10240x128xf32, #tpu.memory_space<vmem_shared>>
          tpu.wait_indirect_dma semaphore(%run_scoped3A_301 : memref<!tpu.dma_semaphore, #tpu.memory_space<semaphore_mem>>) src(%run_scoped3A_3 : memref<128x128xf32, #tpu.memory_space<vmem>>) dst(%dma_wait3A_313 : memref<10240x128xf32, #tpu.memory_space<vmem_shared>>)
          tpu.yield
        }) : () -> ()
        %dma_wait3A_161 = arith.constant 7 : i32
        %dma_wait3A_162 = arith.constant 0 : i32
        %dma_wait3A_163 = tpu.memref_slice %run_scoped3A[%dma_wait3A_161, %dma_wait3A_162] : memref<8x128xi32, #tpu.memory_space<vmem>> -> memref<1x128xi32, #tpu.memory_space<vmem>>
        %dma_wait3A_164 = tpu.memref_squeeze %dma_wait3A_163 : memref<1x128xi32, #tpu.memory_space<vmem>> -> memref<128xi32, #tpu.memory_space<vmem>>
        %dma_wait3A_165 = arith.constant 0 : i32
        %dma_wait3A_166 = arith.constant 0 : i32
        %dma_wait3A_167 = tpu.memref_slice %arg2[%dma_wait3A_165, %dma_wait3A_166] : memref<10240x128xf32, #tpu.memory_space<hbm>> -> memref<10240x128xf32, #tpu.memory_space<hbm>>
        tpu.wait_indirect_dma semaphore(%arg8 : memref<!tpu.dma_semaphore, #tpu.memory_space<semaphore_mem>>) src(%dma_wait3A_167 : memref<10240x128xf32, #tpu.memory_space<hbm>>) dst(%run_scoped3A_4 : memref<128x128xf32, #tpu.memory_space<vmem>>)
        %dma_wait3A_168 = arith.constant 0 : i32
        %dma_wait3A_169 = tpu.memref_slice %arg3[%add3A_45, %dma_wait3A_168] : memref<2560x128xi32, #tpu.memory_space<hbm>> -> memref<8x128xi32, #tpu.memory_space<hbm>>
        %dma_wait3A_170 = arith.constant 0 : i32
        %dma_wait3A_171 = tpu.memref_slice %arg3[%add3A_45, %dma_wait3A_170] : memref<2560x128xi32, #tpu.memory_space<hbm>> -> memref<8x128xi32, #tpu.memory_space<hbm>>
        tpu.wait_dma2 semaphore(%arg9 : memref<!tpu.dma_semaphore, #tpu.memory_space<semaphore_mem>>) src(%dma_wait3A_171 : memref<8x128xi32, #tpu.memory_space<hbm>>) dst(%run_scoped3A_1 : memref<8x128xi32, #tpu.memory_space<vmem>>)
        %dma_wait3A_172 = arith.constant 0 : i32
        %dma_wait3A_173 = tpu.memref_slice %arg4[%add3A_45, %dma_wait3A_172] : memref<2560x128xi32, #tpu.memory_space<hbm>> -> memref<8x128xi32, #tpu.memory_space<hbm>>
        %dma_wait3A_174 = arith.constant 0 : i32
        %dma_wait3A_175 = tpu.memref_slice %arg4[%add3A_45, %dma_wait3A_174] : memref<2560x128xi32, #tpu.memory_space<hbm>> -> memref<8x128xi32, #tpu.memory_space<hbm>>
        tpu.wait_dma2 semaphore(%arg9 : memref<!tpu.dma_semaphore, #tpu.memory_space<semaphore_mem>>) src(%dma_wait3A_175 : memref<8x128xi32, #tpu.memory_space<hbm>>) dst(%run_scoped3A_2 : memref<8x128xi32, #tpu.memory_space<vmem>>)
        %dma_start3A_176 = arith.constant 0 : i32
        %dma_start3A_177 = arith.constant 0 : i32
        %dma_start3A_178 = tpu.memref_slice %run_scoped3A_1[%dma_start3A_176, %dma_start3A_177] : memref<8x128xi32, #tpu.memory_space<vmem>> -> memref<1x128xi32, #tpu.memory_space<vmem>>
        %dma_start3A_179 = tpu.memref_squeeze %dma_start3A_178 : memref<1x128xi32, #tpu.memory_space<vmem>> -> memref<128xi32, #tpu.memory_space<vmem>>
        %dma_start3A_180 = arith.constant 0 : i32
        %dma_start3A_181 = arith.constant 0 : i32
        %dma_start3A_182 = tpu.memref_slice %arg2[%dma_start3A_180, %dma_start3A_181] : memref<10240x128xf32, #tpu.memory_space<hbm>> -> memref<10240x128xf32, #tpu.memory_space<hbm>>
        tpu.enqueue_indirect_dma source(%dma_start3A_182 : memref<10240x128xf32, #tpu.memory_space<hbm>>) target(%run_scoped3A_3 : memref<128x128xf32, #tpu.memory_space<vmem>>) offsets(%dma_start3A_179 : memref<128xi32, #tpu.memory_space<vmem>>) semaphore(%arg8 : memref<!tpu.dma_semaphore, #tpu.memory_space<semaphore_mem>>)
        %run_scoped3A_183 = arith.constant 7 : i32
        "tpu.region"() ({
          %run_scoped3A_301 = tpu.sem_alloc : memref<!tpu.dma_semaphore, #tpu.memory_space<semaphore_mem>>
          %dma_start3A_302 = arith.constant 0 : i32
          %dma_start3A_303 = tpu.memref_slice %run_scoped3A_0[%run_scoped3A_183, %dma_start3A_302] : memref<8x128xi32, #tpu.memory_space<vmem>> -> memref<1x128xi32, #tpu.memory_space<vmem>>
          %dma_start3A_304 = tpu.memref_squeeze %dma_start3A_303 : memref<1x128xi32, #tpu.memory_space<vmem>> -> memref<128xi32, #tpu.memory_space<vmem>>
          %dma_start3A_305 = arith.constant 0 : i32
          %dma_start3A_306 = arith.constant 0 : i32
          %dma_start3A_307 = tpu.memref_slice %arg7[%dma_start3A_305, %dma_start3A_306] : memref<10240x128xf32, #tpu.memory_space<vmem_shared>> -> memref<10240x128xf32, #tpu.memory_space<vmem_shared>>
          tpu.enqueue_indirect_dma source(%run_scoped3A_4 : memref<128x128xf32, #tpu.memory_space<vmem>>) target(%dma_start3A_307 : memref<10240x128xf32, #tpu.memory_space<vmem_shared>>) offsets(%dma_start3A_304 : memref<128xi32, #tpu.memory_space<vmem>>) semaphore(%run_scoped3A_301 : memref<!tpu.dma_semaphore, #tpu.memory_space<semaphore_mem>>) {add = true}
          %dma_wait3A_308 = arith.constant 0 : i32
          %dma_wait3A_309 = tpu.memref_slice %run_scoped3A_0[%run_scoped3A_183, %dma_wait3A_308] : memref<8x128xi32, #tpu.memory_space<vmem>> -> memref<1x128xi32, #tpu.memory_space<vmem>>
          %dma_wait3A_310 = tpu.memref_squeeze %dma_wait3A_309 : memref<1x128xi32, #tpu.memory_space<vmem>> -> memref<128xi32, #tpu.memory_space<vmem>>
          %dma_wait3A_311 = arith.constant 0 : i32
          %dma_wait3A_312 = arith.constant 0 : i32
          %dma_wait3A_313 = tpu.memref_slice %arg7[%dma_wait3A_311, %dma_wait3A_312] : memref<10240x128xf32, #tpu.memory_space<vmem_shared>> -> memref<10240x128xf32, #tpu.memory_space<vmem_shared>>
          tpu.wait_indirect_dma semaphore(%run_scoped3A_301 : memref<!tpu.dma_semaphore, #tpu.memory_space<semaphore_mem>>) src(%run_scoped3A_4 : memref<128x128xf32, #tpu.memory_space<vmem>>) dst(%dma_wait3A_313 : memref<10240x128xf32, #tpu.memory_space<vmem_shared>>)
          tpu.yield
        }) : () -> ()
        %dma_wait3A_184 = arith.constant 0 : i32
        %dma_wait3A_185 = arith.constant 0 : i32
        %dma_wait3A_186 = tpu.memref_slice %run_scoped3A_1[%dma_wait3A_184, %dma_wait3A_185] : memref<8x128xi32, #tpu.memory_space<vmem>> -> memref<1x128xi32, #tpu.memory_space<vmem>>
        %dma_wait3A_187 = tpu.memref_squeeze %dma_wait3A_186 : memref<1x128xi32, #tpu.memory_space<vmem>> -> memref<128xi32, #tpu.memory_space<vmem>>
        %dma_wait3A_188 = arith.constant 0 : i32
        %dma_wait3A_189 = arith.constant 0 : i32
        %dma_wait3A_190 = tpu.memref_slice %arg2[%dma_wait3A_188, %dma_wait3A_189] : memref<10240x128xf32, #tpu.memory_space<hbm>> -> memref<10240x128xf32, #tpu.memory_space<hbm>>
        tpu.wait_indirect_dma semaphore(%arg8 : memref<!tpu.dma_semaphore, #tpu.memory_space<semaphore_mem>>) src(%dma_wait3A_190 : memref<10240x128xf32, #tpu.memory_space<hbm>>) dst(%run_scoped3A_3 : memref<128x128xf32, #tpu.memory_space<vmem>>)
        %convert_element_type3A = arith.extui %lt3A : i1 to i32
        %cond3A = arith.constant 0 : i32
        %cond3A_191 = arith.cmpi ne, %convert_element_type3A, %cond3A : i32
        scf.if %cond3A_191 {
          %dma_start3A_301 = arith.constant 0 : i32
          %dma_start3A_302 = tpu.memref_slice %arg3[%add3A_47, %dma_start3A_301] : memref<2560x128xi32, #tpu.memory_space<hbm>> -> memref<8x128xi32, #tpu.memory_space<hbm>>
          %dma_start3A_303 = arith.constant 0 : i32
          %dma_start3A_304 = tpu.memref_slice %arg3[%add3A_47, %dma_start3A_303] : memref<2560x128xi32, #tpu.memory_space<hbm>> -> memref<8x128xi32, #tpu.memory_space<hbm>>
          tpu.enqueue_dma source(%dma_start3A_304 : memref<8x128xi32, #tpu.memory_space<hbm>>) target(%run_scoped3A : memref<8x128xi32, #tpu.memory_space<vmem>>) target_semaphore(%arg9 : memref<!tpu.dma_semaphore, #tpu.memory_space<semaphore_mem>>)
          %dma_start3A_305 = arith.constant 0 : i32
          %dma_start3A_306 = tpu.memref_slice %arg4[%add3A_47, %dma_start3A_305] : memref<2560x128xi32, #tpu.memory_space<hbm>> -> memref<8x128xi32, #tpu.memory_space<hbm>>
          %dma_start3A_307 = arith.constant 0 : i32
          %dma_start3A_308 = tpu.memref_slice %arg4[%add3A_47, %dma_start3A_307] : memref<2560x128xi32, #tpu.memory_space<hbm>> -> memref<8x128xi32, #tpu.memory_space<hbm>>
          tpu.enqueue_dma source(%dma_start3A_308 : memref<8x128xi32, #tpu.memory_space<hbm>>) target(%run_scoped3A_0 : memref<8x128xi32, #tpu.memory_space<vmem>>) target_semaphore(%arg9 : memref<!tpu.dma_semaphore, #tpu.memory_space<semaphore_mem>>)
        } else {
        }
        %dma_start3A_192 = arith.constant 1 : i32
        %dma_start3A_193 = arith.constant 0 : i32
        %dma_start3A_194 = tpu.memref_slice %run_scoped3A_1[%dma_start3A_192, %dma_start3A_193] : memref<8x128xi32, #tpu.memory_space<vmem>> -> memref<1x128xi32, #tpu.memory_space<vmem>>
        %dma_start3A_195 = tpu.memref_squeeze %dma_start3A_194 : memref<1x128xi32, #tpu.memory_space<vmem>> -> memref<128xi32, #tpu.memory_space<vmem>>
        %dma_start3A_196 = arith.constant 0 : i32
        %dma_start3A_197 = arith.constant 0 : i32
        %dma_start3A_198 = tpu.memref_slice %arg2[%dma_start3A_196, %dma_start3A_197] : memref<10240x128xf32, #tpu.memory_space<hbm>> -> memref<10240x128xf32, #tpu.memory_space<hbm>>
        tpu.enqueue_indirect_dma source(%dma_start3A_198 : memref<10240x128xf32, #tpu.memory_space<hbm>>) target(%run_scoped3A_4 : memref<128x128xf32, #tpu.memory_space<vmem>>) offsets(%dma_start3A_195 : memref<128xi32, #tpu.memory_space<vmem>>) semaphore(%arg8 : memref<!tpu.dma_semaphore, #tpu.memory_space<semaphore_mem>>)
        %run_scoped3A_199 = arith.constant 0 : i32
        "tpu.region"() ({
          %run_scoped3A_301 = tpu.sem_alloc : memref<!tpu.dma_semaphore, #tpu.memory_space<semaphore_mem>>
          %dma_start3A_302 = arith.constant 0 : i32
          %dma_start3A_303 = tpu.memref_slice %run_scoped3A_2[%run_scoped3A_199, %dma_start3A_302] : memref<8x128xi32, #tpu.memory_space<vmem>> -> memref<1x128xi32, #tpu.memory_space<vmem>>
          %dma_start3A_304 = tpu.memref_squeeze %dma_start3A_303 : memref<1x128xi32, #tpu.memory_space<vmem>> -> memref<128xi32, #tpu.memory_space<vmem>>
          %dma_start3A_305 = arith.constant 0 : i32
          %dma_start3A_306 = arith.constant 0 : i32
          %dma_start3A_307 = tpu.memref_slice %arg7[%dma_start3A_305, %dma_start3A_306] : memref<10240x128xf32, #tpu.memory_space<vmem_shared>> -> memref<10240x128xf32, #tpu.memory_space<vmem_shared>>
          tpu.enqueue_indirect_dma source(%run_scoped3A_3 : memref<128x128xf32, #tpu.memory_space<vmem>>) target(%dma_start3A_307 : memref<10240x128xf32, #tpu.memory_space<vmem_shared>>) offsets(%dma_start3A_304 : memref<128xi32, #tpu.memory_space<vmem>>) semaphore(%run_scoped3A_301 : memref<!tpu.dma_semaphore, #tpu.memory_space<semaphore_mem>>) {add = true}
          %dma_wait3A_308 = arith.constant 0 : i32
          %dma_wait3A_309 = tpu.memref_slice %run_scoped3A_2[%run_scoped3A_199, %dma_wait3A_308] : memref<8x128xi32, #tpu.memory_space<vmem>> -> memref<1x128xi32, #tpu.memory_space<vmem>>
          %dma_wait3A_310 = tpu.memref_squeeze %dma_wait3A_309 : memref<1x128xi32, #tpu.memory_space<vmem>> -> memref<128xi32, #tpu.memory_space<vmem>>
          %dma_wait3A_311 = arith.constant 0 : i32
          %dma_wait3A_312 = arith.constant 0 : i32
          %dma_wait3A_313 = tpu.memref_slice %arg7[%dma_wait3A_311, %dma_wait3A_312] : memref<10240x128xf32, #tpu.memory_space<vmem_shared>> -> memref<10240x128xf32, #tpu.memory_space<vmem_shared>>
          tpu.wait_indirect_dma semaphore(%run_scoped3A_301 : memref<!tpu.dma_semaphore, #tpu.memory_space<semaphore_mem>>) src(%run_scoped3A_3 : memref<128x128xf32, #tpu.memory_space<vmem>>) dst(%dma_wait3A_313 : memref<10240x128xf32, #tpu.memory_space<vmem_shared>>)
          tpu.yield
        }) : () -> ()
        %dma_wait3A_200 = arith.constant 1 : i32
        %dma_wait3A_201 = arith.constant 0 : i32
        %dma_wait3A_202 = tpu.memref_slice %run_scoped3A_1[%dma_wait3A_200, %dma_wait3A_201] : memref<8x128xi32, #tpu.memory_space<vmem>> -> memref<1x128xi32, #tpu.memory_space<vmem>>
        %dma_wait3A_203 = tpu.memref_squeeze %dma_wait3A_202 : memref<1x128xi32, #tpu.memory_space<vmem>> -> memref<128xi32, #tpu.memory_space<vmem>>
        %dma_wait3A_204 = arith.constant 0 : i32
        %dma_wait3A_205 = arith.constant 0 : i32
        %dma_wait3A_206 = tpu.memref_slice %arg2[%dma_wait3A_204, %dma_wait3A_205] : memref<10240x128xf32, #tpu.memory_space<hbm>> -> memref<10240x128xf32, #tpu.memory_space<hbm>>
        tpu.wait_indirect_dma semaphore(%arg8 : memref<!tpu.dma_semaphore, #tpu.memory_space<semaphore_mem>>) src(%dma_wait3A_206 : memref<10240x128xf32, #tpu.memory_space<hbm>>) dst(%run_scoped3A_4 : memref<128x128xf32, #tpu.memory_space<vmem>>)
        %dma_start3A_207 = arith.constant 2 : i32
        %dma_start3A_208 = arith.constant 0 : i32
        %dma_start3A_209 = tpu.memref_slice %run_scoped3A_1[%dma_start3A_207, %dma_start3A_208] : memref<8x128xi32, #tpu.memory_space<vmem>> -> memref<1x128xi32, #tpu.memory_space<vmem>>
        %dma_start3A_210 = tpu.memref_squeeze %dma_start3A_209 : memref<1x128xi32, #tpu.memory_space<vmem>> -> memref<128xi32, #tpu.memory_space<vmem>>
        %dma_start3A_211 = arith.constant 0 : i32
        %dma_start3A_212 = arith.constant 0 : i32
        %dma_start3A_213 = tpu.memref_slice %arg2[%dma_start3A_211, %dma_start3A_212] : memref<10240x128xf32, #tpu.memory_space<hbm>> -> memref<10240x128xf32, #tpu.memory_space<hbm>>
        tpu.enqueue_indirect_dma source(%dma_start3A_213 : memref<10240x128xf32, #tpu.memory_space<hbm>>) target(%run_scoped3A_3 : memref<128x128xf32, #tpu.memory_space<vmem>>) offsets(%dma_start3A_210 : memref<128xi32, #tpu.memory_space<vmem>>) semaphore(%arg8 : memref<!tpu.dma_semaphore, #tpu.memory_space<semaphore_mem>>)
        %run_scoped3A_214 = arith.constant 1 : i32
        "tpu.region"() ({
          %run_scoped3A_301 = tpu.sem_alloc : memref<!tpu.dma_semaphore, #tpu.memory_space<semaphore_mem>>
          %dma_start3A_302 = arith.constant 0 : i32
          %dma_start3A_303 = tpu.memref_slice %run_scoped3A_2[%run_scoped3A_214, %dma_start3A_302] : memref<8x128xi32, #tpu.memory_space<vmem>> -> memref<1x128xi32, #tpu.memory_space<vmem>>
          %dma_start3A_304 = tpu.memref_squeeze %dma_start3A_303 : memref<1x128xi32, #tpu.memory_space<vmem>> -> memref<128xi32, #tpu.memory_space<vmem>>
          %dma_start3A_305 = arith.constant 0 : i32
          %dma_start3A_306 = arith.constant 0 : i32
          %dma_start3A_307 = tpu.memref_slice %arg7[%dma_start3A_305, %dma_start3A_306] : memref<10240x128xf32, #tpu.memory_space<vmem_shared>> -> memref<10240x128xf32, #tpu.memory_space<vmem_shared>>
          tpu.enqueue_indirect_dma source(%run_scoped3A_4 : memref<128x128xf32, #tpu.memory_space<vmem>>) target(%dma_start3A_307 : memref<10240x128xf32, #tpu.memory_space<vmem_shared>>) offsets(%dma_start3A_304 : memref<128xi32, #tpu.memory_space<vmem>>) semaphore(%run_scoped3A_301 : memref<!tpu.dma_semaphore, #tpu.memory_space<semaphore_mem>>) {add = true}
          %dma_wait3A_308 = arith.constant 0 : i32
          %dma_wait3A_309 = tpu.memref_slice %run_scoped3A_2[%run_scoped3A_214, %dma_wait3A_308] : memref<8x128xi32, #tpu.memory_space<vmem>> -> memref<1x128xi32, #tpu.memory_space<vmem>>
          %dma_wait3A_310 = tpu.memref_squeeze %dma_wait3A_309 : memref<1x128xi32, #tpu.memory_space<vmem>> -> memref<128xi32, #tpu.memory_space<vmem>>
          %dma_wait3A_311 = arith.constant 0 : i32
          %dma_wait3A_312 = arith.constant 0 : i32
          %dma_wait3A_313 = tpu.memref_slice %arg7[%dma_wait3A_311, %dma_wait3A_312] : memref<10240x128xf32, #tpu.memory_space<vmem_shared>> -> memref<10240x128xf32, #tpu.memory_space<vmem_shared>>
          tpu.wait_indirect_dma semaphore(%run_scoped3A_301 : memref<!tpu.dma_semaphore, #tpu.memory_space<semaphore_mem>>) src(%run_scoped3A_4 : memref<128x128xf32, #tpu.memory_space<vmem>>) dst(%dma_wait3A_313 : memref<10240x128xf32, #tpu.memory_space<vmem_shared>>)
          tpu.yield
        }) : () -> ()
        %dma_wait3A_215 = arith.constant 2 : i32
        %dma_wait3A_216 = arith.constant 0 : i32
        %dma_wait3A_217 = tpu.memref_slice %run_scoped3A_1[%dma_wait3A_215, %dma_wait3A_216] : memref<8x128xi32, #tpu.memory_space<vmem>> -> memref<1x128xi32, #tpu.memory_space<vmem>>
        %dma_wait3A_218 = tpu.memref_squeeze %dma_wait3A_217 : memref<1x128xi32, #tpu.memory_space<vmem>> -> memref<128xi32, #tpu.memory_space<vmem>>
        %dma_wait3A_219 = arith.constant 0 : i32
        %dma_wait3A_220 = arith.constant 0 : i32
        %dma_wait3A_221 = tpu.memref_slice %arg2[%dma_wait3A_219, %dma_wait3A_220] : memref<10240x128xf32, #tpu.memory_space<hbm>> -> memref<10240x128xf32, #tpu.memory_space<hbm>>
        tpu.wait_indirect_dma semaphore(%arg8 : memref<!tpu.dma_semaphore, #tpu.memory_space<semaphore_mem>>) src(%dma_wait3A_221 : memref<10240x128xf32, #tpu.memory_space<hbm>>) dst(%run_scoped3A_3 : memref<128x128xf32, #tpu.memory_space<vmem>>)
        %dma_start3A_222 = arith.constant 3 : i32
        %dma_start3A_223 = arith.constant 0 : i32
        %dma_start3A_224 = tpu.memref_slice %run_scoped3A_1[%dma_start3A_222, %dma_start3A_223] : memref<8x128xi32, #tpu.memory_space<vmem>> -> memref<1x128xi32, #tpu.memory_space<vmem>>
        %dma_start3A_225 = tpu.memref_squeeze %dma_start3A_224 : memref<1x128xi32, #tpu.memory_space<vmem>> -> memref<128xi32, #tpu.memory_space<vmem>>
        %dma_start3A_226 = arith.constant 0 : i32
        %dma_start3A_227 = arith.constant 0 : i32
        %dma_start3A_228 = tpu.memref_slice %arg2[%dma_start3A_226, %dma_start3A_227] : memref<10240x128xf32, #tpu.memory_space<hbm>> -> memref<10240x128xf32, #tpu.memory_space<hbm>>
        tpu.enqueue_indirect_dma source(%dma_start3A_228 : memref<10240x128xf32, #tpu.memory_space<hbm>>) target(%run_scoped3A_4 : memref<128x128xf32, #tpu.memory_space<vmem>>) offsets(%dma_start3A_225 : memref<128xi32, #tpu.memory_space<vmem>>) semaphore(%arg8 : memref<!tpu.dma_semaphore, #tpu.memory_space<semaphore_mem>>)
        %run_scoped3A_229 = arith.constant 2 : i32
        "tpu.region"() ({
          %run_scoped3A_301 = tpu.sem_alloc : memref<!tpu.dma_semaphore, #tpu.memory_space<semaphore_mem>>
          %dma_start3A_302 = arith.constant 0 : i32
          %dma_start3A_303 = tpu.memref_slice %run_scoped3A_2[%run_scoped3A_229, %dma_start3A_302] : memref<8x128xi32, #tpu.memory_space<vmem>> -> memref<1x128xi32, #tpu.memory_space<vmem>>
          %dma_start3A_304 = tpu.memref_squeeze %dma_start3A_303 : memref<1x128xi32, #tpu.memory_space<vmem>> -> memref<128xi32, #tpu.memory_space<vmem>>
          %dma_start3A_305 = arith.constant 0 : i32
          %dma_start3A_306 = arith.constant 0 : i32
          %dma_start3A_307 = tpu.memref_slice %arg7[%dma_start3A_305, %dma_start3A_306] : memref<10240x128xf32, #tpu.memory_space<vmem_shared>> -> memref<10240x128xf32, #tpu.memory_space<vmem_shared>>
          tpu.enqueue_indirect_dma source(%run_scoped3A_3 : memref<128x128xf32, #tpu.memory_space<vmem>>) target(%dma_start3A_307 : memref<10240x128xf32, #tpu.memory_space<vmem_shared>>) offsets(%dma_start3A_304 : memref<128xi32, #tpu.memory_space<vmem>>) semaphore(%run_scoped3A_301 : memref<!tpu.dma_semaphore, #tpu.memory_space<semaphore_mem>>) {add = true}
          %dma_wait3A_308 = arith.constant 0 : i32
          %dma_wait3A_309 = tpu.memref_slice %run_scoped3A_2[%run_scoped3A_229, %dma_wait3A_308] : memref<8x128xi32, #tpu.memory_space<vmem>> -> memref<1x128xi32, #tpu.memory_space<vmem>>
          %dma_wait3A_310 = tpu.memref_squeeze %dma_wait3A_309 : memref<1x128xi32, #tpu.memory_space<vmem>> -> memref<128xi32, #tpu.memory_space<vmem>>
          %dma_wait3A_311 = arith.constant 0 : i32
          %dma_wait3A_312 = arith.constant 0 : i32
          %dma_wait3A_313 = tpu.memref_slice %arg7[%dma_wait3A_311, %dma_wait3A_312] : memref<10240x128xf32, #tpu.memory_space<vmem_shared>> -> memref<10240x128xf32, #tpu.memory_space<vmem_shared>>
          tpu.wait_indirect_dma semaphore(%run_scoped3A_301 : memref<!tpu.dma_semaphore, #tpu.memory_space<semaphore_mem>>) src(%run_scoped3A_3 : memref<128x128xf32, #tpu.memory_space<vmem>>) dst(%dma_wait3A_313 : memref<10240x128xf32, #tpu.memory_space<vmem_shared>>)
          tpu.yield
        }) : () -> ()
        %dma_wait3A_230 = arith.constant 3 : i32
        %dma_wait3A_231 = arith.constant 0 : i32
        %dma_wait3A_232 = tpu.memref_slice %run_scoped3A_1[%dma_wait3A_230, %dma_wait3A_231] : memref<8x128xi32, #tpu.memory_space<vmem>> -> memref<1x128xi32, #tpu.memory_space<vmem>>
        %dma_wait3A_233 = tpu.memref_squeeze %dma_wait3A_232 : memref<1x128xi32, #tpu.memory_space<vmem>> -> memref<128xi32, #tpu.memory_space<vmem>>
        %dma_wait3A_234 = arith.constant 0 : i32
        %dma_wait3A_235 = arith.constant 0 : i32
        %dma_wait3A_236 = tpu.memref_slice %arg2[%dma_wait3A_234, %dma_wait3A_235] : memref<10240x128xf32, #tpu.memory_space<hbm>> -> memref<10240x128xf32, #tpu.memory_space<hbm>>
        tpu.wait_indirect_dma semaphore(%arg8 : memref<!tpu.dma_semaphore, #tpu.memory_space<semaphore_mem>>) src(%dma_wait3A_236 : memref<10240x128xf32, #tpu.memory_space<hbm>>) dst(%run_scoped3A_4 : memref<128x128xf32, #tpu.memory_space<vmem>>)
        %dma_start3A_237 = arith.constant 4 : i32
        %dma_start3A_238 = arith.constant 0 : i32
        %dma_start3A_239 = tpu.memref_slice %run_scoped3A_1[%dma_start3A_237, %dma_start3A_238] : memref<8x128xi32, #tpu.memory_space<vmem>> -> memref<1x128xi32, #tpu.memory_space<vmem>>
        %dma_start3A_240 = tpu.memref_squeeze %dma_start3A_239 : memref<1x128xi32, #tpu.memory_space<vmem>> -> memref<128xi32, #tpu.memory_space<vmem>>
        %dma_start3A_241 = arith.constant 0 : i32
        %dma_start3A_242 = arith.constant 0 : i32
        %dma_start3A_243 = tpu.memref_slice %arg2[%dma_start3A_241, %dma_start3A_242] : memref<10240x128xf32, #tpu.memory_space<hbm>> -> memref<10240x128xf32, #tpu.memory_space<hbm>>
        tpu.enqueue_indirect_dma source(%dma_start3A_243 : memref<10240x128xf32, #tpu.memory_space<hbm>>) target(%run_scoped3A_3 : memref<128x128xf32, #tpu.memory_space<vmem>>) offsets(%dma_start3A_240 : memref<128xi32, #tpu.memory_space<vmem>>) semaphore(%arg8 : memref<!tpu.dma_semaphore, #tpu.memory_space<semaphore_mem>>)
        %run_scoped3A_244 = arith.constant 3 : i32
        "tpu.region"() ({
          %run_scoped3A_301 = tpu.sem_alloc : memref<!tpu.dma_semaphore, #tpu.memory_space<semaphore_mem>>
          %dma_start3A_302 = arith.constant 0 : i32
          %dma_start3A_303 = tpu.memref_slice %run_scoped3A_2[%run_scoped3A_244, %dma_start3A_302] : memref<8x128xi32, #tpu.memory_space<vmem>> -> memref<1x128xi32, #tpu.memory_space<vmem>>
          %dma_start3A_304 = tpu.memref_squeeze %dma_start3A_303 : memref<1x128xi32, #tpu.memory_space<vmem>> -> memref<128xi32, #tpu.memory_space<vmem>>
          %dma_start3A_305 = arith.constant 0 : i32
          %dma_start3A_306 = arith.constant 0 : i32
          %dma_start3A_307 = tpu.memref_slice %arg7[%dma_start3A_305, %dma_start3A_306] : memref<10240x128xf32, #tpu.memory_space<vmem_shared>> -> memref<10240x128xf32, #tpu.memory_space<vmem_shared>>
          tpu.enqueue_indirect_dma source(%run_scoped3A_4 : memref<128x128xf32, #tpu.memory_space<vmem>>) target(%dma_start3A_307 : memref<10240x128xf32, #tpu.memory_space<vmem_shared>>) offsets(%dma_start3A_304 : memref<128xi32, #tpu.memory_space<vmem>>) semaphore(%run_scoped3A_301 : memref<!tpu.dma_semaphore, #tpu.memory_space<semaphore_mem>>) {add = true}
          %dma_wait3A_308 = arith.constant 0 : i32
          %dma_wait3A_309 = tpu.memref_slice %run_scoped3A_2[%run_scoped3A_244, %dma_wait3A_308] : memref<8x128xi32, #tpu.memory_space<vmem>> -> memref<1x128xi32, #tpu.memory_space<vmem>>
          %dma_wait3A_310 = tpu.memref_squeeze %dma_wait3A_309 : memref<1x128xi32, #tpu.memory_space<vmem>> -> memref<128xi32, #tpu.memory_space<vmem>>
          %dma_wait3A_311 = arith.constant 0 : i32
          %dma_wait3A_312 = arith.constant 0 : i32
          %dma_wait3A_313 = tpu.memref_slice %arg7[%dma_wait3A_311, %dma_wait3A_312] : memref<10240x128xf32, #tpu.memory_space<vmem_shared>> -> memref<10240x128xf32, #tpu.memory_space<vmem_shared>>
          tpu.wait_indirect_dma semaphore(%run_scoped3A_301 : memref<!tpu.dma_semaphore, #tpu.memory_space<semaphore_mem>>) src(%run_scoped3A_4 : memref<128x128xf32, #tpu.memory_space<vmem>>) dst(%dma_wait3A_313 : memref<10240x128xf32, #tpu.memory_space<vmem_shared>>)
          tpu.yield
        }) : () -> ()
        %dma_wait3A_245 = arith.constant 4 : i32
        %dma_wait3A_246 = arith.constant 0 : i32
        %dma_wait3A_247 = tpu.memref_slice %run_scoped3A_1[%dma_wait3A_245, %dma_wait3A_246] : memref<8x128xi32, #tpu.memory_space<vmem>> -> memref<1x128xi32, #tpu.memory_space<vmem>>
        %dma_wait3A_248 = tpu.memref_squeeze %dma_wait3A_247 : memref<1x128xi32, #tpu.memory_space<vmem>> -> memref<128xi32, #tpu.memory_space<vmem>>
        %dma_wait3A_249 = arith.constant 0 : i32
        %dma_wait3A_250 = arith.constant 0 : i32
        %dma_wait3A_251 = tpu.memref_slice %arg2[%dma_wait3A_249, %dma_wait3A_250] : memref<10240x128xf32, #tpu.memory_space<hbm>> -> memref<10240x128xf32, #tpu.memory_space<hbm>>
        tpu.wait_indirect_dma semaphore(%arg8 : memref<!tpu.dma_semaphore, #tpu.memory_space<semaphore_mem>>) src(%dma_wait3A_251 : memref<10240x128xf32, #tpu.memory_space<hbm>>) dst(%run_scoped3A_3 : memref<128x128xf32, #tpu.memory_space<vmem>>)
        %dma_start3A_252 = arith.constant 5 : i32
        %dma_start3A_253 = arith.constant 0 : i32
        %dma_start3A_254 = tpu.memref_slice %run_scoped3A_1[%dma_start3A_252, %dma_start3A_253] : memref<8x128xi32, #tpu.memory_space<vmem>> -> memref<1x128xi32, #tpu.memory_space<vmem>>
        %dma_start3A_255 = tpu.memref_squeeze %dma_start3A_254 : memref<1x128xi32, #tpu.memory_space<vmem>> -> memref<128xi32, #tpu.memory_space<vmem>>
        %dma_start3A_256 = arith.constant 0 : i32
        %dma_start3A_257 = arith.constant 0 : i32
        %dma_start3A_258 = tpu.memref_slice %arg2[%dma_start3A_256, %dma_start3A_257] : memref<10240x128xf32, #tpu.memory_space<hbm>> -> memref<10240x128xf32, #tpu.memory_space<hbm>>
        tpu.enqueue_indirect_dma source(%dma_start3A_258 : memref<10240x128xf32, #tpu.memory_space<hbm>>) target(%run_scoped3A_4 : memref<128x128xf32, #tpu.memory_space<vmem>>) offsets(%dma_start3A_255 : memref<128xi32, #tpu.memory_space<vmem>>) semaphore(%arg8 : memref<!tpu.dma_semaphore, #tpu.memory_space<semaphore_mem>>)
        %run_scoped3A_259 = arith.constant 4 : i32
        "tpu.region"() ({
          %run_scoped3A_301 = tpu.sem_alloc : memref<!tpu.dma_semaphore, #tpu.memory_space<semaphore_mem>>
          %dma_start3A_302 = arith.constant 0 : i32
          %dma_start3A_303 = tpu.memref_slice %run_scoped3A_2[%run_scoped3A_259, %dma_start3A_302] : memref<8x128xi32, #tpu.memory_space<vmem>> -> memref<1x128xi32, #tpu.memory_space<vmem>>
          %dma_start3A_304 = tpu.memref_squeeze %dma_start3A_303 : memref<1x128xi32, #tpu.memory_space<vmem>> -> memref<128xi32, #tpu.memory_space<vmem>>
          %dma_start3A_305 = arith.constant 0 : i32
          %dma_start3A_306 = arith.constant 0 : i32
          %dma_start3A_307 = tpu.memref_slice %arg7[%dma_start3A_305, %dma_start3A_306] : memref<10240x128xf32, #tpu.memory_space<vmem_shared>> -> memref<10240x128xf32, #tpu.memory_space<vmem_shared>>
          tpu.enqueue_indirect_dma source(%run_scoped3A_3 : memref<128x128xf32, #tpu.memory_space<vmem>>) target(%dma_start3A_307 : memref<10240x128xf32, #tpu.memory_space<vmem_shared>>) offsets(%dma_start3A_304 : memref<128xi32, #tpu.memory_space<vmem>>) semaphore(%run_scoped3A_301 : memref<!tpu.dma_semaphore, #tpu.memory_space<semaphore_mem>>) {add = true}
          %dma_wait3A_308 = arith.constant 0 : i32
          %dma_wait3A_309 = tpu.memref_slice %run_scoped3A_2[%run_scoped3A_259, %dma_wait3A_308] : memref<8x128xi32, #tpu.memory_space<vmem>> -> memref<1x128xi32, #tpu.memory_space<vmem>>
          %dma_wait3A_310 = tpu.memref_squeeze %dma_wait3A_309 : memref<1x128xi32, #tpu.memory_space<vmem>> -> memref<128xi32, #tpu.memory_space<vmem>>
          %dma_wait3A_311 = arith.constant 0 : i32
          %dma_wait3A_312 = arith.constant 0 : i32
          %dma_wait3A_313 = tpu.memref_slice %arg7[%dma_wait3A_311, %dma_wait3A_312] : memref<10240x128xf32, #tpu.memory_space<vmem_shared>> -> memref<10240x128xf32, #tpu.memory_space<vmem_shared>>
          tpu.wait_indirect_dma semaphore(%run_scoped3A_301 : memref<!tpu.dma_semaphore, #tpu.memory_space<semaphore_mem>>) src(%run_scoped3A_3 : memref<128x128xf32, #tpu.memory_space<vmem>>) dst(%dma_wait3A_313 : memref<10240x128xf32, #tpu.memory_space<vmem_shared>>)
          tpu.yield
        }) : () -> ()
        %dma_wait3A_260 = arith.constant 5 : i32
        %dma_wait3A_261 = arith.constant 0 : i32
        %dma_wait3A_262 = tpu.memref_slice %run_scoped3A_1[%dma_wait3A_260, %dma_wait3A_261] : memref<8x128xi32, #tpu.memory_space<vmem>> -> memref<1x128xi32, #tpu.memory_space<vmem>>
        %dma_wait3A_263 = tpu.memref_squeeze %dma_wait3A_262 : memref<1x128xi32, #tpu.memory_space<vmem>> -> memref<128xi32, #tpu.memory_space<vmem>>
        %dma_wait3A_264 = arith.constant 0 : i32
        %dma_wait3A_265 = arith.constant 0 : i32
        %dma_wait3A_266 = tpu.memref_slice %arg2[%dma_wait3A_264, %dma_wait3A_265] : memref<10240x128xf32, #tpu.memory_space<hbm>> -> memref<10240x128xf32, #tpu.memory_space<hbm>>
        tpu.wait_indirect_dma semaphore(%arg8 : memref<!tpu.dma_semaphore, #tpu.memory_space<semaphore_mem>>) src(%dma_wait3A_266 : memref<10240x128xf32, #tpu.memory_space<hbm>>) dst(%run_scoped3A_4 : memref<128x128xf32, #tpu.memory_space<vmem>>)
        %dma_start3A_267 = arith.constant 6 : i32
        %dma_start3A_268 = arith.constant 0 : i32
        %dma_start3A_269 = tpu.memref_slice %run_scoped3A_1[%dma_start3A_267, %dma_start3A_268] : memref<8x128xi32, #tpu.memory_space<vmem>> -> memref<1x128xi32, #tpu.memory_space<vmem>>
        %dma_start3A_270 = tpu.memref_squeeze %dma_start3A_269 : memref<1x128xi32, #tpu.memory_space<vmem>> -> memref<128xi32, #tpu.memory_space<vmem>>
        %dma_start3A_271 = arith.constant 0 : i32
        %dma_start3A_272 = arith.constant 0 : i32
        %dma_start3A_273 = tpu.memref_slice %arg2[%dma_start3A_271, %dma_start3A_272] : memref<10240x128xf32, #tpu.memory_space<hbm>> -> memref<10240x128xf32, #tpu.memory_space<hbm>>
        tpu.enqueue_indirect_dma source(%dma_start3A_273 : memref<10240x128xf32, #tpu.memory_space<hbm>>) target(%run_scoped3A_3 : memref<128x128xf32, #tpu.memory_space<vmem>>) offsets(%dma_start3A_270 : memref<128xi32, #tpu.memory_space<vmem>>) semaphore(%arg8 : memref<!tpu.dma_semaphore, #tpu.memory_space<semaphore_mem>>)
        %run_scoped3A_274 = arith.constant 5 : i32
        "tpu.region"() ({
          %run_scoped3A_301 = tpu.sem_alloc : memref<!tpu.dma_semaphore, #tpu.memory_space<semaphore_mem>>
          %dma_start3A_302 = arith.constant 0 : i32
          %dma_start3A_303 = tpu.memref_slice %run_scoped3A_2[%run_scoped3A_274, %dma_start3A_302] : memref<8x128xi32, #tpu.memory_space<vmem>> -> memref<1x128xi32, #tpu.memory_space<vmem>>
          %dma_start3A_304 = tpu.memref_squeeze %dma_start3A_303 : memref<1x128xi32, #tpu.memory_space<vmem>> -> memref<128xi32, #tpu.memory_space<vmem>>
          %dma_start3A_305 = arith.constant 0 : i32
          %dma_start3A_306 = arith.constant 0 : i32
          %dma_start3A_307 = tpu.memref_slice %arg7[%dma_start3A_305, %dma_start3A_306] : memref<10240x128xf32, #tpu.memory_space<vmem_shared>> -> memref<10240x128xf32, #tpu.memory_space<vmem_shared>>
          tpu.enqueue_indirect_dma source(%run_scoped3A_4 : memref<128x128xf32, #tpu.memory_space<vmem>>) target(%dma_start3A_307 : memref<10240x128xf32, #tpu.memory_space<vmem_shared>>) offsets(%dma_start3A_304 : memref<128xi32, #tpu.memory_space<vmem>>) semaphore(%run_scoped3A_301 : memref<!tpu.dma_semaphore, #tpu.memory_space<semaphore_mem>>) {add = true}
          %dma_wait3A_308 = arith.constant 0 : i32
          %dma_wait3A_309 = tpu.memref_slice %run_scoped3A_2[%run_scoped3A_274, %dma_wait3A_308] : memref<8x128xi32, #tpu.memory_space<vmem>> -> memref<1x128xi32, #tpu.memory_space<vmem>>
          %dma_wait3A_310 = tpu.memref_squeeze %dma_wait3A_309 : memref<1x128xi32, #tpu.memory_space<vmem>> -> memref<128xi32, #tpu.memory_space<vmem>>
          %dma_wait3A_311 = arith.constant 0 : i32
          %dma_wait3A_312 = arith.constant 0 : i32
          %dma_wait3A_313 = tpu.memref_slice %arg7[%dma_wait3A_311, %dma_wait3A_312] : memref<10240x128xf32, #tpu.memory_space<vmem_shared>> -> memref<10240x128xf32, #tpu.memory_space<vmem_shared>>
          tpu.wait_indirect_dma semaphore(%run_scoped3A_301 : memref<!tpu.dma_semaphore, #tpu.memory_space<semaphore_mem>>) src(%run_scoped3A_4 : memref<128x128xf32, #tpu.memory_space<vmem>>) dst(%dma_wait3A_313 : memref<10240x128xf32, #tpu.memory_space<vmem_shared>>)
          tpu.yield
        }) : () -> ()
        %dma_wait3A_275 = arith.constant 6 : i32
        %dma_wait3A_276 = arith.constant 0 : i32
        %dma_wait3A_277 = tpu.memref_slice %run_scoped3A_1[%dma_wait3A_275, %dma_wait3A_276] : memref<8x128xi32, #tpu.memory_space<vmem>> -> memref<1x128xi32, #tpu.memory_space<vmem>>
        %dma_wait3A_278 = tpu.memref_squeeze %dma_wait3A_277 : memref<1x128xi32, #tpu.memory_space<vmem>> -> memref<128xi32, #tpu.memory_space<vmem>>
        %dma_wait3A_279 = arith.constant 0 : i32
        %dma_wait3A_280 = arith.constant 0 : i32
        %dma_wait3A_281 = tpu.memref_slice %arg2[%dma_wait3A_279, %dma_wait3A_280] : memref<10240x128xf32, #tpu.memory_space<hbm>> -> memref<10240x128xf32, #tpu.memory_space<hbm>>
        tpu.wait_indirect_dma semaphore(%arg8 : memref<!tpu.dma_semaphore, #tpu.memory_space<semaphore_mem>>) src(%dma_wait3A_281 : memref<10240x128xf32, #tpu.memory_space<hbm>>) dst(%run_scoped3A_3 : memref<128x128xf32, #tpu.memory_space<vmem>>)
        %dma_start3A_282 = arith.constant 7 : i32
        %dma_start3A_283 = arith.constant 0 : i32
        %dma_start3A_284 = tpu.memref_slice %run_scoped3A_1[%dma_start3A_282, %dma_start3A_283] : memref<8x128xi32, #tpu.memory_space<vmem>> -> memref<1x128xi32, #tpu.memory_space<vmem>>
        %dma_start3A_285 = tpu.memref_squeeze %dma_start3A_284 : memref<1x128xi32, #tpu.memory_space<vmem>> -> memref<128xi32, #tpu.memory_space<vmem>>
        %dma_start3A_286 = arith.constant 0 : i32
        %dma_start3A_287 = arith.constant 0 : i32
        %dma_start3A_288 = tpu.memref_slice %arg2[%dma_start3A_286, %dma_start3A_287] : memref<10240x128xf32, #tpu.memory_space<hbm>> -> memref<10240x128xf32, #tpu.memory_space<hbm>>
        tpu.enqueue_indirect_dma source(%dma_start3A_288 : memref<10240x128xf32, #tpu.memory_space<hbm>>) target(%run_scoped3A_4 : memref<128x128xf32, #tpu.memory_space<vmem>>) offsets(%dma_start3A_285 : memref<128xi32, #tpu.memory_space<vmem>>) semaphore(%arg8 : memref<!tpu.dma_semaphore, #tpu.memory_space<semaphore_mem>>)
        %run_scoped3A_289 = arith.constant 6 : i32
        "tpu.region"() ({
          %run_scoped3A_301 = tpu.sem_alloc : memref<!tpu.dma_semaphore, #tpu.memory_space<semaphore_mem>>
          %dma_start3A_302 = arith.constant 0 : i32
          %dma_start3A_303 = tpu.memref_slice %run_scoped3A_2[%run_scoped3A_289, %dma_start3A_302] : memref<8x128xi32, #tpu.memory_space<vmem>> -> memref<1x128xi32, #tpu.memory_space<vmem>>
          %dma_start3A_304 = tpu.memref_squeeze %dma_start3A_303 : memref<1x128xi32, #tpu.memory_space<vmem>> -> memref<128xi32, #tpu.memory_space<vmem>>
          %dma_start3A_305 = arith.constant 0 : i32
          %dma_start3A_306 = arith.constant 0 : i32
          %dma_start3A_307 = tpu.memref_slice %arg7[%dma_start3A_305, %dma_start3A_306] : memref<10240x128xf32, #tpu.memory_space<vmem_shared>> -> memref<10240x128xf32, #tpu.memory_space<vmem_shared>>
          tpu.enqueue_indirect_dma source(%run_scoped3A_3 : memref<128x128xf32, #tpu.memory_space<vmem>>) target(%dma_start3A_307 : memref<10240x128xf32, #tpu.memory_space<vmem_shared>>) offsets(%dma_start3A_304 : memref<128xi32, #tpu.memory_space<vmem>>) semaphore(%run_scoped3A_301 : memref<!tpu.dma_semaphore, #tpu.memory_space<semaphore_mem>>) {add = true}
          %dma_wait3A_308 = arith.constant 0 : i32
          %dma_wait3A_309 = tpu.memref_slice %run_scoped3A_2[%run_scoped3A_289, %dma_wait3A_308] : memref<8x128xi32, #tpu.memory_space<vmem>> -> memref<1x128xi32, #tpu.memory_space<vmem>>
          %dma_wait3A_310 = tpu.memref_squeeze %dma_wait3A_309 : memref<1x128xi32, #tpu.memory_space<vmem>> -> memref<128xi32, #tpu.memory_space<vmem>>
          %dma_wait3A_311 = arith.constant 0 : i32
          %dma_wait3A_312 = arith.constant 0 : i32
          %dma_wait3A_313 = tpu.memref_slice %arg7[%dma_wait3A_311, %dma_wait3A_312] : memref<10240x128xf32, #tpu.memory_space<vmem_shared>> -> memref<10240x128xf32, #tpu.memory_space<vmem_shared>>
          tpu.wait_indirect_dma semaphore(%run_scoped3A_301 : memref<!tpu.dma_semaphore, #tpu.memory_space<semaphore_mem>>) src(%run_scoped3A_3 : memref<128x128xf32, #tpu.memory_space<vmem>>) dst(%dma_wait3A_313 : memref<10240x128xf32, #tpu.memory_space<vmem_shared>>)
          tpu.yield
        }) : () -> ()
        %dma_wait3A_290 = arith.constant 7 : i32
        %dma_wait3A_291 = arith.constant 0 : i32
        %dma_wait3A_292 = tpu.memref_slice %run_scoped3A_1[%dma_wait3A_290, %dma_wait3A_291] : memref<8x128xi32, #tpu.memory_space<vmem>> -> memref<1x128xi32, #tpu.memory_space<vmem>>
        %dma_wait3A_293 = tpu.memref_squeeze %dma_wait3A_292 : memref<1x128xi32, #tpu.memory_space<vmem>> -> memref<128xi32, #tpu.memory_space<vmem>>
        %dma_wait3A_294 = arith.constant 0 : i32
        %dma_wait3A_295 = arith.constant 0 : i32
        %dma_wait3A_296 = tpu.memref_slice %arg2[%dma_wait3A_294, %dma_wait3A_295] : memref<10240x128xf32, #tpu.memory_space<hbm>> -> memref<10240x128xf32, #tpu.memory_space<hbm>>
        tpu.wait_indirect_dma semaphore(%arg8 : memref<!tpu.dma_semaphore, #tpu.memory_space<semaphore_mem>>) src(%dma_wait3A_296 : memref<10240x128xf32, #tpu.memory_space<hbm>>) dst(%run_scoped3A_4 : memref<128x128xf32, #tpu.memory_space<vmem>>)
        %convert_element_type3A_297 = arith.extui %lt3A : i1 to i32
        %cond3A_298 = arith.constant 0 : i32
        %cond3A_299 = arith.cmpi ne, %convert_element_type3A_297, %cond3A_298 : i32
        scf.if %cond3A_299 {
          %dma_wait3A_301 = arith.constant 0 : i32
          %dma_wait3A_302 = tpu.memref_slice %arg3[%add3A_47, %dma_wait3A_301] : memref<2560x128xi32, #tpu.memory_space<hbm>> -> memref<8x128xi32, #tpu.memory_space<hbm>>
          %dma_wait3A_303 = arith.constant 0 : i32
          %dma_wait3A_304 = tpu.memref_slice %arg3[%add3A_47, %dma_wait3A_303] : memref<2560x128xi32, #tpu.memory_space<hbm>> -> memref<8x128xi32, #tpu.memory_space<hbm>>
          tpu.wait_dma2 semaphore(%arg9 : memref<!tpu.dma_semaphore, #tpu.memory_space<semaphore_mem>>) src(%dma_wait3A_304 : memref<8x128xi32, #tpu.memory_space<hbm>>) dst(%run_scoped3A : memref<8x128xi32, #tpu.memory_space<vmem>>)
          %dma_wait3A_305 = arith.constant 0 : i32
          %dma_wait3A_306 = tpu.memref_slice %arg4[%add3A_47, %dma_wait3A_305] : memref<2560x128xi32, #tpu.memory_space<hbm>> -> memref<8x128xi32, #tpu.memory_space<hbm>>
          %dma_wait3A_307 = arith.constant 0 : i32
          %dma_wait3A_308 = tpu.memref_slice %arg4[%add3A_47, %dma_wait3A_307] : memref<2560x128xi32, #tpu.memory_space<hbm>> -> memref<8x128xi32, #tpu.memory_space<hbm>>
          tpu.wait_dma2 semaphore(%arg9 : memref<!tpu.dma_semaphore, #tpu.memory_space<semaphore_mem>>) src(%dma_wait3A_308 : memref<8x128xi32, #tpu.memory_space<hbm>>) dst(%run_scoped3A_0 : memref<8x128xi32, #tpu.memory_space<vmem>>)
          %dma_start3A_309 = arith.constant 0 : i32
          %dma_start3A_310 = arith.constant 0 : i32
          %dma_start3A_311 = tpu.memref_slice %run_scoped3A[%dma_start3A_309, %dma_start3A_310] : memref<8x128xi32, #tpu.memory_space<vmem>> -> memref<1x128xi32, #tpu.memory_space<vmem>>
          %dma_start3A_312 = tpu.memref_squeeze %dma_start3A_311 : memref<1x128xi32, #tpu.memory_space<vmem>> -> memref<128xi32, #tpu.memory_space<vmem>>
          %dma_start3A_313 = arith.constant 0 : i32
          %dma_start3A_314 = arith.constant 0 : i32
          %dma_start3A_315 = tpu.memref_slice %arg2[%dma_start3A_313, %dma_start3A_314] : memref<10240x128xf32, #tpu.memory_space<hbm>> -> memref<10240x128xf32, #tpu.memory_space<hbm>>
          tpu.enqueue_indirect_dma source(%dma_start3A_315 : memref<10240x128xf32, #tpu.memory_space<hbm>>) target(%run_scoped3A_3 : memref<128x128xf32, #tpu.memory_space<vmem>>) offsets(%dma_start3A_312 : memref<128xi32, #tpu.memory_space<vmem>>) semaphore(%arg8 : memref<!tpu.dma_semaphore, #tpu.memory_space<semaphore_mem>>)
        } else {
        }
        %run_scoped3A_300 = arith.constant 7 : i32
        "tpu.region"() ({
          %run_scoped3A_301 = tpu.sem_alloc : memref<!tpu.dma_semaphore, #tpu.memory_space<semaphore_mem>>
          %dma_start3A_302 = arith.constant 0 : i32
          %dma_start3A_303 = tpu.memref_slice %run_scoped3A_2[%run_scoped3A_300, %dma_start3A_302] : memref<8x128xi32, #tpu.memory_space<vmem>> -> memref<1x128xi32, #tpu.memory_space<vmem>>
          %dma_start3A_304 = tpu.memref_squeeze %dma_start3A_303 : memref<1x128xi32, #tpu.memory_space<vmem>> -> memref<128xi32, #tpu.memory_space<vmem>>
          %dma_start3A_305 = arith.constant 0 : i32
          %dma_start3A_306 = arith.constant 0 : i32
          %dma_start3A_307 = tpu.memref_slice %arg7[%dma_start3A_305, %dma_start3A_306] : memref<10240x128xf32, #tpu.memory_space<vmem_shared>> -> memref<10240x128xf32, #tpu.memory_space<vmem_shared>>
          tpu.enqueue_indirect_dma source(%run_scoped3A_4 : memref<128x128xf32, #tpu.memory_space<vmem>>) target(%dma_start3A_307 : memref<10240x128xf32, #tpu.memory_space<vmem_shared>>) offsets(%dma_start3A_304 : memref<128xi32, #tpu.memory_space<vmem>>) semaphore(%run_scoped3A_301 : memref<!tpu.dma_semaphore, #tpu.memory_space<semaphore_mem>>) {add = true}
          %dma_wait3A_308 = arith.constant 0 : i32
          %dma_wait3A_309 = tpu.memref_slice %run_scoped3A_2[%run_scoped3A_300, %dma_wait3A_308] : memref<8x128xi32, #tpu.memory_space<vmem>> -> memref<1x128xi32, #tpu.memory_space<vmem>>
          %dma_wait3A_310 = tpu.memref_squeeze %dma_wait3A_309 : memref<1x128xi32, #tpu.memory_space<vmem>> -> memref<128xi32, #tpu.memory_space<vmem>>
          %dma_wait3A_311 = arith.constant 0 : i32
          %dma_wait3A_312 = arith.constant 0 : i32
          %dma_wait3A_313 = tpu.memref_slice %arg7[%dma_wait3A_311, %dma_wait3A_312] : memref<10240x128xf32, #tpu.memory_space<vmem_shared>> -> memref<10240x128xf32, #tpu.memory_space<vmem_shared>>
          tpu.wait_indirect_dma semaphore(%run_scoped3A_301 : memref<!tpu.dma_semaphore, #tpu.memory_space<semaphore_mem>>) src(%run_scoped3A_4 : memref<128x128xf32, #tpu.memory_space<vmem>>) dst(%dma_wait3A_313 : memref<10240x128xf32, #tpu.memory_space<vmem_shared>>)
          tpu.yield
        }) : () -> ()
      }
      %barrier3A_33 = arith.constant 0 : index
      tpu.barrier barrier_id(%barrier3A_33)
      %mul3A_34 = arith.constant 640 : i32
      %mul3A_35 = arith.muli %arg1, %mul3A_34 : i32
      %mul3A_36 = arith.constant 640 : i32
      %mul3A_37 = arith.muli %arg1, %mul3A_36 : i32
      "tpu.region"() ({
        %run_scoped3A_38 = tpu.sem_alloc : memref<!tpu.dma_semaphore, #tpu.memory_space<semaphore_mem>>
        %dma_start3A_39 = arith.constant 0 : i32
        %dma_start3A_40 = tpu.memref_slice %arg6[%arg0, %mul3A_37, %dma_start3A_39] : memref<2x10240x128xf32, #tpu.memory_space<hbm>> -> memref<1x640x128xf32, #tpu.memory_space<hbm>>
        %dma_start3A_41 = tpu.memref_squeeze %dma_start3A_40 : memref<1x640x128xf32, #tpu.memory_space<hbm>> -> memref<640x128xf32, #tpu.memory_space<hbm>>
        %dma_start3A_42 = arith.constant 0 : i32
        %dma_start3A_43 = tpu.memref_slice %arg7[%mul3A_35, %dma_start3A_42] : memref<10240x128xf32, #tpu.memory_space<vmem_shared>> -> memref<640x128xf32, #tpu.memory_space<vmem_shared>>
        tpu.enqueue_dma source(%dma_start3A_43 : memref<640x128xf32, #tpu.memory_space<vmem_shared>>) target(%dma_start3A_41 : memref<640x128xf32, #tpu.memory_space<hbm>>) target_semaphore(%run_scoped3A_38 : memref<!tpu.dma_semaphore, #tpu.memory_space<semaphore_mem>>)
        %dma_wait3A = arith.constant 0 : i32
        %dma_wait3A_44 = tpu.memref_slice %arg6[%arg0, %mul3A_37, %dma_wait3A] : memref<2x10240x128xf32, #tpu.memory_space<hbm>> -> memref<1x640x128xf32, #tpu.memory_space<hbm>>
        %dma_wait3A_45 = tpu.memref_squeeze %dma_wait3A_44 : memref<1x640x128xf32, #tpu.memory_space<hbm>> -> memref<640x128xf32, #tpu.memory_space<hbm>>
        %dma_wait3A_46 = arith.constant 0 : i32
        %dma_wait3A_47 = tpu.memref_slice %arg7[%mul3A_35, %dma_wait3A_46] : memref<10240x128xf32, #tpu.memory_space<vmem_shared>> -> memref<640x128xf32, #tpu.memory_space<vmem_shared>>
        tpu.wait_dma2 semaphore(%run_scoped3A_38 : memref<!tpu.dma_semaphore, #tpu.memory_space<semaphore_mem>>) src(%dma_wait3A_47 : memref<640x128xf32, #tpu.memory_space<vmem_shared>>) dst(%dma_wait3A_45 : memref<640x128xf32, #tpu.memory_space<hbm>>)
        tpu.yield
      }) : () -> ()
      tpu.yield
    }) : () -> ()
    return
  }
}

#map = affine_map<(d0, d1) -> (0, 0)>
#map1 = affine_map<(d0, d1) -> (0)>
module attributes {stable_mosaic.version = 14 : i64} {
  func.func @_sc_count(%arg0: i32, %arg1: i32, %arg2: memref<2560x128xi32, #tpu.memory_space<hbm>>, %arg3: memref<10240xf32, #tpu.memory_space<hbm>>, %arg4: memref<32x10240xf32, #tpu.memory_space<hbm>>, %arg5: memref<80x128xi32, #tpu.memory_space<vmem>>, %arg6: memref<10240xf32, #tpu.memory_space<vmem>>) attributes {dimension_semantics = [#tpu.dimension_semantics<core_parallel>, #tpu.dimension_semantics<subcore_parallel>], iteration_bounds = array<i64: 2, 16>, scalar_prefetch = 0 : i64, scratch_operands = 2 : i64, tpu.core_type = #tpu.core_type<sc_vector_subcore>, window_params = [{transform_indices = #map}, {transform_indices = #map1}, {transform_indices = #map}]} {
    %mul3A = arith.constant 16 : i32
    %mul3A_0 = arith.muli %arg0, %mul3A : i32
    %add3A = arith.addi %mul3A_0, %arg1 : i32
    "tpu.region"() ({
      %run_scoped3A = tpu.sem_alloc : memref<!tpu.dma_semaphore, #tpu.memory_space<semaphore_mem>>
      tpu.enqueue_dma source(%arg3 : memref<10240xf32, #tpu.memory_space<hbm>>) target(%arg6 : memref<10240xf32, #tpu.memory_space<vmem>>) target_semaphore(%run_scoped3A : memref<!tpu.dma_semaphore, #tpu.memory_space<semaphore_mem>>)
      tpu.wait_dma2 semaphore(%run_scoped3A : memref<!tpu.dma_semaphore, #tpu.memory_space<semaphore_mem>>) src(%arg3 : memref<10240xf32, #tpu.memory_space<hbm>>) dst(%arg6 : memref<10240xf32, #tpu.memory_space<vmem>>)
      tpu.yield
    }) : () -> ()
    %mul3A_1 = arith.constant 80 : i32
    %mul3A_2 = arith.muli %add3A, %mul3A_1 : i32
    "tpu.region"() ({
      %run_scoped3A = tpu.sem_alloc : memref<!tpu.dma_semaphore, #tpu.memory_space<semaphore_mem>>
      %dma_start3A = arith.constant 0 : i32
      %dma_start3A_9 = tpu.memref_slice %arg2[%mul3A_2, %dma_start3A] : memref<2560x128xi32, #tpu.memory_space<hbm>> -> memref<80x128xi32, #tpu.memory_space<hbm>>
      %dma_start3A_10 = arith.constant 0 : i32
      %dma_start3A_11 = tpu.memref_slice %arg2[%mul3A_2, %dma_start3A_10] : memref<2560x128xi32, #tpu.memory_space<hbm>> -> memref<80x128xi32, #tpu.memory_space<hbm>>
      tpu.enqueue_dma source(%dma_start3A_11 : memref<80x128xi32, #tpu.memory_space<hbm>>) target(%arg5 : memref<80x128xi32, #tpu.memory_space<vmem>>) target_semaphore(%run_scoped3A : memref<!tpu.dma_semaphore, #tpu.memory_space<semaphore_mem>>)
      %dma_wait3A = arith.constant 0 : i32
      %dma_wait3A_12 = tpu.memref_slice %arg2[%mul3A_2, %dma_wait3A] : memref<2560x128xi32, #tpu.memory_space<hbm>> -> memref<80x128xi32, #tpu.memory_space<hbm>>
      %dma_wait3A_13 = arith.constant 0 : i32
      %dma_wait3A_14 = tpu.memref_slice %arg2[%mul3A_2, %dma_wait3A_13] : memref<2560x128xi32, #tpu.memory_space<hbm>> -> memref<80x128xi32, #tpu.memory_space<hbm>>
      tpu.wait_dma2 semaphore(%run_scoped3A : memref<!tpu.dma_semaphore, #tpu.memory_space<semaphore_mem>>) src(%dma_wait3A_14 : memref<80x128xi32, #tpu.memory_space<hbm>>) dst(%arg5 : memref<80x128xi32, #tpu.memory_space<vmem>>)
      tpu.yield
    }) : () -> ()
    %broadcast_in_dim3A = arith.constant 1.000000e+00 : f32
    %broadcast_in_dim3A_3 = vector.broadcast %broadcast_in_dim3A : f32 to vector<16xf32>
    %scan3A = arith.constant 0 : i32
    %scan3A_4 = arith.constant 0 : i32
    %scan3A_5 = arith.constant 80 : i32
    %scan3A_6 = arith.addi %scan3A_4, %scan3A_5 : i32
    %scan3A_7 = arith.constant 1 : i32
    scf.for %scan3A_9 = %scan3A_4 to %scan3A_6 step %scan3A_7  : i32 {
      %get3A = arith.index_cast %scan3A_9 : i32 to index
      %get3A_10 = arith.constant 0 : index
      %get3A_11 = tpu.vector_load %arg5[%get3A, %get3A_10] {strides = array<i32>} : memref<80x128xi32, #tpu.memory_space<vmem>>, vector<16xi32>,
      tpu.vector_store_idx %arg6[%get3A_11], %broadcast_in_dim3A_3 {add = true} : memref<10240xf32, #tpu.memory_space<vmem>>[vector<16xi32>], vector<16xf32>,
      %get3A_12 = arith.index_cast %scan3A_9 : i32 to index
      %get3A_13 = arith.constant 16 : index
      %get3A_14 = tpu.vector_load %arg5[%get3A_12, %get3A_13] {strides = array<i32>} : memref<80x128xi32, #tpu.memory_space<vmem>>, vector<16xi32>,
      tpu.vector_store_idx %arg6[%get3A_14], %broadcast_in_dim3A_3 {add = true} : memref<10240xf32, #tpu.memory_space<vmem>>[vector<16xi32>], vector<16xf32>,
      %get3A_15 = arith.index_cast %scan3A_9 : i32 to index
      %get3A_16 = arith.constant 32 : index
      %get3A_17 = tpu.vector_load %arg5[%get3A_15, %get3A_16] {strides = array<i32>} : memref<80x128xi32, #tpu.memory_space<vmem>>, vector<16xi32>,
      tpu.vector_store_idx %arg6[%get3A_17], %broadcast_in_dim3A_3 {add = true} : memref<10240xf32, #tpu.memory_space<vmem>>[vector<16xi32>], vector<16xf32>,
      %get3A_18 = arith.index_cast %scan3A_9 : i32 to index
      %get3A_19 = arith.constant 48 : index
      %get3A_20 = tpu.vector_load %arg5[%get3A_18, %get3A_19] {strides = array<i32>} : memref<80x128xi32, #tpu.memory_space<vmem>>, vector<16xi32>,
      tpu.vector_store_idx %arg6[%get3A_20], %broadcast_in_dim3A_3 {add = true} : memref<10240xf32, #tpu.memory_space<vmem>>[vector<16xi32>], vector<16xf32>,
      %get3A_21 = arith.index_cast %scan3A_9 : i32 to index
      %get3A_22 = arith.constant 64 : index
      %get3A_23 = tpu.vector_load %arg5[%get3A_21, %get3A_22] {strides = array<i32>} : memref<80x128xi32, #tpu.memory_space<vmem>>, vector<16xi32>,
      tpu.vector_store_idx %arg6[%get3A_23], %broadcast_in_dim3A_3 {add = true} : memref<10240xf32, #tpu.memory_space<vmem>>[vector<16xi32>], vector<16xf32>,
      %get3A_24 = arith.index_cast %scan3A_9 : i32 to index
      %get3A_25 = arith.constant 80 : index
      %get3A_26 = tpu.vector_load %arg5[%get3A_24, %get3A_25] {strides = array<i32>} : memref<80x128xi32, #tpu.memory_space<vmem>>, vector<16xi32>,
      tpu.vector_store_idx %arg6[%get3A_26], %broadcast_in_dim3A_3 {add = true} : memref<10240xf32, #tpu.memory_space<vmem>>[vector<16xi32>], vector<16xf32>,
      %get3A_27 = arith.index_cast %scan3A_9 : i32 to index
      %get3A_28 = arith.constant 96 : index
      %get3A_29 = tpu.vector_load %arg5[%get3A_27, %get3A_28] {strides = array<i32>} : memref<80x128xi32, #tpu.memory_space<vmem>>, vector<16xi32>,
      tpu.vector_store_idx %arg6[%get3A_29], %broadcast_in_dim3A_3 {add = true} : memref<10240xf32, #tpu.memory_space<vmem>>[vector<16xi32>], vector<16xf32>,
      %get3A_30 = arith.index_cast %scan3A_9 : i32 to index
      %get3A_31 = arith.constant 112 : index
      %get3A_32 = tpu.vector_load %arg5[%get3A_30, %get3A_31] {strides = array<i32>} : memref<80x128xi32, #tpu.memory_space<vmem>>, vector<16xi32>,
      tpu.vector_store_idx %arg6[%get3A_32], %broadcast_in_dim3A_3 {add = true} : memref<10240xf32, #tpu.memory_space<vmem>>[vector<16xi32>], vector<16xf32>,
    }
    %scan3A_8 = arith.constant 80 : i32
    "tpu.region"() ({
      %run_scoped3A = tpu.sem_alloc : memref<!tpu.dma_semaphore, #tpu.memory_space<semaphore_mem>>
      %dma_start3A = arith.constant 0 : i32
      %dma_start3A_9 = tpu.memref_slice %arg4[%add3A, %dma_start3A] : memref<32x10240xf32, #tpu.memory_space<hbm>> -> memref<1x10240xf32, #tpu.memory_space<hbm>>
      %dma_start3A_10 = tpu.memref_squeeze %dma_start3A_9 : memref<1x10240xf32, #tpu.memory_space<hbm>> -> memref<10240xf32, #tpu.memory_space<hbm>>
      %dma_start3A_11 = arith.constant 0 : i32
      %dma_start3A_12 = tpu.memref_slice %arg4[%add3A, %dma_start3A_11] : memref<32x10240xf32, #tpu.memory_space<hbm>> -> memref<1x10240xf32, #tpu.memory_space<hbm>>
      %dma_start3A_13 = tpu.memref_squeeze %dma_start3A_12 : memref<1x10240xf32, #tpu.memory_space<hbm>> -> memref<10240xf32, #tpu.memory_space<hbm>>
      tpu.enqueue_dma source(%arg6 : memref<10240xf32, #tpu.memory_space<vmem>>) target(%dma_start3A_13 : memref<10240xf32, #tpu.memory_space<hbm>>) target_semaphore(%run_scoped3A : memref<!tpu.dma_semaphore, #tpu.memory_space<semaphore_mem>>)
      %dma_wait3A = arith.constant 0 : i32
      %dma_wait3A_14 = tpu.memref_slice %arg4[%add3A, %dma_wait3A] : memref<32x10240xf32, #tpu.memory_space<hbm>> -> memref<1x10240xf32, #tpu.memory_space<hbm>>
      %dma_wait3A_15 = tpu.memref_squeeze %dma_wait3A_14 : memref<1x10240xf32, #tpu.memory_space<hbm>> -> memref<10240xf32, #tpu.memory_space<hbm>>
      %dma_wait3A_16 = arith.constant 0 : i32
      %dma_wait3A_17 = tpu.memref_slice %arg4[%add3A, %dma_wait3A_16] : memref<32x10240xf32, #tpu.memory_space<hbm>> -> memref<1x10240xf32, #tpu.memory_space<hbm>>
      %dma_wait3A_18 = tpu.memref_squeeze %dma_wait3A_17 : memref<1x10240xf32, #tpu.memory_space<hbm>> -> memref<10240xf32, #tpu.memory_space<hbm>>
      tpu.wait_dma2 semaphore(%run_scoped3A : memref<!tpu.dma_semaphore, #tpu.memory_space<semaphore_mem>>) src(%arg6 : memref<10240xf32, #tpu.memory_space<vmem>>) dst(%dma_wait3A_18 : memref<10240xf32, #tpu.memory_space<hbm>>)
      tpu.yield
    }) : () -> ()
    return
  }
}

#map = affine_map<(d0, d1) -> (0, 0)>
#map1 = affine_map<(d0, d1) -> (0, 0, 0)>
module attributes {stable_mosaic.version = 14 : i64} {
  func.func @_sc_agg_k(%arg0: i32, %arg1: i32, %arg2: memref<10240x128xf32, #tpu.memory_space<hbm>>, %arg3: memref<2560x128xi32, #tpu.memory_space<hbm>>, %arg4: memref<2560x128xi32, #tpu.memory_space<hbm>>, %arg5: memref<10240x128xf32, #tpu.memory_space<hbm>>, %arg6: memref<2x10240x128xf32, #tpu.memory_space<hbm>>, %arg7: memref<10240x128xf32, #tpu.memory_space<vmem_shared>>, %arg8: memref<!tpu.dma_semaphore, #tpu.memory_space<semaphore_mem>>, %arg9: memref<!tpu.dma_semaphore, #tpu.memory_space<semaphore_mem>>) attributes {dimension_semantics = [#tpu.dimension_semantics<core_parallel>, #tpu.dimension_semantics<subcore_parallel>], iteration_bounds = array<i64: 2, 16>, scalar_prefetch = 0 : i64, scratch_operands = 3 : i64, tpu.core_type = #tpu.core_type<sc_vector_subcore>, window_params = [{transform_indices = #map}, {transform_indices = #map}, {transform_indices = #map}, {transform_indices = #map}, {transform_indices = #map1}]} {
    "tpu.region"() ({
      %run_scoped3A = memref.alloca() : memref<8x128xi32, #tpu.memory_space<vmem>>
      %run_scoped3A_0 = memref.alloca() : memref<8x128xi32, #tpu.memory_space<vmem>>
      %run_scoped3A_1 = memref.alloca() : memref<8x128xi32, #tpu.memory_space<vmem>>
      %run_scoped3A_2 = memref.alloca() : memref<8x128xi32, #tpu.memory_space<vmem>>
      %run_scoped3A_3 = memref.alloca() : memref<128x128xf32, #tpu.memory_space<vmem>>
      %run_scoped3A_4 = memref.alloca() : memref<128x128xf32, #tpu.memory_space<vmem>>
      %eq3A = arith.constant 0 : i32
      %eq3A_5 = arith.cmpi eq, %arg0, %eq3A : i32
      %jit3A = arith.constant 7 : i32
      %jit3A_6 = arith.constant 3 : i32
      %select_n3A = arith.select %eq3A_5, %jit3A, %jit3A_6 : i32
      %eq3A_7 = arith.constant 0 : i32
      %eq3A_8 = arith.cmpi eq, %arg0, %eq3A_7 : i32
      %mul3A = arith.constant 112 : i32
      %mul3A_9 = arith.muli %arg1, %mul3A : i32
      %mul3A_10 = arith.constant 48 : i32
      %mul3A_11 = arith.muli %arg1, %mul3A_10 : i32
      %add3A = arith.constant 1792 : i32
      %add3A_12 = arith.addi %add3A, %mul3A_11 : i32
      %select_n3A_13 = arith.select %eq3A_8, %mul3A_9, %add3A_12 : i32
      %mul3A_14 = arith.constant 640 : i32
      %mul3A_15 = arith.muli %arg1, %mul3A_14 : i32
      %mul3A_16 = arith.constant 640 : i32
      %mul3A_17 = arith.muli %arg1, %mul3A_16 : i32
      "tpu.region"() ({
        %run_scoped3A_38 = tpu.sem_alloc : memref<!tpu.dma_semaphore, #tpu.memory_space<semaphore_mem>>
        %dma_start3A_39 = arith.constant 0 : i32
        %dma_start3A_40 = tpu.memref_slice %arg7[%mul3A_17, %dma_start3A_39] : memref<10240x128xf32, #tpu.memory_space<vmem_shared>> -> memref<640x128xf32, #tpu.memory_space<vmem_shared>>
        %dma_start3A_41 = arith.constant 0 : i32
        %dma_start3A_42 = tpu.memref_slice %arg5[%mul3A_15, %dma_start3A_41] : memref<10240x128xf32, #tpu.memory_space<hbm>> -> memref<640x128xf32, #tpu.memory_space<hbm>>
        tpu.enqueue_dma source(%dma_start3A_42 : memref<640x128xf32, #tpu.memory_space<hbm>>) target(%dma_start3A_40 : memref<640x128xf32, #tpu.memory_space<vmem_shared>>) target_semaphore(%run_scoped3A_38 : memref<!tpu.dma_semaphore, #tpu.memory_space<semaphore_mem>>)
        %dma_wait3A = arith.constant 0 : i32
        %dma_wait3A_43 = tpu.memref_slice %arg7[%mul3A_17, %dma_wait3A] : memref<10240x128xf32, #tpu.memory_space<vmem_shared>> -> memref<640x128xf32, #tpu.memory_space<vmem_shared>>
        %dma_wait3A_44 = arith.constant 0 : i32
        %dma_wait3A_45 = tpu.memref_slice %arg5[%mul3A_15, %dma_wait3A_44] : memref<10240x128xf32, #tpu.memory_space<hbm>> -> memref<640x128xf32, #tpu.memory_space<hbm>>
        tpu.wait_dma2 semaphore(%run_scoped3A_38 : memref<!tpu.dma_semaphore, #tpu.memory_space<semaphore_mem>>) src(%dma_wait3A_45 : memref<640x128xf32, #tpu.memory_space<hbm>>) dst(%dma_wait3A_43 : memref<640x128xf32, #tpu.memory_space<vmem_shared>>)
        tpu.yield
      }) : () -> ()
      "tpu.region"() ({
        %run_scoped3A_38 = tpu.sem_alloc : memref<!tpu.dma_semaphore, #tpu.memory_space<semaphore_mem>>
        %dma_start3A_39 = arith.constant 0 : i32
        %dma_start3A_40 = tpu.memref_slice %arg3[%select_n3A_13, %dma_start3A_39] : memref<2560x128xi32, #tpu.memory_space<hbm>> -> memref<8x128xi32, #tpu.memory_space<hbm>>
        %dma_start3A_41 = arith.constant 0 : i32
        %dma_start3A_42 = tpu.memref_slice %arg3[%select_n3A_13, %dma_start3A_41] : memref<2560x128xi32, #tpu.memory_space<hbm>> -> memref<8x128xi32, #tpu.memory_space<hbm>>
        tpu.enqueue_dma source(%dma_start3A_42 : memref<8x128xi32, #tpu.memory_space<hbm>>) target(%run_scoped3A : memref<8x128xi32, #tpu.memory_space<vmem>>) target_semaphore(%run_scoped3A_38 : memref<!tpu.dma_semaphore, #tpu.memory_space<semaphore_mem>>)
        %dma_wait3A = arith.constant 0 : i32
        %dma_wait3A_43 = tpu.memref_slice %arg3[%select_n3A_13, %dma_wait3A] : memref<2560x128xi32, #tpu.memory_space<hbm>> -> memref<8x128xi32, #tpu.memory_space<hbm>>
        %dma_wait3A_44 = arith.constant 0 : i32
        %dma_wait3A_45 = tpu.memref_slice %arg3[%select_n3A_13, %dma_wait3A_44] : memref<2560x128xi32, #tpu.memory_space<hbm>> -> memref<8x128xi32, #tpu.memory_space<hbm>>
        tpu.wait_dma2 semaphore(%run_scoped3A_38 : memref<!tpu.dma_semaphore, #tpu.memory_space<semaphore_mem>>) src(%dma_wait3A_45 : memref<8x128xi32, #tpu.memory_space<hbm>>) dst(%run_scoped3A : memref<8x128xi32, #tpu.memory_space<vmem>>)
        tpu.yield
      }) : () -> ()
      "tpu.region"() ({
        %run_scoped3A_38 = tpu.sem_alloc : memref<!tpu.dma_semaphore, #tpu.memory_space<semaphore_mem>>
        %dma_start3A_39 = arith.constant 0 : i32
        %dma_start3A_40 = tpu.memref_slice %arg4[%select_n3A_13, %dma_start3A_39] : memref<2560x128xi32, #tpu.memory_space<hbm>> -> memref<8x128xi32, #tpu.memory_space<hbm>>
        %dma_start3A_41 = arith.constant 0 : i32
        %dma_start3A_42 = tpu.memref_slice %arg4[%select_n3A_13, %dma_start3A_41] : memref<2560x128xi32, #tpu.memory_space<hbm>> -> memref<8x128xi32, #tpu.memory_space<hbm>>
        tpu.enqueue_dma source(%dma_start3A_42 : memref<8x128xi32, #tpu.memory_space<hbm>>) target(%run_scoped3A_0 : memref<8x128xi32, #tpu.memory_space<vmem>>) target_semaphore(%run_scoped3A_38 : memref<!tpu.dma_semaphore, #tpu.memory_space<semaphore_mem>>)
        %dma_wait3A = arith.constant 0 : i32
        %dma_wait3A_43 = tpu.memref_slice %arg4[%select_n3A_13, %dma_wait3A] : memref<2560x128xi32, #tpu.memory_space<hbm>> -> memref<8x128xi32, #tpu.memory_space<hbm>>
        %dma_wait3A_44 = arith.constant 0 : i32
        %dma_wait3A_45 = tpu.memref_slice %arg4[%select_n3A_13, %dma_wait3A_44] : memref<2560x128xi32, #tpu.memory_space<hbm>> -> memref<8x128xi32, #tpu.memory_space<hbm>>
        tpu.wait_dma2 semaphore(%run_scoped3A_38 : memref<!tpu.dma_semaphore, #tpu.memory_space<semaphore_mem>>) src(%dma_wait3A_45 : memref<8x128xi32, #tpu.memory_space<hbm>>) dst(%run_scoped3A_0 : memref<8x128xi32, #tpu.memory_space<vmem>>)
        tpu.yield
      }) : () -> ()
      %dma_start3A = arith.constant 0 : i32
      %dma_start3A_18 = arith.constant 0 : i32
      %dma_start3A_19 = tpu.memref_slice %run_scoped3A[%dma_start3A, %dma_start3A_18] : memref<8x128xi32, #tpu.memory_space<vmem>> -> memref<1x128xi32, #tpu.memory_space<vmem>>
      %dma_start3A_20 = tpu.memref_squeeze %dma_start3A_19 : memref<1x128xi32, #tpu.memory_space<vmem>> -> memref<128xi32, #tpu.memory_space<vmem>>
      %dma_start3A_21 = arith.constant 0 : i32
      %dma_start3A_22 = arith.constant 0 : i32
      %dma_start3A_23 = tpu.memref_slice %arg2[%dma_start3A_21, %dma_start3A_22] : memref<10240x128xf32, #tpu.memory_space<hbm>> -> memref<10240x128xf32, #tpu.memory_space<hbm>>
      tpu.enqueue_indirect_dma source(%dma_start3A_23 : memref<10240x128xf32, #tpu.memory_space<hbm>>) target(%run_scoped3A_3 : memref<128x128xf32, #tpu.memory_space<vmem>>) offsets(%dma_start3A_20 : memref<128xi32, #tpu.memory_space<vmem>>) semaphore(%arg8 : memref<!tpu.dma_semaphore, #tpu.memory_space<semaphore_mem>>)
      %barrier3A = arith.constant 0 : index
      tpu.barrier barrier_id(%barrier3A)
      %while3A = arith.constant 0 : i32
      %while3A_24 = arith.constant 0 : i32
      %while3A_25 = arith.subi %select_n3A, %while3A_24 : i32
      %while3A_26 = arith.addi %while3A_24, %while3A_25 : i32
      %while3A_27 = arith.constant 1 : i32
      %while3A_28 = arith.divsi %while3A_25, %while3A_27 : i32
      %while3A_29 = arith.muli %while3A_28, %while3A_27 : i32
      %while3A_30 = arith.addi %while3A_24, %while3A_29 : i32
      %while3A_31 = arith.constant 1 : i32
      scf.for %while3A_38 = %while3A_24 to %while3A_30 step %while3A_31  : i32 {
        %mul3A_39 = arith.constant 2 : i32
        %mul3A_40 = arith.muli %while3A_38, %mul3A_39 : i32
        %mul3A_41 = arith.constant 8 : i32
        %mul3A_42 = arith.muli %mul3A_40, %mul3A_41 : i32
        %add3A_43 = arith.addi %select_n3A_13, %mul3A_42 : i32
        %add3A_44 = arith.constant 8 : i32
        %add3A_45 = arith.addi %add3A_43, %add3A_44 : i32
        %add3A_46 = arith.constant 8 : i32
        %add3A_47 = arith.addi %add3A_45, %add3A_46 : i32
        %sub3A = arith.constant 1 : i32
        %sub3A_48 = arith.subi %select_n3A, %sub3A : i32
        %lt3A = arith.cmpi slt, %while3A_38, %sub3A_48 : i32
        %dma_wait3A = arith.constant 0 : i32
        %dma_wait3A_49 = arith.constant 0 : i32
        %dma_wait3A_50 = tpu.memref_slice %run_scoped3A[%dma_wait3A, %dma_wait3A_49] : memref<8x128xi32, #tpu.memory_space<vmem>> -> memref<1x128xi32, #tpu.memory_space<vmem>>
        %dma_wait3A_51 = tpu.memref_squeeze %dma_wait3A_50 : memref<1x128xi32, #tpu.memory_space<vmem>> -> memref<128xi32, #tpu.memory_space<vmem>>
        %dma_wait3A_52 = arith.constant 0 : i32
        %dma_wait3A_53 = arith.constant 0 : i32
        %dma_wait3A_54 = tpu.memref_slice %arg2[%dma_wait3A_52, %dma_wait3A_53] : memref<10240x128xf32, #tpu.memory_space<hbm>> -> memref<10240x128xf32, #tpu.memory_space<hbm>>
        tpu.wait_indirect_dma semaphore(%arg8 : memref<!tpu.dma_semaphore, #tpu.memory_space<semaphore_mem>>) src(%dma_wait3A_54 : memref<10240x128xf32, #tpu.memory_space<hbm>>) dst(%run_scoped3A_3 : memref<128x128xf32, #tpu.memory_space<vmem>>)
        %dma_start3A_55 = arith.constant 0 : i32
        %dma_start3A_56 = tpu.memref_slice %arg3[%add3A_45, %dma_start3A_55] : memref<2560x128xi32, #tpu.memory_space<hbm>> -> memref<8x128xi32, #tpu.memory_space<hbm>>
        %dma_start3A_57 = arith.constant 0 : i32
        %dma_start3A_58 = tpu.memref_slice %arg3[%add3A_45, %dma_start3A_57] : memref<2560x128xi32, #tpu.memory_space<hbm>> -> memref<8x128xi32, #tpu.memory_space<hbm>>
        tpu.enqueue_dma source(%dma_start3A_58 : memref<8x128xi32, #tpu.memory_space<hbm>>) target(%run_scoped3A_1 : memref<8x128xi32, #tpu.memory_space<vmem>>) target_semaphore(%arg9 : memref<!tpu.dma_semaphore, #tpu.memory_space<semaphore_mem>>)
        %dma_start3A_59 = arith.constant 0 : i32
        %dma_start3A_60 = tpu.memref_slice %arg4[%add3A_45, %dma_start3A_59] : memref<2560x128xi32, #tpu.memory_space<hbm>> -> memref<8x128xi32, #tpu.memory_space<hbm>>
        %dma_start3A_61 = arith.constant 0 : i32
        %dma_start3A_62 = tpu.memref_slice %arg4[%add3A_45, %dma_start3A_61] : memref<2560x128xi32, #tpu.memory_space<hbm>> -> memref<8x128xi32, #tpu.memory_space<hbm>>
        tpu.enqueue_dma source(%dma_start3A_62 : memref<8x128xi32, #tpu.memory_space<hbm>>) target(%run_scoped3A_2 : memref<8x128xi32, #tpu.memory_space<vmem>>) target_semaphore(%arg9 : memref<!tpu.dma_semaphore, #tpu.memory_space<semaphore_mem>>)
        %dma_start3A_63 = arith.constant 1 : i32
        %dma_start3A_64 = arith.constant 0 : i32
        %dma_start3A_65 = tpu.memref_slice %run_scoped3A[%dma_start3A_63, %dma_start3A_64] : memref<8x128xi32, #tpu.memory_space<vmem>> -> memref<1x128xi32, #tpu.memory_space<vmem>>
        %dma_start3A_66 = tpu.memref_squeeze %dma_start3A_65 : memref<1x128xi32, #tpu.memory_space<vmem>> -> memref<128xi32, #tpu.memory_space<vmem>>
        %dma_start3A_67 = arith.constant 0 : i32
        %dma_start3A_68 = arith.constant 0 : i32
        %dma_start3A_69 = tpu.memref_slice %arg2[%dma_start3A_67, %dma_start3A_68] : memref<10240x128xf32, #tpu.memory_space<hbm>> -> memref<10240x128xf32, #tpu.memory_space<hbm>>
        tpu.enqueue_indirect_dma source(%dma_start3A_69 : memref<10240x128xf32, #tpu.memory_space<hbm>>) target(%run_scoped3A_4 : memref<128x128xf32, #tpu.memory_space<vmem>>) offsets(%dma_start3A_66 : memref<128xi32, #tpu.memory_space<vmem>>) semaphore(%arg8 : memref<!tpu.dma_semaphore, #tpu.memory_space<semaphore_mem>>)
        %run_scoped3A_70 = arith.constant 0 : i32
        "tpu.region"() ({
          %run_scoped3A_301 = tpu.sem_alloc : memref<!tpu.dma_semaphore, #tpu.memory_space<semaphore_mem>>
          %dma_start3A_302 = arith.constant 0 : i32
          %dma_start3A_303 = tpu.memref_slice %run_scoped3A_0[%run_scoped3A_70, %dma_start3A_302] : memref<8x128xi32, #tpu.memory_space<vmem>> -> memref<1x128xi32, #tpu.memory_space<vmem>>
          %dma_start3A_304 = tpu.memref_squeeze %dma_start3A_303 : memref<1x128xi32, #tpu.memory_space<vmem>> -> memref<128xi32, #tpu.memory_space<vmem>>
          %dma_start3A_305 = arith.constant 0 : i32
          %dma_start3A_306 = arith.constant 0 : i32
          %dma_start3A_307 = tpu.memref_slice %arg7[%dma_start3A_305, %dma_start3A_306] : memref<10240x128xf32, #tpu.memory_space<vmem_shared>> -> memref<10240x128xf32, #tpu.memory_space<vmem_shared>>
          tpu.enqueue_indirect_dma source(%run_scoped3A_3 : memref<128x128xf32, #tpu.memory_space<vmem>>) target(%dma_start3A_307 : memref<10240x128xf32, #tpu.memory_space<vmem_shared>>) offsets(%dma_start3A_304 : memref<128xi32, #tpu.memory_space<vmem>>) semaphore(%run_scoped3A_301 : memref<!tpu.dma_semaphore, #tpu.memory_space<semaphore_mem>>) {add = true}
          %dma_wait3A_308 = arith.constant 0 : i32
          %dma_wait3A_309 = tpu.memref_slice %run_scoped3A_0[%run_scoped3A_70, %dma_wait3A_308] : memref<8x128xi32, #tpu.memory_space<vmem>> -> memref<1x128xi32, #tpu.memory_space<vmem>>
          %dma_wait3A_310 = tpu.memref_squeeze %dma_wait3A_309 : memref<1x128xi32, #tpu.memory_space<vmem>> -> memref<128xi32, #tpu.memory_space<vmem>>
          %dma_wait3A_311 = arith.constant 0 : i32
          %dma_wait3A_312 = arith.constant 0 : i32
          %dma_wait3A_313 = tpu.memref_slice %arg7[%dma_wait3A_311, %dma_wait3A_312] : memref<10240x128xf32, #tpu.memory_space<vmem_shared>> -> memref<10240x128xf32, #tpu.memory_space<vmem_shared>>
          tpu.wait_indirect_dma semaphore(%run_scoped3A_301 : memref<!tpu.dma_semaphore, #tpu.memory_space<semaphore_mem>>) src(%run_scoped3A_3 : memref<128x128xf32, #tpu.memory_space<vmem>>) dst(%dma_wait3A_313 : memref<10240x128xf32, #tpu.memory_space<vmem_shared>>)
          tpu.yield
        }) : () -> ()
        %dma_wait3A_71 = arith.constant 1 : i32
        %dma_wait3A_72 = arith.constant 0 : i32
        %dma_wait3A_73 = tpu.memref_slice %run_scoped3A[%dma_wait3A_71, %dma_wait3A_72] : memref<8x128xi32, #tpu.memory_space<vmem>> -> memref<1x128xi32, #tpu.memory_space<vmem>>
        %dma_wait3A_74 = tpu.memref_squeeze %dma_wait3A_73 : memref<1x128xi32, #tpu.memory_space<vmem>> -> memref<128xi32, #tpu.memory_space<vmem>>
        %dma_wait3A_75 = arith.constant 0 : i32
        %dma_wait3A_76 = arith.constant 0 : i32
        %dma_wait3A_77 = tpu.memref_slice %arg2[%dma_wait3A_75, %dma_wait3A_76] : memref<10240x128xf32, #tpu.memory_space<hbm>> -> memref<10240x128xf32, #tpu.memory_space<hbm>>
        tpu.wait_indirect_dma semaphore(%arg8 : memref<!tpu.dma_semaphore, #tpu.memory_space<semaphore_mem>>) src(%dma_wait3A_77 : memref<10240x128xf32, #tpu.memory_space<hbm>>) dst(%run_scoped3A_4 : memref<128x128xf32, #tpu.memory_space<vmem>>)
        %dma_start3A_78 = arith.constant 2 : i32
        %dma_start3A_79 = arith.constant 0 : i32
        %dma_start3A_80 = tpu.memref_slice %run_scoped3A[%dma_start3A_78, %dma_start3A_79] : memref<8x128xi32, #tpu.memory_space<vmem>> -> memref<1x128xi32, #tpu.memory_space<vmem>>
        %dma_start3A_81 = tpu.memref_squeeze %dma_start3A_80 : memref<1x128xi32, #tpu.memory_space<vmem>> -> memref<128xi32, #tpu.memory_space<vmem>>
        %dma_start3A_82 = arith.constant 0 : i32
        %dma_start3A_83 = arith.constant 0 : i32
        %dma_start3A_84 = tpu.memref_slice %arg2[%dma_start3A_82, %dma_start3A_83] : memref<10240x128xf32, #tpu.memory_space<hbm>> -> memref<10240x128xf32, #tpu.memory_space<hbm>>
        tpu.enqueue_indirect_dma source(%dma_start3A_84 : memref<10240x128xf32, #tpu.memory_space<hbm>>) target(%run_scoped3A_3 : memref<128x128xf32, #tpu.memory_space<vmem>>) offsets(%dma_start3A_81 : memref<128xi32, #tpu.memory_space<vmem>>) semaphore(%arg8 : memref<!tpu.dma_semaphore, #tpu.memory_space<semaphore_mem>>)
        %run_scoped3A_85 = arith.constant 1 : i32
        "tpu.region"() ({
          %run_scoped3A_301 = tpu.sem_alloc : memref<!tpu.dma_semaphore, #tpu.memory_space<semaphore_mem>>
          %dma_start3A_302 = arith.constant 0 : i32
          %dma_start3A_303 = tpu.memref_slice %run_scoped3A_0[%run_scoped3A_85, %dma_start3A_302] : memref<8x128xi32, #tpu.memory_space<vmem>> -> memref<1x128xi32, #tpu.memory_space<vmem>>
          %dma_start3A_304 = tpu.memref_squeeze %dma_start3A_303 : memref<1x128xi32, #tpu.memory_space<vmem>> -> memref<128xi32, #tpu.memory_space<vmem>>
          %dma_start3A_305 = arith.constant 0 : i32
          %dma_start3A_306 = arith.constant 0 : i32
          %dma_start3A_307 = tpu.memref_slice %arg7[%dma_start3A_305, %dma_start3A_306] : memref<10240x128xf32, #tpu.memory_space<vmem_shared>> -> memref<10240x128xf32, #tpu.memory_space<vmem_shared>>
          tpu.enqueue_indirect_dma source(%run_scoped3A_4 : memref<128x128xf32, #tpu.memory_space<vmem>>) target(%dma_start3A_307 : memref<10240x128xf32, #tpu.memory_space<vmem_shared>>) offsets(%dma_start3A_304 : memref<128xi32, #tpu.memory_space<vmem>>) semaphore(%run_scoped3A_301 : memref<!tpu.dma_semaphore, #tpu.memory_space<semaphore_mem>>) {add = true}
          %dma_wait3A_308 = arith.constant 0 : i32
          %dma_wait3A_309 = tpu.memref_slice %run_scoped3A_0[%run_scoped3A_85, %dma_wait3A_308] : memref<8x128xi32, #tpu.memory_space<vmem>> -> memref<1x128xi32, #tpu.memory_space<vmem>>
          %dma_wait3A_310 = tpu.memref_squeeze %dma_wait3A_309 : memref<1x128xi32, #tpu.memory_space<vmem>> -> memref<128xi32, #tpu.memory_space<vmem>>
          %dma_wait3A_311 = arith.constant 0 : i32
          %dma_wait3A_312 = arith.constant 0 : i32
          %dma_wait3A_313 = tpu.memref_slice %arg7[%dma_wait3A_311, %dma_wait3A_312] : memref<10240x128xf32, #tpu.memory_space<vmem_shared>> -> memref<10240x128xf32, #tpu.memory_space<vmem_shared>>
          tpu.wait_indirect_dma semaphore(%run_scoped3A_301 : memref<!tpu.dma_semaphore, #tpu.memory_space<semaphore_mem>>) src(%run_scoped3A_4 : memref<128x128xf32, #tpu.memory_space<vmem>>) dst(%dma_wait3A_313 : memref<10240x128xf32, #tpu.memory_space<vmem_shared>>)
          tpu.yield
        }) : () -> ()
        %dma_wait3A_86 = arith.constant 2 : i32
        %dma_wait3A_87 = arith.constant 0 : i32
        %dma_wait3A_88 = tpu.memref_slice %run_scoped3A[%dma_wait3A_86, %dma_wait3A_87] : memref<8x128xi32, #tpu.memory_space<vmem>> -> memref<1x128xi32, #tpu.memory_space<vmem>>
        %dma_wait3A_89 = tpu.memref_squeeze %dma_wait3A_88 : memref<1x128xi32, #tpu.memory_space<vmem>> -> memref<128xi32, #tpu.memory_space<vmem>>
        %dma_wait3A_90 = arith.constant 0 : i32
        %dma_wait3A_91 = arith.constant 0 : i32
        %dma_wait3A_92 = tpu.memref_slice %arg2[%dma_wait3A_90, %dma_wait3A_91] : memref<10240x128xf32, #tpu.memory_space<hbm>> -> memref<10240x128xf32, #tpu.memory_space<hbm>>
        tpu.wait_indirect_dma semaphore(%arg8 : memref<!tpu.dma_semaphore, #tpu.memory_space<semaphore_mem>>) src(%dma_wait3A_92 : memref<10240x128xf32, #tpu.memory_space<hbm>>) dst(%run_scoped3A_3 : memref<128x128xf32, #tpu.memory_space<vmem>>)
        %dma_start3A_93 = arith.constant 3 : i32
        %dma_start3A_94 = arith.constant 0 : i32
        %dma_start3A_95 = tpu.memref_slice %run_scoped3A[%dma_start3A_93, %dma_start3A_94] : memref<8x128xi32, #tpu.memory_space<vmem>> -> memref<1x128xi32, #tpu.memory_space<vmem>>
        %dma_start3A_96 = tpu.memref_squeeze %dma_start3A_95 : memref<1x128xi32, #tpu.memory_space<vmem>> -> memref<128xi32, #tpu.memory_space<vmem>>
        %dma_start3A_97 = arith.constant 0 : i32
        %dma_start3A_98 = arith.constant 0 : i32
        %dma_start3A_99 = tpu.memref_slice %arg2[%dma_start3A_97, %dma_start3A_98] : memref<10240x128xf32, #tpu.memory_space<hbm>> -> memref<10240x128xf32, #tpu.memory_space<hbm>>
        tpu.enqueue_indirect_dma source(%dma_start3A_99 : memref<10240x128xf32, #tpu.memory_space<hbm>>) target(%run_scoped3A_4 : memref<128x128xf32, #tpu.memory_space<vmem>>) offsets(%dma_start3A_96 : memref<128xi32, #tpu.memory_space<vmem>>) semaphore(%arg8 : memref<!tpu.dma_semaphore, #tpu.memory_space<semaphore_mem>>)
        %run_scoped3A_100 = arith.constant 2 : i32
        "tpu.region"() ({
          %run_scoped3A_301 = tpu.sem_alloc : memref<!tpu.dma_semaphore, #tpu.memory_space<semaphore_mem>>
          %dma_start3A_302 = arith.constant 0 : i32
          %dma_start3A_303 = tpu.memref_slice %run_scoped3A_0[%run_scoped3A_100, %dma_start3A_302] : memref<8x128xi32, #tpu.memory_space<vmem>> -> memref<1x128xi32, #tpu.memory_space<vmem>>
          %dma_start3A_304 = tpu.memref_squeeze %dma_start3A_303 : memref<1x128xi32, #tpu.memory_space<vmem>> -> memref<128xi32, #tpu.memory_space<vmem>>
          %dma_start3A_305 = arith.constant 0 : i32
          %dma_start3A_306 = arith.constant 0 : i32
          %dma_start3A_307 = tpu.memref_slice %arg7[%dma_start3A_305, %dma_start3A_306] : memref<10240x128xf32, #tpu.memory_space<vmem_shared>> -> memref<10240x128xf32, #tpu.memory_space<vmem_shared>>
          tpu.enqueue_indirect_dma source(%run_scoped3A_3 : memref<128x128xf32, #tpu.memory_space<vmem>>) target(%dma_start3A_307 : memref<10240x128xf32, #tpu.memory_space<vmem_shared>>) offsets(%dma_start3A_304 : memref<128xi32, #tpu.memory_space<vmem>>) semaphore(%run_scoped3A_301 : memref<!tpu.dma_semaphore, #tpu.memory_space<semaphore_mem>>) {add = true}
          %dma_wait3A_308 = arith.constant 0 : i32
          %dma_wait3A_309 = tpu.memref_slice %run_scoped3A_0[%run_scoped3A_100, %dma_wait3A_308] : memref<8x128xi32, #tpu.memory_space<vmem>> -> memref<1x128xi32, #tpu.memory_space<vmem>>
          %dma_wait3A_310 = tpu.memref_squeeze %dma_wait3A_309 : memref<1x128xi32, #tpu.memory_space<vmem>> -> memref<128xi32, #tpu.memory_space<vmem>>
          %dma_wait3A_311 = arith.constant 0 : i32
          %dma_wait3A_312 = arith.constant 0 : i32
          %dma_wait3A_313 = tpu.memref_slice %arg7[%dma_wait3A_311, %dma_wait3A_312] : memref<10240x128xf32, #tpu.memory_space<vmem_shared>> -> memref<10240x128xf32, #tpu.memory_space<vmem_shared>>
          tpu.wait_indirect_dma semaphore(%run_scoped3A_301 : memref<!tpu.dma_semaphore, #tpu.memory_space<semaphore_mem>>) src(%run_scoped3A_3 : memref<128x128xf32, #tpu.memory_space<vmem>>) dst(%dma_wait3A_313 : memref<10240x128xf32, #tpu.memory_space<vmem_shared>>)
          tpu.yield
        }) : () -> ()
        %dma_wait3A_101 = arith.constant 3 : i32
        %dma_wait3A_102 = arith.constant 0 : i32
        %dma_wait3A_103 = tpu.memref_slice %run_scoped3A[%dma_wait3A_101, %dma_wait3A_102] : memref<8x128xi32, #tpu.memory_space<vmem>> -> memref<1x128xi32, #tpu.memory_space<vmem>>
        %dma_wait3A_104 = tpu.memref_squeeze %dma_wait3A_103 : memref<1x128xi32, #tpu.memory_space<vmem>> -> memref<128xi32, #tpu.memory_space<vmem>>
        %dma_wait3A_105 = arith.constant 0 : i32
        %dma_wait3A_106 = arith.constant 0 : i32
        %dma_wait3A_107 = tpu.memref_slice %arg2[%dma_wait3A_105, %dma_wait3A_106] : memref<10240x128xf32, #tpu.memory_space<hbm>> -> memref<10240x128xf32, #tpu.memory_space<hbm>>
        tpu.wait_indirect_dma semaphore(%arg8 : memref<!tpu.dma_semaphore, #tpu.memory_space<semaphore_mem>>) src(%dma_wait3A_107 : memref<10240x128xf32, #tpu.memory_space<hbm>>) dst(%run_scoped3A_4 : memref<128x128xf32, #tpu.memory_space<vmem>>)
        %dma_start3A_108 = arith.constant 4 : i32
        %dma_start3A_109 = arith.constant 0 : i32
        %dma_start3A_110 = tpu.memref_slice %run_scoped3A[%dma_start3A_108, %dma_start3A_109] : memref<8x128xi32, #tpu.memory_space<vmem>> -> memref<1x128xi32, #tpu.memory_space<vmem>>
        %dma_start3A_111 = tpu.memref_squeeze %dma_start3A_110 : memref<1x128xi32, #tpu.memory_space<vmem>> -> memref<128xi32, #tpu.memory_space<vmem>>
        %dma_start3A_112 = arith.constant 0 : i32
        %dma_start3A_113 = arith.constant 0 : i32
        %dma_start3A_114 = tpu.memref_slice %arg2[%dma_start3A_112, %dma_start3A_113] : memref<10240x128xf32, #tpu.memory_space<hbm>> -> memref<10240x128xf32, #tpu.memory_space<hbm>>
        tpu.enqueue_indirect_dma source(%dma_start3A_114 : memref<10240x128xf32, #tpu.memory_space<hbm>>) target(%run_scoped3A_3 : memref<128x128xf32, #tpu.memory_space<vmem>>) offsets(%dma_start3A_111 : memref<128xi32, #tpu.memory_space<vmem>>) semaphore(%arg8 : memref<!tpu.dma_semaphore, #tpu.memory_space<semaphore_mem>>)
        %run_scoped3A_115 = arith.constant 3 : i32
        "tpu.region"() ({
          %run_scoped3A_301 = tpu.sem_alloc : memref<!tpu.dma_semaphore, #tpu.memory_space<semaphore_mem>>
          %dma_start3A_302 = arith.constant 0 : i32
          %dma_start3A_303 = tpu.memref_slice %run_scoped3A_0[%run_scoped3A_115, %dma_start3A_302] : memref<8x128xi32, #tpu.memory_space<vmem>> -> memref<1x128xi32, #tpu.memory_space<vmem>>
          %dma_start3A_304 = tpu.memref_squeeze %dma_start3A_303 : memref<1x128xi32, #tpu.memory_space<vmem>> -> memref<128xi32, #tpu.memory_space<vmem>>
          %dma_start3A_305 = arith.constant 0 : i32
          %dma_start3A_306 = arith.constant 0 : i32
          %dma_start3A_307 = tpu.memref_slice %arg7[%dma_start3A_305, %dma_start3A_306] : memref<10240x128xf32, #tpu.memory_space<vmem_shared>> -> memref<10240x128xf32, #tpu.memory_space<vmem_shared>>
          tpu.enqueue_indirect_dma source(%run_scoped3A_4 : memref<128x128xf32, #tpu.memory_space<vmem>>) target(%dma_start3A_307 : memref<10240x128xf32, #tpu.memory_space<vmem_shared>>) offsets(%dma_start3A_304 : memref<128xi32, #tpu.memory_space<vmem>>) semaphore(%run_scoped3A_301 : memref<!tpu.dma_semaphore, #tpu.memory_space<semaphore_mem>>) {add = true}
          %dma_wait3A_308 = arith.constant 0 : i32
          %dma_wait3A_309 = tpu.memref_slice %run_scoped3A_0[%run_scoped3A_115, %dma_wait3A_308] : memref<8x128xi32, #tpu.memory_space<vmem>> -> memref<1x128xi32, #tpu.memory_space<vmem>>
          %dma_wait3A_310 = tpu.memref_squeeze %dma_wait3A_309 : memref<1x128xi32, #tpu.memory_space<vmem>> -> memref<128xi32, #tpu.memory_space<vmem>>
          %dma_wait3A_311 = arith.constant 0 : i32
          %dma_wait3A_312 = arith.constant 0 : i32
          %dma_wait3A_313 = tpu.memref_slice %arg7[%dma_wait3A_311, %dma_wait3A_312] : memref<10240x128xf32, #tpu.memory_space<vmem_shared>> -> memref<10240x128xf32, #tpu.memory_space<vmem_shared>>
          tpu.wait_indirect_dma semaphore(%run_scoped3A_301 : memref<!tpu.dma_semaphore, #tpu.memory_space<semaphore_mem>>) src(%run_scoped3A_4 : memref<128x128xf32, #tpu.memory_space<vmem>>) dst(%dma_wait3A_313 : memref<10240x128xf32, #tpu.memory_space<vmem_shared>>)
          tpu.yield
        }) : () -> ()
        %dma_wait3A_116 = arith.constant 4 : i32
        %dma_wait3A_117 = arith.constant 0 : i32
        %dma_wait3A_118 = tpu.memref_slice %run_scoped3A[%dma_wait3A_116, %dma_wait3A_117] : memref<8x128xi32, #tpu.memory_space<vmem>> -> memref<1x128xi32, #tpu.memory_space<vmem>>
        %dma_wait3A_119 = tpu.memref_squeeze %dma_wait3A_118 : memref<1x128xi32, #tpu.memory_space<vmem>> -> memref<128xi32, #tpu.memory_space<vmem>>
        %dma_wait3A_120 = arith.constant 0 : i32
        %dma_wait3A_121 = arith.constant 0 : i32
        %dma_wait3A_122 = tpu.memref_slice %arg2[%dma_wait3A_120, %dma_wait3A_121] : memref<10240x128xf32, #tpu.memory_space<hbm>> -> memref<10240x128xf32, #tpu.memory_space<hbm>>
        tpu.wait_indirect_dma semaphore(%arg8 : memref<!tpu.dma_semaphore, #tpu.memory_space<semaphore_mem>>) src(%dma_wait3A_122 : memref<10240x128xf32, #tpu.memory_space<hbm>>) dst(%run_scoped3A_3 : memref<128x128xf32, #tpu.memory_space<vmem>>)
        %dma_start3A_123 = arith.constant 5 : i32
        %dma_start3A_124 = arith.constant 0 : i32
        %dma_start3A_125 = tpu.memref_slice %run_scoped3A[%dma_start3A_123, %dma_start3A_124] : memref<8x128xi32, #tpu.memory_space<vmem>> -> memref<1x128xi32, #tpu.memory_space<vmem>>
        %dma_start3A_126 = tpu.memref_squeeze %dma_start3A_125 : memref<1x128xi32, #tpu.memory_space<vmem>> -> memref<128xi32, #tpu.memory_space<vmem>>
        %dma_start3A_127 = arith.constant 0 : i32
        %dma_start3A_128 = arith.constant 0 : i32
        %dma_start3A_129 = tpu.memref_slice %arg2[%dma_start3A_127, %dma_start3A_128] : memref<10240x128xf32, #tpu.memory_space<hbm>> -> memref<10240x128xf32, #tpu.memory_space<hbm>>
        tpu.enqueue_indirect_dma source(%dma_start3A_129 : memref<10240x128xf32, #tpu.memory_space<hbm>>) target(%run_scoped3A_4 : memref<128x128xf32, #tpu.memory_space<vmem>>) offsets(%dma_start3A_126 : memref<128xi32, #tpu.memory_space<vmem>>) semaphore(%arg8 : memref<!tpu.dma_semaphore, #tpu.memory_space<semaphore_mem>>)
        %run_scoped3A_130 = arith.constant 4 : i32
        "tpu.region"() ({
          %run_scoped3A_301 = tpu.sem_alloc : memref<!tpu.dma_semaphore, #tpu.memory_space<semaphore_mem>>
          %dma_start3A_302 = arith.constant 0 : i32
          %dma_start3A_303 = tpu.memref_slice %run_scoped3A_0[%run_scoped3A_130, %dma_start3A_302] : memref<8x128xi32, #tpu.memory_space<vmem>> -> memref<1x128xi32, #tpu.memory_space<vmem>>
          %dma_start3A_304 = tpu.memref_squeeze %dma_start3A_303 : memref<1x128xi32, #tpu.memory_space<vmem>> -> memref<128xi32, #tpu.memory_space<vmem>>
          %dma_start3A_305 = arith.constant 0 : i32
          %dma_start3A_306 = arith.constant 0 : i32
          %dma_start3A_307 = tpu.memref_slice %arg7[%dma_start3A_305, %dma_start3A_306] : memref<10240x128xf32, #tpu.memory_space<vmem_shared>> -> memref<10240x128xf32, #tpu.memory_space<vmem_shared>>
          tpu.enqueue_indirect_dma source(%run_scoped3A_3 : memref<128x128xf32, #tpu.memory_space<vmem>>) target(%dma_start3A_307 : memref<10240x128xf32, #tpu.memory_space<vmem_shared>>) offsets(%dma_start3A_304 : memref<128xi32, #tpu.memory_space<vmem>>) semaphore(%run_scoped3A_301 : memref<!tpu.dma_semaphore, #tpu.memory_space<semaphore_mem>>) {add = true}
          %dma_wait3A_308 = arith.constant 0 : i32
          %dma_wait3A_309 = tpu.memref_slice %run_scoped3A_0[%run_scoped3A_130, %dma_wait3A_308] : memref<8x128xi32, #tpu.memory_space<vmem>> -> memref<1x128xi32, #tpu.memory_space<vmem>>
          %dma_wait3A_310 = tpu.memref_squeeze %dma_wait3A_309 : memref<1x128xi32, #tpu.memory_space<vmem>> -> memref<128xi32, #tpu.memory_space<vmem>>
          %dma_wait3A_311 = arith.constant 0 : i32
          %dma_wait3A_312 = arith.constant 0 : i32
          %dma_wait3A_313 = tpu.memref_slice %arg7[%dma_wait3A_311, %dma_wait3A_312] : memref<10240x128xf32, #tpu.memory_space<vmem_shared>> -> memref<10240x128xf32, #tpu.memory_space<vmem_shared>>
          tpu.wait_indirect_dma semaphore(%run_scoped3A_301 : memref<!tpu.dma_semaphore, #tpu.memory_space<semaphore_mem>>) src(%run_scoped3A_3 : memref<128x128xf32, #tpu.memory_space<vmem>>) dst(%dma_wait3A_313 : memref<10240x128xf32, #tpu.memory_space<vmem_shared>>)
          tpu.yield
        }) : () -> ()
        %dma_wait3A_131 = arith.constant 5 : i32
        %dma_wait3A_132 = arith.constant 0 : i32
        %dma_wait3A_133 = tpu.memref_slice %run_scoped3A[%dma_wait3A_131, %dma_wait3A_132] : memref<8x128xi32, #tpu.memory_space<vmem>> -> memref<1x128xi32, #tpu.memory_space<vmem>>
        %dma_wait3A_134 = tpu.memref_squeeze %dma_wait3A_133 : memref<1x128xi32, #tpu.memory_space<vmem>> -> memref<128xi32, #tpu.memory_space<vmem>>
        %dma_wait3A_135 = arith.constant 0 : i32
        %dma_wait3A_136 = arith.constant 0 : i32
        %dma_wait3A_137 = tpu.memref_slice %arg2[%dma_wait3A_135, %dma_wait3A_136] : memref<10240x128xf32, #tpu.memory_space<hbm>> -> memref<10240x128xf32, #tpu.memory_space<hbm>>
        tpu.wait_indirect_dma semaphore(%arg8 : memref<!tpu.dma_semaphore, #tpu.memory_space<semaphore_mem>>) src(%dma_wait3A_137 : memref<10240x128xf32, #tpu.memory_space<hbm>>) dst(%run_scoped3A_4 : memref<128x128xf32, #tpu.memory_space<vmem>>)
        %dma_start3A_138 = arith.constant 6 : i32
        %dma_start3A_139 = arith.constant 0 : i32
        %dma_start3A_140 = tpu.memref_slice %run_scoped3A[%dma_start3A_138, %dma_start3A_139] : memref<8x128xi32, #tpu.memory_space<vmem>> -> memref<1x128xi32, #tpu.memory_space<vmem>>
        %dma_start3A_141 = tpu.memref_squeeze %dma_start3A_140 : memref<1x128xi32, #tpu.memory_space<vmem>> -> memref<128xi32, #tpu.memory_space<vmem>>
        %dma_start3A_142 = arith.constant 0 : i32
        %dma_start3A_143 = arith.constant 0 : i32
        %dma_start3A_144 = tpu.memref_slice %arg2[%dma_start3A_142, %dma_start3A_143] : memref<10240x128xf32, #tpu.memory_space<hbm>> -> memref<10240x128xf32, #tpu.memory_space<hbm>>
        tpu.enqueue_indirect_dma source(%dma_start3A_144 : memref<10240x128xf32, #tpu.memory_space<hbm>>) target(%run_scoped3A_3 : memref<128x128xf32, #tpu.memory_space<vmem>>) offsets(%dma_start3A_141 : memref<128xi32, #tpu.memory_space<vmem>>) semaphore(%arg8 : memref<!tpu.dma_semaphore, #tpu.memory_space<semaphore_mem>>)
        %run_scoped3A_145 = arith.constant 5 : i32
        "tpu.region"() ({
          %run_scoped3A_301 = tpu.sem_alloc : memref<!tpu.dma_semaphore, #tpu.memory_space<semaphore_mem>>
          %dma_start3A_302 = arith.constant 0 : i32
          %dma_start3A_303 = tpu.memref_slice %run_scoped3A_0[%run_scoped3A_145, %dma_start3A_302] : memref<8x128xi32, #tpu.memory_space<vmem>> -> memref<1x128xi32, #tpu.memory_space<vmem>>
          %dma_start3A_304 = tpu.memref_squeeze %dma_start3A_303 : memref<1x128xi32, #tpu.memory_space<vmem>> -> memref<128xi32, #tpu.memory_space<vmem>>
          %dma_start3A_305 = arith.constant 0 : i32
          %dma_start3A_306 = arith.constant 0 : i32
          %dma_start3A_307 = tpu.memref_slice %arg7[%dma_start3A_305, %dma_start3A_306] : memref<10240x128xf32, #tpu.memory_space<vmem_shared>> -> memref<10240x128xf32, #tpu.memory_space<vmem_shared>>
          tpu.enqueue_indirect_dma source(%run_scoped3A_4 : memref<128x128xf32, #tpu.memory_space<vmem>>) target(%dma_start3A_307 : memref<10240x128xf32, #tpu.memory_space<vmem_shared>>) offsets(%dma_start3A_304 : memref<128xi32, #tpu.memory_space<vmem>>) semaphore(%run_scoped3A_301 : memref<!tpu.dma_semaphore, #tpu.memory_space<semaphore_mem>>) {add = true}
          %dma_wait3A_308 = arith.constant 0 : i32
          %dma_wait3A_309 = tpu.memref_slice %run_scoped3A_0[%run_scoped3A_145, %dma_wait3A_308] : memref<8x128xi32, #tpu.memory_space<vmem>> -> memref<1x128xi32, #tpu.memory_space<vmem>>
          %dma_wait3A_310 = tpu.memref_squeeze %dma_wait3A_309 : memref<1x128xi32, #tpu.memory_space<vmem>> -> memref<128xi32, #tpu.memory_space<vmem>>
          %dma_wait3A_311 = arith.constant 0 : i32
          %dma_wait3A_312 = arith.constant 0 : i32
          %dma_wait3A_313 = tpu.memref_slice %arg7[%dma_wait3A_311, %dma_wait3A_312] : memref<10240x128xf32, #tpu.memory_space<vmem_shared>> -> memref<10240x128xf32, #tpu.memory_space<vmem_shared>>
          tpu.wait_indirect_dma semaphore(%run_scoped3A_301 : memref<!tpu.dma_semaphore, #tpu.memory_space<semaphore_mem>>) src(%run_scoped3A_4 : memref<128x128xf32, #tpu.memory_space<vmem>>) dst(%dma_wait3A_313 : memref<10240x128xf32, #tpu.memory_space<vmem_shared>>)
          tpu.yield
        }) : () -> ()
        %dma_wait3A_146 = arith.constant 6 : i32
        %dma_wait3A_147 = arith.constant 0 : i32
        %dma_wait3A_148 = tpu.memref_slice %run_scoped3A[%dma_wait3A_146, %dma_wait3A_147] : memref<8x128xi32, #tpu.memory_space<vmem>> -> memref<1x128xi32, #tpu.memory_space<vmem>>
        %dma_wait3A_149 = tpu.memref_squeeze %dma_wait3A_148 : memref<1x128xi32, #tpu.memory_space<vmem>> -> memref<128xi32, #tpu.memory_space<vmem>>
        %dma_wait3A_150 = arith.constant 0 : i32
        %dma_wait3A_151 = arith.constant 0 : i32
        %dma_wait3A_152 = tpu.memref_slice %arg2[%dma_wait3A_150, %dma_wait3A_151] : memref<10240x128xf32, #tpu.memory_space<hbm>> -> memref<10240x128xf32, #tpu.memory_space<hbm>>
        tpu.wait_indirect_dma semaphore(%arg8 : memref<!tpu.dma_semaphore, #tpu.memory_space<semaphore_mem>>) src(%dma_wait3A_152 : memref<10240x128xf32, #tpu.memory_space<hbm>>) dst(%run_scoped3A_3 : memref<128x128xf32, #tpu.memory_space<vmem>>)
        %dma_start3A_153 = arith.constant 7 : i32
        %dma_start3A_154 = arith.constant 0 : i32
        %dma_start3A_155 = tpu.memref_slice %run_scoped3A[%dma_start3A_153, %dma_start3A_154] : memref<8x128xi32, #tpu.memory_space<vmem>> -> memref<1x128xi32, #tpu.memory_space<vmem>>
        %dma_start3A_156 = tpu.memref_squeeze %dma_start3A_155 : memref<1x128xi32, #tpu.memory_space<vmem>> -> memref<128xi32, #tpu.memory_space<vmem>>
        %dma_start3A_157 = arith.constant 0 : i32
        %dma_start3A_158 = arith.constant 0 : i32
        %dma_start3A_159 = tpu.memref_slice %arg2[%dma_start3A_157, %dma_start3A_158] : memref<10240x128xf32, #tpu.memory_space<hbm>> -> memref<10240x128xf32, #tpu.memory_space<hbm>>
        tpu.enqueue_indirect_dma source(%dma_start3A_159 : memref<10240x128xf32, #tpu.memory_space<hbm>>) target(%run_scoped3A_4 : memref<128x128xf32, #tpu.memory_space<vmem>>) offsets(%dma_start3A_156 : memref<128xi32, #tpu.memory_space<vmem>>) semaphore(%arg8 : memref<!tpu.dma_semaphore, #tpu.memory_space<semaphore_mem>>)
        %run_scoped3A_160 = arith.constant 6 : i32
        "tpu.region"() ({
          %run_scoped3A_301 = tpu.sem_alloc : memref<!tpu.dma_semaphore, #tpu.memory_space<semaphore_mem>>
          %dma_start3A_302 = arith.constant 0 : i32
          %dma_start3A_303 = tpu.memref_slice %run_scoped3A_0[%run_scoped3A_160, %dma_start3A_302] : memref<8x128xi32, #tpu.memory_space<vmem>> -> memref<1x128xi32, #tpu.memory_space<vmem>>
          %dma_start3A_304 = tpu.memref_squeeze %dma_start3A_303 : memref<1x128xi32, #tpu.memory_space<vmem>> -> memref<128xi32, #tpu.memory_space<vmem>>
          %dma_start3A_305 = arith.constant 0 : i32
          %dma_start3A_306 = arith.constant 0 : i32
          %dma_start3A_307 = tpu.memref_slice %arg7[%dma_start3A_305, %dma_start3A_306] : memref<10240x128xf32, #tpu.memory_space<vmem_shared>> -> memref<10240x128xf32, #tpu.memory_space<vmem_shared>>
          tpu.enqueue_indirect_dma source(%run_scoped3A_3 : memref<128x128xf32, #tpu.memory_space<vmem>>) target(%dma_start3A_307 : memref<10240x128xf32, #tpu.memory_space<vmem_shared>>) offsets(%dma_start3A_304 : memref<128xi32, #tpu.memory_space<vmem>>) semaphore(%run_scoped3A_301 : memref<!tpu.dma_semaphore, #tpu.memory_space<semaphore_mem>>) {add = true}
          %dma_wait3A_308 = arith.constant 0 : i32
          %dma_wait3A_309 = tpu.memref_slice %run_scoped3A_0[%run_scoped3A_160, %dma_wait3A_308] : memref<8x128xi32, #tpu.memory_space<vmem>> -> memref<1x128xi32, #tpu.memory_space<vmem>>
          %dma_wait3A_310 = tpu.memref_squeeze %dma_wait3A_309 : memref<1x128xi32, #tpu.memory_space<vmem>> -> memref<128xi32, #tpu.memory_space<vmem>>
          %dma_wait3A_311 = arith.constant 0 : i32
          %dma_wait3A_312 = arith.constant 0 : i32
          %dma_wait3A_313 = tpu.memref_slice %arg7[%dma_wait3A_311, %dma_wait3A_312] : memref<10240x128xf32, #tpu.memory_space<vmem_shared>> -> memref<10240x128xf32, #tpu.memory_space<vmem_shared>>
          tpu.wait_indirect_dma semaphore(%run_scoped3A_301 : memref<!tpu.dma_semaphore, #tpu.memory_space<semaphore_mem>>) src(%run_scoped3A_3 : memref<128x128xf32, #tpu.memory_space<vmem>>) dst(%dma_wait3A_313 : memref<10240x128xf32, #tpu.memory_space<vmem_shared>>)
          tpu.yield
        }) : () -> ()
        %dma_wait3A_161 = arith.constant 7 : i32
        %dma_wait3A_162 = arith.constant 0 : i32
        %dma_wait3A_163 = tpu.memref_slice %run_scoped3A[%dma_wait3A_161, %dma_wait3A_162] : memref<8x128xi32, #tpu.memory_space<vmem>> -> memref<1x128xi32, #tpu.memory_space<vmem>>
        %dma_wait3A_164 = tpu.memref_squeeze %dma_wait3A_163 : memref<1x128xi32, #tpu.memory_space<vmem>> -> memref<128xi32, #tpu.memory_space<vmem>>
        %dma_wait3A_165 = arith.constant 0 : i32
        %dma_wait3A_166 = arith.constant 0 : i32
        %dma_wait3A_167 = tpu.memref_slice %arg2[%dma_wait3A_165, %dma_wait3A_166] : memref<10240x128xf32, #tpu.memory_space<hbm>> -> memref<10240x128xf32, #tpu.memory_space<hbm>>
        tpu.wait_indirect_dma semaphore(%arg8 : memref<!tpu.dma_semaphore, #tpu.memory_space<semaphore_mem>>) src(%dma_wait3A_167 : memref<10240x128xf32, #tpu.memory_space<hbm>>) dst(%run_scoped3A_4 : memref<128x128xf32, #tpu.memory_space<vmem>>)
        %dma_wait3A_168 = arith.constant 0 : i32
        %dma_wait3A_169 = tpu.memref_slice %arg3[%add3A_45, %dma_wait3A_168] : memref<2560x128xi32, #tpu.memory_space<hbm>> -> memref<8x128xi32, #tpu.memory_space<hbm>>
        %dma_wait3A_170 = arith.constant 0 : i32
        %dma_wait3A_171 = tpu.memref_slice %arg3[%add3A_45, %dma_wait3A_170] : memref<2560x128xi32, #tpu.memory_space<hbm>> -> memref<8x128xi32, #tpu.memory_space<hbm>>
        tpu.wait_dma2 semaphore(%arg9 : memref<!tpu.dma_semaphore, #tpu.memory_space<semaphore_mem>>) src(%dma_wait3A_171 : memref<8x128xi32, #tpu.memory_space<hbm>>) dst(%run_scoped3A_1 : memref<8x128xi32, #tpu.memory_space<vmem>>)
        %dma_wait3A_172 = arith.constant 0 : i32
        %dma_wait3A_173 = tpu.memref_slice %arg4[%add3A_45, %dma_wait3A_172] : memref<2560x128xi32, #tpu.memory_space<hbm>> -> memref<8x128xi32, #tpu.memory_space<hbm>>
        %dma_wait3A_174 = arith.constant 0 : i32
        %dma_wait3A_175 = tpu.memref_slice %arg4[%add3A_45, %dma_wait3A_174] : memref<2560x128xi32, #tpu.memory_space<hbm>> -> memref<8x128xi32, #tpu.memory_space<hbm>>
        tpu.wait_dma2 semaphore(%arg9 : memref<!tpu.dma_semaphore, #tpu.memory_space<semaphore_mem>>) src(%dma_wait3A_175 : memref<8x128xi32, #tpu.memory_space<hbm>>) dst(%run_scoped3A_2 : memref<8x128xi32, #tpu.memory_space<vmem>>)
        %dma_start3A_176 = arith.constant 0 : i32
        %dma_start3A_177 = arith.constant 0 : i32
        %dma_start3A_178 = tpu.memref_slice %run_scoped3A_1[%dma_start3A_176, %dma_start3A_177] : memref<8x128xi32, #tpu.memory_space<vmem>> -> memref<1x128xi32, #tpu.memory_space<vmem>>
        %dma_start3A_179 = tpu.memref_squeeze %dma_start3A_178 : memref<1x128xi32, #tpu.memory_space<vmem>> -> memref<128xi32, #tpu.memory_space<vmem>>
        %dma_start3A_180 = arith.constant 0 : i32
        %dma_start3A_181 = arith.constant 0 : i32
        %dma_start3A_182 = tpu.memref_slice %arg2[%dma_start3A_180, %dma_start3A_181] : memref<10240x128xf32, #tpu.memory_space<hbm>> -> memref<10240x128xf32, #tpu.memory_space<hbm>>
        tpu.enqueue_indirect_dma source(%dma_start3A_182 : memref<10240x128xf32, #tpu.memory_space<hbm>>) target(%run_scoped3A_3 : memref<128x128xf32, #tpu.memory_space<vmem>>) offsets(%dma_start3A_179 : memref<128xi32, #tpu.memory_space<vmem>>) semaphore(%arg8 : memref<!tpu.dma_semaphore, #tpu.memory_space<semaphore_mem>>)
        %run_scoped3A_183 = arith.constant 7 : i32
        "tpu.region"() ({
          %run_scoped3A_301 = tpu.sem_alloc : memref<!tpu.dma_semaphore, #tpu.memory_space<semaphore_mem>>
          %dma_start3A_302 = arith.constant 0 : i32
          %dma_start3A_303 = tpu.memref_slice %run_scoped3A_0[%run_scoped3A_183, %dma_start3A_302] : memref<8x128xi32, #tpu.memory_space<vmem>> -> memref<1x128xi32, #tpu.memory_space<vmem>>
          %dma_start3A_304 = tpu.memref_squeeze %dma_start3A_303 : memref<1x128xi32, #tpu.memory_space<vmem>> -> memref<128xi32, #tpu.memory_space<vmem>>
          %dma_start3A_305 = arith.constant 0 : i32
          %dma_start3A_306 = arith.constant 0 : i32
          %dma_start3A_307 = tpu.memref_slice %arg7[%dma_start3A_305, %dma_start3A_306] : memref<10240x128xf32, #tpu.memory_space<vmem_shared>> -> memref<10240x128xf32, #tpu.memory_space<vmem_shared>>
          tpu.enqueue_indirect_dma source(%run_scoped3A_4 : memref<128x128xf32, #tpu.memory_space<vmem>>) target(%dma_start3A_307 : memref<10240x128xf32, #tpu.memory_space<vmem_shared>>) offsets(%dma_start3A_304 : memref<128xi32, #tpu.memory_space<vmem>>) semaphore(%run_scoped3A_301 : memref<!tpu.dma_semaphore, #tpu.memory_space<semaphore_mem>>) {add = true}
          %dma_wait3A_308 = arith.constant 0 : i32
          %dma_wait3A_309 = tpu.memref_slice %run_scoped3A_0[%run_scoped3A_183, %dma_wait3A_308] : memref<8x128xi32, #tpu.memory_space<vmem>> -> memref<1x128xi32, #tpu.memory_space<vmem>>
          %dma_wait3A_310 = tpu.memref_squeeze %dma_wait3A_309 : memref<1x128xi32, #tpu.memory_space<vmem>> -> memref<128xi32, #tpu.memory_space<vmem>>
          %dma_wait3A_311 = arith.constant 0 : i32
          %dma_wait3A_312 = arith.constant 0 : i32
          %dma_wait3A_313 = tpu.memref_slice %arg7[%dma_wait3A_311, %dma_wait3A_312] : memref<10240x128xf32, #tpu.memory_space<vmem_shared>> -> memref<10240x128xf32, #tpu.memory_space<vmem_shared>>
          tpu.wait_indirect_dma semaphore(%run_scoped3A_301 : memref<!tpu.dma_semaphore, #tpu.memory_space<semaphore_mem>>) src(%run_scoped3A_4 : memref<128x128xf32, #tpu.memory_space<vmem>>) dst(%dma_wait3A_313 : memref<10240x128xf32, #tpu.memory_space<vmem_shared>>)
          tpu.yield
        }) : () -> ()
        %dma_wait3A_184 = arith.constant 0 : i32
        %dma_wait3A_185 = arith.constant 0 : i32
        %dma_wait3A_186 = tpu.memref_slice %run_scoped3A_1[%dma_wait3A_184, %dma_wait3A_185] : memref<8x128xi32, #tpu.memory_space<vmem>> -> memref<1x128xi32, #tpu.memory_space<vmem>>
        %dma_wait3A_187 = tpu.memref_squeeze %dma_wait3A_186 : memref<1x128xi32, #tpu.memory_space<vmem>> -> memref<128xi32, #tpu.memory_space<vmem>>
        %dma_wait3A_188 = arith.constant 0 : i32
        %dma_wait3A_189 = arith.constant 0 : i32
        %dma_wait3A_190 = tpu.memref_slice %arg2[%dma_wait3A_188, %dma_wait3A_189] : memref<10240x128xf32, #tpu.memory_space<hbm>> -> memref<10240x128xf32, #tpu.memory_space<hbm>>
        tpu.wait_indirect_dma semaphore(%arg8 : memref<!tpu.dma_semaphore, #tpu.memory_space<semaphore_mem>>) src(%dma_wait3A_190 : memref<10240x128xf32, #tpu.memory_space<hbm>>) dst(%run_scoped3A_3 : memref<128x128xf32, #tpu.memory_space<vmem>>)
        %convert_element_type3A = arith.extui %lt3A : i1 to i32
        %cond3A = arith.constant 0 : i32
        %cond3A_191 = arith.cmpi ne, %convert_element_type3A, %cond3A : i32
        scf.if %cond3A_191 {
          %dma_start3A_301 = arith.constant 0 : i32
          %dma_start3A_302 = tpu.memref_slice %arg3[%add3A_47, %dma_start3A_301] : memref<2560x128xi32, #tpu.memory_space<hbm>> -> memref<8x128xi32, #tpu.memory_space<hbm>>
          %dma_start3A_303 = arith.constant 0 : i32
          %dma_start3A_304 = tpu.memref_slice %arg3[%add3A_47, %dma_start3A_303] : memref<2560x128xi32, #tpu.memory_space<hbm>> -> memref<8x128xi32, #tpu.memory_space<hbm>>
          tpu.enqueue_dma source(%dma_start3A_304 : memref<8x128xi32, #tpu.memory_space<hbm>>) target(%run_scoped3A : memref<8x128xi32, #tpu.memory_space<vmem>>) target_semaphore(%arg9 : memref<!tpu.dma_semaphore, #tpu.memory_space<semaphore_mem>>)
          %dma_start3A_305 = arith.constant 0 : i32
          %dma_start3A_306 = tpu.memref_slice %arg4[%add3A_47, %dma_start3A_305] : memref<2560x128xi32, #tpu.memory_space<hbm>> -> memref<8x128xi32, #tpu.memory_space<hbm>>
          %dma_start3A_307 = arith.constant 0 : i32
          %dma_start3A_308 = tpu.memref_slice %arg4[%add3A_47, %dma_start3A_307] : memref<2560x128xi32, #tpu.memory_space<hbm>> -> memref<8x128xi32, #tpu.memory_space<hbm>>
          tpu.enqueue_dma source(%dma_start3A_308 : memref<8x128xi32, #tpu.memory_space<hbm>>) target(%run_scoped3A_0 : memref<8x128xi32, #tpu.memory_space<vmem>>) target_semaphore(%arg9 : memref<!tpu.dma_semaphore, #tpu.memory_space<semaphore_mem>>)
        } else {
        }
        %dma_start3A_192 = arith.constant 1 : i32
        %dma_start3A_193 = arith.constant 0 : i32
        %dma_start3A_194 = tpu.memref_slice %run_scoped3A_1[%dma_start3A_192, %dma_start3A_193] : memref<8x128xi32, #tpu.memory_space<vmem>> -> memref<1x128xi32, #tpu.memory_space<vmem>>
        %dma_start3A_195 = tpu.memref_squeeze %dma_start3A_194 : memref<1x128xi32, #tpu.memory_space<vmem>> -> memref<128xi32, #tpu.memory_space<vmem>>
        %dma_start3A_196 = arith.constant 0 : i32
        %dma_start3A_197 = arith.constant 0 : i32
        %dma_start3A_198 = tpu.memref_slice %arg2[%dma_start3A_196, %dma_start3A_197] : memref<10240x128xf32, #tpu.memory_space<hbm>> -> memref<10240x128xf32, #tpu.memory_space<hbm>>
        tpu.enqueue_indirect_dma source(%dma_start3A_198 : memref<10240x128xf32, #tpu.memory_space<hbm>>) target(%run_scoped3A_4 : memref<128x128xf32, #tpu.memory_space<vmem>>) offsets(%dma_start3A_195 : memref<128xi32, #tpu.memory_space<vmem>>) semaphore(%arg8 : memref<!tpu.dma_semaphore, #tpu.memory_space<semaphore_mem>>)
        %run_scoped3A_199 = arith.constant 0 : i32
        "tpu.region"() ({
          %run_scoped3A_301 = tpu.sem_alloc : memref<!tpu.dma_semaphore, #tpu.memory_space<semaphore_mem>>
          %dma_start3A_302 = arith.constant 0 : i32
          %dma_start3A_303 = tpu.memref_slice %run_scoped3A_2[%run_scoped3A_199, %dma_start3A_302] : memref<8x128xi32, #tpu.memory_space<vmem>> -> memref<1x128xi32, #tpu.memory_space<vmem>>
          %dma_start3A_304 = tpu.memref_squeeze %dma_start3A_303 : memref<1x128xi32, #tpu.memory_space<vmem>> -> memref<128xi32, #tpu.memory_space<vmem>>
          %dma_start3A_305 = arith.constant 0 : i32
          %dma_start3A_306 = arith.constant 0 : i32
          %dma_start3A_307 = tpu.memref_slice %arg7[%dma_start3A_305, %dma_start3A_306] : memref<10240x128xf32, #tpu.memory_space<vmem_shared>> -> memref<10240x128xf32, #tpu.memory_space<vmem_shared>>
          tpu.enqueue_indirect_dma source(%run_scoped3A_3 : memref<128x128xf32, #tpu.memory_space<vmem>>) target(%dma_start3A_307 : memref<10240x128xf32, #tpu.memory_space<vmem_shared>>) offsets(%dma_start3A_304 : memref<128xi32, #tpu.memory_space<vmem>>) semaphore(%run_scoped3A_301 : memref<!tpu.dma_semaphore, #tpu.memory_space<semaphore_mem>>) {add = true}
          %dma_wait3A_308 = arith.constant 0 : i32
          %dma_wait3A_309 = tpu.memref_slice %run_scoped3A_2[%run_scoped3A_199, %dma_wait3A_308] : memref<8x128xi32, #tpu.memory_space<vmem>> -> memref<1x128xi32, #tpu.memory_space<vmem>>
          %dma_wait3A_310 = tpu.memref_squeeze %dma_wait3A_309 : memref<1x128xi32, #tpu.memory_space<vmem>> -> memref<128xi32, #tpu.memory_space<vmem>>
          %dma_wait3A_311 = arith.constant 0 : i32
          %dma_wait3A_312 = arith.constant 0 : i32
          %dma_wait3A_313 = tpu.memref_slice %arg7[%dma_wait3A_311, %dma_wait3A_312] : memref<10240x128xf32, #tpu.memory_space<vmem_shared>> -> memref<10240x128xf32, #tpu.memory_space<vmem_shared>>
          tpu.wait_indirect_dma semaphore(%run_scoped3A_301 : memref<!tpu.dma_semaphore, #tpu.memory_space<semaphore_mem>>) src(%run_scoped3A_3 : memref<128x128xf32, #tpu.memory_space<vmem>>) dst(%dma_wait3A_313 : memref<10240x128xf32, #tpu.memory_space<vmem_shared>>)
          tpu.yield
        }) : () -> ()
        %dma_wait3A_200 = arith.constant 1 : i32
        %dma_wait3A_201 = arith.constant 0 : i32
        %dma_wait3A_202 = tpu.memref_slice %run_scoped3A_1[%dma_wait3A_200, %dma_wait3A_201] : memref<8x128xi32, #tpu.memory_space<vmem>> -> memref<1x128xi32, #tpu.memory_space<vmem>>
        %dma_wait3A_203 = tpu.memref_squeeze %dma_wait3A_202 : memref<1x128xi32, #tpu.memory_space<vmem>> -> memref<128xi32, #tpu.memory_space<vmem>>
        %dma_wait3A_204 = arith.constant 0 : i32
        %dma_wait3A_205 = arith.constant 0 : i32
        %dma_wait3A_206 = tpu.memref_slice %arg2[%dma_wait3A_204, %dma_wait3A_205] : memref<10240x128xf32, #tpu.memory_space<hbm>> -> memref<10240x128xf32, #tpu.memory_space<hbm>>
        tpu.wait_indirect_dma semaphore(%arg8 : memref<!tpu.dma_semaphore, #tpu.memory_space<semaphore_mem>>) src(%dma_wait3A_206 : memref<10240x128xf32, #tpu.memory_space<hbm>>) dst(%run_scoped3A_4 : memref<128x128xf32, #tpu.memory_space<vmem>>)
        %dma_start3A_207 = arith.constant 2 : i32
        %dma_start3A_208 = arith.constant 0 : i32
        %dma_start3A_209 = tpu.memref_slice %run_scoped3A_1[%dma_start3A_207, %dma_start3A_208] : memref<8x128xi32, #tpu.memory_space<vmem>> -> memref<1x128xi32, #tpu.memory_space<vmem>>
        %dma_start3A_210 = tpu.memref_squeeze %dma_start3A_209 : memref<1x128xi32, #tpu.memory_space<vmem>> -> memref<128xi32, #tpu.memory_space<vmem>>
        %dma_start3A_211 = arith.constant 0 : i32
        %dma_start3A_212 = arith.constant 0 : i32
        %dma_start3A_213 = tpu.memref_slice %arg2[%dma_start3A_211, %dma_start3A_212] : memref<10240x128xf32, #tpu.memory_space<hbm>> -> memref<10240x128xf32, #tpu.memory_space<hbm>>
        tpu.enqueue_indirect_dma source(%dma_start3A_213 : memref<10240x128xf32, #tpu.memory_space<hbm>>) target(%run_scoped3A_3 : memref<128x128xf32, #tpu.memory_space<vmem>>) offsets(%dma_start3A_210 : memref<128xi32, #tpu.memory_space<vmem>>) semaphore(%arg8 : memref<!tpu.dma_semaphore, #tpu.memory_space<semaphore_mem>>)
        %run_scoped3A_214 = arith.constant 1 : i32
        "tpu.region"() ({
          %run_scoped3A_301 = tpu.sem_alloc : memref<!tpu.dma_semaphore, #tpu.memory_space<semaphore_mem>>
          %dma_start3A_302 = arith.constant 0 : i32
          %dma_start3A_303 = tpu.memref_slice %run_scoped3A_2[%run_scoped3A_214, %dma_start3A_302] : memref<8x128xi32, #tpu.memory_space<vmem>> -> memref<1x128xi32, #tpu.memory_space<vmem>>
          %dma_start3A_304 = tpu.memref_squeeze %dma_start3A_303 : memref<1x128xi32, #tpu.memory_space<vmem>> -> memref<128xi32, #tpu.memory_space<vmem>>
          %dma_start3A_305 = arith.constant 0 : i32
          %dma_start3A_306 = arith.constant 0 : i32
          %dma_start3A_307 = tpu.memref_slice %arg7[%dma_start3A_305, %dma_start3A_306] : memref<10240x128xf32, #tpu.memory_space<vmem_shared>> -> memref<10240x128xf32, #tpu.memory_space<vmem_shared>>
          tpu.enqueue_indirect_dma source(%run_scoped3A_4 : memref<128x128xf32, #tpu.memory_space<vmem>>) target(%dma_start3A_307 : memref<10240x128xf32, #tpu.memory_space<vmem_shared>>) offsets(%dma_start3A_304 : memref<128xi32, #tpu.memory_space<vmem>>) semaphore(%run_scoped3A_301 : memref<!tpu.dma_semaphore, #tpu.memory_space<semaphore_mem>>) {add = true}
          %dma_wait3A_308 = arith.constant 0 : i32
          %dma_wait3A_309 = tpu.memref_slice %run_scoped3A_2[%run_scoped3A_214, %dma_wait3A_308] : memref<8x128xi32, #tpu.memory_space<vmem>> -> memref<1x128xi32, #tpu.memory_space<vmem>>
          %dma_wait3A_310 = tpu.memref_squeeze %dma_wait3A_309 : memref<1x128xi32, #tpu.memory_space<vmem>> -> memref<128xi32, #tpu.memory_space<vmem>>
          %dma_wait3A_311 = arith.constant 0 : i32
          %dma_wait3A_312 = arith.constant 0 : i32
          %dma_wait3A_313 = tpu.memref_slice %arg7[%dma_wait3A_311, %dma_wait3A_312] : memref<10240x128xf32, #tpu.memory_space<vmem_shared>> -> memref<10240x128xf32, #tpu.memory_space<vmem_shared>>
          tpu.wait_indirect_dma semaphore(%run_scoped3A_301 : memref<!tpu.dma_semaphore, #tpu.memory_space<semaphore_mem>>) src(%run_scoped3A_4 : memref<128x128xf32, #tpu.memory_space<vmem>>) dst(%dma_wait3A_313 : memref<10240x128xf32, #tpu.memory_space<vmem_shared>>)
          tpu.yield
        }) : () -> ()
        %dma_wait3A_215 = arith.constant 2 : i32
        %dma_wait3A_216 = arith.constant 0 : i32
        %dma_wait3A_217 = tpu.memref_slice %run_scoped3A_1[%dma_wait3A_215, %dma_wait3A_216] : memref<8x128xi32, #tpu.memory_space<vmem>> -> memref<1x128xi32, #tpu.memory_space<vmem>>
        %dma_wait3A_218 = tpu.memref_squeeze %dma_wait3A_217 : memref<1x128xi32, #tpu.memory_space<vmem>> -> memref<128xi32, #tpu.memory_space<vmem>>
        %dma_wait3A_219 = arith.constant 0 : i32
        %dma_wait3A_220 = arith.constant 0 : i32
        %dma_wait3A_221 = tpu.memref_slice %arg2[%dma_wait3A_219, %dma_wait3A_220] : memref<10240x128xf32, #tpu.memory_space<hbm>> -> memref<10240x128xf32, #tpu.memory_space<hbm>>
        tpu.wait_indirect_dma semaphore(%arg8 : memref<!tpu.dma_semaphore, #tpu.memory_space<semaphore_mem>>) src(%dma_wait3A_221 : memref<10240x128xf32, #tpu.memory_space<hbm>>) dst(%run_scoped3A_3 : memref<128x128xf32, #tpu.memory_space<vmem>>)
        %dma_start3A_222 = arith.constant 3 : i32
        %dma_start3A_223 = arith.constant 0 : i32
        %dma_start3A_224 = tpu.memref_slice %run_scoped3A_1[%dma_start3A_222, %dma_start3A_223] : memref<8x128xi32, #tpu.memory_space<vmem>> -> memref<1x128xi32, #tpu.memory_space<vmem>>
        %dma_start3A_225 = tpu.memref_squeeze %dma_start3A_224 : memref<1x128xi32, #tpu.memory_space<vmem>> -> memref<128xi32, #tpu.memory_space<vmem>>
        %dma_start3A_226 = arith.constant 0 : i32
        %dma_start3A_227 = arith.constant 0 : i32
        %dma_start3A_228 = tpu.memref_slice %arg2[%dma_start3A_226, %dma_start3A_227] : memref<10240x128xf32, #tpu.memory_space<hbm>> -> memref<10240x128xf32, #tpu.memory_space<hbm>>
        tpu.enqueue_indirect_dma source(%dma_start3A_228 : memref<10240x128xf32, #tpu.memory_space<hbm>>) target(%run_scoped3A_4 : memref<128x128xf32, #tpu.memory_space<vmem>>) offsets(%dma_start3A_225 : memref<128xi32, #tpu.memory_space<vmem>>) semaphore(%arg8 : memref<!tpu.dma_semaphore, #tpu.memory_space<semaphore_mem>>)
        %run_scoped3A_229 = arith.constant 2 : i32
        "tpu.region"() ({
          %run_scoped3A_301 = tpu.sem_alloc : memref<!tpu.dma_semaphore, #tpu.memory_space<semaphore_mem>>
          %dma_start3A_302 = arith.constant 0 : i32
          %dma_start3A_303 = tpu.memref_slice %run_scoped3A_2[%run_scoped3A_229, %dma_start3A_302] : memref<8x128xi32, #tpu.memory_space<vmem>> -> memref<1x128xi32, #tpu.memory_space<vmem>>
          %dma_start3A_304 = tpu.memref_squeeze %dma_start3A_303 : memref<1x128xi32, #tpu.memory_space<vmem>> -> memref<128xi32, #tpu.memory_space<vmem>>
          %dma_start3A_305 = arith.constant 0 : i32
          %dma_start3A_306 = arith.constant 0 : i32
          %dma_start3A_307 = tpu.memref_slice %arg7[%dma_start3A_305, %dma_start3A_306] : memref<10240x128xf32, #tpu.memory_space<vmem_shared>> -> memref<10240x128xf32, #tpu.memory_space<vmem_shared>>
          tpu.enqueue_indirect_dma source(%run_scoped3A_3 : memref<128x128xf32, #tpu.memory_space<vmem>>) target(%dma_start3A_307 : memref<10240x128xf32, #tpu.memory_space<vmem_shared>>) offsets(%dma_start3A_304 : memref<128xi32, #tpu.memory_space<vmem>>) semaphore(%run_scoped3A_301 : memref<!tpu.dma_semaphore, #tpu.memory_space<semaphore_mem>>) {add = true}
          %dma_wait3A_308 = arith.constant 0 : i32
          %dma_wait3A_309 = tpu.memref_slice %run_scoped3A_2[%run_scoped3A_229, %dma_wait3A_308] : memref<8x128xi32, #tpu.memory_space<vmem>> -> memref<1x128xi32, #tpu.memory_space<vmem>>
          %dma_wait3A_310 = tpu.memref_squeeze %dma_wait3A_309 : memref<1x128xi32, #tpu.memory_space<vmem>> -> memref<128xi32, #tpu.memory_space<vmem>>
          %dma_wait3A_311 = arith.constant 0 : i32
          %dma_wait3A_312 = arith.constant 0 : i32
          %dma_wait3A_313 = tpu.memref_slice %arg7[%dma_wait3A_311, %dma_wait3A_312] : memref<10240x128xf32, #tpu.memory_space<vmem_shared>> -> memref<10240x128xf32, #tpu.memory_space<vmem_shared>>
          tpu.wait_indirect_dma semaphore(%run_scoped3A_301 : memref<!tpu.dma_semaphore, #tpu.memory_space<semaphore_mem>>) src(%run_scoped3A_3 : memref<128x128xf32, #tpu.memory_space<vmem>>) dst(%dma_wait3A_313 : memref<10240x128xf32, #tpu.memory_space<vmem_shared>>)
          tpu.yield
        }) : () -> ()
        %dma_wait3A_230 = arith.constant 3 : i32
        %dma_wait3A_231 = arith.constant 0 : i32
        %dma_wait3A_232 = tpu.memref_slice %run_scoped3A_1[%dma_wait3A_230, %dma_wait3A_231] : memref<8x128xi32, #tpu.memory_space<vmem>> -> memref<1x128xi32, #tpu.memory_space<vmem>>
        %dma_wait3A_233 = tpu.memref_squeeze %dma_wait3A_232 : memref<1x128xi32, #tpu.memory_space<vmem>> -> memref<128xi32, #tpu.memory_space<vmem>>
        %dma_wait3A_234 = arith.constant 0 : i32
        %dma_wait3A_235 = arith.constant 0 : i32
        %dma_wait3A_236 = tpu.memref_slice %arg2[%dma_wait3A_234, %dma_wait3A_235] : memref<10240x128xf32, #tpu.memory_space<hbm>> -> memref<10240x128xf32, #tpu.memory_space<hbm>>
        tpu.wait_indirect_dma semaphore(%arg8 : memref<!tpu.dma_semaphore, #tpu.memory_space<semaphore_mem>>) src(%dma_wait3A_236 : memref<10240x128xf32, #tpu.memory_space<hbm>>) dst(%run_scoped3A_4 : memref<128x128xf32, #tpu.memory_space<vmem>>)
        %dma_start3A_237 = arith.constant 4 : i32
        %dma_start3A_238 = arith.constant 0 : i32
        %dma_start3A_239 = tpu.memref_slice %run_scoped3A_1[%dma_start3A_237, %dma_start3A_238] : memref<8x128xi32, #tpu.memory_space<vmem>> -> memref<1x128xi32, #tpu.memory_space<vmem>>
        %dma_start3A_240 = tpu.memref_squeeze %dma_start3A_239 : memref<1x128xi32, #tpu.memory_space<vmem>> -> memref<128xi32, #tpu.memory_space<vmem>>
        %dma_start3A_241 = arith.constant 0 : i32
        %dma_start3A_242 = arith.constant 0 : i32
        %dma_start3A_243 = tpu.memref_slice %arg2[%dma_start3A_241, %dma_start3A_242] : memref<10240x128xf32, #tpu.memory_space<hbm>> -> memref<10240x128xf32, #tpu.memory_space<hbm>>
        tpu.enqueue_indirect_dma source(%dma_start3A_243 : memref<10240x128xf32, #tpu.memory_space<hbm>>) target(%run_scoped3A_3 : memref<128x128xf32, #tpu.memory_space<vmem>>) offsets(%dma_start3A_240 : memref<128xi32, #tpu.memory_space<vmem>>) semaphore(%arg8 : memref<!tpu.dma_semaphore, #tpu.memory_space<semaphore_mem>>)
        %run_scoped3A_244 = arith.constant 3 : i32
        "tpu.region"() ({
          %run_scoped3A_301 = tpu.sem_alloc : memref<!tpu.dma_semaphore, #tpu.memory_space<semaphore_mem>>
          %dma_start3A_302 = arith.constant 0 : i32
          %dma_start3A_303 = tpu.memref_slice %run_scoped3A_2[%run_scoped3A_244, %dma_start3A_302] : memref<8x128xi32, #tpu.memory_space<vmem>> -> memref<1x128xi32, #tpu.memory_space<vmem>>
          %dma_start3A_304 = tpu.memref_squeeze %dma_start3A_303 : memref<1x128xi32, #tpu.memory_space<vmem>> -> memref<128xi32, #tpu.memory_space<vmem>>
          %dma_start3A_305 = arith.constant 0 : i32
          %dma_start3A_306 = arith.constant 0 : i32
          %dma_start3A_307 = tpu.memref_slice %arg7[%dma_start3A_305, %dma_start3A_306] : memref<10240x128xf32, #tpu.memory_space<vmem_shared>> -> memref<10240x128xf32, #tpu.memory_space<vmem_shared>>
          tpu.enqueue_indirect_dma source(%run_scoped3A_4 : memref<128x128xf32, #tpu.memory_space<vmem>>) target(%dma_start3A_307 : memref<10240x128xf32, #tpu.memory_space<vmem_shared>>) offsets(%dma_start3A_304 : memref<128xi32, #tpu.memory_space<vmem>>) semaphore(%run_scoped3A_301 : memref<!tpu.dma_semaphore, #tpu.memory_space<semaphore_mem>>) {add = true}
          %dma_wait3A_308 = arith.constant 0 : i32
          %dma_wait3A_309 = tpu.memref_slice %run_scoped3A_2[%run_scoped3A_244, %dma_wait3A_308] : memref<8x128xi32, #tpu.memory_space<vmem>> -> memref<1x128xi32, #tpu.memory_space<vmem>>
          %dma_wait3A_310 = tpu.memref_squeeze %dma_wait3A_309 : memref<1x128xi32, #tpu.memory_space<vmem>> -> memref<128xi32, #tpu.memory_space<vmem>>
          %dma_wait3A_311 = arith.constant 0 : i32
          %dma_wait3A_312 = arith.constant 0 : i32
          %dma_wait3A_313 = tpu.memref_slice %arg7[%dma_wait3A_311, %dma_wait3A_312] : memref<10240x128xf32, #tpu.memory_space<vmem_shared>> -> memref<10240x128xf32, #tpu.memory_space<vmem_shared>>
          tpu.wait_indirect_dma semaphore(%run_scoped3A_301 : memref<!tpu.dma_semaphore, #tpu.memory_space<semaphore_mem>>) src(%run_scoped3A_4 : memref<128x128xf32, #tpu.memory_space<vmem>>) dst(%dma_wait3A_313 : memref<10240x128xf32, #tpu.memory_space<vmem_shared>>)
          tpu.yield
        }) : () -> ()
        %dma_wait3A_245 = arith.constant 4 : i32
        %dma_wait3A_246 = arith.constant 0 : i32
        %dma_wait3A_247 = tpu.memref_slice %run_scoped3A_1[%dma_wait3A_245, %dma_wait3A_246] : memref<8x128xi32, #tpu.memory_space<vmem>> -> memref<1x128xi32, #tpu.memory_space<vmem>>
        %dma_wait3A_248 = tpu.memref_squeeze %dma_wait3A_247 : memref<1x128xi32, #tpu.memory_space<vmem>> -> memref<128xi32, #tpu.memory_space<vmem>>
        %dma_wait3A_249 = arith.constant 0 : i32
        %dma_wait3A_250 = arith.constant 0 : i32
        %dma_wait3A_251 = tpu.memref_slice %arg2[%dma_wait3A_249, %dma_wait3A_250] : memref<10240x128xf32, #tpu.memory_space<hbm>> -> memref<10240x128xf32, #tpu.memory_space<hbm>>
        tpu.wait_indirect_dma semaphore(%arg8 : memref<!tpu.dma_semaphore, #tpu.memory_space<semaphore_mem>>) src(%dma_wait3A_251 : memref<10240x128xf32, #tpu.memory_space<hbm>>) dst(%run_scoped3A_3 : memref<128x128xf32, #tpu.memory_space<vmem>>)
        %dma_start3A_252 = arith.constant 5 : i32
        %dma_start3A_253 = arith.constant 0 : i32
        %dma_start3A_254 = tpu.memref_slice %run_scoped3A_1[%dma_start3A_252, %dma_start3A_253] : memref<8x128xi32, #tpu.memory_space<vmem>> -> memref<1x128xi32, #tpu.memory_space<vmem>>
        %dma_start3A_255 = tpu.memref_squeeze %dma_start3A_254 : memref<1x128xi32, #tpu.memory_space<vmem>> -> memref<128xi32, #tpu.memory_space<vmem>>
        %dma_start3A_256 = arith.constant 0 : i32
        %dma_start3A_257 = arith.constant 0 : i32
        %dma_start3A_258 = tpu.memref_slice %arg2[%dma_start3A_256, %dma_start3A_257] : memref<10240x128xf32, #tpu.memory_space<hbm>> -> memref<10240x128xf32, #tpu.memory_space<hbm>>
        tpu.enqueue_indirect_dma source(%dma_start3A_258 : memref<10240x128xf32, #tpu.memory_space<hbm>>) target(%run_scoped3A_4 : memref<128x128xf32, #tpu.memory_space<vmem>>) offsets(%dma_start3A_255 : memref<128xi32, #tpu.memory_space<vmem>>) semaphore(%arg8 : memref<!tpu.dma_semaphore, #tpu.memory_space<semaphore_mem>>)
        %run_scoped3A_259 = arith.constant 4 : i32
        "tpu.region"() ({
          %run_scoped3A_301 = tpu.sem_alloc : memref<!tpu.dma_semaphore, #tpu.memory_space<semaphore_mem>>
          %dma_start3A_302 = arith.constant 0 : i32
          %dma_start3A_303 = tpu.memref_slice %run_scoped3A_2[%run_scoped3A_259, %dma_start3A_302] : memref<8x128xi32, #tpu.memory_space<vmem>> -> memref<1x128xi32, #tpu.memory_space<vmem>>
          %dma_start3A_304 = tpu.memref_squeeze %dma_start3A_303 : memref<1x128xi32, #tpu.memory_space<vmem>> -> memref<128xi32, #tpu.memory_space<vmem>>
          %dma_start3A_305 = arith.constant 0 : i32
          %dma_start3A_306 = arith.constant 0 : i32
          %dma_start3A_307 = tpu.memref_slice %arg7[%dma_start3A_305, %dma_start3A_306] : memref<10240x128xf32, #tpu.memory_space<vmem_shared>> -> memref<10240x128xf32, #tpu.memory_space<vmem_shared>>
          tpu.enqueue_indirect_dma source(%run_scoped3A_3 : memref<128x128xf32, #tpu.memory_space<vmem>>) target(%dma_start3A_307 : memref<10240x128xf32, #tpu.memory_space<vmem_shared>>) offsets(%dma_start3A_304 : memref<128xi32, #tpu.memory_space<vmem>>) semaphore(%run_scoped3A_301 : memref<!tpu.dma_semaphore, #tpu.memory_space<semaphore_mem>>) {add = true}
          %dma_wait3A_308 = arith.constant 0 : i32
          %dma_wait3A_309 = tpu.memref_slice %run_scoped3A_2[%run_scoped3A_259, %dma_wait3A_308] : memref<8x128xi32, #tpu.memory_space<vmem>> -> memref<1x128xi32, #tpu.memory_space<vmem>>
          %dma_wait3A_310 = tpu.memref_squeeze %dma_wait3A_309 : memref<1x128xi32, #tpu.memory_space<vmem>> -> memref<128xi32, #tpu.memory_space<vmem>>
          %dma_wait3A_311 = arith.constant 0 : i32
          %dma_wait3A_312 = arith.constant 0 : i32
          %dma_wait3A_313 = tpu.memref_slice %arg7[%dma_wait3A_311, %dma_wait3A_312] : memref<10240x128xf32, #tpu.memory_space<vmem_shared>> -> memref<10240x128xf32, #tpu.memory_space<vmem_shared>>
          tpu.wait_indirect_dma semaphore(%run_scoped3A_301 : memref<!tpu.dma_semaphore, #tpu.memory_space<semaphore_mem>>) src(%run_scoped3A_3 : memref<128x128xf32, #tpu.memory_space<vmem>>) dst(%dma_wait3A_313 : memref<10240x128xf32, #tpu.memory_space<vmem_shared>>)
          tpu.yield
        }) : () -> ()
        %dma_wait3A_260 = arith.constant 5 : i32
        %dma_wait3A_261 = arith.constant 0 : i32
        %dma_wait3A_262 = tpu.memref_slice %run_scoped3A_1[%dma_wait3A_260, %dma_wait3A_261] : memref<8x128xi32, #tpu.memory_space<vmem>> -> memref<1x128xi32, #tpu.memory_space<vmem>>
        %dma_wait3A_263 = tpu.memref_squeeze %dma_wait3A_262 : memref<1x128xi32, #tpu.memory_space<vmem>> -> memref<128xi32, #tpu.memory_space<vmem>>
        %dma_wait3A_264 = arith.constant 0 : i32
        %dma_wait3A_265 = arith.constant 0 : i32
        %dma_wait3A_266 = tpu.memref_slice %arg2[%dma_wait3A_264, %dma_wait3A_265] : memref<10240x128xf32, #tpu.memory_space<hbm>> -> memref<10240x128xf32, #tpu.memory_space<hbm>>
        tpu.wait_indirect_dma semaphore(%arg8 : memref<!tpu.dma_semaphore, #tpu.memory_space<semaphore_mem>>) src(%dma_wait3A_266 : memref<10240x128xf32, #tpu.memory_space<hbm>>) dst(%run_scoped3A_4 : memref<128x128xf32, #tpu.memory_space<vmem>>)
        %dma_start3A_267 = arith.constant 6 : i32
        %dma_start3A_268 = arith.constant 0 : i32
        %dma_start3A_269 = tpu.memref_slice %run_scoped3A_1[%dma_start3A_267, %dma_start3A_268] : memref<8x128xi32, #tpu.memory_space<vmem>> -> memref<1x128xi32, #tpu.memory_space<vmem>>
        %dma_start3A_270 = tpu.memref_squeeze %dma_start3A_269 : memref<1x128xi32, #tpu.memory_space<vmem>> -> memref<128xi32, #tpu.memory_space<vmem>>
        %dma_start3A_271 = arith.constant 0 : i32
        %dma_start3A_272 = arith.constant 0 : i32
        %dma_start3A_273 = tpu.memref_slice %arg2[%dma_start3A_271, %dma_start3A_272] : memref<10240x128xf32, #tpu.memory_space<hbm>> -> memref<10240x128xf32, #tpu.memory_space<hbm>>
        tpu.enqueue_indirect_dma source(%dma_start3A_273 : memref<10240x128xf32, #tpu.memory_space<hbm>>) target(%run_scoped3A_3 : memref<128x128xf32, #tpu.memory_space<vmem>>) offsets(%dma_start3A_270 : memref<128xi32, #tpu.memory_space<vmem>>) semaphore(%arg8 : memref<!tpu.dma_semaphore, #tpu.memory_space<semaphore_mem>>)
        %run_scoped3A_274 = arith.constant 5 : i32
        "tpu.region"() ({
          %run_scoped3A_301 = tpu.sem_alloc : memref<!tpu.dma_semaphore, #tpu.memory_space<semaphore_mem>>
          %dma_start3A_302 = arith.constant 0 : i32
          %dma_start3A_303 = tpu.memref_slice %run_scoped3A_2[%run_scoped3A_274, %dma_start3A_302] : memref<8x128xi32, #tpu.memory_space<vmem>> -> memref<1x128xi32, #tpu.memory_space<vmem>>
          %dma_start3A_304 = tpu.memref_squeeze %dma_start3A_303 : memref<1x128xi32, #tpu.memory_space<vmem>> -> memref<128xi32, #tpu.memory_space<vmem>>
          %dma_start3A_305 = arith.constant 0 : i32
          %dma_start3A_306 = arith.constant 0 : i32
          %dma_start3A_307 = tpu.memref_slice %arg7[%dma_start3A_305, %dma_start3A_306] : memref<10240x128xf32, #tpu.memory_space<vmem_shared>> -> memref<10240x128xf32, #tpu.memory_space<vmem_shared>>
          tpu.enqueue_indirect_dma source(%run_scoped3A_4 : memref<128x128xf32, #tpu.memory_space<vmem>>) target(%dma_start3A_307 : memref<10240x128xf32, #tpu.memory_space<vmem_shared>>) offsets(%dma_start3A_304 : memref<128xi32, #tpu.memory_space<vmem>>) semaphore(%run_scoped3A_301 : memref<!tpu.dma_semaphore, #tpu.memory_space<semaphore_mem>>) {add = true}
          %dma_wait3A_308 = arith.constant 0 : i32
          %dma_wait3A_309 = tpu.memref_slice %run_scoped3A_2[%run_scoped3A_274, %dma_wait3A_308] : memref<8x128xi32, #tpu.memory_space<vmem>> -> memref<1x128xi32, #tpu.memory_space<vmem>>
          %dma_wait3A_310 = tpu.memref_squeeze %dma_wait3A_309 : memref<1x128xi32, #tpu.memory_space<vmem>> -> memref<128xi32, #tpu.memory_space<vmem>>
          %dma_wait3A_311 = arith.constant 0 : i32
          %dma_wait3A_312 = arith.constant 0 : i32
          %dma_wait3A_313 = tpu.memref_slice %arg7[%dma_wait3A_311, %dma_wait3A_312] : memref<10240x128xf32, #tpu.memory_space<vmem_shared>> -> memref<10240x128xf32, #tpu.memory_space<vmem_shared>>
          tpu.wait_indirect_dma semaphore(%run_scoped3A_301 : memref<!tpu.dma_semaphore, #tpu.memory_space<semaphore_mem>>) src(%run_scoped3A_4 : memref<128x128xf32, #tpu.memory_space<vmem>>) dst(%dma_wait3A_313 : memref<10240x128xf32, #tpu.memory_space<vmem_shared>>)
          tpu.yield
        }) : () -> ()
        %dma_wait3A_275 = arith.constant 6 : i32
        %dma_wait3A_276 = arith.constant 0 : i32
        %dma_wait3A_277 = tpu.memref_slice %run_scoped3A_1[%dma_wait3A_275, %dma_wait3A_276] : memref<8x128xi32, #tpu.memory_space<vmem>> -> memref<1x128xi32, #tpu.memory_space<vmem>>
        %dma_wait3A_278 = tpu.memref_squeeze %dma_wait3A_277 : memref<1x128xi32, #tpu.memory_space<vmem>> -> memref<128xi32, #tpu.memory_space<vmem>>
        %dma_wait3A_279 = arith.constant 0 : i32
        %dma_wait3A_280 = arith.constant 0 : i32
        %dma_wait3A_281 = tpu.memref_slice %arg2[%dma_wait3A_279, %dma_wait3A_280] : memref<10240x128xf32, #tpu.memory_space<hbm>> -> memref<10240x128xf32, #tpu.memory_space<hbm>>
        tpu.wait_indirect_dma semaphore(%arg8 : memref<!tpu.dma_semaphore, #tpu.memory_space<semaphore_mem>>) src(%dma_wait3A_281 : memref<10240x128xf32, #tpu.memory_space<hbm>>) dst(%run_scoped3A_3 : memref<128x128xf32, #tpu.memory_space<vmem>>)
        %dma_start3A_282 = arith.constant 7 : i32
        %dma_start3A_283 = arith.constant 0 : i32
        %dma_start3A_284 = tpu.memref_slice %run_scoped3A_1[%dma_start3A_282, %dma_start3A_283] : memref<8x128xi32, #tpu.memory_space<vmem>> -> memref<1x128xi32, #tpu.memory_space<vmem>>
        %dma_start3A_285 = tpu.memref_squeeze %dma_start3A_284 : memref<1x128xi32, #tpu.memory_space<vmem>> -> memref<128xi32, #tpu.memory_space<vmem>>
        %dma_start3A_286 = arith.constant 0 : i32
        %dma_start3A_287 = arith.constant 0 : i32
        %dma_start3A_288 = tpu.memref_slice %arg2[%dma_start3A_286, %dma_start3A_287] : memref<10240x128xf32, #tpu.memory_space<hbm>> -> memref<10240x128xf32, #tpu.memory_space<hbm>>
        tpu.enqueue_indirect_dma source(%dma_start3A_288 : memref<10240x128xf32, #tpu.memory_space<hbm>>) target(%run_scoped3A_4 : memref<128x128xf32, #tpu.memory_space<vmem>>) offsets(%dma_start3A_285 : memref<128xi32, #tpu.memory_space<vmem>>) semaphore(%arg8 : memref<!tpu.dma_semaphore, #tpu.memory_space<semaphore_mem>>)
        %run_scoped3A_289 = arith.constant 6 : i32
        "tpu.region"() ({
          %run_scoped3A_301 = tpu.sem_alloc : memref<!tpu.dma_semaphore, #tpu.memory_space<semaphore_mem>>
          %dma_start3A_302 = arith.constant 0 : i32
          %dma_start3A_303 = tpu.memref_slice %run_scoped3A_2[%run_scoped3A_289, %dma_start3A_302] : memref<8x128xi32, #tpu.memory_space<vmem>> -> memref<1x128xi32, #tpu.memory_space<vmem>>
          %dma_start3A_304 = tpu.memref_squeeze %dma_start3A_303 : memref<1x128xi32, #tpu.memory_space<vmem>> -> memref<128xi32, #tpu.memory_space<vmem>>
          %dma_start3A_305 = arith.constant 0 : i32
          %dma_start3A_306 = arith.constant 0 : i32
          %dma_start3A_307 = tpu.memref_slice %arg7[%dma_start3A_305, %dma_start3A_306] : memref<10240x128xf32, #tpu.memory_space<vmem_shared>> -> memref<10240x128xf32, #tpu.memory_space<vmem_shared>>
          tpu.enqueue_indirect_dma source(%run_scoped3A_3 : memref<128x128xf32, #tpu.memory_space<vmem>>) target(%dma_start3A_307 : memref<10240x128xf32, #tpu.memory_space<vmem_shared>>) offsets(%dma_start3A_304 : memref<128xi32, #tpu.memory_space<vmem>>) semaphore(%run_scoped3A_301 : memref<!tpu.dma_semaphore, #tpu.memory_space<semaphore_mem>>) {add = true}
          %dma_wait3A_308 = arith.constant 0 : i32
          %dma_wait3A_309 = tpu.memref_slice %run_scoped3A_2[%run_scoped3A_289, %dma_wait3A_308] : memref<8x128xi32, #tpu.memory_space<vmem>> -> memref<1x128xi32, #tpu.memory_space<vmem>>
          %dma_wait3A_310 = tpu.memref_squeeze %dma_wait3A_309 : memref<1x128xi32, #tpu.memory_space<vmem>> -> memref<128xi32, #tpu.memory_space<vmem>>
          %dma_wait3A_311 = arith.constant 0 : i32
          %dma_wait3A_312 = arith.constant 0 : i32
          %dma_wait3A_313 = tpu.memref_slice %arg7[%dma_wait3A_311, %dma_wait3A_312] : memref<10240x128xf32, #tpu.memory_space<vmem_shared>> -> memref<10240x128xf32, #tpu.memory_space<vmem_shared>>
          tpu.wait_indirect_dma semaphore(%run_scoped3A_301 : memref<!tpu.dma_semaphore, #tpu.memory_space<semaphore_mem>>) src(%run_scoped3A_3 : memref<128x128xf32, #tpu.memory_space<vmem>>) dst(%dma_wait3A_313 : memref<10240x128xf32, #tpu.memory_space<vmem_shared>>)
          tpu.yield
        }) : () -> ()
        %dma_wait3A_290 = arith.constant 7 : i32
        %dma_wait3A_291 = arith.constant 0 : i32
        %dma_wait3A_292 = tpu.memref_slice %run_scoped3A_1[%dma_wait3A_290, %dma_wait3A_291] : memref<8x128xi32, #tpu.memory_space<vmem>> -> memref<1x128xi32, #tpu.memory_space<vmem>>
        %dma_wait3A_293 = tpu.memref_squeeze %dma_wait3A_292 : memref<1x128xi32, #tpu.memory_space<vmem>> -> memref<128xi32, #tpu.memory_space<vmem>>
        %dma_wait3A_294 = arith.constant 0 : i32
        %dma_wait3A_295 = arith.constant 0 : i32
        %dma_wait3A_296 = tpu.memref_slice %arg2[%dma_wait3A_294, %dma_wait3A_295] : memref<10240x128xf32, #tpu.memory_space<hbm>> -> memref<10240x128xf32, #tpu.memory_space<hbm>>
        tpu.wait_indirect_dma semaphore(%arg8 : memref<!tpu.dma_semaphore, #tpu.memory_space<semaphore_mem>>) src(%dma_wait3A_296 : memref<10240x128xf32, #tpu.memory_space<hbm>>) dst(%run_scoped3A_4 : memref<128x128xf32, #tpu.memory_space<vmem>>)
        %convert_element_type3A_297 = arith.extui %lt3A : i1 to i32
        %cond3A_298 = arith.constant 0 : i32
        %cond3A_299 = arith.cmpi ne, %convert_element_type3A_297, %cond3A_298 : i32
        scf.if %cond3A_299 {
          %dma_wait3A_301 = arith.constant 0 : i32
          %dma_wait3A_302 = tpu.memref_slice %arg3[%add3A_47, %dma_wait3A_301] : memref<2560x128xi32, #tpu.memory_space<hbm>> -> memref<8x128xi32, #tpu.memory_space<hbm>>
          %dma_wait3A_303 = arith.constant 0 : i32
          %dma_wait3A_304 = tpu.memref_slice %arg3[%add3A_47, %dma_wait3A_303] : memref<2560x128xi32, #tpu.memory_space<hbm>> -> memref<8x128xi32, #tpu.memory_space<hbm>>
          tpu.wait_dma2 semaphore(%arg9 : memref<!tpu.dma_semaphore, #tpu.memory_space<semaphore_mem>>) src(%dma_wait3A_304 : memref<8x128xi32, #tpu.memory_space<hbm>>) dst(%run_scoped3A : memref<8x128xi32, #tpu.memory_space<vmem>>)
          %dma_wait3A_305 = arith.constant 0 : i32
          %dma_wait3A_306 = tpu.memref_slice %arg4[%add3A_47, %dma_wait3A_305] : memref<2560x128xi32, #tpu.memory_space<hbm>> -> memref<8x128xi32, #tpu.memory_space<hbm>>
          %dma_wait3A_307 = arith.constant 0 : i32
          %dma_wait3A_308 = tpu.memref_slice %arg4[%add3A_47, %dma_wait3A_307] : memref<2560x128xi32, #tpu.memory_space<hbm>> -> memref<8x128xi32, #tpu.memory_space<hbm>>
          tpu.wait_dma2 semaphore(%arg9 : memref<!tpu.dma_semaphore, #tpu.memory_space<semaphore_mem>>) src(%dma_wait3A_308 : memref<8x128xi32, #tpu.memory_space<hbm>>) dst(%run_scoped3A_0 : memref<8x128xi32, #tpu.memory_space<vmem>>)
          %dma_start3A_309 = arith.constant 0 : i32
          %dma_start3A_310 = arith.constant 0 : i32
          %dma_start3A_311 = tpu.memref_slice %run_scoped3A[%dma_start3A_309, %dma_start3A_310] : memref<8x128xi32, #tpu.memory_space<vmem>> -> memref<1x128xi32, #tpu.memory_space<vmem>>
          %dma_start3A_312 = tpu.memref_squeeze %dma_start3A_311 : memref<1x128xi32, #tpu.memory_space<vmem>> -> memref<128xi32, #tpu.memory_space<vmem>>
          %dma_start3A_313 = arith.constant 0 : i32
          %dma_start3A_314 = arith.constant 0 : i32
          %dma_start3A_315 = tpu.memref_slice %arg2[%dma_start3A_313, %dma_start3A_314] : memref<10240x128xf32, #tpu.memory_space<hbm>> -> memref<10240x128xf32, #tpu.memory_space<hbm>>
          tpu.enqueue_indirect_dma source(%dma_start3A_315 : memref<10240x128xf32, #tpu.memory_space<hbm>>) target(%run_scoped3A_3 : memref<128x128xf32, #tpu.memory_space<vmem>>) offsets(%dma_start3A_312 : memref<128xi32, #tpu.memory_space<vmem>>) semaphore(%arg8 : memref<!tpu.dma_semaphore, #tpu.memory_space<semaphore_mem>>)
        } else {
        }
        %run_scoped3A_300 = arith.constant 7 : i32
        "tpu.region"() ({
          %run_scoped3A_301 = tpu.sem_alloc : memref<!tpu.dma_semaphore, #tpu.memory_space<semaphore_mem>>
          %dma_start3A_302 = arith.constant 0 : i32
          %dma_start3A_303 = tpu.memref_slice %run_scoped3A_2[%run_scoped3A_300, %dma_start3A_302] : memref<8x128xi32, #tpu.memory_space<vmem>> -> memref<1x128xi32, #tpu.memory_space<vmem>>
          %dma_start3A_304 = tpu.memref_squeeze %dma_start3A_303 : memref<1x128xi32, #tpu.memory_space<vmem>> -> memref<128xi32, #tpu.memory_space<vmem>>
          %dma_start3A_305 = arith.constant 0 : i32
          %dma_start3A_306 = arith.constant 0 : i32
          %dma_start3A_307 = tpu.memref_slice %arg7[%dma_start3A_305, %dma_start3A_306] : memref<10240x128xf32, #tpu.memory_space<vmem_shared>> -> memref<10240x128xf32, #tpu.memory_space<vmem_shared>>
          tpu.enqueue_indirect_dma source(%run_scoped3A_4 : memref<128x128xf32, #tpu.memory_space<vmem>>) target(%dma_start3A_307 : memref<10240x128xf32, #tpu.memory_space<vmem_shared>>) offsets(%dma_start3A_304 : memref<128xi32, #tpu.memory_space<vmem>>) semaphore(%run_scoped3A_301 : memref<!tpu.dma_semaphore, #tpu.memory_space<semaphore_mem>>) {add = true}
          %dma_wait3A_308 = arith.constant 0 : i32
          %dma_wait3A_309 = tpu.memref_slice %run_scoped3A_2[%run_scoped3A_300, %dma_wait3A_308] : memref<8x128xi32, #tpu.memory_space<vmem>> -> memref<1x128xi32, #tpu.memory_space<vmem>>
          %dma_wait3A_310 = tpu.memref_squeeze %dma_wait3A_309 : memref<1x128xi32, #tpu.memory_space<vmem>> -> memref<128xi32, #tpu.memory_space<vmem>>
          %dma_wait3A_311 = arith.constant 0 : i32
          %dma_wait3A_312 = arith.constant 0 : i32
          %dma_wait3A_313 = tpu.memref_slice %arg7[%dma_wait3A_311, %dma_wait3A_312] : memref<10240x128xf32, #tpu.memory_space<vmem_shared>> -> memref<10240x128xf32, #tpu.memory_space<vmem_shared>>
          tpu.wait_indirect_dma semaphore(%run_scoped3A_301 : memref<!tpu.dma_semaphore, #tpu.memory_space<semaphore_mem>>) src(%run_scoped3A_4 : memref<128x128xf32, #tpu.memory_space<vmem>>) dst(%dma_wait3A_313 : memref<10240x128xf32, #tpu.memory_space<vmem_shared>>)
          tpu.yield
        }) : () -> ()
      }
      %while3A_32 = arith.constant 1 : i32
      scf.for %while3A_38 = %while3A_30 to %while3A_26 step %while3A_32  : i32 {
        %mul3A_39 = arith.constant 2 : i32
        %mul3A_40 = arith.muli %while3A_38, %mul3A_39 : i32
        %mul3A_41 = arith.constant 8 : i32
        %mul3A_42 = arith.muli %mul3A_40, %mul3A_41 : i32
        %add3A_43 = arith.addi %select_n3A_13, %mul3A_42 : i32
        %add3A_44 = arith.constant 8 : i32
        %add3A_45 = arith.addi %add3A_43, %add3A_44 : i32
        %add3A_46 = arith.constant 8 : i32
        %add3A_47 = arith.addi %add3A_45, %add3A_46 : i32
        %sub3A = arith.constant 1 : i32
        %sub3A_48 = arith.subi %select_n3A, %sub3A : i32
        %lt3A = arith.cmpi slt, %while3A_38, %sub3A_48 : i32
        %dma_wait3A = arith.constant 0 : i32
        %dma_wait3A_49 = arith.constant 0 : i32
        %dma_wait3A_50 = tpu.memref_slice %run_scoped3A[%dma_wait3A, %dma_wait3A_49] : memref<8x128xi32, #tpu.memory_space<vmem>> -> memref<1x128xi32, #tpu.memory_space<vmem>>
        %dma_wait3A_51 = tpu.memref_squeeze %dma_wait3A_50 : memref<1x128xi32, #tpu.memory_space<vmem>> -> memref<128xi32, #tpu.memory_space<vmem>>
        %dma_wait3A_52 = arith.constant 0 : i32
        %dma_wait3A_53 = arith.constant 0 : i32
        %dma_wait3A_54 = tpu.memref_slice %arg2[%dma_wait3A_52, %dma_wait3A_53] : memref<10240x128xf32, #tpu.memory_space<hbm>> -> memref<10240x128xf32, #tpu.memory_space<hbm>>
        tpu.wait_indirect_dma semaphore(%arg8 : memref<!tpu.dma_semaphore, #tpu.memory_space<semaphore_mem>>) src(%dma_wait3A_54 : memref<10240x128xf32, #tpu.memory_space<hbm>>) dst(%run_scoped3A_3 : memref<128x128xf32, #tpu.memory_space<vmem>>)
        %dma_start3A_55 = arith.constant 0 : i32
        %dma_start3A_56 = tpu.memref_slice %arg3[%add3A_45, %dma_start3A_55] : memref<2560x128xi32, #tpu.memory_space<hbm>> -> memref<8x128xi32, #tpu.memory_space<hbm>>
        %dma_start3A_57 = arith.constant 0 : i32
        %dma_start3A_58 = tpu.memref_slice %arg3[%add3A_45, %dma_start3A_57] : memref<2560x128xi32, #tpu.memory_space<hbm>> -> memref<8x128xi32, #tpu.memory_space<hbm>>
        tpu.enqueue_dma source(%dma_start3A_58 : memref<8x128xi32, #tpu.memory_space<hbm>>) target(%run_scoped3A_1 : memref<8x128xi32, #tpu.memory_space<vmem>>) target_semaphore(%arg9 : memref<!tpu.dma_semaphore, #tpu.memory_space<semaphore_mem>>)
        %dma_start3A_59 = arith.constant 0 : i32
        %dma_start3A_60 = tpu.memref_slice %arg4[%add3A_45, %dma_start3A_59] : memref<2560x128xi32, #tpu.memory_space<hbm>> -> memref<8x128xi32, #tpu.memory_space<hbm>>
        %dma_start3A_61 = arith.constant 0 : i32
        %dma_start3A_62 = tpu.memref_slice %arg4[%add3A_45, %dma_start3A_61] : memref<2560x128xi32, #tpu.memory_space<hbm>> -> memref<8x128xi32, #tpu.memory_space<hbm>>
        tpu.enqueue_dma source(%dma_start3A_62 : memref<8x128xi32, #tpu.memory_space<hbm>>) target(%run_scoped3A_2 : memref<8x128xi32, #tpu.memory_space<vmem>>) target_semaphore(%arg9 : memref<!tpu.dma_semaphore, #tpu.memory_space<semaphore_mem>>)
        %dma_start3A_63 = arith.constant 1 : i32
        %dma_start3A_64 = arith.constant 0 : i32
        %dma_start3A_65 = tpu.memref_slice %run_scoped3A[%dma_start3A_63, %dma_start3A_64] : memref<8x128xi32, #tpu.memory_space<vmem>> -> memref<1x128xi32, #tpu.memory_space<vmem>>
        %dma_start3A_66 = tpu.memref_squeeze %dma_start3A_65 : memref<1x128xi32, #tpu.memory_space<vmem>> -> memref<128xi32, #tpu.memory_space<vmem>>
        %dma_start3A_67 = arith.constant 0 : i32
        %dma_start3A_68 = arith.constant 0 : i32
        %dma_start3A_69 = tpu.memref_slice %arg2[%dma_start3A_67, %dma_start3A_68] : memref<10240x128xf32, #tpu.memory_space<hbm>> -> memref<10240x128xf32, #tpu.memory_space<hbm>>
        tpu.enqueue_indirect_dma source(%dma_start3A_69 : memref<10240x128xf32, #tpu.memory_space<hbm>>) target(%run_scoped3A_4 : memref<128x128xf32, #tpu.memory_space<vmem>>) offsets(%dma_start3A_66 : memref<128xi32, #tpu.memory_space<vmem>>) semaphore(%arg8 : memref<!tpu.dma_semaphore, #tpu.memory_space<semaphore_mem>>)
        %run_scoped3A_70 = arith.constant 0 : i32
        "tpu.region"() ({
          %run_scoped3A_301 = tpu.sem_alloc : memref<!tpu.dma_semaphore, #tpu.memory_space<semaphore_mem>>
          %dma_start3A_302 = arith.constant 0 : i32
          %dma_start3A_303 = tpu.memref_slice %run_scoped3A_0[%run_scoped3A_70, %dma_start3A_302] : memref<8x128xi32, #tpu.memory_space<vmem>> -> memref<1x128xi32, #tpu.memory_space<vmem>>
          %dma_start3A_304 = tpu.memref_squeeze %dma_start3A_303 : memref<1x128xi32, #tpu.memory_space<vmem>> -> memref<128xi32, #tpu.memory_space<vmem>>
          %dma_start3A_305 = arith.constant 0 : i32
          %dma_start3A_306 = arith.constant 0 : i32
          %dma_start3A_307 = tpu.memref_slice %arg7[%dma_start3A_305, %dma_start3A_306] : memref<10240x128xf32, #tpu.memory_space<vmem_shared>> -> memref<10240x128xf32, #tpu.memory_space<vmem_shared>>
          tpu.enqueue_indirect_dma source(%run_scoped3A_3 : memref<128x128xf32, #tpu.memory_space<vmem>>) target(%dma_start3A_307 : memref<10240x128xf32, #tpu.memory_space<vmem_shared>>) offsets(%dma_start3A_304 : memref<128xi32, #tpu.memory_space<vmem>>) semaphore(%run_scoped3A_301 : memref<!tpu.dma_semaphore, #tpu.memory_space<semaphore_mem>>) {add = true}
          %dma_wait3A_308 = arith.constant 0 : i32
          %dma_wait3A_309 = tpu.memref_slice %run_scoped3A_0[%run_scoped3A_70, %dma_wait3A_308] : memref<8x128xi32, #tpu.memory_space<vmem>> -> memref<1x128xi32, #tpu.memory_space<vmem>>
          %dma_wait3A_310 = tpu.memref_squeeze %dma_wait3A_309 : memref<1x128xi32, #tpu.memory_space<vmem>> -> memref<128xi32, #tpu.memory_space<vmem>>
          %dma_wait3A_311 = arith.constant 0 : i32
          %dma_wait3A_312 = arith.constant 0 : i32
          %dma_wait3A_313 = tpu.memref_slice %arg7[%dma_wait3A_311, %dma_wait3A_312] : memref<10240x128xf32, #tpu.memory_space<vmem_shared>> -> memref<10240x128xf32, #tpu.memory_space<vmem_shared>>
          tpu.wait_indirect_dma semaphore(%run_scoped3A_301 : memref<!tpu.dma_semaphore, #tpu.memory_space<semaphore_mem>>) src(%run_scoped3A_3 : memref<128x128xf32, #tpu.memory_space<vmem>>) dst(%dma_wait3A_313 : memref<10240x128xf32, #tpu.memory_space<vmem_shared>>)
          tpu.yield
        }) : () -> ()
        %dma_wait3A_71 = arith.constant 1 : i32
        %dma_wait3A_72 = arith.constant 0 : i32
        %dma_wait3A_73 = tpu.memref_slice %run_scoped3A[%dma_wait3A_71, %dma_wait3A_72] : memref<8x128xi32, #tpu.memory_space<vmem>> -> memref<1x128xi32, #tpu.memory_space<vmem>>
        %dma_wait3A_74 = tpu.memref_squeeze %dma_wait3A_73 : memref<1x128xi32, #tpu.memory_space<vmem>> -> memref<128xi32, #tpu.memory_space<vmem>>
        %dma_wait3A_75 = arith.constant 0 : i32
        %dma_wait3A_76 = arith.constant 0 : i32
        %dma_wait3A_77 = tpu.memref_slice %arg2[%dma_wait3A_75, %dma_wait3A_76] : memref<10240x128xf32, #tpu.memory_space<hbm>> -> memref<10240x128xf32, #tpu.memory_space<hbm>>
        tpu.wait_indirect_dma semaphore(%arg8 : memref<!tpu.dma_semaphore, #tpu.memory_space<semaphore_mem>>) src(%dma_wait3A_77 : memref<10240x128xf32, #tpu.memory_space<hbm>>) dst(%run_scoped3A_4 : memref<128x128xf32, #tpu.memory_space<vmem>>)
        %dma_start3A_78 = arith.constant 2 : i32
        %dma_start3A_79 = arith.constant 0 : i32
        %dma_start3A_80 = tpu.memref_slice %run_scoped3A[%dma_start3A_78, %dma_start3A_79] : memref<8x128xi32, #tpu.memory_space<vmem>> -> memref<1x128xi32, #tpu.memory_space<vmem>>
        %dma_start3A_81 = tpu.memref_squeeze %dma_start3A_80 : memref<1x128xi32, #tpu.memory_space<vmem>> -> memref<128xi32, #tpu.memory_space<vmem>>
        %dma_start3A_82 = arith.constant 0 : i32
        %dma_start3A_83 = arith.constant 0 : i32
        %dma_start3A_84 = tpu.memref_slice %arg2[%dma_start3A_82, %dma_start3A_83] : memref<10240x128xf32, #tpu.memory_space<hbm>> -> memref<10240x128xf32, #tpu.memory_space<hbm>>
        tpu.enqueue_indirect_dma source(%dma_start3A_84 : memref<10240x128xf32, #tpu.memory_space<hbm>>) target(%run_scoped3A_3 : memref<128x128xf32, #tpu.memory_space<vmem>>) offsets(%dma_start3A_81 : memref<128xi32, #tpu.memory_space<vmem>>) semaphore(%arg8 : memref<!tpu.dma_semaphore, #tpu.memory_space<semaphore_mem>>)
        %run_scoped3A_85 = arith.constant 1 : i32
        "tpu.region"() ({
          %run_scoped3A_301 = tpu.sem_alloc : memref<!tpu.dma_semaphore, #tpu.memory_space<semaphore_mem>>
          %dma_start3A_302 = arith.constant 0 : i32
          %dma_start3A_303 = tpu.memref_slice %run_scoped3A_0[%run_scoped3A_85, %dma_start3A_302] : memref<8x128xi32, #tpu.memory_space<vmem>> -> memref<1x128xi32, #tpu.memory_space<vmem>>
          %dma_start3A_304 = tpu.memref_squeeze %dma_start3A_303 : memref<1x128xi32, #tpu.memory_space<vmem>> -> memref<128xi32, #tpu.memory_space<vmem>>
          %dma_start3A_305 = arith.constant 0 : i32
          %dma_start3A_306 = arith.constant 0 : i32
          %dma_start3A_307 = tpu.memref_slice %arg7[%dma_start3A_305, %dma_start3A_306] : memref<10240x128xf32, #tpu.memory_space<vmem_shared>> -> memref<10240x128xf32, #tpu.memory_space<vmem_shared>>
          tpu.enqueue_indirect_dma source(%run_scoped3A_4 : memref<128x128xf32, #tpu.memory_space<vmem>>) target(%dma_start3A_307 : memref<10240x128xf32, #tpu.memory_space<vmem_shared>>) offsets(%dma_start3A_304 : memref<128xi32, #tpu.memory_space<vmem>>) semaphore(%run_scoped3A_301 : memref<!tpu.dma_semaphore, #tpu.memory_space<semaphore_mem>>) {add = true}
          %dma_wait3A_308 = arith.constant 0 : i32
          %dma_wait3A_309 = tpu.memref_slice %run_scoped3A_0[%run_scoped3A_85, %dma_wait3A_308] : memref<8x128xi32, #tpu.memory_space<vmem>> -> memref<1x128xi32, #tpu.memory_space<vmem>>
          %dma_wait3A_310 = tpu.memref_squeeze %dma_wait3A_309 : memref<1x128xi32, #tpu.memory_space<vmem>> -> memref<128xi32, #tpu.memory_space<vmem>>
          %dma_wait3A_311 = arith.constant 0 : i32
          %dma_wait3A_312 = arith.constant 0 : i32
          %dma_wait3A_313 = tpu.memref_slice %arg7[%dma_wait3A_311, %dma_wait3A_312] : memref<10240x128xf32, #tpu.memory_space<vmem_shared>> -> memref<10240x128xf32, #tpu.memory_space<vmem_shared>>
          tpu.wait_indirect_dma semaphore(%run_scoped3A_301 : memref<!tpu.dma_semaphore, #tpu.memory_space<semaphore_mem>>) src(%run_scoped3A_4 : memref<128x128xf32, #tpu.memory_space<vmem>>) dst(%dma_wait3A_313 : memref<10240x128xf32, #tpu.memory_space<vmem_shared>>)
          tpu.yield
        }) : () -> ()
        %dma_wait3A_86 = arith.constant 2 : i32
        %dma_wait3A_87 = arith.constant 0 : i32
        %dma_wait3A_88 = tpu.memref_slice %run_scoped3A[%dma_wait3A_86, %dma_wait3A_87] : memref<8x128xi32, #tpu.memory_space<vmem>> -> memref<1x128xi32, #tpu.memory_space<vmem>>
        %dma_wait3A_89 = tpu.memref_squeeze %dma_wait3A_88 : memref<1x128xi32, #tpu.memory_space<vmem>> -> memref<128xi32, #tpu.memory_space<vmem>>
        %dma_wait3A_90 = arith.constant 0 : i32
        %dma_wait3A_91 = arith.constant 0 : i32
        %dma_wait3A_92 = tpu.memref_slice %arg2[%dma_wait3A_90, %dma_wait3A_91] : memref<10240x128xf32, #tpu.memory_space<hbm>> -> memref<10240x128xf32, #tpu.memory_space<hbm>>
        tpu.wait_indirect_dma semaphore(%arg8 : memref<!tpu.dma_semaphore, #tpu.memory_space<semaphore_mem>>) src(%dma_wait3A_92 : memref<10240x128xf32, #tpu.memory_space<hbm>>) dst(%run_scoped3A_3 : memref<128x128xf32, #tpu.memory_space<vmem>>)
        %dma_start3A_93 = arith.constant 3 : i32
        %dma_start3A_94 = arith.constant 0 : i32
        %dma_start3A_95 = tpu.memref_slice %run_scoped3A[%dma_start3A_93, %dma_start3A_94] : memref<8x128xi32, #tpu.memory_space<vmem>> -> memref<1x128xi32, #tpu.memory_space<vmem>>
        %dma_start3A_96 = tpu.memref_squeeze %dma_start3A_95 : memref<1x128xi32, #tpu.memory_space<vmem>> -> memref<128xi32, #tpu.memory_space<vmem>>
        %dma_start3A_97 = arith.constant 0 : i32
        %dma_start3A_98 = arith.constant 0 : i32
        %dma_start3A_99 = tpu.memref_slice %arg2[%dma_start3A_97, %dma_start3A_98] : memref<10240x128xf32, #tpu.memory_space<hbm>> -> memref<10240x128xf32, #tpu.memory_space<hbm>>
        tpu.enqueue_indirect_dma source(%dma_start3A_99 : memref<10240x128xf32, #tpu.memory_space<hbm>>) target(%run_scoped3A_4 : memref<128x128xf32, #tpu.memory_space<vmem>>) offsets(%dma_start3A_96 : memref<128xi32, #tpu.memory_space<vmem>>) semaphore(%arg8 : memref<!tpu.dma_semaphore, #tpu.memory_space<semaphore_mem>>)
        %run_scoped3A_100 = arith.constant 2 : i32
        "tpu.region"() ({
          %run_scoped3A_301 = tpu.sem_alloc : memref<!tpu.dma_semaphore, #tpu.memory_space<semaphore_mem>>
          %dma_start3A_302 = arith.constant 0 : i32
          %dma_start3A_303 = tpu.memref_slice %run_scoped3A_0[%run_scoped3A_100, %dma_start3A_302] : memref<8x128xi32, #tpu.memory_space<vmem>> -> memref<1x128xi32, #tpu.memory_space<vmem>>
          %dma_start3A_304 = tpu.memref_squeeze %dma_start3A_303 : memref<1x128xi32, #tpu.memory_space<vmem>> -> memref<128xi32, #tpu.memory_space<vmem>>
          %dma_start3A_305 = arith.constant 0 : i32
          %dma_start3A_306 = arith.constant 0 : i32
          %dma_start3A_307 = tpu.memref_slice %arg7[%dma_start3A_305, %dma_start3A_306] : memref<10240x128xf32, #tpu.memory_space<vmem_shared>> -> memref<10240x128xf32, #tpu.memory_space<vmem_shared>>
          tpu.enqueue_indirect_dma source(%run_scoped3A_3 : memref<128x128xf32, #tpu.memory_space<vmem>>) target(%dma_start3A_307 : memref<10240x128xf32, #tpu.memory_space<vmem_shared>>) offsets(%dma_start3A_304 : memref<128xi32, #tpu.memory_space<vmem>>) semaphore(%run_scoped3A_301 : memref<!tpu.dma_semaphore, #tpu.memory_space<semaphore_mem>>) {add = true}
          %dma_wait3A_308 = arith.constant 0 : i32
          %dma_wait3A_309 = tpu.memref_slice %run_scoped3A_0[%run_scoped3A_100, %dma_wait3A_308] : memref<8x128xi32, #tpu.memory_space<vmem>> -> memref<1x128xi32, #tpu.memory_space<vmem>>
          %dma_wait3A_310 = tpu.memref_squeeze %dma_wait3A_309 : memref<1x128xi32, #tpu.memory_space<vmem>> -> memref<128xi32, #tpu.memory_space<vmem>>
          %dma_wait3A_311 = arith.constant 0 : i32
          %dma_wait3A_312 = arith.constant 0 : i32
          %dma_wait3A_313 = tpu.memref_slice %arg7[%dma_wait3A_311, %dma_wait3A_312] : memref<10240x128xf32, #tpu.memory_space<vmem_shared>> -> memref<10240x128xf32, #tpu.memory_space<vmem_shared>>
          tpu.wait_indirect_dma semaphore(%run_scoped3A_301 : memref<!tpu.dma_semaphore, #tpu.memory_space<semaphore_mem>>) src(%run_scoped3A_3 : memref<128x128xf32, #tpu.memory_space<vmem>>) dst(%dma_wait3A_313 : memref<10240x128xf32, #tpu.memory_space<vmem_shared>>)
          tpu.yield
        }) : () -> ()
        %dma_wait3A_101 = arith.constant 3 : i32
        %dma_wait3A_102 = arith.constant 0 : i32
        %dma_wait3A_103 = tpu.memref_slice %run_scoped3A[%dma_wait3A_101, %dma_wait3A_102] : memref<8x128xi32, #tpu.memory_space<vmem>> -> memref<1x128xi32, #tpu.memory_space<vmem>>
        %dma_wait3A_104 = tpu.memref_squeeze %dma_wait3A_103 : memref<1x128xi32, #tpu.memory_space<vmem>> -> memref<128xi32, #tpu.memory_space<vmem>>
        %dma_wait3A_105 = arith.constant 0 : i32
        %dma_wait3A_106 = arith.constant 0 : i32
        %dma_wait3A_107 = tpu.memref_slice %arg2[%dma_wait3A_105, %dma_wait3A_106] : memref<10240x128xf32, #tpu.memory_space<hbm>> -> memref<10240x128xf32, #tpu.memory_space<hbm>>
        tpu.wait_indirect_dma semaphore(%arg8 : memref<!tpu.dma_semaphore, #tpu.memory_space<semaphore_mem>>) src(%dma_wait3A_107 : memref<10240x128xf32, #tpu.memory_space<hbm>>) dst(%run_scoped3A_4 : memref<128x128xf32, #tpu.memory_space<vmem>>)
        %dma_start3A_108 = arith.constant 4 : i32
        %dma_start3A_109 = arith.constant 0 : i32
        %dma_start3A_110 = tpu.memref_slice %run_scoped3A[%dma_start3A_108, %dma_start3A_109] : memref<8x128xi32, #tpu.memory_space<vmem>> -> memref<1x128xi32, #tpu.memory_space<vmem>>
        %dma_start3A_111 = tpu.memref_squeeze %dma_start3A_110 : memref<1x128xi32, #tpu.memory_space<vmem>> -> memref<128xi32, #tpu.memory_space<vmem>>
        %dma_start3A_112 = arith.constant 0 : i32
        %dma_start3A_113 = arith.constant 0 : i32
        %dma_start3A_114 = tpu.memref_slice %arg2[%dma_start3A_112, %dma_start3A_113] : memref<10240x128xf32, #tpu.memory_space<hbm>> -> memref<10240x128xf32, #tpu.memory_space<hbm>>
        tpu.enqueue_indirect_dma source(%dma_start3A_114 : memref<10240x128xf32, #tpu.memory_space<hbm>>) target(%run_scoped3A_3 : memref<128x128xf32, #tpu.memory_space<vmem>>) offsets(%dma_start3A_111 : memref<128xi32, #tpu.memory_space<vmem>>) semaphore(%arg8 : memref<!tpu.dma_semaphore, #tpu.memory_space<semaphore_mem>>)
        %run_scoped3A_115 = arith.constant 3 : i32
        "tpu.region"() ({
          %run_scoped3A_301 = tpu.sem_alloc : memref<!tpu.dma_semaphore, #tpu.memory_space<semaphore_mem>>
          %dma_start3A_302 = arith.constant 0 : i32
          %dma_start3A_303 = tpu.memref_slice %run_scoped3A_0[%run_scoped3A_115, %dma_start3A_302] : memref<8x128xi32, #tpu.memory_space<vmem>> -> memref<1x128xi32, #tpu.memory_space<vmem>>
          %dma_start3A_304 = tpu.memref_squeeze %dma_start3A_303 : memref<1x128xi32, #tpu.memory_space<vmem>> -> memref<128xi32, #tpu.memory_space<vmem>>
          %dma_start3A_305 = arith.constant 0 : i32
          %dma_start3A_306 = arith.constant 0 : i32
          %dma_start3A_307 = tpu.memref_slice %arg7[%dma_start3A_305, %dma_start3A_306] : memref<10240x128xf32, #tpu.memory_space<vmem_shared>> -> memref<10240x128xf32, #tpu.memory_space<vmem_shared>>
          tpu.enqueue_indirect_dma source(%run_scoped3A_4 : memref<128x128xf32, #tpu.memory_space<vmem>>) target(%dma_start3A_307 : memref<10240x128xf32, #tpu.memory_space<vmem_shared>>) offsets(%dma_start3A_304 : memref<128xi32, #tpu.memory_space<vmem>>) semaphore(%run_scoped3A_301 : memref<!tpu.dma_semaphore, #tpu.memory_space<semaphore_mem>>) {add = true}
          %dma_wait3A_308 = arith.constant 0 : i32
          %dma_wait3A_309 = tpu.memref_slice %run_scoped3A_0[%run_scoped3A_115, %dma_wait3A_308] : memref<8x128xi32, #tpu.memory_space<vmem>> -> memref<1x128xi32, #tpu.memory_space<vmem>>
          %dma_wait3A_310 = tpu.memref_squeeze %dma_wait3A_309 : memref<1x128xi32, #tpu.memory_space<vmem>> -> memref<128xi32, #tpu.memory_space<vmem>>
          %dma_wait3A_311 = arith.constant 0 : i32
          %dma_wait3A_312 = arith.constant 0 : i32
          %dma_wait3A_313 = tpu.memref_slice %arg7[%dma_wait3A_311, %dma_wait3A_312] : memref<10240x128xf32, #tpu.memory_space<vmem_shared>> -> memref<10240x128xf32, #tpu.memory_space<vmem_shared>>
          tpu.wait_indirect_dma semaphore(%run_scoped3A_301 : memref<!tpu.dma_semaphore, #tpu.memory_space<semaphore_mem>>) src(%run_scoped3A_4 : memref<128x128xf32, #tpu.memory_space<vmem>>) dst(%dma_wait3A_313 : memref<10240x128xf32, #tpu.memory_space<vmem_shared>>)
          tpu.yield
        }) : () -> ()
        %dma_wait3A_116 = arith.constant 4 : i32
        %dma_wait3A_117 = arith.constant 0 : i32
        %dma_wait3A_118 = tpu.memref_slice %run_scoped3A[%dma_wait3A_116, %dma_wait3A_117] : memref<8x128xi32, #tpu.memory_space<vmem>> -> memref<1x128xi32, #tpu.memory_space<vmem>>
        %dma_wait3A_119 = tpu.memref_squeeze %dma_wait3A_118 : memref<1x128xi32, #tpu.memory_space<vmem>> -> memref<128xi32, #tpu.memory_space<vmem>>
        %dma_wait3A_120 = arith.constant 0 : i32
        %dma_wait3A_121 = arith.constant 0 : i32
        %dma_wait3A_122 = tpu.memref_slice %arg2[%dma_wait3A_120, %dma_wait3A_121] : memref<10240x128xf32, #tpu.memory_space<hbm>> -> memref<10240x128xf32, #tpu.memory_space<hbm>>
        tpu.wait_indirect_dma semaphore(%arg8 : memref<!tpu.dma_semaphore, #tpu.memory_space<semaphore_mem>>) src(%dma_wait3A_122 : memref<10240x128xf32, #tpu.memory_space<hbm>>) dst(%run_scoped3A_3 : memref<128x128xf32, #tpu.memory_space<vmem>>)
        %dma_start3A_123 = arith.constant 5 : i32
        %dma_start3A_124 = arith.constant 0 : i32
        %dma_start3A_125 = tpu.memref_slice %run_scoped3A[%dma_start3A_123, %dma_start3A_124] : memref<8x128xi32, #tpu.memory_space<vmem>> -> memref<1x128xi32, #tpu.memory_space<vmem>>
        %dma_start3A_126 = tpu.memref_squeeze %dma_start3A_125 : memref<1x128xi32, #tpu.memory_space<vmem>> -> memref<128xi32, #tpu.memory_space<vmem>>
        %dma_start3A_127 = arith.constant 0 : i32
        %dma_start3A_128 = arith.constant 0 : i32
        %dma_start3A_129 = tpu.memref_slice %arg2[%dma_start3A_127, %dma_start3A_128] : memref<10240x128xf32, #tpu.memory_space<hbm>> -> memref<10240x128xf32, #tpu.memory_space<hbm>>
        tpu.enqueue_indirect_dma source(%dma_start3A_129 : memref<10240x128xf32, #tpu.memory_space<hbm>>) target(%run_scoped3A_4 : memref<128x128xf32, #tpu.memory_space<vmem>>) offsets(%dma_start3A_126 : memref<128xi32, #tpu.memory_space<vmem>>) semaphore(%arg8 : memref<!tpu.dma_semaphore, #tpu.memory_space<semaphore_mem>>)
        %run_scoped3A_130 = arith.constant 4 : i32
        "tpu.region"() ({
          %run_scoped3A_301 = tpu.sem_alloc : memref<!tpu.dma_semaphore, #tpu.memory_space<semaphore_mem>>
          %dma_start3A_302 = arith.constant 0 : i32
          %dma_start3A_303 = tpu.memref_slice %run_scoped3A_0[%run_scoped3A_130, %dma_start3A_302] : memref<8x128xi32, #tpu.memory_space<vmem>> -> memref<1x128xi32, #tpu.memory_space<vmem>>
          %dma_start3A_304 = tpu.memref_squeeze %dma_start3A_303 : memref<1x128xi32, #tpu.memory_space<vmem>> -> memref<128xi32, #tpu.memory_space<vmem>>
          %dma_start3A_305 = arith.constant 0 : i32
          %dma_start3A_306 = arith.constant 0 : i32
          %dma_start3A_307 = tpu.memref_slice %arg7[%dma_start3A_305, %dma_start3A_306] : memref<10240x128xf32, #tpu.memory_space<vmem_shared>> -> memref<10240x128xf32, #tpu.memory_space<vmem_shared>>
          tpu.enqueue_indirect_dma source(%run_scoped3A_3 : memref<128x128xf32, #tpu.memory_space<vmem>>) target(%dma_start3A_307 : memref<10240x128xf32, #tpu.memory_space<vmem_shared>>) offsets(%dma_start3A_304 : memref<128xi32, #tpu.memory_space<vmem>>) semaphore(%run_scoped3A_301 : memref<!tpu.dma_semaphore, #tpu.memory_space<semaphore_mem>>) {add = true}
          %dma_wait3A_308 = arith.constant 0 : i32
          %dma_wait3A_309 = tpu.memref_slice %run_scoped3A_0[%run_scoped3A_130, %dma_wait3A_308] : memref<8x128xi32, #tpu.memory_space<vmem>> -> memref<1x128xi32, #tpu.memory_space<vmem>>
          %dma_wait3A_310 = tpu.memref_squeeze %dma_wait3A_309 : memref<1x128xi32, #tpu.memory_space<vmem>> -> memref<128xi32, #tpu.memory_space<vmem>>
          %dma_wait3A_311 = arith.constant 0 : i32
          %dma_wait3A_312 = arith.constant 0 : i32
          %dma_wait3A_313 = tpu.memref_slice %arg7[%dma_wait3A_311, %dma_wait3A_312] : memref<10240x128xf32, #tpu.memory_space<vmem_shared>> -> memref<10240x128xf32, #tpu.memory_space<vmem_shared>>
          tpu.wait_indirect_dma semaphore(%run_scoped3A_301 : memref<!tpu.dma_semaphore, #tpu.memory_space<semaphore_mem>>) src(%run_scoped3A_3 : memref<128x128xf32, #tpu.memory_space<vmem>>) dst(%dma_wait3A_313 : memref<10240x128xf32, #tpu.memory_space<vmem_shared>>)
          tpu.yield
        }) : () -> ()
        %dma_wait3A_131 = arith.constant 5 : i32
        %dma_wait3A_132 = arith.constant 0 : i32
        %dma_wait3A_133 = tpu.memref_slice %run_scoped3A[%dma_wait3A_131, %dma_wait3A_132] : memref<8x128xi32, #tpu.memory_space<vmem>> -> memref<1x128xi32, #tpu.memory_space<vmem>>
        %dma_wait3A_134 = tpu.memref_squeeze %dma_wait3A_133 : memref<1x128xi32, #tpu.memory_space<vmem>> -> memref<128xi32, #tpu.memory_space<vmem>>
        %dma_wait3A_135 = arith.constant 0 : i32
        %dma_wait3A_136 = arith.constant 0 : i32
        %dma_wait3A_137 = tpu.memref_slice %arg2[%dma_wait3A_135, %dma_wait3A_136] : memref<10240x128xf32, #tpu.memory_space<hbm>> -> memref<10240x128xf32, #tpu.memory_space<hbm>>
        tpu.wait_indirect_dma semaphore(%arg8 : memref<!tpu.dma_semaphore, #tpu.memory_space<semaphore_mem>>) src(%dma_wait3A_137 : memref<10240x128xf32, #tpu.memory_space<hbm>>) dst(%run_scoped3A_4 : memref<128x128xf32, #tpu.memory_space<vmem>>)
        %dma_start3A_138 = arith.constant 6 : i32
        %dma_start3A_139 = arith.constant 0 : i32
        %dma_start3A_140 = tpu.memref_slice %run_scoped3A[%dma_start3A_138, %dma_start3A_139] : memref<8x128xi32, #tpu.memory_space<vmem>> -> memref<1x128xi32, #tpu.memory_space<vmem>>
        %dma_start3A_141 = tpu.memref_squeeze %dma_start3A_140 : memref<1x128xi32, #tpu.memory_space<vmem>> -> memref<128xi32, #tpu.memory_space<vmem>>
        %dma_start3A_142 = arith.constant 0 : i32
        %dma_start3A_143 = arith.constant 0 : i32
        %dma_start3A_144 = tpu.memref_slice %arg2[%dma_start3A_142, %dma_start3A_143] : memref<10240x128xf32, #tpu.memory_space<hbm>> -> memref<10240x128xf32, #tpu.memory_space<hbm>>
        tpu.enqueue_indirect_dma source(%dma_start3A_144 : memref<10240x128xf32, #tpu.memory_space<hbm>>) target(%run_scoped3A_3 : memref<128x128xf32, #tpu.memory_space<vmem>>) offsets(%dma_start3A_141 : memref<128xi32, #tpu.memory_space<vmem>>) semaphore(%arg8 : memref<!tpu.dma_semaphore, #tpu.memory_space<semaphore_mem>>)
        %run_scoped3A_145 = arith.constant 5 : i32
        "tpu.region"() ({
          %run_scoped3A_301 = tpu.sem_alloc : memref<!tpu.dma_semaphore, #tpu.memory_space<semaphore_mem>>
          %dma_start3A_302 = arith.constant 0 : i32
          %dma_start3A_303 = tpu.memref_slice %run_scoped3A_0[%run_scoped3A_145, %dma_start3A_302] : memref<8x128xi32, #tpu.memory_space<vmem>> -> memref<1x128xi32, #tpu.memory_space<vmem>>
          %dma_start3A_304 = tpu.memref_squeeze %dma_start3A_303 : memref<1x128xi32, #tpu.memory_space<vmem>> -> memref<128xi32, #tpu.memory_space<vmem>>
          %dma_start3A_305 = arith.constant 0 : i32
          %dma_start3A_306 = arith.constant 0 : i32
          %dma_start3A_307 = tpu.memref_slice %arg7[%dma_start3A_305, %dma_start3A_306] : memref<10240x128xf32, #tpu.memory_space<vmem_shared>> -> memref<10240x128xf32, #tpu.memory_space<vmem_shared>>
          tpu.enqueue_indirect_dma source(%run_scoped3A_4 : memref<128x128xf32, #tpu.memory_space<vmem>>) target(%dma_start3A_307 : memref<10240x128xf32, #tpu.memory_space<vmem_shared>>) offsets(%dma_start3A_304 : memref<128xi32, #tpu.memory_space<vmem>>) semaphore(%run_scoped3A_301 : memref<!tpu.dma_semaphore, #tpu.memory_space<semaphore_mem>>) {add = true}
          %dma_wait3A_308 = arith.constant 0 : i32
          %dma_wait3A_309 = tpu.memref_slice %run_scoped3A_0[%run_scoped3A_145, %dma_wait3A_308] : memref<8x128xi32, #tpu.memory_space<vmem>> -> memref<1x128xi32, #tpu.memory_space<vmem>>
          %dma_wait3A_310 = tpu.memref_squeeze %dma_wait3A_309 : memref<1x128xi32, #tpu.memory_space<vmem>> -> memref<128xi32, #tpu.memory_space<vmem>>
          %dma_wait3A_311 = arith.constant 0 : i32
          %dma_wait3A_312 = arith.constant 0 : i32
          %dma_wait3A_313 = tpu.memref_slice %arg7[%dma_wait3A_311, %dma_wait3A_312] : memref<10240x128xf32, #tpu.memory_space<vmem_shared>> -> memref<10240x128xf32, #tpu.memory_space<vmem_shared>>
          tpu.wait_indirect_dma semaphore(%run_scoped3A_301 : memref<!tpu.dma_semaphore, #tpu.memory_space<semaphore_mem>>) src(%run_scoped3A_4 : memref<128x128xf32, #tpu.memory_space<vmem>>) dst(%dma_wait3A_313 : memref<10240x128xf32, #tpu.memory_space<vmem_shared>>)
          tpu.yield
        }) : () -> ()
        %dma_wait3A_146 = arith.constant 6 : i32
        %dma_wait3A_147 = arith.constant 0 : i32
        %dma_wait3A_148 = tpu.memref_slice %run_scoped3A[%dma_wait3A_146, %dma_wait3A_147] : memref<8x128xi32, #tpu.memory_space<vmem>> -> memref<1x128xi32, #tpu.memory_space<vmem>>
        %dma_wait3A_149 = tpu.memref_squeeze %dma_wait3A_148 : memref<1x128xi32, #tpu.memory_space<vmem>> -> memref<128xi32, #tpu.memory_space<vmem>>
        %dma_wait3A_150 = arith.constant 0 : i32
        %dma_wait3A_151 = arith.constant 0 : i32
        %dma_wait3A_152 = tpu.memref_slice %arg2[%dma_wait3A_150, %dma_wait3A_151] : memref<10240x128xf32, #tpu.memory_space<hbm>> -> memref<10240x128xf32, #tpu.memory_space<hbm>>
        tpu.wait_indirect_dma semaphore(%arg8 : memref<!tpu.dma_semaphore, #tpu.memory_space<semaphore_mem>>) src(%dma_wait3A_152 : memref<10240x128xf32, #tpu.memory_space<hbm>>) dst(%run_scoped3A_3 : memref<128x128xf32, #tpu.memory_space<vmem>>)
        %dma_start3A_153 = arith.constant 7 : i32
        %dma_start3A_154 = arith.constant 0 : i32
        %dma_start3A_155 = tpu.memref_slice %run_scoped3A[%dma_start3A_153, %dma_start3A_154] : memref<8x128xi32, #tpu.memory_space<vmem>> -> memref<1x128xi32, #tpu.memory_space<vmem>>
        %dma_start3A_156 = tpu.memref_squeeze %dma_start3A_155 : memref<1x128xi32, #tpu.memory_space<vmem>> -> memref<128xi32, #tpu.memory_space<vmem>>
        %dma_start3A_157 = arith.constant 0 : i32
        %dma_start3A_158 = arith.constant 0 : i32
        %dma_start3A_159 = tpu.memref_slice %arg2[%dma_start3A_157, %dma_start3A_158] : memref<10240x128xf32, #tpu.memory_space<hbm>> -> memref<10240x128xf32, #tpu.memory_space<hbm>>
        tpu.enqueue_indirect_dma source(%dma_start3A_159 : memref<10240x128xf32, #tpu.memory_space<hbm>>) target(%run_scoped3A_4 : memref<128x128xf32, #tpu.memory_space<vmem>>) offsets(%dma_start3A_156 : memref<128xi32, #tpu.memory_space<vmem>>) semaphore(%arg8 : memref<!tpu.dma_semaphore, #tpu.memory_space<semaphore_mem>>)
        %run_scoped3A_160 = arith.constant 6 : i32
        "tpu.region"() ({
          %run_scoped3A_301 = tpu.sem_alloc : memref<!tpu.dma_semaphore, #tpu.memory_space<semaphore_mem>>
          %dma_start3A_302 = arith.constant 0 : i32
          %dma_start3A_303 = tpu.memref_slice %run_scoped3A_0[%run_scoped3A_160, %dma_start3A_302] : memref<8x128xi32, #tpu.memory_space<vmem>> -> memref<1x128xi32, #tpu.memory_space<vmem>>
          %dma_start3A_304 = tpu.memref_squeeze %dma_start3A_303 : memref<1x128xi32, #tpu.memory_space<vmem>> -> memref<128xi32, #tpu.memory_space<vmem>>
          %dma_start3A_305 = arith.constant 0 : i32
          %dma_start3A_306 = arith.constant 0 : i32
          %dma_start3A_307 = tpu.memref_slice %arg7[%dma_start3A_305, %dma_start3A_306] : memref<10240x128xf32, #tpu.memory_space<vmem_shared>> -> memref<10240x128xf32, #tpu.memory_space<vmem_shared>>
          tpu.enqueue_indirect_dma source(%run_scoped3A_3 : memref<128x128xf32, #tpu.memory_space<vmem>>) target(%dma_start3A_307 : memref<10240x128xf32, #tpu.memory_space<vmem_shared>>) offsets(%dma_start3A_304 : memref<128xi32, #tpu.memory_space<vmem>>) semaphore(%run_scoped3A_301 : memref<!tpu.dma_semaphore, #tpu.memory_space<semaphore_mem>>) {add = true}
          %dma_wait3A_308 = arith.constant 0 : i32
          %dma_wait3A_309 = tpu.memref_slice %run_scoped3A_0[%run_scoped3A_160, %dma_wait3A_308] : memref<8x128xi32, #tpu.memory_space<vmem>> -> memref<1x128xi32, #tpu.memory_space<vmem>>
          %dma_wait3A_310 = tpu.memref_squeeze %dma_wait3A_309 : memref<1x128xi32, #tpu.memory_space<vmem>> -> memref<128xi32, #tpu.memory_space<vmem>>
          %dma_wait3A_311 = arith.constant 0 : i32
          %dma_wait3A_312 = arith.constant 0 : i32
          %dma_wait3A_313 = tpu.memref_slice %arg7[%dma_wait3A_311, %dma_wait3A_312] : memref<10240x128xf32, #tpu.memory_space<vmem_shared>> -> memref<10240x128xf32, #tpu.memory_space<vmem_shared>>
          tpu.wait_indirect_dma semaphore(%run_scoped3A_301 : memref<!tpu.dma_semaphore, #tpu.memory_space<semaphore_mem>>) src(%run_scoped3A_3 : memref<128x128xf32, #tpu.memory_space<vmem>>) dst(%dma_wait3A_313 : memref<10240x128xf32, #tpu.memory_space<vmem_shared>>)
          tpu.yield
        }) : () -> ()
        %dma_wait3A_161 = arith.constant 7 : i32
        %dma_wait3A_162 = arith.constant 0 : i32
        %dma_wait3A_163 = tpu.memref_slice %run_scoped3A[%dma_wait3A_161, %dma_wait3A_162] : memref<8x128xi32, #tpu.memory_space<vmem>> -> memref<1x128xi32, #tpu.memory_space<vmem>>
        %dma_wait3A_164 = tpu.memref_squeeze %dma_wait3A_163 : memref<1x128xi32, #tpu.memory_space<vmem>> -> memref<128xi32, #tpu.memory_space<vmem>>
        %dma_wait3A_165 = arith.constant 0 : i32
        %dma_wait3A_166 = arith.constant 0 : i32
        %dma_wait3A_167 = tpu.memref_slice %arg2[%dma_wait3A_165, %dma_wait3A_166] : memref<10240x128xf32, #tpu.memory_space<hbm>> -> memref<10240x128xf32, #tpu.memory_space<hbm>>
        tpu.wait_indirect_dma semaphore(%arg8 : memref<!tpu.dma_semaphore, #tpu.memory_space<semaphore_mem>>) src(%dma_wait3A_167 : memref<10240x128xf32, #tpu.memory_space<hbm>>) dst(%run_scoped3A_4 : memref<128x128xf32, #tpu.memory_space<vmem>>)
        %dma_wait3A_168 = arith.constant 0 : i32
        %dma_wait3A_169 = tpu.memref_slice %arg3[%add3A_45, %dma_wait3A_168] : memref<2560x128xi32, #tpu.memory_space<hbm>> -> memref<8x128xi32, #tpu.memory_space<hbm>>
        %dma_wait3A_170 = arith.constant 0 : i32
        %dma_wait3A_171 = tpu.memref_slice %arg3[%add3A_45, %dma_wait3A_170] : memref<2560x128xi32, #tpu.memory_space<hbm>> -> memref<8x128xi32, #tpu.memory_space<hbm>>
        tpu.wait_dma2 semaphore(%arg9 : memref<!tpu.dma_semaphore, #tpu.memory_space<semaphore_mem>>) src(%dma_wait3A_171 : memref<8x128xi32, #tpu.memory_space<hbm>>) dst(%run_scoped3A_1 : memref<8x128xi32, #tpu.memory_space<vmem>>)
        %dma_wait3A_172 = arith.constant 0 : i32
        %dma_wait3A_173 = tpu.memref_slice %arg4[%add3A_45, %dma_wait3A_172] : memref<2560x128xi32, #tpu.memory_space<hbm>> -> memref<8x128xi32, #tpu.memory_space<hbm>>
        %dma_wait3A_174 = arith.constant 0 : i32
        %dma_wait3A_175 = tpu.memref_slice %arg4[%add3A_45, %dma_wait3A_174] : memref<2560x128xi32, #tpu.memory_space<hbm>> -> memref<8x128xi32, #tpu.memory_space<hbm>>
        tpu.wait_dma2 semaphore(%arg9 : memref<!tpu.dma_semaphore, #tpu.memory_space<semaphore_mem>>) src(%dma_wait3A_175 : memref<8x128xi32, #tpu.memory_space<hbm>>) dst(%run_scoped3A_2 : memref<8x128xi32, #tpu.memory_space<vmem>>)
        %dma_start3A_176 = arith.constant 0 : i32
        %dma_start3A_177 = arith.constant 0 : i32
        %dma_start3A_178 = tpu.memref_slice %run_scoped3A_1[%dma_start3A_176, %dma_start3A_177] : memref<8x128xi32, #tpu.memory_space<vmem>> -> memref<1x128xi32, #tpu.memory_space<vmem>>
        %dma_start3A_179 = tpu.memref_squeeze %dma_start3A_178 : memref<1x128xi32, #tpu.memory_space<vmem>> -> memref<128xi32, #tpu.memory_space<vmem>>
        %dma_start3A_180 = arith.constant 0 : i32
        %dma_start3A_181 = arith.constant 0 : i32
        %dma_start3A_182 = tpu.memref_slice %arg2[%dma_start3A_180, %dma_start3A_181] : memref<10240x128xf32, #tpu.memory_space<hbm>> -> memref<10240x128xf32, #tpu.memory_space<hbm>>
        tpu.enqueue_indirect_dma source(%dma_start3A_182 : memref<10240x128xf32, #tpu.memory_space<hbm>>) target(%run_scoped3A_3 : memref<128x128xf32, #tpu.memory_space<vmem>>) offsets(%dma_start3A_179 : memref<128xi32, #tpu.memory_space<vmem>>) semaphore(%arg8 : memref<!tpu.dma_semaphore, #tpu.memory_space<semaphore_mem>>)
        %run_scoped3A_183 = arith.constant 7 : i32
        "tpu.region"() ({
          %run_scoped3A_301 = tpu.sem_alloc : memref<!tpu.dma_semaphore, #tpu.memory_space<semaphore_mem>>
          %dma_start3A_302 = arith.constant 0 : i32
          %dma_start3A_303 = tpu.memref_slice %run_scoped3A_0[%run_scoped3A_183, %dma_start3A_302] : memref<8x128xi32, #tpu.memory_space<vmem>> -> memref<1x128xi32, #tpu.memory_space<vmem>>
          %dma_start3A_304 = tpu.memref_squeeze %dma_start3A_303 : memref<1x128xi32, #tpu.memory_space<vmem>> -> memref<128xi32, #tpu.memory_space<vmem>>
          %dma_start3A_305 = arith.constant 0 : i32
          %dma_start3A_306 = arith.constant 0 : i32
          %dma_start3A_307 = tpu.memref_slice %arg7[%dma_start3A_305, %dma_start3A_306] : memref<10240x128xf32, #tpu.memory_space<vmem_shared>> -> memref<10240x128xf32, #tpu.memory_space<vmem_shared>>
          tpu.enqueue_indirect_dma source(%run_scoped3A_4 : memref<128x128xf32, #tpu.memory_space<vmem>>) target(%dma_start3A_307 : memref<10240x128xf32, #tpu.memory_space<vmem_shared>>) offsets(%dma_start3A_304 : memref<128xi32, #tpu.memory_space<vmem>>) semaphore(%run_scoped3A_301 : memref<!tpu.dma_semaphore, #tpu.memory_space<semaphore_mem>>) {add = true}
          %dma_wait3A_308 = arith.constant 0 : i32
          %dma_wait3A_309 = tpu.memref_slice %run_scoped3A_0[%run_scoped3A_183, %dma_wait3A_308] : memref<8x128xi32, #tpu.memory_space<vmem>> -> memref<1x128xi32, #tpu.memory_space<vmem>>
          %dma_wait3A_310 = tpu.memref_squeeze %dma_wait3A_309 : memref<1x128xi32, #tpu.memory_space<vmem>> -> memref<128xi32, #tpu.memory_space<vmem>>
          %dma_wait3A_311 = arith.constant 0 : i32
          %dma_wait3A_312 = arith.constant 0 : i32
          %dma_wait3A_313 = tpu.memref_slice %arg7[%dma_wait3A_311, %dma_wait3A_312] : memref<10240x128xf32, #tpu.memory_space<vmem_shared>> -> memref<10240x128xf32, #tpu.memory_space<vmem_shared>>
          tpu.wait_indirect_dma semaphore(%run_scoped3A_301 : memref<!tpu.dma_semaphore, #tpu.memory_space<semaphore_mem>>) src(%run_scoped3A_4 : memref<128x128xf32, #tpu.memory_space<vmem>>) dst(%dma_wait3A_313 : memref<10240x128xf32, #tpu.memory_space<vmem_shared>>)
          tpu.yield
        }) : () -> ()
        %dma_wait3A_184 = arith.constant 0 : i32
        %dma_wait3A_185 = arith.constant 0 : i32
        %dma_wait3A_186 = tpu.memref_slice %run_scoped3A_1[%dma_wait3A_184, %dma_wait3A_185] : memref<8x128xi32, #tpu.memory_space<vmem>> -> memref<1x128xi32, #tpu.memory_space<vmem>>
        %dma_wait3A_187 = tpu.memref_squeeze %dma_wait3A_186 : memref<1x128xi32, #tpu.memory_space<vmem>> -> memref<128xi32, #tpu.memory_space<vmem>>
        %dma_wait3A_188 = arith.constant 0 : i32
        %dma_wait3A_189 = arith.constant 0 : i32
        %dma_wait3A_190 = tpu.memref_slice %arg2[%dma_wait3A_188, %dma_wait3A_189] : memref<10240x128xf32, #tpu.memory_space<hbm>> -> memref<10240x128xf32, #tpu.memory_space<hbm>>
        tpu.wait_indirect_dma semaphore(%arg8 : memref<!tpu.dma_semaphore, #tpu.memory_space<semaphore_mem>>) src(%dma_wait3A_190 : memref<10240x128xf32, #tpu.memory_space<hbm>>) dst(%run_scoped3A_3 : memref<128x128xf32, #tpu.memory_space<vmem>>)
        %convert_element_type3A = arith.extui %lt3A : i1 to i32
        %cond3A = arith.constant 0 : i32
        %cond3A_191 = arith.cmpi ne, %convert_element_type3A, %cond3A : i32
        scf.if %cond3A_191 {
          %dma_start3A_301 = arith.constant 0 : i32
          %dma_start3A_302 = tpu.memref_slice %arg3[%add3A_47, %dma_start3A_301] : memref<2560x128xi32, #tpu.memory_space<hbm>> -> memref<8x128xi32, #tpu.memory_space<hbm>>
          %dma_start3A_303 = arith.constant 0 : i32
          %dma_start3A_304 = tpu.memref_slice %arg3[%add3A_47, %dma_start3A_303] : memref<2560x128xi32, #tpu.memory_space<hbm>> -> memref<8x128xi32, #tpu.memory_space<hbm>>
          tpu.enqueue_dma source(%dma_start3A_304 : memref<8x128xi32, #tpu.memory_space<hbm>>) target(%run_scoped3A : memref<8x128xi32, #tpu.memory_space<vmem>>) target_semaphore(%arg9 : memref<!tpu.dma_semaphore, #tpu.memory_space<semaphore_mem>>)
          %dma_start3A_305 = arith.constant 0 : i32
          %dma_start3A_306 = tpu.memref_slice %arg4[%add3A_47, %dma_start3A_305] : memref<2560x128xi32, #tpu.memory_space<hbm>> -> memref<8x128xi32, #tpu.memory_space<hbm>>
          %dma_start3A_307 = arith.constant 0 : i32
          %dma_start3A_308 = tpu.memref_slice %arg4[%add3A_47, %dma_start3A_307] : memref<2560x128xi32, #tpu.memory_space<hbm>> -> memref<8x128xi32, #tpu.memory_space<hbm>>
          tpu.enqueue_dma source(%dma_start3A_308 : memref<8x128xi32, #tpu.memory_space<hbm>>) target(%run_scoped3A_0 : memref<8x128xi32, #tpu.memory_space<vmem>>) target_semaphore(%arg9 : memref<!tpu.dma_semaphore, #tpu.memory_space<semaphore_mem>>)
        } else {
        }
        %dma_start3A_192 = arith.constant 1 : i32
        %dma_start3A_193 = arith.constant 0 : i32
        %dma_start3A_194 = tpu.memref_slice %run_scoped3A_1[%dma_start3A_192, %dma_start3A_193] : memref<8x128xi32, #tpu.memory_space<vmem>> -> memref<1x128xi32, #tpu.memory_space<vmem>>
        %dma_start3A_195 = tpu.memref_squeeze %dma_start3A_194 : memref<1x128xi32, #tpu.memory_space<vmem>> -> memref<128xi32, #tpu.memory_space<vmem>>
        %dma_start3A_196 = arith.constant 0 : i32
        %dma_start3A_197 = arith.constant 0 : i32
        %dma_start3A_198 = tpu.memref_slice %arg2[%dma_start3A_196, %dma_start3A_197] : memref<10240x128xf32, #tpu.memory_space<hbm>> -> memref<10240x128xf32, #tpu.memory_space<hbm>>
        tpu.enqueue_indirect_dma source(%dma_start3A_198 : memref<10240x128xf32, #tpu.memory_space<hbm>>) target(%run_scoped3A_4 : memref<128x128xf32, #tpu.memory_space<vmem>>) offsets(%dma_start3A_195 : memref<128xi32, #tpu.memory_space<vmem>>) semaphore(%arg8 : memref<!tpu.dma_semaphore, #tpu.memory_space<semaphore_mem>>)
        %run_scoped3A_199 = arith.constant 0 : i32
        "tpu.region"() ({
          %run_scoped3A_301 = tpu.sem_alloc : memref<!tpu.dma_semaphore, #tpu.memory_space<semaphore_mem>>
          %dma_start3A_302 = arith.constant 0 : i32
          %dma_start3A_303 = tpu.memref_slice %run_scoped3A_2[%run_scoped3A_199, %dma_start3A_302] : memref<8x128xi32, #tpu.memory_space<vmem>> -> memref<1x128xi32, #tpu.memory_space<vmem>>
          %dma_start3A_304 = tpu.memref_squeeze %dma_start3A_303 : memref<1x128xi32, #tpu.memory_space<vmem>> -> memref<128xi32, #tpu.memory_space<vmem>>
          %dma_start3A_305 = arith.constant 0 : i32
          %dma_start3A_306 = arith.constant 0 : i32
          %dma_start3A_307 = tpu.memref_slice %arg7[%dma_start3A_305, %dma_start3A_306] : memref<10240x128xf32, #tpu.memory_space<vmem_shared>> -> memref<10240x128xf32, #tpu.memory_space<vmem_shared>>
          tpu.enqueue_indirect_dma source(%run_scoped3A_3 : memref<128x128xf32, #tpu.memory_space<vmem>>) target(%dma_start3A_307 : memref<10240x128xf32, #tpu.memory_space<vmem_shared>>) offsets(%dma_start3A_304 : memref<128xi32, #tpu.memory_space<vmem>>) semaphore(%run_scoped3A_301 : memref<!tpu.dma_semaphore, #tpu.memory_space<semaphore_mem>>) {add = true}
          %dma_wait3A_308 = arith.constant 0 : i32
          %dma_wait3A_309 = tpu.memref_slice %run_scoped3A_2[%run_scoped3A_199, %dma_wait3A_308] : memref<8x128xi32, #tpu.memory_space<vmem>> -> memref<1x128xi32, #tpu.memory_space<vmem>>
          %dma_wait3A_310 = tpu.memref_squeeze %dma_wait3A_309 : memref<1x128xi32, #tpu.memory_space<vmem>> -> memref<128xi32, #tpu.memory_space<vmem>>
          %dma_wait3A_311 = arith.constant 0 : i32
          %dma_wait3A_312 = arith.constant 0 : i32
          %dma_wait3A_313 = tpu.memref_slice %arg7[%dma_wait3A_311, %dma_wait3A_312] : memref<10240x128xf32, #tpu.memory_space<vmem_shared>> -> memref<10240x128xf32, #tpu.memory_space<vmem_shared>>
          tpu.wait_indirect_dma semaphore(%run_scoped3A_301 : memref<!tpu.dma_semaphore, #tpu.memory_space<semaphore_mem>>) src(%run_scoped3A_3 : memref<128x128xf32, #tpu.memory_space<vmem>>) dst(%dma_wait3A_313 : memref<10240x128xf32, #tpu.memory_space<vmem_shared>>)
          tpu.yield
        }) : () -> ()
        %dma_wait3A_200 = arith.constant 1 : i32
        %dma_wait3A_201 = arith.constant 0 : i32
        %dma_wait3A_202 = tpu.memref_slice %run_scoped3A_1[%dma_wait3A_200, %dma_wait3A_201] : memref<8x128xi32, #tpu.memory_space<vmem>> -> memref<1x128xi32, #tpu.memory_space<vmem>>
        %dma_wait3A_203 = tpu.memref_squeeze %dma_wait3A_202 : memref<1x128xi32, #tpu.memory_space<vmem>> -> memref<128xi32, #tpu.memory_space<vmem>>
        %dma_wait3A_204 = arith.constant 0 : i32
        %dma_wait3A_205 = arith.constant 0 : i32
        %dma_wait3A_206 = tpu.memref_slice %arg2[%dma_wait3A_204, %dma_wait3A_205] : memref<10240x128xf32, #tpu.memory_space<hbm>> -> memref<10240x128xf32, #tpu.memory_space<hbm>>
        tpu.wait_indirect_dma semaphore(%arg8 : memref<!tpu.dma_semaphore, #tpu.memory_space<semaphore_mem>>) src(%dma_wait3A_206 : memref<10240x128xf32, #tpu.memory_space<hbm>>) dst(%run_scoped3A_4 : memref<128x128xf32, #tpu.memory_space<vmem>>)
        %dma_start3A_207 = arith.constant 2 : i32
        %dma_start3A_208 = arith.constant 0 : i32
        %dma_start3A_209 = tpu.memref_slice %run_scoped3A_1[%dma_start3A_207, %dma_start3A_208] : memref<8x128xi32, #tpu.memory_space<vmem>> -> memref<1x128xi32, #tpu.memory_space<vmem>>
        %dma_start3A_210 = tpu.memref_squeeze %dma_start3A_209 : memref<1x128xi32, #tpu.memory_space<vmem>> -> memref<128xi32, #tpu.memory_space<vmem>>
        %dma_start3A_211 = arith.constant 0 : i32
        %dma_start3A_212 = arith.constant 0 : i32
        %dma_start3A_213 = tpu.memref_slice %arg2[%dma_start3A_211, %dma_start3A_212] : memref<10240x128xf32, #tpu.memory_space<hbm>> -> memref<10240x128xf32, #tpu.memory_space<hbm>>
        tpu.enqueue_indirect_dma source(%dma_start3A_213 : memref<10240x128xf32, #tpu.memory_space<hbm>>) target(%run_scoped3A_3 : memref<128x128xf32, #tpu.memory_space<vmem>>) offsets(%dma_start3A_210 : memref<128xi32, #tpu.memory_space<vmem>>) semaphore(%arg8 : memref<!tpu.dma_semaphore, #tpu.memory_space<semaphore_mem>>)
        %run_scoped3A_214 = arith.constant 1 : i32
        "tpu.region"() ({
          %run_scoped3A_301 = tpu.sem_alloc : memref<!tpu.dma_semaphore, #tpu.memory_space<semaphore_mem>>
          %dma_start3A_302 = arith.constant 0 : i32
          %dma_start3A_303 = tpu.memref_slice %run_scoped3A_2[%run_scoped3A_214, %dma_start3A_302] : memref<8x128xi32, #tpu.memory_space<vmem>> -> memref<1x128xi32, #tpu.memory_space<vmem>>
          %dma_start3A_304 = tpu.memref_squeeze %dma_start3A_303 : memref<1x128xi32, #tpu.memory_space<vmem>> -> memref<128xi32, #tpu.memory_space<vmem>>
          %dma_start3A_305 = arith.constant 0 : i32
          %dma_start3A_306 = arith.constant 0 : i32
          %dma_start3A_307 = tpu.memref_slice %arg7[%dma_start3A_305, %dma_start3A_306] : memref<10240x128xf32, #tpu.memory_space<vmem_shared>> -> memref<10240x128xf32, #tpu.memory_space<vmem_shared>>
          tpu.enqueue_indirect_dma source(%run_scoped3A_4 : memref<128x128xf32, #tpu.memory_space<vmem>>) target(%dma_start3A_307 : memref<10240x128xf32, #tpu.memory_space<vmem_shared>>) offsets(%dma_start3A_304 : memref<128xi32, #tpu.memory_space<vmem>>) semaphore(%run_scoped3A_301 : memref<!tpu.dma_semaphore, #tpu.memory_space<semaphore_mem>>) {add = true}
          %dma_wait3A_308 = arith.constant 0 : i32
          %dma_wait3A_309 = tpu.memref_slice %run_scoped3A_2[%run_scoped3A_214, %dma_wait3A_308] : memref<8x128xi32, #tpu.memory_space<vmem>> -> memref<1x128xi32, #tpu.memory_space<vmem>>
          %dma_wait3A_310 = tpu.memref_squeeze %dma_wait3A_309 : memref<1x128xi32, #tpu.memory_space<vmem>> -> memref<128xi32, #tpu.memory_space<vmem>>
          %dma_wait3A_311 = arith.constant 0 : i32
          %dma_wait3A_312 = arith.constant 0 : i32
          %dma_wait3A_313 = tpu.memref_slice %arg7[%dma_wait3A_311, %dma_wait3A_312] : memref<10240x128xf32, #tpu.memory_space<vmem_shared>> -> memref<10240x128xf32, #tpu.memory_space<vmem_shared>>
          tpu.wait_indirect_dma semaphore(%run_scoped3A_301 : memref<!tpu.dma_semaphore, #tpu.memory_space<semaphore_mem>>) src(%run_scoped3A_4 : memref<128x128xf32, #tpu.memory_space<vmem>>) dst(%dma_wait3A_313 : memref<10240x128xf32, #tpu.memory_space<vmem_shared>>)
          tpu.yield
        }) : () -> ()
        %dma_wait3A_215 = arith.constant 2 : i32
        %dma_wait3A_216 = arith.constant 0 : i32
        %dma_wait3A_217 = tpu.memref_slice %run_scoped3A_1[%dma_wait3A_215, %dma_wait3A_216] : memref<8x128xi32, #tpu.memory_space<vmem>> -> memref<1x128xi32, #tpu.memory_space<vmem>>
        %dma_wait3A_218 = tpu.memref_squeeze %dma_wait3A_217 : memref<1x128xi32, #tpu.memory_space<vmem>> -> memref<128xi32, #tpu.memory_space<vmem>>
        %dma_wait3A_219 = arith.constant 0 : i32
        %dma_wait3A_220 = arith.constant 0 : i32
        %dma_wait3A_221 = tpu.memref_slice %arg2[%dma_wait3A_219, %dma_wait3A_220] : memref<10240x128xf32, #tpu.memory_space<hbm>> -> memref<10240x128xf32, #tpu.memory_space<hbm>>
        tpu.wait_indirect_dma semaphore(%arg8 : memref<!tpu.dma_semaphore, #tpu.memory_space<semaphore_mem>>) src(%dma_wait3A_221 : memref<10240x128xf32, #tpu.memory_space<hbm>>) dst(%run_scoped3A_3 : memref<128x128xf32, #tpu.memory_space<vmem>>)
        %dma_start3A_222 = arith.constant 3 : i32
        %dma_start3A_223 = arith.constant 0 : i32
        %dma_start3A_224 = tpu.memref_slice %run_scoped3A_1[%dma_start3A_222, %dma_start3A_223] : memref<8x128xi32, #tpu.memory_space<vmem>> -> memref<1x128xi32, #tpu.memory_space<vmem>>
        %dma_start3A_225 = tpu.memref_squeeze %dma_start3A_224 : memref<1x128xi32, #tpu.memory_space<vmem>> -> memref<128xi32, #tpu.memory_space<vmem>>
        %dma_start3A_226 = arith.constant 0 : i32
        %dma_start3A_227 = arith.constant 0 : i32
        %dma_start3A_228 = tpu.memref_slice %arg2[%dma_start3A_226, %dma_start3A_227] : memref<10240x128xf32, #tpu.memory_space<hbm>> -> memref<10240x128xf32, #tpu.memory_space<hbm>>
        tpu.enqueue_indirect_dma source(%dma_start3A_228 : memref<10240x128xf32, #tpu.memory_space<hbm>>) target(%run_scoped3A_4 : memref<128x128xf32, #tpu.memory_space<vmem>>) offsets(%dma_start3A_225 : memref<128xi32, #tpu.memory_space<vmem>>) semaphore(%arg8 : memref<!tpu.dma_semaphore, #tpu.memory_space<semaphore_mem>>)
        %run_scoped3A_229 = arith.constant 2 : i32
        "tpu.region"() ({
          %run_scoped3A_301 = tpu.sem_alloc : memref<!tpu.dma_semaphore, #tpu.memory_space<semaphore_mem>>
          %dma_start3A_302 = arith.constant 0 : i32
          %dma_start3A_303 = tpu.memref_slice %run_scoped3A_2[%run_scoped3A_229, %dma_start3A_302] : memref<8x128xi32, #tpu.memory_space<vmem>> -> memref<1x128xi32, #tpu.memory_space<vmem>>
          %dma_start3A_304 = tpu.memref_squeeze %dma_start3A_303 : memref<1x128xi32, #tpu.memory_space<vmem>> -> memref<128xi32, #tpu.memory_space<vmem>>
          %dma_start3A_305 = arith.constant 0 : i32
          %dma_start3A_306 = arith.constant 0 : i32
          %dma_start3A_307 = tpu.memref_slice %arg7[%dma_start3A_305, %dma_start3A_306] : memref<10240x128xf32, #tpu.memory_space<vmem_shared>> -> memref<10240x128xf32, #tpu.memory_space<vmem_shared>>
          tpu.enqueue_indirect_dma source(%run_scoped3A_3 : memref<128x128xf32, #tpu.memory_space<vmem>>) target(%dma_start3A_307 : memref<10240x128xf32, #tpu.memory_space<vmem_shared>>) offsets(%dma_start3A_304 : memref<128xi32, #tpu.memory_space<vmem>>) semaphore(%run_scoped3A_301 : memref<!tpu.dma_semaphore, #tpu.memory_space<semaphore_mem>>) {add = true}
          %dma_wait3A_308 = arith.constant 0 : i32
          %dma_wait3A_309 = tpu.memref_slice %run_scoped3A_2[%run_scoped3A_229, %dma_wait3A_308] : memref<8x128xi32, #tpu.memory_space<vmem>> -> memref<1x128xi32, #tpu.memory_space<vmem>>
          %dma_wait3A_310 = tpu.memref_squeeze %dma_wait3A_309 : memref<1x128xi32, #tpu.memory_space<vmem>> -> memref<128xi32, #tpu.memory_space<vmem>>
          %dma_wait3A_311 = arith.constant 0 : i32
          %dma_wait3A_312 = arith.constant 0 : i32
          %dma_wait3A_313 = tpu.memref_slice %arg7[%dma_wait3A_311, %dma_wait3A_312] : memref<10240x128xf32, #tpu.memory_space<vmem_shared>> -> memref<10240x128xf32, #tpu.memory_space<vmem_shared>>
          tpu.wait_indirect_dma semaphore(%run_scoped3A_301 : memref<!tpu.dma_semaphore, #tpu.memory_space<semaphore_mem>>) src(%run_scoped3A_3 : memref<128x128xf32, #tpu.memory_space<vmem>>) dst(%dma_wait3A_313 : memref<10240x128xf32, #tpu.memory_space<vmem_shared>>)
          tpu.yield
        }) : () -> ()
        %dma_wait3A_230 = arith.constant 3 : i32
        %dma_wait3A_231 = arith.constant 0 : i32
        %dma_wait3A_232 = tpu.memref_slice %run_scoped3A_1[%dma_wait3A_230, %dma_wait3A_231] : memref<8x128xi32, #tpu.memory_space<vmem>> -> memref<1x128xi32, #tpu.memory_space<vmem>>
        %dma_wait3A_233 = tpu.memref_squeeze %dma_wait3A_232 : memref<1x128xi32, #tpu.memory_space<vmem>> -> memref<128xi32, #tpu.memory_space<vmem>>
        %dma_wait3A_234 = arith.constant 0 : i32
        %dma_wait3A_235 = arith.constant 0 : i32
        %dma_wait3A_236 = tpu.memref_slice %arg2[%dma_wait3A_234, %dma_wait3A_235] : memref<10240x128xf32, #tpu.memory_space<hbm>> -> memref<10240x128xf32, #tpu.memory_space<hbm>>
        tpu.wait_indirect_dma semaphore(%arg8 : memref<!tpu.dma_semaphore, #tpu.memory_space<semaphore_mem>>) src(%dma_wait3A_236 : memref<10240x128xf32, #tpu.memory_space<hbm>>) dst(%run_scoped3A_4 : memref<128x128xf32, #tpu.memory_space<vmem>>)
        %dma_start3A_237 = arith.constant 4 : i32
        %dma_start3A_238 = arith.constant 0 : i32
        %dma_start3A_239 = tpu.memref_slice %run_scoped3A_1[%dma_start3A_237, %dma_start3A_238] : memref<8x128xi32, #tpu.memory_space<vmem>> -> memref<1x128xi32, #tpu.memory_space<vmem>>
        %dma_start3A_240 = tpu.memref_squeeze %dma_start3A_239 : memref<1x128xi32, #tpu.memory_space<vmem>> -> memref<128xi32, #tpu.memory_space<vmem>>
        %dma_start3A_241 = arith.constant 0 : i32
        %dma_start3A_242 = arith.constant 0 : i32
        %dma_start3A_243 = tpu.memref_slice %arg2[%dma_start3A_241, %dma_start3A_242] : memref<10240x128xf32, #tpu.memory_space<hbm>> -> memref<10240x128xf32, #tpu.memory_space<hbm>>
        tpu.enqueue_indirect_dma source(%dma_start3A_243 : memref<10240x128xf32, #tpu.memory_space<hbm>>) target(%run_scoped3A_3 : memref<128x128xf32, #tpu.memory_space<vmem>>) offsets(%dma_start3A_240 : memref<128xi32, #tpu.memory_space<vmem>>) semaphore(%arg8 : memref<!tpu.dma_semaphore, #tpu.memory_space<semaphore_mem>>)
        %run_scoped3A_244 = arith.constant 3 : i32
        "tpu.region"() ({
          %run_scoped3A_301 = tpu.sem_alloc : memref<!tpu.dma_semaphore, #tpu.memory_space<semaphore_mem>>
          %dma_start3A_302 = arith.constant 0 : i32
          %dma_start3A_303 = tpu.memref_slice %run_scoped3A_2[%run_scoped3A_244, %dma_start3A_302] : memref<8x128xi32, #tpu.memory_space<vmem>> -> memref<1x128xi32, #tpu.memory_space<vmem>>
          %dma_start3A_304 = tpu.memref_squeeze %dma_start3A_303 : memref<1x128xi32, #tpu.memory_space<vmem>> -> memref<128xi32, #tpu.memory_space<vmem>>
          %dma_start3A_305 = arith.constant 0 : i32
          %dma_start3A_306 = arith.constant 0 : i32
          %dma_start3A_307 = tpu.memref_slice %arg7[%dma_start3A_305, %dma_start3A_306] : memref<10240x128xf32, #tpu.memory_space<vmem_shared>> -> memref<10240x128xf32, #tpu.memory_space<vmem_shared>>
          tpu.enqueue_indirect_dma source(%run_scoped3A_4 : memref<128x128xf32, #tpu.memory_space<vmem>>) target(%dma_start3A_307 : memref<10240x128xf32, #tpu.memory_space<vmem_shared>>) offsets(%dma_start3A_304 : memref<128xi32, #tpu.memory_space<vmem>>) semaphore(%run_scoped3A_301 : memref<!tpu.dma_semaphore, #tpu.memory_space<semaphore_mem>>) {add = true}
          %dma_wait3A_308 = arith.constant 0 : i32
          %dma_wait3A_309 = tpu.memref_slice %run_scoped3A_2[%run_scoped3A_244, %dma_wait3A_308] : memref<8x128xi32, #tpu.memory_space<vmem>> -> memref<1x128xi32, #tpu.memory_space<vmem>>
          %dma_wait3A_310 = tpu.memref_squeeze %dma_wait3A_309 : memref<1x128xi32, #tpu.memory_space<vmem>> -> memref<128xi32, #tpu.memory_space<vmem>>
          %dma_wait3A_311 = arith.constant 0 : i32
          %dma_wait3A_312 = arith.constant 0 : i32
          %dma_wait3A_313 = tpu.memref_slice %arg7[%dma_wait3A_311, %dma_wait3A_312] : memref<10240x128xf32, #tpu.memory_space<vmem_shared>> -> memref<10240x128xf32, #tpu.memory_space<vmem_shared>>
          tpu.wait_indirect_dma semaphore(%run_scoped3A_301 : memref<!tpu.dma_semaphore, #tpu.memory_space<semaphore_mem>>) src(%run_scoped3A_4 : memref<128x128xf32, #tpu.memory_space<vmem>>) dst(%dma_wait3A_313 : memref<10240x128xf32, #tpu.memory_space<vmem_shared>>)
          tpu.yield
        }) : () -> ()
        %dma_wait3A_245 = arith.constant 4 : i32
        %dma_wait3A_246 = arith.constant 0 : i32
        %dma_wait3A_247 = tpu.memref_slice %run_scoped3A_1[%dma_wait3A_245, %dma_wait3A_246] : memref<8x128xi32, #tpu.memory_space<vmem>> -> memref<1x128xi32, #tpu.memory_space<vmem>>
        %dma_wait3A_248 = tpu.memref_squeeze %dma_wait3A_247 : memref<1x128xi32, #tpu.memory_space<vmem>> -> memref<128xi32, #tpu.memory_space<vmem>>
        %dma_wait3A_249 = arith.constant 0 : i32
        %dma_wait3A_250 = arith.constant 0 : i32
        %dma_wait3A_251 = tpu.memref_slice %arg2[%dma_wait3A_249, %dma_wait3A_250] : memref<10240x128xf32, #tpu.memory_space<hbm>> -> memref<10240x128xf32, #tpu.memory_space<hbm>>
        tpu.wait_indirect_dma semaphore(%arg8 : memref<!tpu.dma_semaphore, #tpu.memory_space<semaphore_mem>>) src(%dma_wait3A_251 : memref<10240x128xf32, #tpu.memory_space<hbm>>) dst(%run_scoped3A_3 : memref<128x128xf32, #tpu.memory_space<vmem>>)
        %dma_start3A_252 = arith.constant 5 : i32
        %dma_start3A_253 = arith.constant 0 : i32
        %dma_start3A_254 = tpu.memref_slice %run_scoped3A_1[%dma_start3A_252, %dma_start3A_253] : memref<8x128xi32, #tpu.memory_space<vmem>> -> memref<1x128xi32, #tpu.memory_space<vmem>>
        %dma_start3A_255 = tpu.memref_squeeze %dma_start3A_254 : memref<1x128xi32, #tpu.memory_space<vmem>> -> memref<128xi32, #tpu.memory_space<vmem>>
        %dma_start3A_256 = arith.constant 0 : i32
        %dma_start3A_257 = arith.constant 0 : i32
        %dma_start3A_258 = tpu.memref_slice %arg2[%dma_start3A_256, %dma_start3A_257] : memref<10240x128xf32, #tpu.memory_space<hbm>> -> memref<10240x128xf32, #tpu.memory_space<hbm>>
        tpu.enqueue_indirect_dma source(%dma_start3A_258 : memref<10240x128xf32, #tpu.memory_space<hbm>>) target(%run_scoped3A_4 : memref<128x128xf32, #tpu.memory_space<vmem>>) offsets(%dma_start3A_255 : memref<128xi32, #tpu.memory_space<vmem>>) semaphore(%arg8 : memref<!tpu.dma_semaphore, #tpu.memory_space<semaphore_mem>>)
        %run_scoped3A_259 = arith.constant 4 : i32
        "tpu.region"() ({
          %run_scoped3A_301 = tpu.sem_alloc : memref<!tpu.dma_semaphore, #tpu.memory_space<semaphore_mem>>
          %dma_start3A_302 = arith.constant 0 : i32
          %dma_start3A_303 = tpu.memref_slice %run_scoped3A_2[%run_scoped3A_259, %dma_start3A_302] : memref<8x128xi32, #tpu.memory_space<vmem>> -> memref<1x128xi32, #tpu.memory_space<vmem>>
          %dma_start3A_304 = tpu.memref_squeeze %dma_start3A_303 : memref<1x128xi32, #tpu.memory_space<vmem>> -> memref<128xi32, #tpu.memory_space<vmem>>
          %dma_start3A_305 = arith.constant 0 : i32
          %dma_start3A_306 = arith.constant 0 : i32
          %dma_start3A_307 = tpu.memref_slice %arg7[%dma_start3A_305, %dma_start3A_306] : memref<10240x128xf32, #tpu.memory_space<vmem_shared>> -> memref<10240x128xf32, #tpu.memory_space<vmem_shared>>
          tpu.enqueue_indirect_dma source(%run_scoped3A_3 : memref<128x128xf32, #tpu.memory_space<vmem>>) target(%dma_start3A_307 : memref<10240x128xf32, #tpu.memory_space<vmem_shared>>) offsets(%dma_start3A_304 : memref<128xi32, #tpu.memory_space<vmem>>) semaphore(%run_scoped3A_301 : memref<!tpu.dma_semaphore, #tpu.memory_space<semaphore_mem>>) {add = true}
          %dma_wait3A_308 = arith.constant 0 : i32
          %dma_wait3A_309 = tpu.memref_slice %run_scoped3A_2[%run_scoped3A_259, %dma_wait3A_308] : memref<8x128xi32, #tpu.memory_space<vmem>> -> memref<1x128xi32, #tpu.memory_space<vmem>>
          %dma_wait3A_310 = tpu.memref_squeeze %dma_wait3A_309 : memref<1x128xi32, #tpu.memory_space<vmem>> -> memref<128xi32, #tpu.memory_space<vmem>>
          %dma_wait3A_311 = arith.constant 0 : i32
          %dma_wait3A_312 = arith.constant 0 : i32
          %dma_wait3A_313 = tpu.memref_slice %arg7[%dma_wait3A_311, %dma_wait3A_312] : memref<10240x128xf32, #tpu.memory_space<vmem_shared>> -> memref<10240x128xf32, #tpu.memory_space<vmem_shared>>
          tpu.wait_indirect_dma semaphore(%run_scoped3A_301 : memref<!tpu.dma_semaphore, #tpu.memory_space<semaphore_mem>>) src(%run_scoped3A_3 : memref<128x128xf32, #tpu.memory_space<vmem>>) dst(%dma_wait3A_313 : memref<10240x128xf32, #tpu.memory_space<vmem_shared>>)
          tpu.yield
        }) : () -> ()
        %dma_wait3A_260 = arith.constant 5 : i32
        %dma_wait3A_261 = arith.constant 0 : i32
        %dma_wait3A_262 = tpu.memref_slice %run_scoped3A_1[%dma_wait3A_260, %dma_wait3A_261] : memref<8x128xi32, #tpu.memory_space<vmem>> -> memref<1x128xi32, #tpu.memory_space<vmem>>
        %dma_wait3A_263 = tpu.memref_squeeze %dma_wait3A_262 : memref<1x128xi32, #tpu.memory_space<vmem>> -> memref<128xi32, #tpu.memory_space<vmem>>
        %dma_wait3A_264 = arith.constant 0 : i32
        %dma_wait3A_265 = arith.constant 0 : i32
        %dma_wait3A_266 = tpu.memref_slice %arg2[%dma_wait3A_264, %dma_wait3A_265] : memref<10240x128xf32, #tpu.memory_space<hbm>> -> memref<10240x128xf32, #tpu.memory_space<hbm>>
        tpu.wait_indirect_dma semaphore(%arg8 : memref<!tpu.dma_semaphore, #tpu.memory_space<semaphore_mem>>) src(%dma_wait3A_266 : memref<10240x128xf32, #tpu.memory_space<hbm>>) dst(%run_scoped3A_4 : memref<128x128xf32, #tpu.memory_space<vmem>>)
        %dma_start3A_267 = arith.constant 6 : i32
        %dma_start3A_268 = arith.constant 0 : i32
        %dma_start3A_269 = tpu.memref_slice %run_scoped3A_1[%dma_start3A_267, %dma_start3A_268] : memref<8x128xi32, #tpu.memory_space<vmem>> -> memref<1x128xi32, #tpu.memory_space<vmem>>
        %dma_start3A_270 = tpu.memref_squeeze %dma_start3A_269 : memref<1x128xi32, #tpu.memory_space<vmem>> -> memref<128xi32, #tpu.memory_space<vmem>>
        %dma_start3A_271 = arith.constant 0 : i32
        %dma_start3A_272 = arith.constant 0 : i32
        %dma_start3A_273 = tpu.memref_slice %arg2[%dma_start3A_271, %dma_start3A_272] : memref<10240x128xf32, #tpu.memory_space<hbm>> -> memref<10240x128xf32, #tpu.memory_space<hbm>>
        tpu.enqueue_indirect_dma source(%dma_start3A_273 : memref<10240x128xf32, #tpu.memory_space<hbm>>) target(%run_scoped3A_3 : memref<128x128xf32, #tpu.memory_space<vmem>>) offsets(%dma_start3A_270 : memref<128xi32, #tpu.memory_space<vmem>>) semaphore(%arg8 : memref<!tpu.dma_semaphore, #tpu.memory_space<semaphore_mem>>)
        %run_scoped3A_274 = arith.constant 5 : i32
        "tpu.region"() ({
          %run_scoped3A_301 = tpu.sem_alloc : memref<!tpu.dma_semaphore, #tpu.memory_space<semaphore_mem>>
          %dma_start3A_302 = arith.constant 0 : i32
          %dma_start3A_303 = tpu.memref_slice %run_scoped3A_2[%run_scoped3A_274, %dma_start3A_302] : memref<8x128xi32, #tpu.memory_space<vmem>> -> memref<1x128xi32, #tpu.memory_space<vmem>>
          %dma_start3A_304 = tpu.memref_squeeze %dma_start3A_303 : memref<1x128xi32, #tpu.memory_space<vmem>> -> memref<128xi32, #tpu.memory_space<vmem>>
          %dma_start3A_305 = arith.constant 0 : i32
          %dma_start3A_306 = arith.constant 0 : i32
          %dma_start3A_307 = tpu.memref_slice %arg7[%dma_start3A_305, %dma_start3A_306] : memref<10240x128xf32, #tpu.memory_space<vmem_shared>> -> memref<10240x128xf32, #tpu.memory_space<vmem_shared>>
          tpu.enqueue_indirect_dma source(%run_scoped3A_4 : memref<128x128xf32, #tpu.memory_space<vmem>>) target(%dma_start3A_307 : memref<10240x128xf32, #tpu.memory_space<vmem_shared>>) offsets(%dma_start3A_304 : memref<128xi32, #tpu.memory_space<vmem>>) semaphore(%run_scoped3A_301 : memref<!tpu.dma_semaphore, #tpu.memory_space<semaphore_mem>>) {add = true}
          %dma_wait3A_308 = arith.constant 0 : i32
          %dma_wait3A_309 = tpu.memref_slice %run_scoped3A_2[%run_scoped3A_274, %dma_wait3A_308] : memref<8x128xi32, #tpu.memory_space<vmem>> -> memref<1x128xi32, #tpu.memory_space<vmem>>
          %dma_wait3A_310 = tpu.memref_squeeze %dma_wait3A_309 : memref<1x128xi32, #tpu.memory_space<vmem>> -> memref<128xi32, #tpu.memory_space<vmem>>
          %dma_wait3A_311 = arith.constant 0 : i32
          %dma_wait3A_312 = arith.constant 0 : i32
          %dma_wait3A_313 = tpu.memref_slice %arg7[%dma_wait3A_311, %dma_wait3A_312] : memref<10240x128xf32, #tpu.memory_space<vmem_shared>> -> memref<10240x128xf32, #tpu.memory_space<vmem_shared>>
          tpu.wait_indirect_dma semaphore(%run_scoped3A_301 : memref<!tpu.dma_semaphore, #tpu.memory_space<semaphore_mem>>) src(%run_scoped3A_4 : memref<128x128xf32, #tpu.memory_space<vmem>>) dst(%dma_wait3A_313 : memref<10240x128xf32, #tpu.memory_space<vmem_shared>>)
          tpu.yield
        }) : () -> ()
        %dma_wait3A_275 = arith.constant 6 : i32
        %dma_wait3A_276 = arith.constant 0 : i32
        %dma_wait3A_277 = tpu.memref_slice %run_scoped3A_1[%dma_wait3A_275, %dma_wait3A_276] : memref<8x128xi32, #tpu.memory_space<vmem>> -> memref<1x128xi32, #tpu.memory_space<vmem>>
        %dma_wait3A_278 = tpu.memref_squeeze %dma_wait3A_277 : memref<1x128xi32, #tpu.memory_space<vmem>> -> memref<128xi32, #tpu.memory_space<vmem>>
        %dma_wait3A_279 = arith.constant 0 : i32
        %dma_wait3A_280 = arith.constant 0 : i32
        %dma_wait3A_281 = tpu.memref_slice %arg2[%dma_wait3A_279, %dma_wait3A_280] : memref<10240x128xf32, #tpu.memory_space<hbm>> -> memref<10240x128xf32, #tpu.memory_space<hbm>>
        tpu.wait_indirect_dma semaphore(%arg8 : memref<!tpu.dma_semaphore, #tpu.memory_space<semaphore_mem>>) src(%dma_wait3A_281 : memref<10240x128xf32, #tpu.memory_space<hbm>>) dst(%run_scoped3A_3 : memref<128x128xf32, #tpu.memory_space<vmem>>)
        %dma_start3A_282 = arith.constant 7 : i32
        %dma_start3A_283 = arith.constant 0 : i32
        %dma_start3A_284 = tpu.memref_slice %run_scoped3A_1[%dma_start3A_282, %dma_start3A_283] : memref<8x128xi32, #tpu.memory_space<vmem>> -> memref<1x128xi32, #tpu.memory_space<vmem>>
        %dma_start3A_285 = tpu.memref_squeeze %dma_start3A_284 : memref<1x128xi32, #tpu.memory_space<vmem>> -> memref<128xi32, #tpu.memory_space<vmem>>
        %dma_start3A_286 = arith.constant 0 : i32
        %dma_start3A_287 = arith.constant 0 : i32
        %dma_start3A_288 = tpu.memref_slice %arg2[%dma_start3A_286, %dma_start3A_287] : memref<10240x128xf32, #tpu.memory_space<hbm>> -> memref<10240x128xf32, #tpu.memory_space<hbm>>
        tpu.enqueue_indirect_dma source(%dma_start3A_288 : memref<10240x128xf32, #tpu.memory_space<hbm>>) target(%run_scoped3A_4 : memref<128x128xf32, #tpu.memory_space<vmem>>) offsets(%dma_start3A_285 : memref<128xi32, #tpu.memory_space<vmem>>) semaphore(%arg8 : memref<!tpu.dma_semaphore, #tpu.memory_space<semaphore_mem>>)
        %run_scoped3A_289 = arith.constant 6 : i32
        "tpu.region"() ({
          %run_scoped3A_301 = tpu.sem_alloc : memref<!tpu.dma_semaphore, #tpu.memory_space<semaphore_mem>>
          %dma_start3A_302 = arith.constant 0 : i32
          %dma_start3A_303 = tpu.memref_slice %run_scoped3A_2[%run_scoped3A_289, %dma_start3A_302] : memref<8x128xi32, #tpu.memory_space<vmem>> -> memref<1x128xi32, #tpu.memory_space<vmem>>
          %dma_start3A_304 = tpu.memref_squeeze %dma_start3A_303 : memref<1x128xi32, #tpu.memory_space<vmem>> -> memref<128xi32, #tpu.memory_space<vmem>>
          %dma_start3A_305 = arith.constant 0 : i32
          %dma_start3A_306 = arith.constant 0 : i32
          %dma_start3A_307 = tpu.memref_slice %arg7[%dma_start3A_305, %dma_start3A_306] : memref<10240x128xf32, #tpu.memory_space<vmem_shared>> -> memref<10240x128xf32, #tpu.memory_space<vmem_shared>>
          tpu.enqueue_indirect_dma source(%run_scoped3A_3 : memref<128x128xf32, #tpu.memory_space<vmem>>) target(%dma_start3A_307 : memref<10240x128xf32, #tpu.memory_space<vmem_shared>>) offsets(%dma_start3A_304 : memref<128xi32, #tpu.memory_space<vmem>>) semaphore(%run_scoped3A_301 : memref<!tpu.dma_semaphore, #tpu.memory_space<semaphore_mem>>) {add = true}
          %dma_wait3A_308 = arith.constant 0 : i32
          %dma_wait3A_309 = tpu.memref_slice %run_scoped3A_2[%run_scoped3A_289, %dma_wait3A_308] : memref<8x128xi32, #tpu.memory_space<vmem>> -> memref<1x128xi32, #tpu.memory_space<vmem>>
          %dma_wait3A_310 = tpu.memref_squeeze %dma_wait3A_309 : memref<1x128xi32, #tpu.memory_space<vmem>> -> memref<128xi32, #tpu.memory_space<vmem>>
          %dma_wait3A_311 = arith.constant 0 : i32
          %dma_wait3A_312 = arith.constant 0 : i32
          %dma_wait3A_313 = tpu.memref_slice %arg7[%dma_wait3A_311, %dma_wait3A_312] : memref<10240x128xf32, #tpu.memory_space<vmem_shared>> -> memref<10240x128xf32, #tpu.memory_space<vmem_shared>>
          tpu.wait_indirect_dma semaphore(%run_scoped3A_301 : memref<!tpu.dma_semaphore, #tpu.memory_space<semaphore_mem>>) src(%run_scoped3A_3 : memref<128x128xf32, #tpu.memory_space<vmem>>) dst(%dma_wait3A_313 : memref<10240x128xf32, #tpu.memory_space<vmem_shared>>)
          tpu.yield
        }) : () -> ()
        %dma_wait3A_290 = arith.constant 7 : i32
        %dma_wait3A_291 = arith.constant 0 : i32
        %dma_wait3A_292 = tpu.memref_slice %run_scoped3A_1[%dma_wait3A_290, %dma_wait3A_291] : memref<8x128xi32, #tpu.memory_space<vmem>> -> memref<1x128xi32, #tpu.memory_space<vmem>>
        %dma_wait3A_293 = tpu.memref_squeeze %dma_wait3A_292 : memref<1x128xi32, #tpu.memory_space<vmem>> -> memref<128xi32, #tpu.memory_space<vmem>>
        %dma_wait3A_294 = arith.constant 0 : i32
        %dma_wait3A_295 = arith.constant 0 : i32
        %dma_wait3A_296 = tpu.memref_slice %arg2[%dma_wait3A_294, %dma_wait3A_295] : memref<10240x128xf32, #tpu.memory_space<hbm>> -> memref<10240x128xf32, #tpu.memory_space<hbm>>
        tpu.wait_indirect_dma semaphore(%arg8 : memref<!tpu.dma_semaphore, #tpu.memory_space<semaphore_mem>>) src(%dma_wait3A_296 : memref<10240x128xf32, #tpu.memory_space<hbm>>) dst(%run_scoped3A_4 : memref<128x128xf32, #tpu.memory_space<vmem>>)
        %convert_element_type3A_297 = arith.extui %lt3A : i1 to i32
        %cond3A_298 = arith.constant 0 : i32
        %cond3A_299 = arith.cmpi ne, %convert_element_type3A_297, %cond3A_298 : i32
        scf.if %cond3A_299 {
          %dma_wait3A_301 = arith.constant 0 : i32
          %dma_wait3A_302 = tpu.memref_slice %arg3[%add3A_47, %dma_wait3A_301] : memref<2560x128xi32, #tpu.memory_space<hbm>> -> memref<8x128xi32, #tpu.memory_space<hbm>>
          %dma_wait3A_303 = arith.constant 0 : i32
          %dma_wait3A_304 = tpu.memref_slice %arg3[%add3A_47, %dma_wait3A_303] : memref<2560x128xi32, #tpu.memory_space<hbm>> -> memref<8x128xi32, #tpu.memory_space<hbm>>
          tpu.wait_dma2 semaphore(%arg9 : memref<!tpu.dma_semaphore, #tpu.memory_space<semaphore_mem>>) src(%dma_wait3A_304 : memref<8x128xi32, #tpu.memory_space<hbm>>) dst(%run_scoped3A : memref<8x128xi32, #tpu.memory_space<vmem>>)
          %dma_wait3A_305 = arith.constant 0 : i32
          %dma_wait3A_306 = tpu.memref_slice %arg4[%add3A_47, %dma_wait3A_305] : memref<2560x128xi32, #tpu.memory_space<hbm>> -> memref<8x128xi32, #tpu.memory_space<hbm>>
          %dma_wait3A_307 = arith.constant 0 : i32
          %dma_wait3A_308 = tpu.memref_slice %arg4[%add3A_47, %dma_wait3A_307] : memref<2560x128xi32, #tpu.memory_space<hbm>> -> memref<8x128xi32, #tpu.memory_space<hbm>>
          tpu.wait_dma2 semaphore(%arg9 : memref<!tpu.dma_semaphore, #tpu.memory_space<semaphore_mem>>) src(%dma_wait3A_308 : memref<8x128xi32, #tpu.memory_space<hbm>>) dst(%run_scoped3A_0 : memref<8x128xi32, #tpu.memory_space<vmem>>)
          %dma_start3A_309 = arith.constant 0 : i32
          %dma_start3A_310 = arith.constant 0 : i32
          %dma_start3A_311 = tpu.memref_slice %run_scoped3A[%dma_start3A_309, %dma_start3A_310] : memref<8x128xi32, #tpu.memory_space<vmem>> -> memref<1x128xi32, #tpu.memory_space<vmem>>
          %dma_start3A_312 = tpu.memref_squeeze %dma_start3A_311 : memref<1x128xi32, #tpu.memory_space<vmem>> -> memref<128xi32, #tpu.memory_space<vmem>>
          %dma_start3A_313 = arith.constant 0 : i32
          %dma_start3A_314 = arith.constant 0 : i32
          %dma_start3A_315 = tpu.memref_slice %arg2[%dma_start3A_313, %dma_start3A_314] : memref<10240x128xf32, #tpu.memory_space<hbm>> -> memref<10240x128xf32, #tpu.memory_space<hbm>>
          tpu.enqueue_indirect_dma source(%dma_start3A_315 : memref<10240x128xf32, #tpu.memory_space<hbm>>) target(%run_scoped3A_3 : memref<128x128xf32, #tpu.memory_space<vmem>>) offsets(%dma_start3A_312 : memref<128xi32, #tpu.memory_space<vmem>>) semaphore(%arg8 : memref<!tpu.dma_semaphore, #tpu.memory_space<semaphore_mem>>)
        } else {
        }
        %run_scoped3A_300 = arith.constant 7 : i32
        "tpu.region"() ({
          %run_scoped3A_301 = tpu.sem_alloc : memref<!tpu.dma_semaphore, #tpu.memory_space<semaphore_mem>>
          %dma_start3A_302 = arith.constant 0 : i32
          %dma_start3A_303 = tpu.memref_slice %run_scoped3A_2[%run_scoped3A_300, %dma_start3A_302] : memref<8x128xi32, #tpu.memory_space<vmem>> -> memref<1x128xi32, #tpu.memory_space<vmem>>
          %dma_start3A_304 = tpu.memref_squeeze %dma_start3A_303 : memref<1x128xi32, #tpu.memory_space<vmem>> -> memref<128xi32, #tpu.memory_space<vmem>>
          %dma_start3A_305 = arith.constant 0 : i32
          %dma_start3A_306 = arith.constant 0 : i32
          %dma_start3A_307 = tpu.memref_slice %arg7[%dma_start3A_305, %dma_start3A_306] : memref<10240x128xf32, #tpu.memory_space<vmem_shared>> -> memref<10240x128xf32, #tpu.memory_space<vmem_shared>>
          tpu.enqueue_indirect_dma source(%run_scoped3A_4 : memref<128x128xf32, #tpu.memory_space<vmem>>) target(%dma_start3A_307 : memref<10240x128xf32, #tpu.memory_space<vmem_shared>>) offsets(%dma_start3A_304 : memref<128xi32, #tpu.memory_space<vmem>>) semaphore(%run_scoped3A_301 : memref<!tpu.dma_semaphore, #tpu.memory_space<semaphore_mem>>) {add = true}
          %dma_wait3A_308 = arith.constant 0 : i32
          %dma_wait3A_309 = tpu.memref_slice %run_scoped3A_2[%run_scoped3A_300, %dma_wait3A_308] : memref<8x128xi32, #tpu.memory_space<vmem>> -> memref<1x128xi32, #tpu.memory_space<vmem>>
          %dma_wait3A_310 = tpu.memref_squeeze %dma_wait3A_309 : memref<1x128xi32, #tpu.memory_space<vmem>> -> memref<128xi32, #tpu.memory_space<vmem>>
          %dma_wait3A_311 = arith.constant 0 : i32
          %dma_wait3A_312 = arith.constant 0 : i32
          %dma_wait3A_313 = tpu.memref_slice %arg7[%dma_wait3A_311, %dma_wait3A_312] : memref<10240x128xf32, #tpu.memory_space<vmem_shared>> -> memref<10240x128xf32, #tpu.memory_space<vmem_shared>>
          tpu.wait_indirect_dma semaphore(%run_scoped3A_301 : memref<!tpu.dma_semaphore, #tpu.memory_space<semaphore_mem>>) src(%run_scoped3A_4 : memref<128x128xf32, #tpu.memory_space<vmem>>) dst(%dma_wait3A_313 : memref<10240x128xf32, #tpu.memory_space<vmem_shared>>)
          tpu.yield
        }) : () -> ()
      }
      %barrier3A_33 = arith.constant 0 : index
      tpu.barrier barrier_id(%barrier3A_33)
      %mul3A_34 = arith.constant 640 : i32
      %mul3A_35 = arith.muli %arg1, %mul3A_34 : i32
      %mul3A_36 = arith.constant 640 : i32
      %mul3A_37 = arith.muli %arg1, %mul3A_36 : i32
      "tpu.region"() ({
        %run_scoped3A_38 = tpu.sem_alloc : memref<!tpu.dma_semaphore, #tpu.memory_space<semaphore_mem>>
        %dma_start3A_39 = arith.constant 0 : i32
        %dma_start3A_40 = tpu.memref_slice %arg6[%arg0, %mul3A_37, %dma_start3A_39] : memref<2x10240x128xf32, #tpu.memory_space<hbm>> -> memref<1x640x128xf32, #tpu.memory_space<hbm>>
        %dma_start3A_41 = tpu.memref_squeeze %dma_start3A_40 : memref<1x640x128xf32, #tpu.memory_space<hbm>> -> memref<640x128xf32, #tpu.memory_space<hbm>>
        %dma_start3A_42 = arith.constant 0 : i32
        %dma_start3A_43 = tpu.memref_slice %arg7[%mul3A_35, %dma_start3A_42] : memref<10240x128xf32, #tpu.memory_space<vmem_shared>> -> memref<640x128xf32, #tpu.memory_space<vmem_shared>>
        tpu.enqueue_dma source(%dma_start3A_43 : memref<640x128xf32, #tpu.memory_space<vmem_shared>>) target(%dma_start3A_41 : memref<640x128xf32, #tpu.memory_space<hbm>>) target_semaphore(%run_scoped3A_38 : memref<!tpu.dma_semaphore, #tpu.memory_space<semaphore_mem>>)
        %dma_wait3A = arith.constant 0 : i32
        %dma_wait3A_44 = tpu.memref_slice %arg6[%arg0, %mul3A_37, %dma_wait3A] : memref<2x10240x128xf32, #tpu.memory_space<hbm>> -> memref<1x640x128xf32, #tpu.memory_space<hbm>>
        %dma_wait3A_45 = tpu.memref_squeeze %dma_wait3A_44 : memref<1x640x128xf32, #tpu.memory_space<hbm>> -> memref<640x128xf32, #tpu.memory_space<hbm>>
        %dma_wait3A_46 = arith.constant 0 : i32
        %dma_wait3A_47 = tpu.memref_slice %arg7[%mul3A_35, %dma_wait3A_46] : memref<10240x128xf32, #tpu.memory_space<vmem_shared>> -> memref<640x128xf32, #tpu.memory_space<vmem_shared>>
        tpu.wait_dma2 semaphore(%run_scoped3A_38 : memref<!tpu.dma_semaphore, #tpu.memory_space<semaphore_mem>>) src(%dma_wait3A_47 : memref<640x128xf32, #tpu.memory_space<vmem_shared>>) dst(%dma_wait3A_45 : memref<640x128xf32, #tpu.memory_space<hbm>>)
        tpu.yield
      }) : () -> ()
      tpu.yield
    }) : () -> ()
    return
  }
}

module attributes {stable_mosaic.version = 14 : i64} {
  func.func @_tc_first(%arg0: i32, %arg1: memref<1024x128xf32, #tpu.memory_space<vmem>>, %arg2: memref<128x128xf32, #tpu.memory_space<vmem>>, %arg3: memref<32x1024xf32, #tpu.memory_space<vmem>>, %arg4: memref<1024x128xf32, #tpu.memory_space<vmem>>, %arg5: memref<1024x8xf32, #tpu.memory_space<vmem>>) attributes {dimension_semantics = [#tpu.dimension_semantics<arbitrary>], iteration_bounds = array<i64: 10>, scalar_prefetch = 0 : i64, scratch_operands = 0 : i64, tpu.core_type = #tpu.core_type<tc>, window_params = [{transform_indices = @transform_0, window_bounds = array<i64: 1024, 128>}, {pipeline_mode = #tpu.pipeline_mode<synchronous>, transform_indices = @transform_1, window_bounds = array<i64: 128, 128>}, {transform_indices = @transform_2, window_bounds = array<i64: 32, 1024>}, {transform_indices = @transform_3, window_bounds = array<i64: 1024, 128>}, {transform_indices = @transform_4, window_bounds = array<i64: 1024, 8>}]} {
    %get3A = arith.constant 0 : index
    %get3A_0 = arith.constant 0 : index
    %get3A_1 = vector.load %arg3[%get3A, %get3A_0] : memref<32x1024xf32, #tpu.memory_space<vmem>>, vector<32x1024xf32>
    %reduce_sum3A = arith.constant dense<0.000000e+00> : vector<1024xf32>
    %reduce_sum3A_2 = vector.multi_reduction <add>, %get3A_1, %reduce_sum3A [0] : vector<32x1024xf32> to vector<1024xf32>
    %add3A = arith.constant 1.000000e+00 : f32
    %add3A_3 = vector.broadcast %add3A : f32 to vector<1024xf32>
    %add3A_4 = arith.addf %reduce_sum3A_2, %add3A_3 : vector<1024xf32>
    %rsqrt3A = math.rsqrt %add3A_4 : vector<1024xf32>
    %broadcast_in_dim3A = vector.shape_cast %rsqrt3A : vector<1024xf32> to vector<1024x1xf32>
    %get3A_5 = arith.constant 0 : index
    %get3A_6 = arith.constant 0 : index
    %get3A_7 = vector.load %arg1[%get3A_5, %get3A_6] : memref<1024x128xf32, #tpu.memory_space<vmem>>, vector<1024x128xf32>
    %get3A_8 = arith.constant 0 : index
    %get3A_9 = arith.constant 0 : index
    %get3A_10 = vector.load %arg2[%get3A_8, %get3A_9] : memref<128x128xf32, #tpu.memory_space<vmem>>, vector<128x128xf32>
    %dot_general3A = arith.constant dense<0.000000e+00> : vector<1024x128xf32>
    %dot_general3A_11 = tpu.matmul %get3A_7, %get3A_10, %dot_general3A {dimension_numbers = #tpu.dot_dimension_numbers<[1], [0], [0], [1], [0, 0, 1, 1], [], []>, transpose_lhs_hint = false} : vector<1024x128xf32>, vector<128x128xf32>, vector<1024x128xf32> -> vector<1024x128xf32>
    %mul3A = vector.broadcast %broadcast_in_dim3A : vector<1024x1xf32> to vector<1024x128xf32>
    %mul3A_12 = arith.mulf %dot_general3A_11, %mul3A : vector<1024x128xf32>
    %swap3A = arith.constant 0 : index
    %swap3A_13 = arith.constant 0 : index
    %swap3A_14 = vector.load %arg4[%swap3A, %swap3A_13] : memref<1024x128xf32, #tpu.memory_space<vmem>>, vector<1024x128xf32>
    tpu.vector_store %arg4[%swap3A, %swap3A_13], %mul3A_12 {strides = array<i32>} : memref<1024x128xf32, #tpu.memory_space<vmem>>, vector<1024x128xf32>,
    %broadcast_in_dim3A_15 = vector.shape_cast %broadcast_in_dim3A : vector<1024x1xf32> to vector<1024x1xf32>
    %broadcast_in_dim3A_16 = vector.broadcast %broadcast_in_dim3A_15 : vector<1024x1xf32> to vector<1024x8xf32>
    %swap3A_17 = arith.constant 0 : index
    %swap3A_18 = arith.constant 0 : index
    %swap3A_19 = vector.load %arg5[%swap3A_17, %swap3A_18] : memref<1024x8xf32, #tpu.memory_space<vmem>>, vector<1024x8xf32>
    tpu.vector_store %arg5[%swap3A_17, %swap3A_18], %broadcast_in_dim3A_16 {strides = array<i32>} : memref<1024x8xf32, #tpu.memory_space<vmem>>, vector<1024x8xf32>,
    return
  }
  func.func @transform_0(%arg0: i32) -> (i32, i32) {
    %c0_i32 = arith.constant 0 : i32
    %c0_i32_0 = arith.constant 0 : i32
    return %arg0, %c0_i32 : i32, i32
  }
  func.func @transform_1(%arg0: i32) -> (i32, i32) {
    %c0_i32 = arith.constant 0 : i32
    %c0_i32_0 = arith.constant 0 : i32
    %c0_i32_1 = arith.constant 0 : i32
    return %c0_i32, %c0_i32_0 : i32, i32
  }
  func.func @transform_2(%arg0: i32) -> (i32, i32) {
    %c0_i32 = arith.constant 0 : i32
    %c0_i32_0 = arith.constant 0 : i32
    return %c0_i32, %arg0 : i32, i32
  }
  func.func @transform_3(%arg0: i32) -> (i32, i32) {
    %c0_i32 = arith.constant 0 : i32
    %c0_i32_0 = arith.constant 0 : i32
    return %arg0, %c0_i32 : i32, i32
  }
  func.func @transform_4(%arg0: i32) -> (i32, i32) {
    %c0_i32 = arith.constant 0 : i32
    %c0_i32_0 = arith.constant 0 : i32
    return %arg0, %c0_i32 : i32, i32
  }
}

module attributes {stable_mosaic.version = 14 : i64} {
  func.func @_tc_mid(%arg0: i32, %arg1: memref<1024x128xf32, #tpu.memory_space<vmem>>, %arg2: memref<2x1024x128xf32, #tpu.memory_space<vmem>>, %arg3: memref<1024x8xf32, #tpu.memory_space<vmem>>, %arg4: memref<1x128xf32, #tpu.memory_space<vmem>>, %arg5: memref<128x128xf32, #tpu.memory_space<vmem>>, %arg6: memref<1024x128xf32, #tpu.memory_space<vmem>>) attributes {dimension_semantics = [#tpu.dimension_semantics<arbitrary>], iteration_bounds = array<i64: 10>, scalar_prefetch = 0 : i64, scratch_operands = 0 : i64, tpu.core_type = #tpu.core_type<tc>, window_params = [{transform_indices = @transform_0, window_bounds = array<i64: 1024, 128>}, {transform_indices = @transform_1, window_bounds = array<i64: 2, 1024, 128>}, {transform_indices = @transform_2, window_bounds = array<i64: 1024, 8>}, {pipeline_mode = #tpu.pipeline_mode<synchronous>, transform_indices = @transform_3, window_bounds = array<i64: 1, 128>}, {pipeline_mode = #tpu.pipeline_mode<synchronous>, transform_indices = @transform_4, window_bounds = array<i64: 128, 128>}, {transform_indices = @transform_5, window_bounds = array<i64: 1024, 128>}]} {
    %get3A = arith.constant 0 : index
    %get3A_0 = arith.constant 0 : index
    %get3A_1 = vector.load %arg3[%get3A, %get3A_0] : memref<1024x8xf32, #tpu.memory_space<vmem>>, vector<1024x8xf32>
    %slice3A = vector.extract_strided_slice %get3A_1 {offsets = [0, 0], sizes = [1024, 1], strides = [1, 1]} : vector<1024x8xf32> to vector<1024x1xf32>
    %get3A_2 = arith.constant 0 : index
    %get3A_3 = arith.constant 0 : index
    %get3A_4 = vector.load %arg1[%get3A_2, %get3A_3] : memref<1024x128xf32, #tpu.memory_space<vmem>>, vector<1024x128xf32>
    %get3A_5 = arith.constant 0 : index
    %get3A_6 = arith.constant 0 : index
    %get3A_7 = arith.constant 0 : index
    %get3A_8 = vector.load %arg2[%get3A_5, %get3A_6, %get3A_7] : memref<2x1024x128xf32, #tpu.memory_space<vmem>>, vector<1x1024x128xf32>
    %get3A_9 = vector.shape_cast %get3A_8 : vector<1x1024x128xf32> to vector<1024x128xf32>
    %add3A = arith.addf %get3A_4, %get3A_9 : vector<1024x128xf32>
    %get3A_10 = arith.constant 1 : index
    %get3A_11 = arith.constant 0 : index
    %get3A_12 = arith.constant 0 : index
    %get3A_13 = vector.load %arg2[%get3A_10, %get3A_11, %get3A_12] : memref<2x1024x128xf32, #tpu.memory_space<vmem>>, vector<1x1024x128xf32>
    %get3A_14 = vector.shape_cast %get3A_13 : vector<1x1024x128xf32> to vector<1024x128xf32>
    %add3A_15 = arith.addf %add3A, %get3A_14 : vector<1024x128xf32>
    %mul3A = vector.broadcast %slice3A : vector<1024x1xf32> to vector<1024x128xf32>
    %mul3A_16 = arith.mulf %mul3A, %add3A_15 : vector<1024x128xf32>
    %get3A_17 = arith.constant 0 : index
    %get3A_18 = arith.constant 0 : index
    %get3A_19 = vector.load %arg4[%get3A_17, %get3A_18] : memref<1x128xf32, #tpu.memory_space<vmem>>, vector<1x128xf32>
    %add3A_20 = vector.broadcast %get3A_19 : vector<1x128xf32> to vector<1024x128xf32>
    %add3A_21 = arith.addf %mul3A_16, %add3A_20 : vector<1024x128xf32>
    %max3A = arith.constant 0.000000e+00 : f32
    %max3A_22 = vector.broadcast %max3A : f32 to vector<1024x128xf32>
    %max3A_23 = arith.maximumf %add3A_21, %max3A_22 : vector<1024x128xf32>
    %get3A_24 = arith.constant 0 : index
    %get3A_25 = arith.constant 0 : index
    %get3A_26 = vector.load %arg5[%get3A_24, %get3A_25] : memref<128x128xf32, #tpu.memory_space<vmem>>, vector<128x128xf32>
    %dot_general3A = arith.constant dense<0.000000e+00> : vector<1024x128xf32>
    %dot_general3A_27 = tpu.matmul %max3A_23, %get3A_26, %dot_general3A {dimension_numbers = #tpu.dot_dimension_numbers<[1], [0], [0], [1], [0, 0, 1, 1], [], []>, transpose_lhs_hint = false} : vector<1024x128xf32>, vector<128x128xf32>, vector<1024x128xf32> -> vector<1024x128xf32>
    %mul3A_28 = vector.broadcast %slice3A : vector<1024x1xf32> to vector<1024x128xf32>
    %mul3A_29 = arith.mulf %dot_general3A_27, %mul3A_28 : vector<1024x128xf32>
    %swap3A = arith.constant 0 : index
    %swap3A_30 = arith.constant 0 : index
    %swap3A_31 = vector.load %arg6[%swap3A, %swap3A_30] : memref<1024x128xf32, #tpu.memory_space<vmem>>, vector<1024x128xf32>
    tpu.vector_store %arg6[%swap3A, %swap3A_30], %mul3A_29 {strides = array<i32>} : memref<1024x128xf32, #tpu.memory_space<vmem>>, vector<1024x128xf32>,
    return
  }
  func.func @transform_0(%arg0: i32) -> (i32, i32) {
    %c0_i32 = arith.constant 0 : i32
    %c0_i32_0 = arith.constant 0 : i32
    return %arg0, %c0_i32 : i32, i32
  }
  func.func @transform_1(%arg0: i32) -> (i32, i32, i32) {
    %c0_i32 = arith.constant 0 : i32
    %c0_i32_0 = arith.constant 0 : i32
    %c0_i32_1 = arith.constant 0 : i32
    return %c0_i32, %arg0, %c0_i32_0 : i32, i32, i32
  }
  func.func @transform_2(%arg0: i32) -> (i32, i32) {
    %c0_i32 = arith.constant 0 : i32
    %c0_i32_0 = arith.constant 0 : i32
    return %arg0, %c0_i32 : i32, i32
  }
  func.func @transform_3(%arg0: i32) -> (i32, i32) {
    %c0_i32 = arith.constant 0 : i32
    %c0_i32_0 = arith.constant 0 : i32
    %c0_i32_1 = arith.constant 0 : i32
    return %c0_i32, %c0_i32_0 : i32, i32
  }
  func.func @transform_4(%arg0: i32) -> (i32, i32) {
    %c0_i32 = arith.constant 0 : i32
    %c0_i32_0 = arith.constant 0 : i32
    %c0_i32_1 = arith.constant 0 : i32
    return %c0_i32, %c0_i32_0 : i32, i32
  }
  func.func @transform_5(%arg0: i32) -> (i32, i32) {
    %c0_i32 = arith.constant 0 : i32
    %c0_i32_0 = arith.constant 0 : i32
    return %arg0, %c0_i32 : i32, i32
  }
}

module attributes {stable_mosaic.version = 14 : i64} {
  func.func @_tc_last(%arg0: i32, %arg1: memref<1024x128xf32, #tpu.memory_space<vmem>>, %arg2: memref<2x1024x128xf32, #tpu.memory_space<vmem>>, %arg3: memref<1024x8xf32, #tpu.memory_space<vmem>>, %arg4: memref<1x128xf32, #tpu.memory_space<vmem>>, %arg5: memref<1024x128xf32, #tpu.memory_space<vmem>>) attributes {dimension_semantics = [#tpu.dimension_semantics<arbitrary>], iteration_bounds = array<i64: 10>, scalar_prefetch = 0 : i64, scratch_operands = 0 : i64, tpu.core_type = #tpu.core_type<tc>, window_params = [{transform_indices = @transform_0, window_bounds = array<i64: 1024, 128>}, {transform_indices = @transform_1, window_bounds = array<i64: 2, 1024, 128>}, {transform_indices = @transform_2, window_bounds = array<i64: 1024, 8>}, {pipeline_mode = #tpu.pipeline_mode<synchronous>, transform_indices = @transform_3, window_bounds = array<i64: 1, 128>}, {transform_indices = @transform_4, window_bounds = array<i64: 1024, 128>}]} {
    %get3A = arith.constant 0 : index
    %get3A_0 = arith.constant 0 : index
    %get3A_1 = vector.load %arg3[%get3A, %get3A_0] : memref<1024x8xf32, #tpu.memory_space<vmem>>, vector<1024x8xf32>
    %slice3A = vector.extract_strided_slice %get3A_1 {offsets = [0, 0], sizes = [1024, 1], strides = [1, 1]} : vector<1024x8xf32> to vector<1024x1xf32>
    %get3A_2 = arith.constant 0 : index
    %get3A_3 = arith.constant 0 : index
    %get3A_4 = vector.load %arg1[%get3A_2, %get3A_3] : memref<1024x128xf32, #tpu.memory_space<vmem>>, vector<1024x128xf32>
    %get3A_5 = arith.constant 0 : index
    %get3A_6 = arith.constant 0 : index
    %get3A_7 = arith.constant 0 : index
    %get3A_8 = vector.load %arg2[%get3A_5, %get3A_6, %get3A_7] : memref<2x1024x128xf32, #tpu.memory_space<vmem>>, vector<1x1024x128xf32>
    %get3A_9 = vector.shape_cast %get3A_8 : vector<1x1024x128xf32> to vector<1024x128xf32>
    %add3A = arith.addf %get3A_4, %get3A_9 : vector<1024x128xf32>
    %get3A_10 = arith.constant 1 : index
    %get3A_11 = arith.constant 0 : index
    %get3A_12 = arith.constant 0 : index
    %get3A_13 = vector.load %arg2[%get3A_10, %get3A_11, %get3A_12] : memref<2x1024x128xf32, #tpu.memory_space<vmem>>, vector<1x1024x128xf32>
    %get3A_14 = vector.shape_cast %get3A_13 : vector<1x1024x128xf32> to vector<1024x128xf32>
    %add3A_15 = arith.addf %add3A, %get3A_14 : vector<1024x128xf32>
    %mul3A = vector.broadcast %slice3A : vector<1024x1xf32> to vector<1024x128xf32>
    %mul3A_16 = arith.mulf %mul3A, %add3A_15 : vector<1024x128xf32>
    %get3A_17 = arith.constant 0 : index
    %get3A_18 = arith.constant 0 : index
    %get3A_19 = vector.load %arg4[%get3A_17, %get3A_18] : memref<1x128xf32, #tpu.memory_space<vmem>>, vector<1x128xf32>
    %add3A_20 = vector.broadcast %get3A_19 : vector<1x128xf32> to vector<1024x128xf32>
    %add3A_21 = arith.addf %mul3A_16, %add3A_20 : vector<1024x128xf32>
    %max3A = arith.constant 0.000000e+00 : f32
    %max3A_22 = vector.broadcast %max3A : f32 to vector<1024x128xf32>
    %max3A_23 = arith.maximumf %add3A_21, %max3A_22 : vector<1024x128xf32>
    %swap3A = arith.constant 0 : index
    %swap3A_24 = arith.constant 0 : index
    %swap3A_25 = vector.load %arg5[%swap3A, %swap3A_24] : memref<1024x128xf32, #tpu.memory_space<vmem>>, vector<1024x128xf32>
    tpu.vector_store %arg5[%swap3A, %swap3A_24], %max3A_23 {strides = array<i32>} : memref<1024x128xf32, #tpu.memory_space<vmem>>, vector<1024x128xf32>,
    return
  }
  func.func @transform_0(%arg0: i32) -> (i32, i32) {
    %c0_i32 = arith.constant 0 : i32
    %c0_i32_0 = arith.constant 0 : i32
    return %arg0, %c0_i32 : i32, i32
  }
  func.func @transform_1(%arg0: i32) -> (i32, i32, i32) {
    %c0_i32 = arith.constant 0 : i32
    %c0_i32_0 = arith.constant 0 : i32
    %c0_i32_1 = arith.constant 0 : i32
    return %c0_i32, %arg0, %c0_i32_0 : i32, i32, i32
  }
  func.func @transform_2(%arg0: i32) -> (i32, i32) {
    %c0_i32 = arith.constant 0 : i32
    %c0_i32_0 = arith.constant 0 : i32
    return %arg0, %c0_i32 : i32, i32
  }
  func.func @transform_3(%arg0: i32) -> (i32, i32) {
    %c0_i32 = arith.constant 0 : i32
    %c0_i32_0 = arith.constant 0 : i32
    %c0_i32_1 = arith.constant 0 : i32
    return %c0_i32, %c0_i32_0 : i32, i32
  }
  func.func @transform_4(%arg0: i32) -> (i32, i32) {
    %c0_i32 = arith.constant 0 : i32
    %c0_i32_0 = arith.constant 0 : i32
    return %arg0, %c0_i32 : i32, i32
  }
}

</mosaic_0001>

<sc_bundles>
// kernel: kernel.11.cloned.1.call-start
scs
__scs_entry_jumppad:
0x0: {  	(pc) =	sbr.rel $0x88, $3  }
0x1: {  	(tag) =	ssettag $0x0;
	lr =	simm.s32 $0x1  }
0x2: {  	[smem:$0x3F9B] =	sst lr;
	_ =	strace $0xD0000000  }
0x3: {  	_ = 	snop  }
0x4: {  	_ = 	snop  }
0x5: {  	_ = 	snop  }
0x6: {  	_ = 	snop  }
0x7: {  	_ = 	snop  }
__scs_overlays_trampoline_lowered:
0x8: {  	[smem:$0x3FAA] =	sst s0  }
0x9: {  	[smem:$0x3FAB] =	sst s1  }
0xa: {  	[smem:$0x3FAC] =	sst s2  }
0xb: {  	[smem:$0x3FAD] =	sst s3  }
0xc: {  	[smem:$0x3FAE] =	sst s4  }
0xd: {  	[smem:$0x3FAF] =	sst s5  }
0xe: {  	[smem:$0x3FB0] =	sst s6  }
0xf: {  	[smem:$0x3FB1] =	sst s7  }
0x10: {  	[smem:$0x3FB2] =	sst s8  }
0x11: {  	[smem:$0x3FB3] =	sst s9;
	s0 =	simm.s32 @!p0 $0x0  }
0x12: {  	s1 =	sld [smem:$0x3F99];
	s0 =	simm.s32 @p0 $0x1  }
0x13: {  	[smem:$0x3FB4] =	sst s0;
	s0 =	simm.s32 @!p1 $0x0  }
0x14: {  	s2 =	sld [smem:$0x3F98];
	s0 =	simm.s32 @p1 $0x1  }
0x15: {  	[smem:$0x3FB5] =	sst s0;
	s0 =	simm.s32 @!p2 $0x0  }
0x16: {  	s3 =	sld [smem:$0x3FDB];
	s0 =	simm.s32 @p2 $0x1  }
0x17: {  	s4 =	simm.s32 $0x1BF5;
	[smem:$0x3FB7] =	sst s0  }
0x18: {  	s0 =	sld [smem:$0x3F9A];
	_ =	swait.ge [sflag:s4], $0x0  }
0x19: {  	s7 =	sld [smem:$0x3F9B]  }
0x1a: {  	s8 =	sadd.s32 $0xFFFFE003, lr  }
0x1b: {  	s9 =	sadd.s32 $0xFFFFFEF7, lr;
	s5 =	simm.s32 $0xFFFFFFFF;
	p2 =	slt.u32 s8, $0xFFFFF086  }
0x1c: {  	p1 =	slt.u32 s9, $0xF7A;
	s5 =	simm.s32 @!p2 $0x0  }
0x1d: {  	s5 =	simm.s32 @p1 $0x1;
	p0 =	seq.s32 s7, s2  }
0x1e: {  	s7 =	smul.u32 @!p0 $0xF7A, s2;
	p2 =	seq.s32 @!p0 s5, $0x0  }
0x1f: {  	s9 =	smul.u32 $0xF7A, s1;
	s8 =	simm.s32 @!p0 $0x1BF5;
	p2 =	por !p2, p0  }
0x20: {  	[sflag:s8] =	ssyncset.s32 @!p0 $0xFFFFF086;
	s6 =	sadd.s32 @!p0 s3, s7;
	s7 =	simm.s32 @!p0 $0x108  }
0x21: {  	s3 =	sadd.s32 s3, s9;
	s6 =	sadd.s32 @!p0 $0x88, s6;
	s7 =	simm.s32 @p2 $0x1082  }
0x22: {  	[simem:s7], [sflag:s8] =	dma.local @!p0 [hbm:s6], $0xF7A  }
0x23: {  	s9 =	sor.u32 $0xD0000000, s2;
	s6 =	simm.s32 $0x108;
	_ =	swait.ge @!p0 [sflag:s8], $0x0  }
0x24: {  	s3 =	sadd.s32 $0x88, s3;
	s6 =	simm.s32 @!p1 $0x1082;
	[sflag:s4] =	ssyncset.s32 $0xFFFFF086  }
0x25: {  	[simem:s6], [sflag:s4] =	dma.local [hbm:s3], $0xF7A  }
0x26: {  	[smem:$0x3F9B] =	sst s1;
	(tag) =	ssettag s2;
	_ =	strace s9  }
0x27: {  	s1 =	sld [smem:$0x3FAB]  }
0x28: {  	s2 =	sld [smem:$0x3FAC]  }
0x29: {  	s4 =	sld [smem:$0x3FAE]  }
0x2a: {  	p0 =	seq.s32 s5, $0x0;
	s5 =	sld [smem:$0x3FAF]  }
0x2b: {  	s6 =	sld [smem:$0x3FB0]  }
0x2c: {  	s7 =	sld [smem:$0x3FB1]  }
0x2d: {  	s3 =	simm.s32 $0x108;
	s8 =	sld [smem:$0x3FB2]  }
0x2e: {  	s3 =	simm.s32 @!p0 $0x1082;
	s9 =	sld [smem:$0x3FB3]  }
0x2f: {  	lr =	sadd.s32 s0, s3;
	s0 =	sld [smem:$0x3FAA]  }
0x30: {  	s3 =	sld [smem:$0x3FAD]  }
0x31: {  	[smem:$0x3FB6] =	sst s10  }
0x32: {  	s10 =	sld [smem:$0x3FB4];
	_ =	sdelay $0x3  }
0x33: {  	p0 =	seq.s32 s10, $0x1;
	s10 =	sld [smem:$0x3FB6];
	_ =	sdelay $0x3  }
0x34: {  	[smem:$0x3FB6] =	sst s10  }
0x35: {  	s10 =	sld [smem:$0x3FB5];
	_ =	sdelay $0x3  }
0x36: {  	p1 =	seq.s32 s10, $0x1;
	s10 =	sld [smem:$0x3FB6];
	_ =	sdelay $0x3  }
0x37: {  	[smem:$0x3FB6] =	sst s10  }
0x38: {  	s10 =	sld [smem:$0x3FB7]  }
0x39: {  	_ = 	snop;
	(pc) =	sbr.ind lr, $3  }
0x3a: {  	_ = 	snop  }
0x3b: {  	_ = 	snop  }
0x3c: {  	p2 =	seq.s32 s10, $0x1;
	s10 =	sld [smem:$0x3FB6]  }
0x3d: {  	_ =	shalt  }
0x3e: {  	_ =	shalt  }
0x3f: {  	_ =	shalt  }
0x40: {  	_ =	shalt  }
0x41: {  	_ =	shalt  }
0x42: {  	_ =	shalt  }
0x43: {  	_ =	shalt  }
0x44: {  	_ =	shalt  }
0x45: {  	_ =	shalt  }
0x46: {  	_ =	shalt  }
0x47: {  	_ =	shalt  }
0x48: {  	_ =	shalt  }
0x49: {  	_ =	shalt  }
0x4a: {  	_ =	shalt  }
0x4b: {  	_ =	shalt  }
0x4c: {  	_ =	shalt  }
0x4d: {  	_ =	shalt  }
0x4e: {  	_ =	shalt  }
0x4f: {  	_ =	shalt  }
0x50: {  	_ =	shalt  }
0x51: {  	_ =	shalt  }
0x52: {  	_ =	shalt  }
0x53: {  	_ =	shalt  }
0x54: {  	_ =	shalt  }
0x55: {  	_ =	shalt  }
0x56: {  	_ =	shalt  }
0x57: {  	_ =	shalt  }
0x58: {  	_ =	shalt  }
0x59: {  	_ =	shalt  }
0x5a: {  	_ =	shalt  }
0x5b: {  	_ =	shalt  }
0x5c: {  	_ =	shalt  }
0x5d: {  	_ =	shalt  }
0x5e: {  	_ =	shalt  }
0x5f: {  	_ =	shalt  }
0x60: {  	_ =	shalt  }
0x61: {  	_ =	shalt  }
0x62: {  	_ =	shalt  }
0x63: {  	_ =	shalt  }
0x64: {  	_ =	shalt  }
0x65: {  	_ =	shalt  }
0x66: {  	_ =	shalt  }
0x67: {  	_ =	shalt  }
0x68: {  	_ =	shalt  }
0x69: {  	_ =	shalt  }
0x6a: {  	_ =	shalt  }
0x6b: {  	_ =	shalt  }
0x6c: {  	_ =	shalt  }
0x6d: {  	_ =	shalt  }
0x6e: {  	_ =	shalt  }
0x6f: {  	_ =	shalt  }
0x70: {  	_ =	shalt  }
0x71: {  	_ =	shalt  }
0x72: {  	_ =	shalt  }
0x73: {  	_ =	shalt  }
0x74: {  	_ =	shalt  }
0x75: {  	_ =	shalt  }
0x76: {  	_ =	shalt  }
0x77: {  	_ =	shalt  }
0x78: {  	_ =	shalt  }
0x79: {  	_ =	shalt  }
0x7a: {  	_ =	shalt  }
0x7b: {  	_ =	shalt  }
0x7c: {  	_ =	shalt  }
0x7d: {  	_ =	shalt  }
0x7e: {  	_ =	shalt  }
0x7f: {  	_ =	shalt  }
0x80: {  	_ =	shalt  }
0x81: {  	_ =	shalt  }
0x82: {  	_ =	shalt  }
0x83: {  	_ =	shalt  }
0x84: {  	_ =	shalt  }
0x85: {  	_ =	shalt  }
0x86: {  	_ =	shalt  }
0x87: {  	_ =	shalt  }
.Lfunc_end0:
.L_simem_size_0:
called_computation.1_lowered:
.L_overlay_start_0:
0x88: {  	s2 =	sld [smem:$0x3FD9]  }
0x89: {  	s3 =	sld [smem:$0x3FFE];
	_ =	sdelay $0x1  }
0x8a: {  	s1 =	srdreg.scid  }
0x8b: {  	s0 =	sand.u32 $0x1, s1  }
0x8c: {  	s17 =	sshll.u32 s0, $0xA;
	s2 =	sadd.s32 s3, s2  }
0x8d: {  	s2 =	sadd.s32 s2, s17  }
0x8e: {  	[smem:$0x3FC2] =	sst s2  }
0x8f: {  	_ = 	snop  }
0x90: {  	s2 =	sld [smem:$0x3FD0];
	(tm) =	ssettm $0x1  }
0x91: {  	s18 =	sld [smem:$0x3FFB];
	_ =	sdelay $0x3  }
0x92: {  	_ =	strace s18  }
0x93: {  	s3 =	sld [smem:$0x3FFC];
	_ =	sdelay $0x3  }
0x94: {  	_ =	strace s3  }
0x95: {  	s3 =	sld [smem:$0x3FFD];
	_ =	sdelay $0x3  }
0x96: {  	_ =	strace s3  }
0x97: {  	_ =	strace $0x8FFFFFFF  }
0x98: {  	s19 =	sld [smem:$0x3FDB];
	_ =	sdelay $0x1  }
0x99: {  	s4 =	simm.s32 $_scs_section_size  }
0x9a: {  	s5 =	simm.s32 $_size__tile_overlayer_lowered;
	s6 =	simm.s32 $_tile_overlayer_lowered  }
0x9b: {  	s22 =	simm.s32 $0x1BFF;
	s21 =	sshll.u32 s6, $0x1;
	s3 =	sadd.s32 s4, s19  }
0x9c: {  	s7 =	simm.s32 $0x0;
	s20 =	sshll.u32 s5, $0x1;
	s5 =	sadd.s32 s21, s3  }
0x9d: {  	[timem:s7], [sflag:s22] =	dma.local [hbm:s5], s20  }
0x9e: {  	_ =	swait.ge [sflag:s22], s20  }
0x9f: {  	s4 =	ssub.s32 $0x0, s20;
	[sflag:s22] =	ssyncset.done $0x0  }
0xa0: {  	[sflag:s22] =	ssyncadd.s32 s4;
	_ =	sdelay $0x1  }
0xa1: {  	s23 =	simm.s32 $0x1B8B  }
0xa2: {  	_ =	swait.ge [sflag:s23], $0x1  }
0xa3: {  	[sflag:s23] =	ssyncset.done $0x0  }
0xa4: {  	s25 =	simm.s32 $0x1B8E;
	s24 =	sld [smem:$0x3FFE];
	[sflag:s23] =	ssyncadd.s32 $0xFFFFFFFF  }
0xa5: {  	s26 =	simm.s32 $execute0_lowered;
	[smem:$0x3FD2] =	sst s25  }
0xa6: {  	s5 =	sshll.u32 s26, $0x1;
	_ =	strace $0x80000049;
	[dreg:$0x1] =	wrdreg $0xFFFFFFFF  }
0xa7: {  	s28 =	simm.s32 $_size_execute0_lowered;
	s3 =	sadd.s32 s3, s5;
	[dreg:$0x0] =	wrdreg $0x0  }
0xa8: {  	s5 =	sshll.u32 s28, $0x1;
	[dreg:$0x2] =	wrdreg s3  }
0xa9: {  	[dreg:$0x3] =	wrdreg s5  }
0xaa: {  	[dreg:$0x4] =	wrdreg $0xC0  }
0xab: {  	_ =	task [dreg:s7], $0x5FFFF  }
0xac: {  	[dreg:$0x1] =	wrdreg $0xFFFFFFFF  }
0xad: {  	[dreg:$0x0] =	wrdreg $0x60  }
0xae: {  	[dreg:$0x2] =	wrdreg s24  }
0xaf: {  	[dreg:$0x3] =	wrdreg s2  }
0xb0: {  	[dreg:$0x4] =	wrdreg $0x0  }
0xb1: {  	[dreg:$0x5] =	wrdreg $0x9  }
0xb2: {  	_ =	task.clear_ibuf [dreg:s7], $0x6FFFF;
	_ =	strace $0x90000049  }
0xb3: {  	s29 =	simm.s32 $0x9;
	_ =	strace $0x8000004B  }
0xb4: {  	_ =	swait.ge [sflag:s29], $0x1  }
0xb5: {  	[sflag:s29] =	ssyncadd.s32 $0xFFFFFFFF  }
0xb6: {  	_ =	strace $0x9000004B  }
0xb7: {  	_ =	sfence  }
0xb8: {  	s30 =	sld [smem:$0x0];
	_ =	sdelay $0x2  }
0xb9: {  	s31 =	sshll.u32 s1, $0xD;
	s1 =	sshrl.u32 s1, $0x2  }
0xba: {  	s3 =	sand.u32 $0x4000, s31;
	s1 =	sadd.s32 s1, s30  }
0xbb: {  	s0 =	sor.u32 s3, s0;
	s1 =	sshll.u32 s1, $0x11  }
0xbc: {  	s0 =	sor.u32 s1, s0  }
0xbd: {  	s0 =	sadd.s32 $0x8F2B, s0  }
0xbe: {  	[sflag:s0] =	ssyncadd.remote.s32 $0x1  }
0xbf: {  	_ =	sfence.sel $0xFFFF  }
0xc0: {  	[dreg:$0x0] =	wrdreg $0xFFFFFFFF;
	(pc) =	sbr.abs _section_cstart, $3  }
0xc1: {  	[dreg:$0x1] =	wrdreg $0xFFFFFFFF  }
0xc2: {  	_ =	task.clear_ibuf [dreg:s7], $0x2FFFF;
	_ =	strace $0x9FFFFFFF  }
0xc3: {  	(tm) =	ssettm $0x7FFFFFFF  }
tec
execute0_lowered:
.L_overlay_start_1:
0x0: {  	(tag) =	ssettag $0x1  }
0x1: {  	s0 =	rddreg [dreg:$0x0]  }
0x2: {  	s1 =	rddreg [dreg:$0x1]  }
0x3: {  	s3 =	rddreg [dreg:$0x2]  }
0x4: {  	s13 =	stileid.u32;
	s2 =	srdreg.scid;
	s4 =	simm.s32 $0x0  }
0x5: {  	s12 =	simm.s32 $0x14080;
	s14 =	simm.s32 $0x14100;
	s15 =	simm.s32 $0x14480  }
0x6: {  	s16 =	simm.s32 $0x14180;
	s17 =	simm.s32 $0x14500;
	[smem:$0x7FF] =	sst s4  }
0x7: {  	s19 =	simm.s32 $0x14200;
	_ =	strace $0x8000004A;
	[dreg:$0x5] =	wrdreg s12  }
0x8: {  	s20 =	simm.s32 $0x14580;
	s21 =	simm.s32 $0x14280;
	[dreg:$0x6] =	wrdreg s14  }
0x9: {  	s23 =	simm.s32 $0x14600;
	s28 =	simm.s32 $0x14F00;
	[dreg:$0x7] =	wrdreg s15  }
0xa: {  	s29 =	simm.s32 $0x14F80;
	s30 =	simm.s32 $0x0;
	[dreg:$0x8] =	wrdreg s16  }
0xb: {  	s7 =	smul.u32 $0x14000, s13;
	s2 =	sand.u32 $0x1, s2;
	[dreg:$0x9] =	wrdreg s17  }
0xc: {  	s5 =	sadd.s32 $0xC200, s0;
	s31 =	smul.u32 $0x30, s13;
	[dreg:$0xa] =	wrdreg s19  }
0xd: {  	s6 =	sadd.s32 $0x2200, s0;
	s11 =	smul.u32 $0x70, s13;
	[dreg:$0xb] =	wrdreg s20  }
0xe: {  	s22 =	sshll.u32 s13, $0x6;
	s8 =	smul.u32 $0x140000, s2;
	[dreg:$0xc] =	wrdreg s21  }
0xf: {  	s12 =	smul.u32 $0x50000, s13;
	[dreg:$0xd] =	wrdreg s23;
	s13 =	simm.s32 $0x14700  }
0x10: {  	s10 =	ssub.s32 $0x2, s2;
	s14 =	simm.s32 $0x14780;
	[dreg:$0x11] =	wrdreg s13  }
0x11: {  	p0 =	seq.s32 s2, $0x0;
	s15 =	simm.s32 $0x14880;
	[dreg:$0x12] =	wrdreg s14  }
0x12: {  	s17 =	simm.s32 $0x14900;
	s19 =	simm.s32 $0x14980;
	[dreg:$0x13] =	wrdreg s15  }
0x13: {  	s20 =	simm.s32 $0x14D00;
	s21 =	simm.s32 $0x14A00;
	[dreg:$0x14] =	wrdreg s17  }
0x14: {  	s23 =	simm.s32 $0x14A80;
	s9 =	sshrl.u32 s7, $0x3;
	[dreg:$0x16] =	wrdreg s19  }
0x15: {  	s25 =	sshrl.u32 s10, $0x1;
	s17 =	simm.s32 $0x3;
	[dreg:$0x17] =	wrdreg s20  }
0x16: {  	s19 =	simm.s32 $0x14400;
	[dreg:$0x18] =	wrdreg s21;
	s20 =	simm.s32 $0x80  }
0x17: {  	s21 =	simm.s32 $0x15000;
	[dreg:$0x1a] =	wrdreg s23;
	s23 =	simm.s32 $0x14800  }
0x18: {  	s9 =	sadd.s32 s9, s0;
	s8 =	sadd.s32 s7, s8;
	s7 =	simm.s32 $0x7  }
0x19: {  	s2 =	ssub.s32 s10, s25;
	s10 =	sadd.s32 $0x700, s31;
	s25 =	simm.s32 $0x14680  }
0x1a: {  	s18 =	sshrl.u32 s12, $0x2;
	s31 =	simm.s32 $0x14380;
	[dreg:$0xf] =	wrdreg s25  }
0x1b: {  	s24 =	sshrl.u32 s8, $0x3;
	s9 =	sadd.s32 $0x34200, s9;
	[dreg:$0x10] =	wrdreg s31  }
0x1c: {  	s7 =	simm.s32 @!p0 $0x3;
	s2 =	smax.u32 s2, $0x1;
	[dreg:$0x1f] =	wrdreg s9  }
0x1d: {  	s16 =	sadd.s32 s18, s3;
	s18 =	simm.s32 $0x14C80;
	[smem:$0x7FD] =	sst s2  }
0x1e: {  	s10 =	smov.u32 @p0 s11;
	s25 =	simm.s32 $0x14B00;
	[dreg:$0x15] =	wrdreg s18  }
0x1f: {  	s31 =	simm.s32 $0x14B80;
	s0 =	sadd.s32 s24, s0;
	[dreg:$0x1c] =	wrdreg s25  }
0x20: {  	s26 =	sadd.s32 $0xFFFFFFFF, s7;
	s9 =	sor.u32 $0x1C03, s22;
	[dreg:$0x1e] =	wrdreg s31  }
0x21: {  	s24 =	simm.s32 $0x14300;
	s10 =	sshll.u32 s10, $0x4;
	[dreg:$0x4] =	wrdreg s26  }
0x22: {  	s16 =	sshrl.u32 s16, $0x3;
	s22 =	simm.s32 $0x14D80;
	[dreg:$0xe] =	wrdreg s24  }
0x23: {  	s18 =	simm.s32 $0x14000;
	s26 =	sadd.s32 s6, s10;
	[dreg:$0x19] =	wrdreg s22  }
0x24: {  	s25 =	simm.s32 $0x19000;
	s12 =	sadd.s32 s1, s10;
	[smem:$0x7FA] =	sst s26  }
0x25: {  	s0 =	sadd.s32 $0x5C200, s0;
	s14 =	sadd.s32 $0x100, s10;
	[smem:$0x7FB] =	sst s12  }
0x26: {  	s15 =	sor.u32 $0x80, s10;
	s24 =	simm.s32 $0x14E00;
	[smem:$0x7FC] =	sst s0  }
0x27: {  	s22 =	simm.s32 $0x1;
	[dreg:$0x1b] =	wrdreg s24;
	s26 =	simm.s32 $0x14E80  }
0x28: {  	s24 =	simm.s32 $0x14C00;
	[dreg:$0x1d] =	wrdreg s26;
	s26 =	simm.s32 $0x2  }
.LBB2_1:
0x29: {  	s0 =	rddreg [dreg:$0x1f]  }
0x2a: {  	[spmem:s16], [sflag:s9] =	dma.local [hbm:s0], $0x2800  }
0x2b: {  	_ =	swait.ge [sflag:s17], $0x2800  }
0x2c: {  	s8 =	sld [smem:$0x7FA]  }
0x2d: {  	[sflag:s17] =	ssyncset.done $0x0  }
0x2e: {  	[sflag:s17] =	ssyncadd.s32 $0xFFFFD800  }
0x2f: {  	[tilespmem:s18], [sflag:$0x3] =	stream.linear.gather [hbm4b:s8+s4], $0x400, $0x38;
	[tilespmem:$0x1D000] =	vst v63  }
0x30: {  	_ =	swait.ge [sflag:s17], $0x400  }
0x31: {  	s10 =	sld [smem:$0x7FB]  }
0x32: {  	[sflag:s17] =	ssyncset.done $0x0  }
0x33: {  	[sflag:s17] =	ssyncadd.s32 $0xFFFFFC00  }
0x34: {  	[tilespmem:s19], [sflag:$0x3] =	stream.linear.gather [hbm4b:s10+s4], $0x400, $0x38;
	[tilespmem:$0x1D000] =	vst v63  }
0x35: {  	_ =	swait.ge [sflag:s17], $0x400  }
0x36: {  	[sflag:s17] =	ssyncset.done $0x0  }
0x37: {  	[sflag:s17] =	ssyncadd.s32 $0xFFFFFC00  }
0x38: {  	[tilespmem:s21], [sflag:$0x1] =	stream.indirect.gather [hbm4b:s5+s20], $0x80, s18, s20, $0xb8;
	[tilespmem:$0x1D000] =	vst v63  }
0x39: {  	[bflag:$0x0] =	sbarrier.arrive $0xFFFF  }
0x3a: {  	s0 =	rddreg [dreg:$0x4];
	_ =	swait.ge [sflag:s22], $0x4000  }
0x3b: {  	[sflag:s22] =	ssyncset.done $0x0  }
0x3c: {  	s2 =	sadd.s32 s6, s15;
	[sflag:s22] =	ssyncadd.s32 $0xFFFFC000  }
0x3d: {  	[tilespmem:s23], [sflag:$0x2] =	stream.linear.gather [hbm4b:s2+s4], $0x400, $0x38;
	[tilespmem:$0x1D000] =	vst v63  }
0x3e: {  	s11 =	sadd.s32 s1, s15  }
0x3f: {  	[tilespmem:s24], [sflag:$0x2] =	stream.linear.gather [hbm4b:s11+s4], $0x400, $0x38;
	[tilespmem:$0x1D000] =	vst v63  }
0x40: {  	s8 =	rddreg [dreg:$0x5]  }
0x41: {  	[tilespmem:s25], [sflag:$0x1] =	stream.indirect.gather [hbm4b:s5+s20], $0x80, s8, s20, $0xb8;
	[tilespmem:$0x1D000] =	vst v63  }
0x42: {  	_ = 	snop  }
0x43: {  	[spmem:s3] =	stream.indirect.scatter.add.f32 [tilespmem:s21], [sflag:$0x3], $0x80, s19, s20, $0xb8;
	[tilespmem:$0x1D000] =	vst v63  }
0x44: {  	_ =	swait.ge [sflag:s17], $0x4000  }
0x45: {  	[sflag:s17] =	ssyncset.done $0x0  }
0x46: {  	[sflag:s17] =	ssyncadd.s32 $0xFFFFC000  }
0x47: {  	_ =	swait.ge [sflag:s22], $0x4000  }
0x48: {  	[sflag:s22] =	ssyncset.done $0x0  }
0x49: {  	s12 =	rddreg [dreg:$0x6];
	[sflag:s22] =	ssyncadd.s32 $0xFFFFC000  }
0x4a: {  	[tilespmem:s21], [sflag:$0x1] =	stream.indirect.gather [hbm4b:s5+s20], $0x80, s12, s20, $0xb8;
	[tilespmem:$0x1D000] =	vst v63  }
0x4b: {  	s13 =	rddreg [dreg:$0x7]  }
0x4c: {  	[spmem:s3] =	stream.indirect.scatter.add.f32 [tilespmem:s25], [sflag:$0x3], $0x80, s13, s20, $0xb8;
	[tilespmem:$0x1D000] =	vst v63  }
0x4d: {  	_ =	swait.ge [sflag:s17], $0x4000  }
0x4e: {  	[sflag:s17] =	ssyncset.done $0x0  }
0x4f: {  	[sflag:s17] =	ssyncadd.s32 $0xFFFFC000  }
0x50: {  	_ =	swait.ge [sflag:s22], $0x4000  }
0x51: {  	[sflag:s22] =	ssyncset.done $0x0  }
0x52: {  	s10 =	rddreg [dreg:$0x8];
	[sflag:s22] =	ssyncadd.s32 $0xFFFFC000  }
0x53: {  	[tilespmem:s25], [sflag:$0x1] =	stream.indirect.gather [hbm4b:s5+s20], $0x80, s10, s20, $0xb8;
	[tilespmem:$0x1D000] =	vst v63  }
0x54: {  	s11 =	rddreg [dreg:$0x9]  }
0x55: {  	[spmem:s3] =	stream.indirect.scatter.add.f32 [tilespmem:s21], [sflag:$0x3], $0x80, s11, s20, $0xb8;
	[tilespmem:$0x1D000] =	vst v63  }
0x56: {  	_ =	swait.ge [sflag:s17], $0x4000  }
0x57: {  	[sflag:s17] =	ssyncset.done $0x0  }
0x58: {  	[sflag:s17] =	ssyncadd.s32 $0xFFFFC000  }
0x59: {  	_ =	swait.ge [sflag:s22], $0x4000  }
0x5a: {  	[sflag:s22] =	ssyncset.done $0x0  }
0x5b: {  	s12 =	rddreg [dreg:$0xa];
	[sflag:s22] =	ssyncadd.s32 $0xFFFFC000  }
0x5c: {  	[tilespmem:s21], [sflag:$0x1] =	stream.indirect.gather [hbm4b:s5+s20], $0x80, s12, s20, $0xb8;
	[tilespmem:$0x1D000] =	vst v63  }
0x5d: {  	s13 =	rddreg [dreg:$0xb]  }
0x5e: {  	[spmem:s3] =	stream.indirect.scatter.add.f32 [tilespmem:s25], [sflag:$0x3], $0x80, s13, s20, $0xb8;
	[tilespmem:$0x1D000] =	vst v63  }
0x5f: {  	_ =	swait.ge [sflag:s17], $0x4000  }
0x60: {  	[sflag:s17] =	ssyncset.done $0x0  }
0x61: {  	[sflag:s17] =	ssyncadd.s32 $0xFFFFC000  }
0x62: {  	_ =	swait.ge [sflag:s22], $0x4000  }
0x63: {  	[sflag:s22] =	ssyncset.done $0x0  }
0x64: {  	s10 =	rddreg [dreg:$0xc];
	[sflag:s22] =	ssyncadd.s32 $0xFFFFC000  }
0x65: {  	[tilespmem:s25], [sflag:$0x1] =	stream.indirect.gather [hbm4b:s5+s20], $0x80, s10, s20, $0xb8;
	[tilespmem:$0x1D000] =	vst v63  }
0x66: {  	s11 =	rddreg [dreg:$0xd]  }
0x67: {  	[spmem:s3] =	stream.indirect.scatter.add.f32 [tilespmem:s21], [sflag:$0x3], $0x80, s11, s20, $0xb8;
	[tilespmem:$0x1D000] =	vst v63  }
0x68: {  	_ =	swait.ge [sflag:s17], $0x4000  }
0x69: {  	[sflag:s17] =	ssyncset.done $0x0  }
0x6a: {  	[sflag:s17] =	ssyncadd.s32 $0xFFFFC000  }
0x6b: {  	_ =	swait.ge [sflag:s22], $0x4000  }
0x6c: {  	[sflag:s22] =	ssyncset.done $0x0  }
0x6d: {  	s12 =	rddreg [dreg:$0xe];
	[sflag:s22] =	ssyncadd.s32 $0xFFFFC000  }
0x6e: {  	[tilespmem:s21], [sflag:$0x1] =	stream.indirect.gather [hbm4b:s5+s20], $0x80, s12, s20, $0xb8;
	[tilespmem:$0x1D000] =	vst v63  }
0x6f: {  	s13 =	rddreg [dreg:$0xf]  }
0x70: {  	[spmem:s3] =	stream.indirect.scatter.add.f32 [tilespmem:s25], [sflag:$0x3], $0x80, s13, s20, $0xb8;
	[tilespmem:$0x1D000] =	vst v63  }
0x71: {  	_ =	swait.ge [sflag:s17], $0x4000  }
0x72: {  	[sflag:s17] =	ssyncset.done $0x0  }
0x73: {  	[sflag:s17] =	ssyncadd.s32 $0xFFFFC000  }
0x74: {  	_ =	swait.ge [sflag:s22], $0x4000  }
0x75: {  	[sflag:s22] =	ssyncset.done $0x0  }
0x76: {  	s8 =	rddreg [dreg:$0x10];
	[sflag:s22] =	ssyncadd.s32 $0xFFFFC000  }
0x77: {  	[tilespmem:s25], [sflag:$0x1] =	stream.indirect.gather [hbm4b:s5+s20], $0x80, s8, s20, $0xb8;
	[tilespmem:$0x1D000] =	vst v63  }
0x78: {  	s10 =	rddreg [dreg:$0x11]  }
0x79: {  	[spmem:s3] =	stream.indirect.scatter.add.f32 [tilespmem:s21], [sflag:$0x3], $0x80, s10, s20, $0xb8;
	[tilespmem:$0x1D000] =	vst v63  }
0x7a: {  	_ =	swait.ge [sflag:s17], $0x4000  }
0x7b: {  	[sflag:s17] =	ssyncset.done $0x0  }
0x7c: {  	[sflag:s17] =	ssyncadd.s32 $0xFFFFC000  }
0x7d: {  	_ =	swait.ge [sflag:s22], $0x4000  }
0x7e: {  	[sflag:s22] =	ssyncset.done $0x0  }
0x7f: {  	[sflag:s22] =	ssyncadd.s32 $0xFFFFC000  }
0x80: {  	_ =	swait.ge [sflag:s26], $0x400  }
0x81: {  	[sflag:s26] =	ssyncset.done $0x0  }
0x82: {  	[sflag:s26] =	ssyncadd.s32 $0xFFFFFC00  }
0x83: {  	_ =	swait.ge [sflag:s26], $0x400  }
0x84: {  	[sflag:s26] =	ssyncset.done $0x0  }
0x85: {  	[sflag:s26] =	ssyncadd.s32 $0xFFFFFC00  }
0x86: {  	[tilespmem:s21], [sflag:$0x1] =	stream.indirect.gather [hbm4b:s5+s20], $0x80, s23, s20, $0xb8;
	[tilespmem:$0x1D000] =	vst v63  }
0x87: {  	s11 =	rddreg [dreg:$0x12]  }
0x88: {  	[spmem:s3] =	stream.indirect.scatter.add.f32 [tilespmem:s25], [sflag:$0x3], $0x80, s11, s20, $0xb8;
	[tilespmem:$0x1D000] =	vst v63  }
0x89: {  	_ =	swait.ge [sflag:s17], $0x4000  }
0x8a: {  	[sflag:s17] =	ssyncset.done $0x0  }
0x8b: {  	[sflag:s17] =	ssyncadd.s32 $0xFFFFC000  }
0x8c: {  	p0 =	sle.u32 s0, $0x0;
	_ =	swait.ge [sflag:s22], $0x4000  }
0x8d: {  	s0 =	simm.s32 @!p0 $0x14000;
	[sflag:s22] =	ssyncset.done $0x0  }
0x8e: {  	s2 =	sadd.s32 @!p0 s6, s14;
	s8 =	simm.s32 @!p0 $0x0;
	[sflag:s22] =	ssyncadd.s32 $0xFFFFC000  }
0x8f: {  	[tilespmem:s0], [sflag:$0x2] =	stream.linear.gather @!p0 [hbm4b:s2+s8], $0x400, $0x38;
	[tilespmem:$0x1D000] =	vst v63  }
0x90: {  	s10 =	simm.s32 @!p0 $0x14400;
	s2 =	sadd.s32 @!p0 s1, s14  }
0x91: {  	[tilespmem:s10], [sflag:$0x2] =	stream.linear.gather @!p0 [hbm4b:s2+s8], $0x400, $0x38;
	[tilespmem:$0x1D000] =	vst v63  }
0x92: {  	s31 =	rddreg [dreg:$0x13]  }
0x93: {  	[tilespmem:s25], [sflag:$0x1] =	stream.indirect.gather [hbm4b:s5+s20], $0x80, s31, s20, $0xb8;
	[tilespmem:$0x1D000] =	vst v63  }
0x94: {  	_ = 	snop  }
0x95: {  	[spmem:s3] =	stream.indirect.scatter.add.f32 [tilespmem:s21], [sflag:$0x3], $0x80, s24, s20, $0xb8;
	[tilespmem:$0x1D000] =	vst v63  }
0x96: {  	_ =	swait.ge [sflag:s17], $0x4000  }
0x97: {  	[sflag:s17] =	ssyncset.done $0x0  }
0x98: {  	[sflag:s17] =	ssyncadd.s32 $0xFFFFC000  }
0x99: {  	_ =	swait.ge [sflag:s22], $0x4000  }
0x9a: {  	[sflag:s22] =	ssyncset.done $0x0  }
0x9b: {  	s12 =	rddreg [dreg:$0x14];
	[sflag:s22] =	ssyncadd.s32 $0xFFFFC000  }
0x9c: {  	[tilespmem:s21], [sflag:$0x1] =	stream.indirect.gather [hbm4b:s5+s20], $0x80, s12, s20, $0xb8;
	[tilespmem:$0x1D000] =	vst v63  }
0x9d: {  	s13 =	rddreg [dreg:$0x15]  }
0x9e: {  	[spmem:s3] =	stream.indirect.scatter.add.f32 [tilespmem:s25], [sflag:$0x3], $0x80, s13, s20, $0xb8;
	[tilespmem:$0x1D000] =	vst v63  }
0x9f: {  	_ =	swait.ge [sflag:s17], $0x4000  }
0xa0: {  	[sflag:s17] =	ssyncset.done $0x0  }
0xa1: {  	[sflag:s17] =	ssyncadd.s32 $0xFFFFC000  }
0xa2: {  	_ =	swait.ge [sflag:s22], $0x4000  }
0xa3: {  	[sflag:s22] =	ssyncset.done $0x0  }
0xa4: {  	s10 =	rddreg [dreg:$0x16];
	[sflag:s22] =	ssyncadd.s32 $0xFFFFC000  }
0xa5: {  	[tilespmem:s25], [sflag:$0x1] =	stream.indirect.gather [hbm4b:s5+s20], $0x80, s10, s20, $0xb8;
	[tilespmem:$0x1D000] =	vst v63  }
0xa6: {  	s11 =	rddreg [dreg:$0x17]  }
0xa7: {  	[spmem:s3] =	stream.indirect.scatter.add.f32 [tilespmem:s21], [sflag:$0x3], $0x80, s11, s20, $0xb8;
	[tilespmem:$0x1D000] =	vst v63  }
0xa8: {  	_ =	swait.ge [sflag:s17], $0x4000  }
0xa9: {  	[sflag:s17] =	ssyncset.done $0x0  }
0xaa: {  	[sflag:s17] =	ssyncadd.s32 $0xFFFFC000  }
0xab: {  	_ =	swait.ge [sflag:s22], $0x4000  }
0xac: {  	[sflag:s22] =	ssyncset.done $0x0  }
0xad: {  	s12 =	rddreg [dreg:$0x18];
	[sflag:s22] =	ssyncadd.s32 $0xFFFFC000  }
0xae: {  	[tilespmem:s21], [sflag:$0x1] =	stream.indirect.gather [hbm4b:s5+s20], $0x80, s12, s20, $0xb8;
	[tilespmem:$0x1D000] =	vst v63  }
0xaf: {  	s13 =	rddreg [dreg:$0x19]  }
0xb0: {  	[spmem:s3] =	stream.indirect.scatter.add.f32 [tilespmem:s25], [sflag:$0x3], $0x80, s13, s20, $0xb8;
	[tilespmem:$0x1D000] =	vst v63  }
0xb1: {  	_ =	swait.ge [sflag:s17], $0x4000  }
0xb2: {  	[sflag:s17] =	ssyncset.done $0x0  }
0xb3: {  	[sflag:s17] =	ssyncadd.s32 $0xFFFFC000  }
0xb4: {  	_ =	swait.ge [sflag:s22], $0x4000  }
0xb5: {  	[sflag:s22] =	ssyncset.done $0x0  }
0xb6: {  	s8 =	rddreg [dreg:$0x1a];
	[sflag:s22] =	ssyncadd.s32 $0xFFFFC000  }
0xb7: {  	[tilespmem:s25], [sflag:$0x1] =	stream.indirect.gather [hbm4b:s5+s20], $0x80, s8, s20, $0xb8;
	[tilespmem:$0x1D000] =	vst v63  }
0xb8: {  	s10 =	rddreg [dreg:$0x1b]  }
0xb9: {  	[spmem:s3] =	stream.indirect.scatter.add.f32 [tilespmem:s21], [sflag:$0x3], $0x80, s10, s20, $0xb8;
	[tilespmem:$0x1D000] =	vst v63  }
0xba: {  	_ =	swait.ge [sflag:s17], $0x4000  }
0xbb: {  	[sflag:s17] =	ssyncset.done $0x0  }
0xbc: {  	[sflag:s17] =	ssyncadd.s32 $0xFFFFC000  }
0xbd: {  	_ =	swait.ge [sflag:s22], $0x4000  }
0xbe: {  	[sflag:s22] =	ssyncset.done $0x0  }
0xbf: {  	s11 =	rddreg [dreg:$0x1c];
	[sflag:s22] =	ssyncadd.s32 $0xFFFFC000  }
0xc0: {  	[tilespmem:s21], [sflag:$0x1] =	stream.indirect.gather [hbm4b:s5+s20], $0x80, s11, s20, $0xb8;
	[tilespmem:$0x1D000] =	vst v63  }
0xc1: {  	s12 =	rddreg [dreg:$0x1d]  }
0xc2: {  	[spmem:s3] =	stream.indirect.scatter.add.f32 [tilespmem:s25], [sflag:$0x3], $0x80, s12, s20, $0xb8;
	[tilespmem:$0x1D000] =	vst v63  }
0xc3: {  	_ =	swait.ge [sflag:s17], $0x4000  }
0xc4: {  	[sflag:s17] =	ssyncset.done $0x0  }
0xc5: {  	[sflag:s17] =	ssyncadd.s32 $0xFFFFC000  }
0xc6: {  	_ =	swait.ge [sflag:s22], $0x4000  }
0xc7: {  	[sflag:s22] =	ssyncset.done $0x0  }
0xc8: {  	s13 =	rddreg [dreg:$0x1e];
	[sflag:s22] =	ssyncadd.s32 $0xFFFFC000  }
0xc9: {  	[tilespmem:s25], [sflag:$0x1] =	stream.indirect.gather [hbm4b:s5+s20], $0x80, s13, s20, $0xb8;
	[tilespmem:$0x1D000] =	vst v63  }
0xca: {  	_ = 	snop  }
0xcb: {  	[spmem:s3] =	stream.indirect.scatter.add.f32 [tilespmem:s21], [sflag:$0x3], $0x80, s28, s20, $0xb8;
	[tilespmem:$0x1D000] =	vst v63  }
0xcc: {  	_ =	swait.ge [sflag:s17], $0x4000  }
0xcd: {  	[sflag:s17] =	ssyncset.done $0x0  }
0xce: {  	[sflag:s17] =	ssyncadd.s32 $0xFFFFC000  }
0xcf: {  	_ =	swait.ge [sflag:s22], $0x4000  }
0xd0: {  	[sflag:s22] =	ssyncset.done $0x0  }
0xd1: {  	s2 =	simm.s32 @!p0 $0x2;
	[sflag:s22] =	ssyncadd.s32 $0xFFFFC000  }
0xd2: {  	_ =	swait.ge @!p0 [sflag:s2], $0x400  }
0xd3: {  	[sflag:s2] =	ssyncset.done @!p0 $0x0  }
0xd4: {  	[sflag:s2] =	ssyncadd.s32 @!p0 $0xFFFFFC00  }
0xd5: {  	_ =	swait.ge @!p0 [sflag:s2], $0x400  }
0xd6: {  	[sflag:s2] =	ssyncset.done @!p0 $0x0  }
0xd7: {  	s8 =	simm.s32 @!p0 $0x80;
	[sflag:s2] =	ssyncadd.s32 @!p0 $0xFFFFFC00;
	s2 =	simm.s32 @!p0 $0x15000  }
0xd8: {  	[tilespmem:s2], [sflag:$0x1] =	stream.indirect.gather @!p0 [hbm4b:s5+s8], $0x80, s0, s8, $0xb8;
	[tilespmem:$0x1D000] =	vst v63  }
0xd9: {  	p0 =	sne.s32 s7, $0x1  }
.Ltmp0:
0xda: {  	_ = 	snop;
	(pc) =	sbr.rel @!p0 .LBB2_3-.Ltmp0, $4  }
0xdb: {  	_ = 	snop  }
0xdc: {  	s31 =	simm.s32 $0x1  }
0xdd: {  	[spmem:s3] =	stream.indirect.scatter.add.f32 [tilespmem:s25], [sflag:$0x3], $0x80, s29, s20, $0xb8;
	[tilespmem:$0x1D000] =	vst v63  }
0xde: {  	s0 =	sadd.s32 $0x100, s6;
	s2 =	smov.u32 s1;
	_ =	swait.ge [sflag:s17], $0x4000  }
.LBB2_2:
0xdf: {  	[sflag:s17] =	ssyncset.done $0x0  }
0xe0: {  	[sflag:s17] =	ssyncadd.s32 $0xFFFFC000  }
0xe1: {  	s10 =	rddreg [dreg:$0x4];
	_ =	swait.ge [sflag:s22], $0x4000  }
0xe2: {  	[sflag:s22] =	ssyncset.done $0x0  }
0xe3: {  	s2 =	sadd.s32 $0x100, s2;
	s11 =	sadd.s32 s0, s15;
	[sflag:s22] =	ssyncadd.s32 $0xFFFFC000  }
0xe4: {  	[tilespmem:s23], [sflag:$0x2] =	stream.linear.gather [hbm4b:s11+s4], $0x400, $0x38;
	[tilespmem:$0x1D000] =	vst v63  }
0xe5: {  	s13 =	sadd.s32 s2, s15  }
0xe6: {  	[tilespmem:s24], [sflag:$0x2] =	stream.linear.gather [hbm4b:s13+s4], $0x400, $0x38;
	[tilespmem:$0x1D000] =	vst v63  }
0xe7: {  	s12 =	rddreg [dreg:$0x5]  }
0xe8: {  	[tilespmem:s25], [sflag:$0x1] =	stream.indirect.gather [hbm4b:s5+s20], $0x80, s12, s20, $0xb8;
	[tilespmem:$0x1D000] =	vst v63  }
0xe9: {  	_ = 	snop  }
0xea: {  	[spmem:s3] =	stream.indirect.scatter.add.f32 [tilespmem:s21], [sflag:$0x3], $0x80, s19, s20, $0xb8;
	[tilespmem:$0x1D000] =	vst v63  }
0xeb: {  	_ =	swait.ge [sflag:s17], $0x4000  }
0xec: {  	[sflag:s17] =	ssyncset.done $0x0  }
0xed: {  	[sflag:s17] =	ssyncadd.s32 $0xFFFFC000  }
0xee: {  	_ =	swait.ge [sflag:s22], $0x4000  }
0xef: {  	[sflag:s22] =	ssyncset.done $0x0  }
0xf0: {  	s12 =	rddreg [dreg:$0x6];
	[sflag:s22] =	ssyncadd.s32 $0xFFFFC000  }
0xf1: {  	[tilespmem:s21], [sflag:$0x1] =	stream.indirect.gather [hbm4b:s5+s20], $0x80, s12, s20, $0xb8;
	[tilespmem:$0x1D000] =	vst v63  }
0xf2: {  	s13 =	rddreg [dreg:$0x7]  }
0xf3: {  	[spmem:s3] =	stream.indirect.scatter.add.f32 [tilespmem:s25], [sflag:$0x3], $0x80, s13, s20, $0xb8;
	[tilespmem:$0x1D000] =	vst v63  }
0xf4: {  	_ =	swait.ge [sflag:s17], $0x4000  }
0xf5: {  	[sflag:s17] =	ssyncset.done $0x0  }
0xf6: {  	[sflag:s17] =	ssyncadd.s32 $0xFFFFC000  }
0xf7: {  	_ =	swait.ge [sflag:s22], $0x4000  }
0xf8: {  	[sflag:s22] =	ssyncset.done $0x0  }
0xf9: {  	s12 =	rddreg [dreg:$0x8];
	[sflag:s22] =	ssyncadd.s32 $0xFFFFC000  }
0xfa: {  	[tilespmem:s25], [sflag:$0x1] =	stream.indirect.gather [hbm4b:s5+s20], $0x80, s12, s20, $0xb8;
	[tilespmem:$0x1D000] =	vst v63  }
0xfb: {  	s13 =	rddreg [dreg:$0x9]  }
0xfc: {  	[spmem:s3] =	stream.indirect.scatter.add.f32 [tilespmem:s21], [sflag:$0x3], $0x80, s13, s20, $0xb8;
	[tilespmem:$0x1D000] =	vst v63  }
0xfd: {  	_ =	swait.ge [sflag:s17], $0x4000  }
0xfe: {  	[sflag:s17] =	ssyncset.done $0x0  }
0xff: {  	[sflag:s17] =	ssyncadd.s32 $0xFFFFC000  }
0x100: {  	_ =	swait.ge [sflag:s22], $0x4000  }
0x101: {  	[sflag:s22] =	ssyncset.done $0x0  }
0x102: {  	s12 =	rddreg [dreg:$0xa];
	[sflag:s22] =	ssyncadd.s32 $0xFFFFC000  }
0x103: {  	[tilespmem:s21], [sflag:$0x1] =	stream.indirect.gather [hbm4b:s5+s20], $0x80, s12, s20, $0xb8;
	[tilespmem:$0x1D000] =	vst v63  }
0x104: {  	s13 =	rddreg [dreg:$0xb]  }
0x105: {  	[spmem:s3] =	stream.indirect.scatter.add.f32 [tilespmem:s25], [sflag:$0x3], $0x80, s13, s20, $0xb8;
	[tilespmem:$0x1D000] =	vst v63  }
0x106: {  	_ =	swait.ge [sflag:s17], $0x4000  }
0x107: {  	[sflag:s17] =	ssyncset.done $0x0  }
0x108: {  	[sflag:s17] =	ssyncadd.s32 $0xFFFFC000  }
0x109: {  	_ =	swait.ge [sflag:s22], $0x4000  }
0x10a: {  	[sflag:s22] =	ssyncset.done $0x0  }
0x10b: {  	s12 =	rddreg [dreg:$0xc];
	[sflag:s22] =	ssyncadd.s32 $0xFFFFC000  }
0x10c: {  	[tilespmem:s25], [sflag:$0x1] =	stream.indirect.gather [hbm4b:s5+s20], $0x80, s12, s20, $0xb8;
	[tilespmem:$0x1D000] =	vst v63  }
0x10d: {  	s13 =	rddreg [dreg:$0xd]  }
0x10e: {  	[spmem:s3] =	stream.indirect.scatter.add.f32 [tilespmem:s21], [sflag:$0x3], $0x80, s13, s20, $0xb8;
	[tilespmem:$0x1D000] =	vst v63  }
0x10f: {  	_ =	swait.ge [sflag:s17], $0x4000  }
0x110: {  	[sflag:s17] =	ssyncset.done $0x0  }
0x111: {  	[sflag:s17] =	ssyncadd.s32 $0xFFFFC000  }
0x112: {  	_ =	swait.ge [sflag:s22], $0x4000  }
0x113: {  	[sflag:s22] =	ssyncset.done $0x0  }
0x114: {  	s12 =	rddreg [dreg:$0xe];
	[sflag:s22] =	ssyncadd.s32 $0xFFFFC000  }
0x115: {  	[tilespmem:s21], [sflag:$0x1] =	stream.indirect.gather [hbm4b:s5+s20], $0x80, s12, s20, $0xb8;
	[tilespmem:$0x1D000] =	vst v63  }
0x116: {  	s13 =	rddreg [dreg:$0xf]  }
0x117: {  	[spmem:s3] =	stream.indirect.scatter.add.f32 [tilespmem:s25], [sflag:$0x3], $0x80, s13, s20, $0xb8;
	[tilespmem:$0x1D000] =	vst v63  }
0x118: {  	_ =	swait.ge [sflag:s17], $0x4000  }
0x119: {  	[sflag:s17] =	ssyncset.done $0x0  }
0x11a: {  	[sflag:s17] =	ssyncadd.s32 $0xFFFFC000  }
0x11b: {  	_ =	swait.ge [sflag:s22], $0x4000  }
0x11c: {  	[sflag:s22] =	ssyncset.done $0x0  }
0x11d: {  	s12 =	rddreg [dreg:$0x10];
	[sflag:s22] =	ssyncadd.s32 $0xFFFFC000  }
0x11e: {  	[tilespmem:s25], [sflag:$0x1] =	stream.indirect.gather [hbm4b:s5+s20], $0x80, s12, s20, $0xb8;
	[tilespmem:$0x1D000] =	vst v63  }
0x11f: {  	s13 =	rddreg [dreg:$0x11]  }
0x120: {  	[spmem:s3] =	stream.indirect.scatter.add.f32 [tilespmem:s21], [sflag:$0x3], $0x80, s13, s20, $0xb8;
	[tilespmem:$0x1D000] =	vst v63  }
0x121: {  	_ =	swait.ge [sflag:s17], $0x4000  }
0x122: {  	[sflag:s17] =	ssyncset.done $0x0  }
0x123: {  	[sflag:s17] =	ssyncadd.s32 $0xFFFFC000  }
0x124: {  	_ =	swait.ge [sflag:s22], $0x4000  }
0x125: {  	[sflag:s22] =	ssyncset.done $0x0  }
0x126: {  	[sflag:s22] =	ssyncadd.s32 $0xFFFFC000  }
0x127: {  	_ =	swait.ge [sflag:s26], $0x400  }
0x128: {  	[sflag:s26] =	ssyncset.done $0x0  }
0x129: {  	[sflag:s26] =	ssyncadd.s32 $0xFFFFFC00  }
0x12a: {  	_ =	swait.ge [sflag:s26], $0x400  }
0x12b: {  	[sflag:s26] =	ssyncset.done $0x0  }
0x12c: {  	[sflag:s26] =	ssyncadd.s32 $0xFFFFFC00  }
0x12d: {  	[tilespmem:s21], [sflag:$0x1] =	stream.indirect.gather [hbm4b:s5+s20], $0x80, s23, s20, $0xb8;
	[tilespmem:$0x1D000] =	vst v63  }
0x12e: {  	s13 =	rddreg [dreg:$0x12]  }
0x12f: {  	[spmem:s3] =	stream.indirect.scatter.add.f32 [tilespmem:s25], [sflag:$0x3], $0x80, s13, s20, $0xb8;
	[tilespmem:$0x1D000] =	vst v63  }
0x130: {  	_ =	swait.ge [sflag:s17], $0x4000  }
0x131: {  	[sflag:s17] =	ssyncset.done $0x0  }
0x132: {  	s8 =	smov.u32 s31;
	[sflag:s17] =	ssyncadd.s32 $0xFFFFC000  }
0x133: {  	p1 =	sge.u32 s8, s10;
	_ =	swait.ge [sflag:s22], $0x4000  }
0x134: {  	s10 =	sadd.s32 @!p1 s0, s14;
	[sflag:s22] =	ssyncset.done $0x0  }
0x135: {  	s8 =	simm.s32 @!p1 $0x14000;
	s11 =	simm.s32 @!p1 $0x0;
	[sflag:s22] =	ssyncadd.s32 $0xFFFFC000  }
0x136: {  	[tilespmem:s8], [sflag:$0x2] =	stream.linear.gather @!p1 [hbm4b:s10+s11], $0x400, $0x38;
	[tilespmem:$0x1D000] =	vst v63  }
0x137: {  	s12 =	sadd.s32 @!p1 s2, s14;
	s13 =	simm.s32 @!p1 $0x14400  }
0x138: {  	[tilespmem:s13], [sflag:$0x2] =	stream.linear.gather @!p1 [hbm4b:s12+s11], $0x400, $0x38;
	[tilespmem:$0x1D000] =	vst v63  }
0x139: {  	s10 =	rddreg [dreg:$0x13]  }
0x13a: {  	[tilespmem:s25], [sflag:$0x1] =	stream.indirect.gather [hbm4b:s5+s20], $0x80, s10, s20, $0xb8;
	[tilespmem:$0x1D000] =	vst v63  }
0x13b: {  	_ = 	snop  }
0x13c: {  	[spmem:s3] =	stream.indirect.scatter.add.f32 [tilespmem:s21], [sflag:$0x3], $0x80, s24, s20, $0xb8;
	[tilespmem:$0x1D000] =	vst v63  }
0x13d: {  	_ =	swait.ge [sflag:s17], $0x4000  }
0x13e: {  	[sflag:s17] =	ssyncset.done $0x0  }
0x13f: {  	[sflag:s17] =	ssyncadd.s32 $0xFFFFC000  }
0x140: {  	_ =	swait.ge [sflag:s22], $0x4000  }
0x141: {  	[sflag:s22] =	ssyncset.done $0x0  }
0x142: {  	s12 =	rddreg [dreg:$0x14];
	[sflag:s22] =	ssyncadd.s32 $0xFFFFC000  }
0x143: {  	[tilespmem:s21], [sflag:$0x1] =	stream.indirect.gather [hbm4b:s5+s20], $0x80, s12, s20, $0xb8;
	[tilespmem:$0x1D000] =	vst v63  }
0x144: {  	s13 =	rddreg [dreg:$0x15]  }
0x145: {  	[spmem:s3] =	stream.indirect.scatter.add.f32 [tilespmem:s25], [sflag:$0x3], $0x80, s13, s20, $0xb8;
	[tilespmem:$0x1D000] =	vst v63  }
0x146: {  	_ =	swait.ge [sflag:s17], $0x4000  }
0x147: {  	[sflag:s17] =	ssyncset.done $0x0  }
0x148: {  	[sflag:s17] =	ssyncadd.s32 $0xFFFFC000  }
0x149: {  	_ =	swait.ge [sflag:s22], $0x4000  }
0x14a: {  	[sflag:s22] =	ssyncset.done $0x0  }
0x14b: {  	s12 =	rddreg [dreg:$0x16];
	[sflag:s22] =	ssyncadd.s32 $0xFFFFC000  }
0x14c: {  	[tilespmem:s25], [sflag:$0x1] =	stream.indirect.gather [hbm4b:s5+s20], $0x80, s12, s20, $0xb8;
	[tilespmem:$0x1D000] =	vst v63  }
0x14d: {  	s13 =	rddreg [dreg:$0x17]  }
0x14e: {  	[spmem:s3] =	stream.indirect.scatter.add.f32 [tilespmem:s21], [sflag:$0x3], $0x80, s13, s20, $0xb8;
	[tilespmem:$0x1D000] =	vst v63  }
0x14f: {  	_ =	swait.ge [sflag:s17], $0x4000  }
0x150: {  	[sflag:s17] =	ssyncset.done $0x0  }
0x151: {  	[sflag:s17] =	ssyncadd.s32 $0xFFFFC000  }
0x152: {  	_ =	swait.ge [sflag:s22], $0x4000  }
0x153: {  	[sflag:s22] =	ssyncset.done $0x0  }
0x154: {  	s12 =	rddreg [dreg:$0x18];
	[sflag:s22] =	ssyncadd.s32 $0xFFFFC000  }
0x155: {  	[tilespmem:s21], [sflag:$0x1] =	stream.indirect.gather [hbm4b:s5+s20], $0x80, s12, s20, $0xb8;
	[tilespmem:$0x1D000] =	vst v63  }
0x156: {  	s13 =	rddreg [dreg:$0x19]  }
0x157: {  	[spmem:s3] =	stream.indirect.scatter.add.f32 [tilespmem:s25], [sflag:$0x3], $0x80, s13, s20, $0xb8;
	[tilespmem:$0x1D000] =	vst v63  }
0x158: {  	_ =	swait.ge [sflag:s17], $0x4000  }
0x159: {  	[sflag:s17] =	ssyncset.done $0x0  }
0x15a: {  	[sflag:s17] =	ssyncadd.s32 $0xFFFFC000  }
0x15b: {  	_ =	swait.ge [sflag:s22], $0x4000  }
0x15c: {  	[sflag:s22] =	ssyncset.done $0x0  }
0x15d: {  	s12 =	rddreg [dreg:$0x1a];
	[sflag:s22] =	ssyncadd.s32 $0xFFFFC000  }
0x15e: {  	[tilespmem:s25], [sflag:$0x1] =	stream.indirect.gather [hbm4b:s5+s20], $0x80, s12, s20, $0xb8;
	[tilespmem:$0x1D000] =	vst v63  }
0x15f: {  	s13 =	rddreg [dreg:$0x1b]  }
0x160: {  	[spmem:s3] =	stream.indirect.scatter.add.f32 [tilespmem:s21], [sflag:$0x3], $0x80, s13, s20, $0xb8;
	[tilespmem:$0x1D000] =	vst v63  }
0x161: {  	_ =	swait.ge [sflag:s17], $0x4000  }
0x162: {  	[sflag:s17] =	ssyncset.done $0x0  }
0x163: {  	[sflag:s17] =	ssyncadd.s32 $0xFFFFC000  }
0x164: {  	_ =	swait.ge [sflag:s22], $0x4000  }
0x165: {  	[sflag:s22] =	ssyncset.done $0x0  }
0x166: {  	s11 =	rddreg [dreg:$0x1c];
	[sflag:s22] =	ssyncadd.s32 $0xFFFFC000  }
0x167: {  	[tilespmem:s21], [sflag:$0x1] =	stream.indirect.gather [hbm4b:s5+s20], $0x80, s11, s20, $0xb8;
	[tilespmem:$0x1D000] =	vst v63  }
0x168: {  	s12 =	rddreg [dreg:$0x1d]  }
0x169: {  	[spmem:s3] =	stream.indirect.scatter.add.f32 [tilespmem:s25], [sflag:$0x3], $0x80, s12, s20, $0xb8;
	[tilespmem:$0x1D000] =	vst v63  }
0x16a: {  	_ =	swait.ge [sflag:s17], $0x4000  }
0x16b: {  	[sflag:s17] =	ssyncset.done $0x0  }
0x16c: {  	[sflag:s17] =	ssyncadd.s32 $0xFFFFC000  }
0x16d: {  	_ =	swait.ge [sflag:s22], $0x4000  }
0x16e: {  	[sflag:s22] =	ssyncset.done $0x0  }
0x16f: {  	s13 =	rddreg [dreg:$0x1e];
	[sflag:s22] =	ssyncadd.s32 $0xFFFFC000  }
0x170: {  	[tilespmem:s25], [sflag:$0x1] =	stream.indirect.gather [hbm4b:s5+s20], $0x80, s13, s20, $0xb8;
	[tilespmem:$0x1D000] =	vst v63  }
0x171: {  	_ = 	snop  }
0x172: {  	[spmem:s3] =	stream.indirect.scatter.add.f32 [tilespmem:s21], [sflag:$0x3], $0x80, s28, s20, $0xb8;
	[tilespmem:$0x1D000] =	vst v63  }
0x173: {  	_ =	swait.ge [sflag:s17], $0x4000  }
0x174: {  	[sflag:s17] =	ssyncset.done $0x0  }
0x175: {  	[sflag:s17] =	ssyncadd.s32 $0xFFFFC000  }
0x176: {  	_ =	swait.ge [sflag:s22], $0x4000  }
0x177: {  	[sflag:s22] =	ssyncset.done $0x0  }
0x178: {  	s10 =	simm.s32 @!p1 $0x2;
	[sflag:s22] =	ssyncadd.s32 $0xFFFFC000  }
0x179: {  	_ =	swait.ge @!p1 [sflag:s10], $0x400  }
0x17a: {  	[sflag:s10] =	ssyncset.done @!p1 $0x0  }
0x17b: {  	[sflag:s10] =	ssyncadd.s32 @!p1 $0xFFFFFC00  }
0x17c: {  	s31 =	sadd.s32 $0x1, s31;
	_ =	swait.ge @!p1 [sflag:s10], $0x400  }
0x17d: {  	p0 =	sne.s32 s7, s31;
	s11 =	simm.s32 @!p1 $0x80;
	[sflag:s10] =	ssyncset.done @!p1 $0x0  }
.Ltmp1:
0x17e: {  	s12 =	simm.s32 @!p1 $0x15000;
	[sflag:s10] =	ssyncadd.s32 @!p1 $0xFFFFFC00;
	(pc) =	sbr.rel @p0 .LBB2_2-.Ltmp1, $4  }
0x17f: {  	[tilespmem:s12], [sflag:$0x1] =	stream.indirect.gather @!p1 [hbm4b:s5+s11], $0x80, s8, s11, $0xb8;
	[tilespmem:$0x1D000] =	vst v63  }
0x180: {  	_ = 	snop  }
0x181: {  	[spmem:s3] =	stream.indirect.scatter.add.f32 [tilespmem:s25], [sflag:$0x3], $0x80, s29, s20, $0xb8;
	[tilespmem:$0x1D000] =	vst v63  }
0x182: {  	s0 =	sadd.s32 $0x100, s0;
	_ =	swait.ge [sflag:s17], $0x4000  }
.LBB2_3:
0x183: {  	[sflag:s17] =	ssyncset.done $0x0  }
0x184: {  	[sflag:s17] =	ssyncadd.s32 $0xFFFFC000  }
0x185: {  	[bflag:$0x0] =	sbarrier.arrive $0xFFFF  }
0x186: {  	s0 =	sld [smem:$0x7FC];
	_ =	sdelay $0x2  }
0x187: {  	[hbm:s0], [sflag:s9] =	dma.local [spmem:s16], $0x2800  }
0x188: {  	_ =	swait.ge [sflag:s17], $0x2800  }
0x189: {  	s31 =	sld [smem:$0x7FD];
	_ =	sdelay $0x1  }
0x18a: {  	s30 =	sadd.s32 $0x1, s30  }
0x18b: {  	p0 =	sne.s32 s30, s31  }
.Ltmp2:
0x18c: {  	_ = 	snop;
	(pc) =	sbr.rel @p0 .LBB2_1-.Ltmp2, $3  }
0x18d: {  	_ =	sdelay $0x1  }
0x18e: {  	[sflag:s17] =	ssyncset.done $0x0  }
0x18f: {  	[sflag:s17] =	ssyncadd.s32 $0xFFFFD800  }
0x190: {  	_ =	sfence.sel $0x180000  }
0x191: {  	[bflag:$0x0] =	sbarrier.arrive $0xFFFF  }
0x192: {  	_ =	strace $0x9000004A  }
0x193: {  	s0 =	stileid.u32;
	[bflag:$0x2] =	sbarrier.arrive $0xFFFF  }
0x194: {  	p0 =	sne.s32 s0, $0x0;
	s0 =	rddreg [dreg:$0x3]  }
0x195: {  	s0 =	sadd.s32 @!p0 $0x100000, s0  }
0x196: {  	[sflag:s0] =	ssyncadd.tile.s32 @!p0 $0x1;
	_ =	shalt  }
.Lfunc_end2:
_tile_overlayer_lowered:
.L_overlay_start_2:
0x197: {  	(tag) =	ssettag $0x2  }
0x198: {  	s0 =	rddreg [dreg:$0x0];
	s2 =	stileid.u32  }
0x199: {  	s1 =	rddreg [dreg:$0x1];
	p0 =	sne.s32 s2, $0x0  }
0x19a: {  	s3 =	rddreg [dreg:$0x2];
	[bflag:$0x3] =	sbarrier.arrive $0xFFFF;
	s2 =	simm.s32 @!p0 $0x1C03  }
0x19b: {  	[timem:s3], [sflag:s2] =	dma.local @!p0 [hbm:s0], s1  }
0x19c: {  	s0 =	simm.s32 @!p0 $0x3  }
0x19d: {  	_ =	swait.ge @!p0 [sflag:s0], s1  }
0x19e: {  	s1 =	ssub.s32 @!p0 $0x0, s1;
	[sflag:s0] =	ssyncset.done @!p0 $0x0  }
0x19f: {  	[sflag:s0] =	ssyncadd.s32 @!p0 s1  }
0x1a0: {  	[bflag:$0x3] =	sbarrier.arrive $0xFFFF  }
0x1a1: {  	_ =	shalt  }

// kernel: kernel.14.cloned.1.call-start
scs
__scs_entry_jumppad:
0x0: {  	(pc) =	sbr.rel $0x88, $3  }
0x1: {  	(tag) =	ssettag $0x0;
	lr =	simm.s32 $0x1  }
0x2: {  	[smem:$0x3F9B] =	sst lr;
	_ =	strace $0xD0000000  }
0x3: {  	_ = 	snop  }
0x4: {  	_ = 	snop  }
0x5: {  	_ = 	snop  }
0x6: {  	_ = 	snop  }
0x7: {  	_ = 	snop  }
__scs_overlays_trampoline_lowered:
0x8: {  	[smem:$0x3FAA] =	sst s0  }
0x9: {  	[smem:$0x3FAB] =	sst s1  }
0xa: {  	[smem:$0x3FAC] =	sst s2  }
0xb: {  	[smem:$0x3FAD] =	sst s3  }
0xc: {  	[smem:$0x3FAE] =	sst s4  }
0xd: {  	[smem:$0x3FAF] =	sst s5  }
0xe: {  	[smem:$0x3FB0] =	sst s6  }
0xf: {  	[smem:$0x3FB1] =	sst s7  }
0x10: {  	[smem:$0x3FB2] =	sst s8  }
0x11: {  	[smem:$0x3FB3] =	sst s9;
	s0 =	simm.s32 @!p0 $0x0  }
0x12: {  	s1 =	sld [smem:$0x3F99];
	s0 =	simm.s32 @p0 $0x1  }
0x13: {  	[smem:$0x3FB4] =	sst s0;
	s0 =	simm.s32 @!p1 $0x0  }
0x14: {  	s2 =	sld [smem:$0x3F98];
	s0 =	simm.s32 @p1 $0x1  }
0x15: {  	[smem:$0x3FB5] =	sst s0;
	s0 =	simm.s32 @!p2 $0x0  }
0x16: {  	s3 =	sld [smem:$0x3FDB];
	s0 =	simm.s32 @p2 $0x1  }
0x17: {  	s4 =	simm.s32 $0x1BF5;
	[smem:$0x3FB7] =	sst s0  }
0x18: {  	s0 =	sld [smem:$0x3F9A];
	_ =	swait.ge [sflag:s4], $0x0  }
0x19: {  	s7 =	sld [smem:$0x3F9B]  }
0x1a: {  	s8 =	sadd.s32 $0xFFFFE003, lr  }
0x1b: {  	s9 =	sadd.s32 $0xFFFFFEF7, lr;
	s5 =	simm.s32 $0xFFFFFFFF;
	p2 =	slt.u32 s8, $0xFFFFF086  }
0x1c: {  	p1 =	slt.u32 s9, $0xF7A;
	s5 =	simm.s32 @!p2 $0x0  }
0x1d: {  	s5 =	simm.s32 @p1 $0x1;
	p0 =	seq.s32 s7, s2  }
0x1e: {  	s7 =	smul.u32 @!p0 $0xF7A, s2;
	p2 =	seq.s32 @!p0 s5, $0x0  }
0x1f: {  	s9 =	smul.u32 $0xF7A, s1;
	s8 =	simm.s32 @!p0 $0x1BF5;
	p2 =	por !p2, p0  }
0x20: {  	[sflag:s8] =	ssyncset.s32 @!p0 $0xFFFFF086;
	s6 =	sadd.s32 @!p0 s3, s7;
	s7 =	simm.s32 @!p0 $0x108  }
0x21: {  	s3 =	sadd.s32 s3, s9;
	s6 =	sadd.s32 @!p0 $0x88, s6;
	s7 =	simm.s32 @p2 $0x1082  }
0x22: {  	[simem:s7], [sflag:s8] =	dma.local @!p0 [hbm:s6], $0xF7A  }
0x23: {  	s9 =	sor.u32 $0xD0000000, s2;
	s6 =	simm.s32 $0x108;
	_ =	swait.ge @!p0 [sflag:s8], $0x0  }
0x24: {  	s3 =	sadd.s32 $0x88, s3;
	s6 =	simm.s32 @!p1 $0x1082;
	[sflag:s4] =	ssyncset.s32 $0xFFFFF086  }
0x25: {  	[simem:s6], [sflag:s4] =	dma.local [hbm:s3], $0xF7A  }
0x26: {  	[smem:$0x3F9B] =	sst s1;
	(tag) =	ssettag s2;
	_ =	strace s9  }
0x27: {  	s1 =	sld [smem:$0x3FAB]  }
0x28: {  	s2 =	sld [smem:$0x3FAC]  }
0x29: {  	s4 =	sld [smem:$0x3FAE]  }
0x2a: {  	p0 =	seq.s32 s5, $0x0;
	s5 =	sld [smem:$0x3FAF]  }
0x2b: {  	s6 =	sld [smem:$0x3FB0]  }
0x2c: {  	s7 =	sld [smem:$0x3FB1]  }
0x2d: {  	s3 =	simm.s32 $0x108;
	s8 =	sld [smem:$0x3FB2]  }
0x2e: {  	s3 =	simm.s32 @!p0 $0x1082;
	s9 =	sld [smem:$0x3FB3]  }
0x2f: {  	lr =	sadd.s32 s0, s3;
	s0 =	sld [smem:$0x3FAA]  }
0x30: {  	s3 =	sld [smem:$0x3FAD]  }
0x31: {  	[smem:$0x3FB6] =	sst s10  }
0x32: {  	s10 =	sld [smem:$0x3FB4];
	_ =	sdelay $0x3  }
0x33: {  	p0 =	seq.s32 s10, $0x1;
	s10 =	sld [smem:$0x3FB6];
	_ =	sdelay $0x3  }
0x34: {  	[smem:$0x3FB6] =	sst s10  }
0x35: {  	s10 =	sld [smem:$0x3FB5];
	_ =	sdelay $0x3  }
0x36: {  	p1 =	seq.s32 s10, $0x1;
	s10 =	sld [smem:$0x3FB6];
	_ =	sdelay $0x3  }
0x37: {  	[smem:$0x3FB6] =	sst s10  }
0x38: {  	s10 =	sld [smem:$0x3FB7]  }
0x39: {  	_ = 	snop;
	(pc) =	sbr.ind lr, $3  }
0x3a: {  	_ = 	snop  }
0x3b: {  	_ = 	snop  }
0x3c: {  	p2 =	seq.s32 s10, $0x1;
	s10 =	sld [smem:$0x3FB6]  }
0x3d: {  	_ =	shalt  }
0x3e: {  	_ =	shalt  }
0x3f: {  	_ =	shalt  }
0x40: {  	_ =	shalt  }
0x41: {  	_ =	shalt  }
0x42: {  	_ =	shalt  }
0x43: {  	_ =	shalt  }
0x44: {  	_ =	shalt  }
0x45: {  	_ =	shalt  }
0x46: {  	_ =	shalt  }
0x47: {  	_ =	shalt  }
0x48: {  	_ =	shalt  }
0x49: {  	_ =	shalt  }
0x4a: {  	_ =	shalt  }
0x4b: {  	_ =	shalt  }
0x4c: {  	_ =	shalt  }
0x4d: {  	_ =	shalt  }
0x4e: {  	_ =	shalt  }
0x4f: {  	_ =	shalt  }
0x50: {  	_ =	shalt  }
0x51: {  	_ =	shalt  }
0x52: {  	_ =	shalt  }
0x53: {  	_ =	shalt  }
0x54: {  	_ =	shalt  }
0x55: {  	_ =	shalt  }
0x56: {  	_ =	shalt  }
0x57: {  	_ =	shalt  }
0x58: {  	_ =	shalt  }
0x59: {  	_ =	shalt  }
0x5a: {  	_ =	shalt  }
0x5b: {  	_ =	shalt  }
0x5c: {  	_ =	shalt  }
0x5d: {  	_ =	shalt  }
0x5e: {  	_ =	shalt  }
0x5f: {  	_ =	shalt  }
0x60: {  	_ =	shalt  }
0x61: {  	_ =	shalt  }
0x62: {  	_ =	shalt  }
0x63: {  	_ =	shalt  }
0x64: {  	_ =	shalt  }
0x65: {  	_ =	shalt  }
0x66: {  	_ =	shalt  }
0x67: {  	_ =	shalt  }
0x68: {  	_ =	shalt  }
0x69: {  	_ =	shalt  }
0x6a: {  	_ =	shalt  }
0x6b: {  	_ =	shalt  }
0x6c: {  	_ =	shalt  }
0x6d: {  	_ =	shalt  }
0x6e: {  	_ =	shalt  }
0x6f: {  	_ =	shalt  }
0x70: {  	_ =	shalt  }
0x71: {  	_ =	shalt  }
0x72: {  	_ =	shalt  }
0x73: {  	_ =	shalt  }
0x74: {  	_ =	shalt  }
0x75: {  	_ =	shalt  }
0x76: {  	_ =	shalt  }
0x77: {  	_ =	shalt  }
0x78: {  	_ =	shalt  }
0x79: {  	_ =	shalt  }
0x7a: {  	_ =	shalt  }
0x7b: {  	_ =	shalt  }
0x7c: {  	_ =	shalt  }
0x7d: {  	_ =	shalt  }
0x7e: {  	_ =	shalt  }
0x7f: {  	_ =	shalt  }
0x80: {  	_ =	shalt  }
0x81: {  	_ =	shalt  }
0x82: {  	_ =	shalt  }
0x83: {  	_ =	shalt  }
0x84: {  	_ =	shalt  }
0x85: {  	_ =	shalt  }
0x86: {  	_ =	shalt  }
0x87: {  	_ =	shalt  }
.Lfunc_end0:
.L_simem_size_0:
called_computation.2_lowered:
.L_overlay_start_0:
0x88: {  	s2 =	sld [smem:$0x3FD9]  }
0x89: {  	s3 =	sld [smem:$0x3FFE];
	_ =	sdelay $0x1  }
0x8a: {  	s1 =	srdreg.scid  }
0x8b: {  	s0 =	sand.u32 $0x1, s1  }
0x8c: {  	s17 =	sshll.u32 s0, $0xA;
	s2 =	sadd.s32 s3, s2  }
0x8d: {  	s2 =	sadd.s32 s2, s17  }
0x8e: {  	[smem:$0x3FC2] =	sst s2  }
0x8f: {  	_ = 	snop  }
0x90: {  	s2 =	sld [smem:$0x3FD0];
	(tm) =	ssettm $0x1  }
0x91: {  	s18 =	sld [smem:$0x3FFB];
	_ =	sdelay $0x3  }
0x92: {  	_ =	strace s18  }
0x93: {  	s3 =	sld [smem:$0x3FFC];
	_ =	sdelay $0x3  }
0x94: {  	_ =	strace s3  }
0x95: {  	s3 =	sld [smem:$0x3FFD];
	_ =	sdelay $0x3  }
0x96: {  	_ =	strace s3  }
0x97: {  	_ =	strace $0x8FFFFFFF  }
0x98: {  	s19 =	sld [smem:$0x3FDB];
	_ =	sdelay $0x1  }
0x99: {  	s4 =	simm.s32 $_scs_section_size  }
0x9a: {  	s5 =	simm.s32 $_size__tile_overlayer_lowered;
	s6 =	simm.s32 $_tile_overlayer_lowered  }
0x9b: {  	s22 =	simm.s32 $0x1BFF;
	s21 =	sshll.u32 s6, $0x1;
	s3 =	sadd.s32 s4, s19  }
0x9c: {  	s7 =	simm.s32 $0x0;
	s20 =	sshll.u32 s5, $0x1;
	s5 =	sadd.s32 s21, s3  }
0x9d: {  	[timem:s7], [sflag:s22] =	dma.local [hbm:s5], s20  }
0x9e: {  	_ =	swait.ge [sflag:s22], s20  }
0x9f: {  	s4 =	ssub.s32 $0x0, s20;
	[sflag:s22] =	ssyncset.done $0x0  }
0xa0: {  	[sflag:s22] =	ssyncadd.s32 s4;
	_ =	sdelay $0x1  }
0xa1: {  	s23 =	simm.s32 $0x1B8B  }
0xa2: {  	_ =	swait.ge [sflag:s23], $0x1  }
0xa3: {  	[sflag:s23] =	ssyncset.done $0x0  }
0xa4: {  	s25 =	simm.s32 $0x1B8E;
	s24 =	sld [smem:$0x3FFE];
	[sflag:s23] =	ssyncadd.s32 $0xFFFFFFFF  }
0xa5: {  	s26 =	simm.s32 $execute0_lowered;
	[smem:$0x3FD2] =	sst s25  }
0xa6: {  	s5 =	sshll.u32 s26, $0x1;
	_ =	strace $0x8000004C;
	[dreg:$0x1] =	wrdreg $0xFFFFFFFF  }
0xa7: {  	s28 =	simm.s32 $_size_execute0_lowered;
	s3 =	sadd.s32 s3, s5;
	[dreg:$0x0] =	wrdreg $0x0  }
0xa8: {  	s5 =	sshll.u32 s28, $0x1;
	[dreg:$0x2] =	wrdreg s3  }
0xa9: {  	[dreg:$0x3] =	wrdreg s5  }
0xaa: {  	[dreg:$0x4] =	wrdreg $0xC0  }
0xab: {  	_ =	task [dreg:s7], $0x5FFFF  }
0xac: {  	[dreg:$0x1] =	wrdreg $0xFFFFFFFF  }
0xad: {  	[dreg:$0x0] =	wrdreg $0x60  }
0xae: {  	[dreg:$0x2] =	wrdreg s24  }
0xaf: {  	[dreg:$0x3] =	wrdreg s2  }
0xb0: {  	[dreg:$0x4] =	wrdreg $0x0  }
0xb1: {  	[dreg:$0x5] =	wrdreg $0x9  }
0xb2: {  	_ =	task.clear_ibuf [dreg:s7], $0x6FFFF;
	_ =	strace $0x9000004C  }
0xb3: {  	s29 =	simm.s32 $0x9;
	_ =	strace $0x8000004E  }
0xb4: {  	_ =	swait.ge [sflag:s29], $0x1  }
0xb5: {  	[sflag:s29] =	ssyncadd.s32 $0xFFFFFFFF  }
0xb6: {  	_ =	strace $0x9000004E  }
0xb7: {  	_ =	sfence  }
0xb8: {  	s30 =	sld [smem:$0x0];
	_ =	sdelay $0x2  }
0xb9: {  	s31 =	sshll.u32 s1, $0xD;
	s1 =	sshrl.u32 s1, $0x2  }
0xba: {  	s3 =	sand.u32 $0x4000, s31;
	s1 =	sadd.s32 s1, s30  }
0xbb: {  	s0 =	sor.u32 s3, s0;
	s1 =	sshll.u32 s1, $0x11  }
0xbc: {  	s0 =	sor.u32 s1, s0  }
0xbd: {  	s0 =	sadd.s32 $0x8F2B, s0  }
0xbe: {  	[sflag:s0] =	ssyncadd.remote.s32 $0x1  }
0xbf: {  	_ =	sfence.sel $0xFFFF  }
0xc0: {  	[dreg:$0x0] =	wrdreg $0xFFFFFFFF;
	(pc) =	sbr.abs _section_cstart, $3  }
0xc1: {  	[dreg:$0x1] =	wrdreg $0xFFFFFFFF  }
0xc2: {  	_ =	task.clear_ibuf [dreg:s7], $0x2FFFF;
	_ =	strace $0x9FFFFFFF  }
0xc3: {  	(tm) =	ssettm $0x7FFFFFFF  }
tec
execute0_lowered:
.L_overlay_start_1:
0x0: {  	(tag) =	ssettag $0x1  }
0x1: {  	s0 =	rddreg [dreg:$0x0]  }
0x2: {  	s1 =	rddreg [dreg:$0x1]  }
0x3: {  	s3 =	rddreg [dreg:$0x2]  }
0x4: {  	s13 =	stileid.u32;
	s2 =	srdreg.scid;
	s4 =	simm.s32 $0x0  }
0x5: {  	s12 =	simm.s32 $0x14080;
	s14 =	simm.s32 $0x14100;
	s15 =	simm.s32 $0x14480  }
0x6: {  	s16 =	simm.s32 $0x14180;
	s17 =	simm.s32 $0x14500;
	[smem:$0x7FF] =	sst s4  }
0x7: {  	s19 =	simm.s32 $0x14200;
	_ =	strace $0x8000004D;
	[dreg:$0x5] =	wrdreg s12  }
0x8: {  	s20 =	simm.s32 $0x14580;
	s21 =	simm.s32 $0x14280;
	[dreg:$0x6] =	wrdreg s14  }
0x9: {  	s23 =	simm.s32 $0x14600;
	s28 =	simm.s32 $0x14F00;
	[dreg:$0x7] =	wrdreg s15  }
0xa: {  	s29 =	simm.s32 $0x14F80;
	s30 =	simm.s32 $0x0;
	[dreg:$0x8] =	wrdreg s16  }
0xb: {  	s7 =	smul.u32 $0x14000, s13;
	s2 =	sand.u32 $0x1, s2;
	[dreg:$0x9] =	wrdreg s17  }
0xc: {  	s5 =	sadd.s32 $0xC200, s0;
	s31 =	smul.u32 $0x30, s13;
	[dreg:$0xa] =	wrdreg s19  }
0xd: {  	s6 =	sadd.s32 $0x2200, s0;
	s11 =	smul.u32 $0x70, s13;
	[dreg:$0xb] =	wrdreg s20  }
0xe: {  	s22 =	sshll.u32 s13, $0x6;
	s8 =	smul.u32 $0x140000, s2;
	[dreg:$0xc] =	wrdreg s21  }
0xf: {  	s12 =	smul.u32 $0x50000, s13;
	[dreg:$0xd] =	wrdreg s23;
	s13 =	simm.s32 $0x14700  }
0x10: {  	s10 =	ssub.s32 $0x2, s2;
	s14 =	simm.s32 $0x14780;
	[dreg:$0x11] =	wrdreg s13  }
0x11: {  	p0 =	seq.s32 s2, $0x0;
	s15 =	simm.s32 $0x14880;
	[dreg:$0x12] =	wrdreg s14  }
0x12: {  	s17 =	simm.s32 $0x14900;
	s19 =	simm.s32 $0x14980;
	[dreg:$0x13] =	wrdreg s15  }
0x13: {  	s20 =	simm.s32 $0x14D00;
	s21 =	simm.s32 $0x14A00;
	[dreg:$0x14] =	wrdreg s17  }
0x14: {  	s23 =	simm.s32 $0x14A80;
	s9 =	sshrl.u32 s7, $0x3;
	[dreg:$0x16] =	wrdreg s19  }
0x15: {  	s25 =	sshrl.u32 s10, $0x1;
	s17 =	simm.s32 $0x3;
	[dreg:$0x17] =	wrdreg s20  }
0x16: {  	s19 =	simm.s32 $0x14400;
	[dreg:$0x18] =	wrdreg s21;
	s20 =	simm.s32 $0x80  }
0x17: {  	s21 =	simm.s32 $0x15000;
	[dreg:$0x1a] =	wrdreg s23;
	s23 =	simm.s32 $0x14800  }
0x18: {  	s9 =	sadd.s32 s9, s0;
	s8 =	sadd.s32 s7, s8;
	s7 =	simm.s32 $0x7  }
0x19: {  	s2 =	ssub.s32 s10, s25;
	s10 =	sadd.s32 $0x700, s31;
	s25 =	simm.s32 $0x14680  }
0x1a: {  	s18 =	sshrl.u32 s12, $0x2;
	s31 =	simm.s32 $0x14380;
	[dreg:$0xf] =	wrdreg s25  }
0x1b: {  	s24 =	sshrl.u32 s8, $0x3;
	s9 =	sadd.s32 $0x34200, s9;
	[dreg:$0x10] =	wrdreg s31  }
0x1c: {  	s7 =	simm.s32 @!p0 $0x3;
	s2 =	smax.u32 s2, $0x1;
	[dreg:$0x1f] =	wrdreg s9  }
0x1d: {  	s16 =	sadd.s32 s18, s3;
	s18 =	simm.s32 $0x14C80;
	[smem:$0x7FD] =	sst s2  }
0x1e: {  	s10 =	smov.u32 @p0 s11;
	s25 =	simm.s32 $0x14B00;
	[dreg:$0x15] =	wrdreg s18  }
0x1f: {  	s31 =	simm.s32 $0x14B80;
	s0 =	sadd.s32 s24, s0;
	[dreg:$0x1c] =	wrdreg s25  }
0x20: {  	s26 =	sadd.s32 $0xFFFFFFFF, s7;
	s9 =	sor.u32 $0x1C03, s22;
	[dreg:$0x1e] =	wrdreg s31  }
0x21: {  	s24 =	simm.s32 $0x14300;
	s10 =	sshll.u32 s10, $0x4;
	[dreg:$0x4] =	wrdreg s26  }
0x22: {  	s16 =	sshrl.u32 s16, $0x3;
	s22 =	simm.s32 $0x14D80;
	[dreg:$0xe] =	wrdreg s24  }
0x23: {  	s18 =	simm.s32 $0x14000;
	s26 =	sadd.s32 s6, s10;
	[dreg:$0x19] =	wrdreg s22  }
0x24: {  	s25 =	simm.s32 $0x19000;
	s12 =	sadd.s32 s1, s10;
	[smem:$0x7FA] =	sst s26  }
0x25: {  	s0 =	sadd.s32 $0x5C200, s0;
	s14 =	sadd.s32 $0x100, s10;
	[smem:$0x7FB] =	sst s12  }
0x26: {  	s15 =	sor.u32 $0x80, s10;
	s24 =	simm.s32 $0x14E00;
	[smem:$0x7FC] =	sst s0  }
0x27: {  	s22 =	simm.s32 $0x1;
	[dreg:$0x1b] =	wrdreg s24;
	s26 =	simm.s32 $0x14E80  }
0x28: {  	s24 =	simm.s32 $0x14C00;
	[dreg:$0x1d] =	wrdreg s26;
	s26 =	simm.s32 $0x2  }
.LBB2_1:
0x29: {  	s0 =	rddreg [dreg:$0x1f]  }
0x2a: {  	[spmem:s16], [sflag:s9] =	dma.local [hbm:s0], $0x2800  }
0x2b: {  	_ =	swait.ge [sflag:s17], $0x2800  }
0x2c: {  	s8 =	sld [smem:$0x7FA]  }
0x2d: {  	[sflag:s17] =	ssyncset.done $0x0  }
0x2e: {  	[sflag:s17] =	ssyncadd.s32 $0xFFFFD800  }
0x2f: {  	[tilespmem:s18], [sflag:$0x3] =	stream.linear.gather [hbm4b:s8+s4], $0x400, $0x38;
	[tilespmem:$0x1D000] =	vst v63  }
0x30: {  	_ =	swait.ge [sflag:s17], $0x400  }
0x31: {  	s10 =	sld [smem:$0x7FB]  }
0x32: {  	[sflag:s17] =	ssyncset.done $0x0  }
0x33: {  	[sflag:s17] =	ssyncadd.s32 $0xFFFFFC00  }
0x34: {  	[tilespmem:s19], [sflag:$0x3] =	stream.linear.gather [hbm4b:s10+s4], $0x400, $0x38;
	[tilespmem:$0x1D000] =	vst v63  }
0x35: {  	_ =	swait.ge [sflag:s17], $0x400  }
0x36: {  	[sflag:s17] =	ssyncset.done $0x0  }
0x37: {  	[sflag:s17] =	ssyncadd.s32 $0xFFFFFC00  }
0x38: {  	[tilespmem:s21], [sflag:$0x1] =	stream.indirect.gather [hbm4b:s5+s20], $0x80, s18, s20, $0xb8;
	[tilespmem:$0x1D000] =	vst v63  }
0x39: {  	[bflag:$0x0] =	sbarrier.arrive $0xFFFF  }
0x3a: {  	s0 =	rddreg [dreg:$0x4];
	_ =	swait.ge [sflag:s22], $0x4000  }
0x3b: {  	[sflag:s22] =	ssyncset.done $0x0  }
0x3c: {  	s2 =	sadd.s32 s6, s15;
	[sflag:s22] =	ssyncadd.s32 $0xFFFFC000  }
0x3d: {  	[tilespmem:s23], [sflag:$0x2] =	stream.linear.gather [hbm4b:s2+s4], $0x400, $0x38;
	[tilespmem:$0x1D000] =	vst v63  }
0x3e: {  	s11 =	sadd.s32 s1, s15  }
0x3f: {  	[tilespmem:s24], [sflag:$0x2] =	stream.linear.gather [hbm4b:s11+s4], $0x400, $0x38;
	[tilespmem:$0x1D000] =	vst v63  }
0x40: {  	s8 =	rddreg [dreg:$0x5]  }
0x41: {  	[tilespmem:s25], [sflag:$0x1] =	stream.indirect.gather [hbm4b:s5+s20], $0x80, s8, s20, $0xb8;
	[tilespmem:$0x1D000] =	vst v63  }
0x42: {  	_ = 	snop  }
0x43: {  	[spmem:s3] =	stream.indirect.scatter.add.f32 [tilespmem:s21], [sflag:$0x3], $0x80, s19, s20, $0xb8;
	[tilespmem:$0x1D000] =	vst v63  }
0x44: {  	_ =	swait.ge [sflag:s17], $0x4000  }
0x45: {  	[sflag:s17] =	ssyncset.done $0x0  }
0x46: {  	[sflag:s17] =	ssyncadd.s32 $0xFFFFC000  }
0x47: {  	_ =	swait.ge [sflag:s22], $0x4000  }
0x48: {  	[sflag:s22] =	ssyncset.done $0x0  }
0x49: {  	s12 =	rddreg [dreg:$0x6];
	[sflag:s22] =	ssyncadd.s32 $0xFFFFC000  }
0x4a: {  	[tilespmem:s21], [sflag:$0x1] =	stream.indirect.gather [hbm4b:s5+s20], $0x80, s12, s20, $0xb8;
	[tilespmem:$0x1D000] =	vst v63  }
0x4b: {  	s13 =	rddreg [dreg:$0x7]  }
0x4c: {  	[spmem:s3] =	stream.indirect.scatter.add.f32 [tilespmem:s25], [sflag:$0x3], $0x80, s13, s20, $0xb8;
	[tilespmem:$0x1D000] =	vst v63  }
0x4d: {  	_ =	swait.ge [sflag:s17], $0x4000  }
0x4e: {  	[sflag:s17] =	ssyncset.done $0x0  }
0x4f: {  	[sflag:s17] =	ssyncadd.s32 $0xFFFFC000  }
0x50: {  	_ =	swait.ge [sflag:s22], $0x4000  }
0x51: {  	[sflag:s22] =	ssyncset.done $0x0  }
0x52: {  	s10 =	rddreg [dreg:$0x8];
	[sflag:s22] =	ssyncadd.s32 $0xFFFFC000  }
0x53: {  	[tilespmem:s25], [sflag:$0x1] =	stream.indirect.gather [hbm4b:s5+s20], $0x80, s10, s20, $0xb8;
	[tilespmem:$0x1D000] =	vst v63  }
0x54: {  	s11 =	rddreg [dreg:$0x9]  }
0x55: {  	[spmem:s3] =	stream.indirect.scatter.add.f32 [tilespmem:s21], [sflag:$0x3], $0x80, s11, s20, $0xb8;
	[tilespmem:$0x1D000] =	vst v63  }
0x56: {  	_ =	swait.ge [sflag:s17], $0x4000  }
0x57: {  	[sflag:s17] =	ssyncset.done $0x0  }
0x58: {  	[sflag:s17] =	ssyncadd.s32 $0xFFFFC000  }
0x59: {  	_ =	swait.ge [sflag:s22], $0x4000  }
0x5a: {  	[sflag:s22] =	ssyncset.done $0x0  }
0x5b: {  	s12 =	rddreg [dreg:$0xa];
	[sflag:s22] =	ssyncadd.s32 $0xFFFFC000  }
0x5c: {  	[tilespmem:s21], [sflag:$0x1] =	stream.indirect.gather [hbm4b:s5+s20], $0x80, s12, s20, $0xb8;
	[tilespmem:$0x1D000] =	vst v63  }
0x5d: {  	s13 =	rddreg [dreg:$0xb]  }
0x5e: {  	[spmem:s3] =	stream.indirect.scatter.add.f32 [tilespmem:s25], [sflag:$0x3], $0x80, s13, s20, $0xb8;
	[tilespmem:$0x1D000] =	vst v63  }
0x5f: {  	_ =	swait.ge [sflag:s17], $0x4000  }
0x60: {  	[sflag:s17] =	ssyncset.done $0x0  }
0x61: {  	[sflag:s17] =	ssyncadd.s32 $0xFFFFC000  }
0x62: {  	_ =	swait.ge [sflag:s22], $0x4000  }
0x63: {  	[sflag:s22] =	ssyncset.done $0x0  }
0x64: {  	s10 =	rddreg [dreg:$0xc];
	[sflag:s22] =	ssyncadd.s32 $0xFFFFC000  }
0x65: {  	[tilespmem:s25], [sflag:$0x1] =	stream.indirect.gather [hbm4b:s5+s20], $0x80, s10, s20, $0xb8;
	[tilespmem:$0x1D000] =	vst v63  }
0x66: {  	s11 =	rddreg [dreg:$0xd]  }
0x67: {  	[spmem:s3] =	stream.indirect.scatter.add.f32 [tilespmem:s21], [sflag:$0x3], $0x80, s11, s20, $0xb8;
	[tilespmem:$0x1D000] =	vst v63  }
0x68: {  	_ =	swait.ge [sflag:s17], $0x4000  }
0x69: {  	[sflag:s17] =	ssyncset.done $0x0  }
0x6a: {  	[sflag:s17] =	ssyncadd.s32 $0xFFFFC000  }
0x6b: {  	_ =	swait.ge [sflag:s22], $0x4000  }
0x6c: {  	[sflag:s22] =	ssyncset.done $0x0  }
0x6d: {  	s12 =	rddreg [dreg:$0xe];
	[sflag:s22] =	ssyncadd.s32 $0xFFFFC000  }
0x6e: {  	[tilespmem:s21], [sflag:$0x1] =	stream.indirect.gather [hbm4b:s5+s20], $0x80, s12, s20, $0xb8;
	[tilespmem:$0x1D000] =	vst v63  }
0x6f: {  	s13 =	rddreg [dreg:$0xf]  }
0x70: {  	[spmem:s3] =	stream.indirect.scatter.add.f32 [tilespmem:s25], [sflag:$0x3], $0x80, s13, s20, $0xb8;
	[tilespmem:$0x1D000] =	vst v63  }
0x71: {  	_ =	swait.ge [sflag:s17], $0x4000  }
0x72: {  	[sflag:s17] =	ssyncset.done $0x0  }
0x73: {  	[sflag:s17] =	ssyncadd.s32 $0xFFFFC000  }
0x74: {  	_ =	swait.ge [sflag:s22], $0x4000  }
0x75: {  	[sflag:s22] =	ssyncset.done $0x0  }
0x76: {  	s8 =	rddreg [dreg:$0x10];
	[sflag:s22] =	ssyncadd.s32 $0xFFFFC000  }
0x77: {  	[tilespmem:s25], [sflag:$0x1] =	stream.indirect.gather [hbm4b:s5+s20], $0x80, s8, s20, $0xb8;
	[tilespmem:$0x1D000] =	vst v63  }
0x78: {  	s10 =	rddreg [dreg:$0x11]  }
0x79: {  	[spmem:s3] =	stream.indirect.scatter.add.f32 [tilespmem:s21], [sflag:$0x3], $0x80, s10, s20, $0xb8;
	[tilespmem:$0x1D000] =	vst v63  }
0x7a: {  	_ =	swait.ge [sflag:s17], $0x4000  }
0x7b: {  	[sflag:s17] =	ssyncset.done $0x0  }
0x7c: {  	[sflag:s17] =	ssyncadd.s32 $0xFFFFC000  }
0x7d: {  	_ =	swait.ge [sflag:s22], $0x4000  }
0x7e: {  	[sflag:s22] =	ssyncset.done $0x0  }
0x7f: {  	[sflag:s22] =	ssyncadd.s32 $0xFFFFC000  }
0x80: {  	_ =	swait.ge [sflag:s26], $0x400  }
0x81: {  	[sflag:s26] =	ssyncset.done $0x0  }
0x82: {  	[sflag:s26] =	ssyncadd.s32 $0xFFFFFC00  }
0x83: {  	_ =	swait.ge [sflag:s26], $0x400  }
0x84: {  	[sflag:s26] =	ssyncset.done $0x0  }
0x85: {  	[sflag:s26] =	ssyncadd.s32 $0xFFFFFC00  }
0x86: {  	[tilespmem:s21], [sflag:$0x1] =	stream.indirect.gather [hbm4b:s5+s20], $0x80, s23, s20, $0xb8;
	[tilespmem:$0x1D000] =	vst v63  }
0x87: {  	s11 =	rddreg [dreg:$0x12]  }
0x88: {  	[spmem:s3] =	stream.indirect.scatter.add.f32 [tilespmem:s25], [sflag:$0x3], $0x80, s11, s20, $0xb8;
	[tilespmem:$0x1D000] =	vst v63  }
0x89: {  	_ =	swait.ge [sflag:s17], $0x4000  }
0x8a: {  	[sflag:s17] =	ssyncset.done $0x0  }
0x8b: {  	[sflag:s17] =	ssyncadd.s32 $0xFFFFC000  }
0x8c: {  	p0 =	sle.u32 s0, $0x0;
	_ =	swait.ge [sflag:s22], $0x4000  }
0x8d: {  	s0 =	simm.s32 @!p0 $0x14000;
	[sflag:s22] =	ssyncset.done $0x0  }
0x8e: {  	s2 =	sadd.s32 @!p0 s6, s14;
	s8 =	simm.s32 @!p0 $0x0;
	[sflag:s22] =	ssyncadd.s32 $0xFFFFC000  }
0x8f: {  	[tilespmem:s0], [sflag:$0x2] =	stream.linear.gather @!p0 [hbm4b:s2+s8], $0x400, $0x38;
	[tilespmem:$0x1D000] =	vst v63  }
0x90: {  	s10 =	simm.s32 @!p0 $0x14400;
	s2 =	sadd.s32 @!p0 s1, s14  }
0x91: {  	[tilespmem:s10], [sflag:$0x2] =	stream.linear.gather @!p0 [hbm4b:s2+s8], $0x400, $0x38;
	[tilespmem:$0x1D000] =	vst v63  }
0x92: {  	s31 =	rddreg [dreg:$0x13]  }
0x93: {  	[tilespmem:s25], [sflag:$0x1] =	stream.indirect.gather [hbm4b:s5+s20], $0x80, s31, s20, $0xb8;
	[tilespmem:$0x1D000] =	vst v63  }
0x94: {  	_ = 	snop  }
0x95: {  	[spmem:s3] =	stream.indirect.scatter.add.f32 [tilespmem:s21], [sflag:$0x3], $0x80, s24, s20, $0xb8;
	[tilespmem:$0x1D000] =	vst v63  }
0x96: {  	_ =	swait.ge [sflag:s17], $0x4000  }
0x97: {  	[sflag:s17] =	ssyncset.done $0x0  }
0x98: {  	[sflag:s17] =	ssyncadd.s32 $0xFFFFC000  }
0x99: {  	_ =	swait.ge [sflag:s22], $0x4000  }
0x9a: {  	[sflag:s22] =	ssyncset.done $0x0  }
0x9b: {  	s12 =	rddreg [dreg:$0x14];
	[sflag:s22] =	ssyncadd.s32 $0xFFFFC000  }
0x9c: {  	[tilespmem:s21], [sflag:$0x1] =	stream.indirect.gather [hbm4b:s5+s20], $0x80, s12, s20, $0xb8;
	[tilespmem:$0x1D000] =	vst v63  }
0x9d: {  	s13 =	rddreg [dreg:$0x15]  }
0x9e: {  	[spmem:s3] =	stream.indirect.scatter.add.f32 [tilespmem:s25], [sflag:$0x3], $0x80, s13, s20, $0xb8;
	[tilespmem:$0x1D000] =	vst v63  }
0x9f: {  	_ =	swait.ge [sflag:s17], $0x4000  }
0xa0: {  	[sflag:s17] =	ssyncset.done $0x0  }
0xa1: {  	[sflag:s17] =	ssyncadd.s32 $0xFFFFC000  }
0xa2: {  	_ =	swait.ge [sflag:s22], $0x4000  }
0xa3: {  	[sflag:s22] =	ssyncset.done $0x0  }
0xa4: {  	s10 =	rddreg [dreg:$0x16];
	[sflag:s22] =	ssyncadd.s32 $0xFFFFC000  }
0xa5: {  	[tilespmem:s25], [sflag:$0x1] =	stream.indirect.gather [hbm4b:s5+s20], $0x80, s10, s20, $0xb8;
	[tilespmem:$0x1D000] =	vst v63  }
0xa6: {  	s11 =	rddreg [dreg:$0x17]  }
0xa7: {  	[spmem:s3] =	stream.indirect.scatter.add.f32 [tilespmem:s21], [sflag:$0x3], $0x80, s11, s20, $0xb8;
	[tilespmem:$0x1D000] =	vst v63  }
0xa8: {  	_ =	swait.ge [sflag:s17], $0x4000  }
0xa9: {  	[sflag:s17] =	ssyncset.done $0x0  }
0xaa: {  	[sflag:s17] =	ssyncadd.s32 $0xFFFFC000  }
0xab: {  	_ =	swait.ge [sflag:s22], $0x4000  }
0xac: {  	[sflag:s22] =	ssyncset.done $0x0  }
0xad: {  	s12 =	rddreg [dreg:$0x18];
	[sflag:s22] =	ssyncadd.s32 $0xFFFFC000  }
0xae: {  	[tilespmem:s21], [sflag:$0x1] =	stream.indirect.gather [hbm4b:s5+s20], $0x80, s12, s20, $0xb8;
	[tilespmem:$0x1D000] =	vst v63  }
0xaf: {  	s13 =	rddreg [dreg:$0x19]  }
0xb0: {  	[spmem:s3] =	stream.indirect.scatter.add.f32 [tilespmem:s25], [sflag:$0x3], $0x80, s13, s20, $0xb8;
	[tilespmem:$0x1D000] =	vst v63  }
0xb1: {  	_ =	swait.ge [sflag:s17], $0x4000  }
0xb2: {  	[sflag:s17] =	ssyncset.done $0x0  }
0xb3: {  	[sflag:s17] =	ssyncadd.s32 $0xFFFFC000  }
0xb4: {  	_ =	swait.ge [sflag:s22], $0x4000  }
0xb5: {  	[sflag:s22] =	ssyncset.done $0x0  }
0xb6: {  	s8 =	rddreg [dreg:$0x1a];
	[sflag:s22] =	ssyncadd.s32 $0xFFFFC000  }
0xb7: {  	[tilespmem:s25], [sflag:$0x1] =	stream.indirect.gather [hbm4b:s5+s20], $0x80, s8, s20, $0xb8;
	[tilespmem:$0x1D000] =	vst v63  }
0xb8: {  	s10 =	rddreg [dreg:$0x1b]  }
0xb9: {  	[spmem:s3] =	stream.indirect.scatter.add.f32 [tilespmem:s21], [sflag:$0x3], $0x80, s10, s20, $0xb8;
	[tilespmem:$0x1D000] =	vst v63  }
0xba: {  	_ =	swait.ge [sflag:s17], $0x4000  }
0xbb: {  	[sflag:s17] =	ssyncset.done $0x0  }
0xbc: {  	[sflag:s17] =	ssyncadd.s32 $0xFFFFC000  }
0xbd: {  	_ =	swait.ge [sflag:s22], $0x4000  }
0xbe: {  	[sflag:s22] =	ssyncset.done $0x0  }
0xbf: {  	s11 =	rddreg [dreg:$0x1c];
	[sflag:s22] =	ssyncadd.s32 $0xFFFFC000  }
0xc0: {  	[tilespmem:s21], [sflag:$0x1] =	stream.indirect.gather [hbm4b:s5+s20], $0x80, s11, s20, $0xb8;
	[tilespmem:$0x1D000] =	vst v63  }
0xc1: {  	s12 =	rddreg [dreg:$0x1d]  }
0xc2: {  	[spmem:s3] =	stream.indirect.scatter.add.f32 [tilespmem:s25], [sflag:$0x3], $0x80, s12, s20, $0xb8;
	[tilespmem:$0x1D000] =	vst v63  }
0xc3: {  	_ =	swait.ge [sflag:s17], $0x4000  }
0xc4: {  	[sflag:s17] =	ssyncset.done $0x0  }
0xc5: {  	[sflag:s17] =	ssyncadd.s32 $0xFFFFC000  }
0xc6: {  	_ =	swait.ge [sflag:s22], $0x4000  }
0xc7: {  	[sflag:s22] =	ssyncset.done $0x0  }
0xc8: {  	s13 =	rddreg [dreg:$0x1e];
	[sflag:s22] =	ssyncadd.s32 $0xFFFFC000  }
0xc9: {  	[tilespmem:s25], [sflag:$0x1] =	stream.indirect.gather [hbm4b:s5+s20], $0x80, s13, s20, $0xb8;
	[tilespmem:$0x1D000] =	vst v63  }
0xca: {  	_ = 	snop  }
0xcb: {  	[spmem:s3] =	stream.indirect.scatter.add.f32 [tilespmem:s21], [sflag:$0x3], $0x80, s28, s20, $0xb8;
	[tilespmem:$0x1D000] =	vst v63  }
0xcc: {  	_ =	swait.ge [sflag:s17], $0x4000  }
0xcd: {  	[sflag:s17] =	ssyncset.done $0x0  }
0xce: {  	[sflag:s17] =	ssyncadd.s32 $0xFFFFC000  }
0xcf: {  	_ =	swait.ge [sflag:s22], $0x4000  }
0xd0: {  	[sflag:s22] =	ssyncset.done $0x0  }
0xd1: {  	s2 =	simm.s32 @!p0 $0x2;
	[sflag:s22] =	ssyncadd.s32 $0xFFFFC000  }
0xd2: {  	_ =	swait.ge @!p0 [sflag:s2], $0x400  }
0xd3: {  	[sflag:s2] =	ssyncset.done @!p0 $0x0  }
0xd4: {  	[sflag:s2] =	ssyncadd.s32 @!p0 $0xFFFFFC00  }
0xd5: {  	_ =	swait.ge @!p0 [sflag:s2], $0x400  }
0xd6: {  	[sflag:s2] =	ssyncset.done @!p0 $0x0  }
0xd7: {  	s8 =	simm.s32 @!p0 $0x80;
	[sflag:s2] =	ssyncadd.s32 @!p0 $0xFFFFFC00;
	s2 =	simm.s32 @!p0 $0x15000  }
0xd8: {  	[tilespmem:s2], [sflag:$0x1] =	stream.indirect.gather @!p0 [hbm4b:s5+s8], $0x80, s0, s8, $0xb8;
	[tilespmem:$0x1D000] =	vst v63  }
0xd9: {  	p0 =	sne.s32 s7, $0x1  }
.Ltmp0:
0xda: {  	_ = 	snop;
	(pc) =	sbr.rel @!p0 .LBB2_3-.Ltmp0, $4  }
0xdb: {  	_ = 	snop  }
0xdc: {  	s31 =	simm.s32 $0x1  }
0xdd: {  	[spmem:s3] =	stream.indirect.scatter.add.f32 [tilespmem:s25], [sflag:$0x3], $0x80, s29, s20, $0xb8;
	[tilespmem:$0x1D000] =	vst v63  }
0xde: {  	s0 =	sadd.s32 $0x100, s6;
	s2 =	smov.u32 s1;
	_ =	swait.ge [sflag:s17], $0x4000  }
.LBB2_2:
0xdf: {  	[sflag:s17] =	ssyncset.done $0x0  }
0xe0: {  	[sflag:s17] =	ssyncadd.s32 $0xFFFFC000  }
0xe1: {  	s10 =	rddreg [dreg:$0x4];
	_ =	swait.ge [sflag:s22], $0x4000  }
0xe2: {  	[sflag:s22] =	ssyncset.done $0x0  }
0xe3: {  	s2 =	sadd.s32 $0x100, s2;
	s11 =	sadd.s32 s0, s15;
	[sflag:s22] =	ssyncadd.s32 $0xFFFFC000  }
0xe4: {  	[tilespmem:s23], [sflag:$0x2] =	stream.linear.gather [hbm4b:s11+s4], $0x400, $0x38;
	[tilespmem:$0x1D000] =	vst v63  }
0xe5: {  	s13 =	sadd.s32 s2, s15  }
0xe6: {  	[tilespmem:s24], [sflag:$0x2] =	stream.linear.gather [hbm4b:s13+s4], $0x400, $0x38;
	[tilespmem:$0x1D000] =	vst v63  }
0xe7: {  	s12 =	rddreg [dreg:$0x5]  }
0xe8: {  	[tilespmem:s25], [sflag:$0x1] =	stream.indirect.gather [hbm4b:s5+s20], $0x80, s12, s20, $0xb8;
	[tilespmem:$0x1D000] =	vst v63  }
0xe9: {  	_ = 	snop  }
0xea: {  	[spmem:s3] =	stream.indirect.scatter.add.f32 [tilespmem:s21], [sflag:$0x3], $0x80, s19, s20, $0xb8;
	[tilespmem:$0x1D000] =	vst v63  }
0xeb: {  	_ =	swait.ge [sflag:s17], $0x4000  }
0xec: {  	[sflag:s17] =	ssyncset.done $0x0  }
0xed: {  	[sflag:s17] =	ssyncadd.s32 $0xFFFFC000  }
0xee: {  	_ =	swait.ge [sflag:s22], $0x4000  }
0xef: {  	[sflag:s22] =	ssyncset.done $0x0  }
0xf0: {  	s12 =	rddreg [dreg:$0x6];
	[sflag:s22] =	ssyncadd.s32 $0xFFFFC000  }
0xf1: {  	[tilespmem:s21], [sflag:$0x1] =	stream.indirect.gather [hbm4b:s5+s20], $0x80, s12, s20, $0xb8;
	[tilespmem:$0x1D000] =	vst v63  }
0xf2: {  	s13 =	rddreg [dreg:$0x7]  }
0xf3: {  	[spmem:s3] =	stream.indirect.scatter.add.f32 [tilespmem:s25], [sflag:$0x3], $0x80, s13, s20, $0xb8;
	[tilespmem:$0x1D000] =	vst v63  }
0xf4: {  	_ =	swait.ge [sflag:s17], $0x4000  }
0xf5: {  	[sflag:s17] =	ssyncset.done $0x0  }
0xf6: {  	[sflag:s17] =	ssyncadd.s32 $0xFFFFC000  }
0xf7: {  	_ =	swait.ge [sflag:s22], $0x4000  }
0xf8: {  	[sflag:s22] =	ssyncset.done $0x0  }
0xf9: {  	s12 =	rddreg [dreg:$0x8];
	[sflag:s22] =	ssyncadd.s32 $0xFFFFC000  }
0xfa: {  	[tilespmem:s25], [sflag:$0x1] =	stream.indirect.gather [hbm4b:s5+s20], $0x80, s12, s20, $0xb8;
	[tilespmem:$0x1D000] =	vst v63  }
0xfb: {  	s13 =	rddreg [dreg:$0x9]  }
0xfc: {  	[spmem:s3] =	stream.indirect.scatter.add.f32 [tilespmem:s21], [sflag:$0x3], $0x80, s13, s20, $0xb8;
	[tilespmem:$0x1D000] =	vst v63  }
0xfd: {  	_ =	swait.ge [sflag:s17], $0x4000  }
0xfe: {  	[sflag:s17] =	ssyncset.done $0x0  }
0xff: {  	[sflag:s17] =	ssyncadd.s32 $0xFFFFC000  }
0x100: {  	_ =	swait.ge [sflag:s22], $0x4000  }
0x101: {  	[sflag:s22] =	ssyncset.done $0x0  }
0x102: {  	s12 =	rddreg [dreg:$0xa];
	[sflag:s22] =	ssyncadd.s32 $0xFFFFC000  }
0x103: {  	[tilespmem:s21], [sflag:$0x1] =	stream.indirect.gather [hbm4b:s5+s20], $0x80, s12, s20, $0xb8;
	[tilespmem:$0x1D000] =	vst v63  }
0x104: {  	s13 =	rddreg [dreg:$0xb]  }
0x105: {  	[spmem:s3] =	stream.indirect.scatter.add.f32 [tilespmem:s25], [sflag:$0x3], $0x80, s13, s20, $0xb8;
	[tilespmem:$0x1D000] =	vst v63  }
0x106: {  	_ =	swait.ge [sflag:s17], $0x4000  }
0x107: {  	[sflag:s17] =	ssyncset.done $0x0  }
0x108: {  	[sflag:s17] =	ssyncadd.s32 $0xFFFFC000  }
0x109: {  	_ =	swait.ge [sflag:s22], $0x4000  }
0x10a: {  	[sflag:s22] =	ssyncset.done $0x0  }
0x10b: {  	s12 =	rddreg [dreg:$0xc];
	[sflag:s22] =	ssyncadd.s32 $0xFFFFC000  }
0x10c: {  	[tilespmem:s25], [sflag:$0x1] =	stream.indirect.gather [hbm4b:s5+s20], $0x80, s12, s20, $0xb8;
	[tilespmem:$0x1D000] =	vst v63  }
0x10d: {  	s13 =	rddreg [dreg:$0xd]  }
0x10e: {  	[spmem:s3] =	stream.indirect.scatter.add.f32 [tilespmem:s21], [sflag:$0x3], $0x80, s13, s20, $0xb8;
	[tilespmem:$0x1D000] =	vst v63  }
0x10f: {  	_ =	swait.ge [sflag:s17], $0x4000  }
0x110: {  	[sflag:s17] =	ssyncset.done $0x0  }
0x111: {  	[sflag:s17] =	ssyncadd.s32 $0xFFFFC000  }
0x112: {  	_ =	swait.ge [sflag:s22], $0x4000  }
0x113: {  	[sflag:s22] =	ssyncset.done $0x0  }
0x114: {  	s12 =	rddreg [dreg:$0xe];
	[sflag:s22] =	ssyncadd.s32 $0xFFFFC000  }
0x115: {  	[tilespmem:s21], [sflag:$0x1] =	stream.indirect.gather [hbm4b:s5+s20], $0x80, s12, s20, $0xb8;
	[tilespmem:$0x1D000] =	vst v63  }
0x116: {  	s13 =	rddreg [dreg:$0xf]  }
0x117: {  	[spmem:s3] =	stream.indirect.scatter.add.f32 [tilespmem:s25], [sflag:$0x3], $0x80, s13, s20, $0xb8;
	[tilespmem:$0x1D000] =	vst v63  }
0x118: {  	_ =	swait.ge [sflag:s17], $0x4000  }
0x119: {  	[sflag:s17] =	ssyncset.done $0x0  }
0x11a: {  	[sflag:s17] =	ssyncadd.s32 $0xFFFFC000  }
0x11b: {  	_ =	swait.ge [sflag:s22], $0x4000  }
0x11c: {  	[sflag:s22] =	ssyncset.done $0x0  }
0x11d: {  	s12 =	rddreg [dreg:$0x10];
	[sflag:s22] =	ssyncadd.s32 $0xFFFFC000  }
0x11e: {  	[tilespmem:s25], [sflag:$0x1] =	stream.indirect.gather [hbm4b:s5+s20], $0x80, s12, s20, $0xb8;
	[tilespmem:$0x1D000] =	vst v63  }
0x11f: {  	s13 =	rddreg [dreg:$0x11]  }
0x120: {  	[spmem:s3] =	stream.indirect.scatter.add.f32 [tilespmem:s21], [sflag:$0x3], $0x80, s13, s20, $0xb8;
	[tilespmem:$0x1D000] =	vst v63  }
0x121: {  	_ =	swait.ge [sflag:s17], $0x4000  }
0x122: {  	[sflag:s17] =	ssyncset.done $0x0  }
0x123: {  	[sflag:s17] =	ssyncadd.s32 $0xFFFFC000  }
0x124: {  	_ =	swait.ge [sflag:s22], $0x4000  }
0x125: {  	[sflag:s22] =	ssyncset.done $0x0  }
0x126: {  	[sflag:s22] =	ssyncadd.s32 $0xFFFFC000  }
0x127: {  	_ =	swait.ge [sflag:s26], $0x400  }
0x128: {  	[sflag:s26] =	ssyncset.done $0x0  }
0x129: {  	[sflag:s26] =	ssyncadd.s32 $0xFFFFFC00  }
0x12a: {  	_ =	swait.ge [sflag:s26], $0x400  }
0x12b: {  	[sflag:s26] =	ssyncset.done $0x0  }
0x12c: {  	[sflag:s26] =	ssyncadd.s32 $0xFFFFFC00  }
0x12d: {  	[tilespmem:s21], [sflag:$0x1] =	stream.indirect.gather [hbm4b:s5+s20], $0x80, s23, s20, $0xb8;
	[tilespmem:$0x1D000] =	vst v63  }
0x12e: {  	s13 =	rddreg [dreg:$0x12]  }
0x12f: {  	[spmem:s3] =	stream.indirect.scatter.add.f32 [tilespmem:s25], [sflag:$0x3], $0x80, s13, s20, $0xb8;
	[tilespmem:$0x1D000] =	vst v63  }
0x130: {  	_ =	swait.ge [sflag:s17], $0x4000  }
0x131: {  	[sflag:s17] =	ssyncset.done $0x0  }
0x132: {  	s8 =	smov.u32 s31;
	[sflag:s17] =	ssyncadd.s32 $0xFFFFC000  }
0x133: {  	p1 =	sge.u32 s8, s10;
	_ =	swait.ge [sflag:s22], $0x4000  }
0x134: {  	s10 =	sadd.s32 @!p1 s0, s14;
	[sflag:s22] =	ssyncset.done $0x0  }
0x135: {  	s8 =	simm.s32 @!p1 $0x14000;
	s11 =	simm.s32 @!p1 $0x0;
	[sflag:s22] =	ssyncadd.s32 $0xFFFFC000  }
0x136: {  	[tilespmem:s8], [sflag:$0x2] =	stream.linear.gather @!p1 [hbm4b:s10+s11], $0x400, $0x38;
	[tilespmem:$0x1D000] =	vst v63  }
0x137: {  	s12 =	sadd.s32 @!p1 s2, s14;
	s13 =	simm.s32 @!p1 $0x14400  }
0x138: {  	[tilespmem:s13], [sflag:$0x2] =	stream.linear.gather @!p1 [hbm4b:s12+s11], $0x400, $0x38;
	[tilespmem:$0x1D000] =	vst v63  }
0x139: {  	s10 =	rddreg [dreg:$0x13]  }
0x13a: {  	[tilespmem:s25], [sflag:$0x1] =	stream.indirect.gather [hbm4b:s5+s20], $0x80, s10, s20, $0xb8;
	[tilespmem:$0x1D000] =	vst v63  }
0x13b: {  	_ = 	snop  }
0x13c: {  	[spmem:s3] =	stream.indirect.scatter.add.f32 [tilespmem:s21], [sflag:$0x3], $0x80, s24, s20, $0xb8;
	[tilespmem:$0x1D000] =	vst v63  }
0x13d: {  	_ =	swait.ge [sflag:s17], $0x4000  }
0x13e: {  	[sflag:s17] =	ssyncset.done $0x0  }
0x13f: {  	[sflag:s17] =	ssyncadd.s32 $0xFFFFC000  }
0x140: {  	_ =	swait.ge [sflag:s22], $0x4000  }
0x141: {  	[sflag:s22] =	ssyncset.done $0x0  }
0x142: {  	s12 =	rddreg [dreg:$0x14];
	[sflag:s22] =	ssyncadd.s32 $0xFFFFC000  }
0x143: {  	[tilespmem:s21], [sflag:$0x1] =	stream.indirect.gather [hbm4b:s5+s20], $0x80, s12, s20, $0xb8;
	[tilespmem:$0x1D000] =	vst v63  }
0x144: {  	s13 =	rddreg [dreg:$0x15]  }
0x145: {  	[spmem:s3] =	stream.indirect.scatter.add.f32 [tilespmem:s25], [sflag:$0x3], $0x80, s13, s20, $0xb8;
	[tilespmem:$0x1D000] =	vst v63  }
0x146: {  	_ =	swait.ge [sflag:s17], $0x4000  }
0x147: {  	[sflag:s17] =	ssyncset.done $0x0  }
0x148: {  	[sflag:s17] =	ssyncadd.s32 $0xFFFFC000  }
0x149: {  	_ =	swait.ge [sflag:s22], $0x4000  }
0x14a: {  	[sflag:s22] =	ssyncset.done $0x0  }
0x14b: {  	s12 =	rddreg [dreg:$0x16];
	[sflag:s22] =	ssyncadd.s32 $0xFFFFC000  }
0x14c: {  	[tilespmem:s25], [sflag:$0x1] =	stream.indirect.gather [hbm4b:s5+s20], $0x80, s12, s20, $0xb8;
	[tilespmem:$0x1D000] =	vst v63  }
0x14d: {  	s13 =	rddreg [dreg:$0x17]  }
0x14e: {  	[spmem:s3] =	stream.indirect.scatter.add.f32 [tilespmem:s21], [sflag:$0x3], $0x80, s13, s20, $0xb8;
	[tilespmem:$0x1D000] =	vst v63  }
0x14f: {  	_ =	swait.ge [sflag:s17], $0x4000  }
0x150: {  	[sflag:s17] =	ssyncset.done $0x0  }
0x151: {  	[sflag:s17] =	ssyncadd.s32 $0xFFFFC000  }
0x152: {  	_ =	swait.ge [sflag:s22], $0x4000  }
0x153: {  	[sflag:s22] =	ssyncset.done $0x0  }
0x154: {  	s12 =	rddreg [dreg:$0x18];
	[sflag:s22] =	ssyncadd.s32 $0xFFFFC000  }
0x155: {  	[tilespmem:s21], [sflag:$0x1] =	stream.indirect.gather [hbm4b:s5+s20], $0x80, s12, s20, $0xb8;
	[tilespmem:$0x1D000] =	vst v63  }
0x156: {  	s13 =	rddreg [dreg:$0x19]  }
0x157: {  	[spmem:s3] =	stream.indirect.scatter.add.f32 [tilespmem:s25], [sflag:$0x3], $0x80, s13, s20, $0xb8;
	[tilespmem:$0x1D000] =	vst v63  }
0x158: {  	_ =	swait.ge [sflag:s17], $0x4000  }
0x159: {  	[sflag:s17] =	ssyncset.done $0x0  }
0x15a: {  	[sflag:s17] =	ssyncadd.s32 $0xFFFFC000  }
0x15b: {  	_ =	swait.ge [sflag:s22], $0x4000  }
0x15c: {  	[sflag:s22] =	ssyncset.done $0x0  }
0x15d: {  	s12 =	rddreg [dreg:$0x1a];
	[sflag:s22] =	ssyncadd.s32 $0xFFFFC000  }
0x15e: {  	[tilespmem:s25], [sflag:$0x1] =	stream.indirect.gather [hbm4b:s5+s20], $0x80, s12, s20, $0xb8;
	[tilespmem:$0x1D000] =	vst v63  }
0x15f: {  	s13 =	rddreg [dreg:$0x1b]  }
0x160: {  	[spmem:s3] =	stream.indirect.scatter.add.f32 [tilespmem:s21], [sflag:$0x3], $0x80, s13, s20, $0xb8;
	[tilespmem:$0x1D000] =	vst v63  }
0x161: {  	_ =	swait.ge [sflag:s17], $0x4000  }
0x162: {  	[sflag:s17] =	ssyncset.done $0x0  }
0x163: {  	[sflag:s17] =	ssyncadd.s32 $0xFFFFC000  }
0x164: {  	_ =	swait.ge [sflag:s22], $0x4000  }
0x165: {  	[sflag:s22] =	ssyncset.done $0x0  }
0x166: {  	s11 =	rddreg [dreg:$0x1c];
	[sflag:s22] =	ssyncadd.s32 $0xFFFFC000  }
0x167: {  	[tilespmem:s21], [sflag:$0x1] =	stream.indirect.gather [hbm4b:s5+s20], $0x80, s11, s20, $0xb8;
	[tilespmem:$0x1D000] =	vst v63  }
0x168: {  	s12 =	rddreg [dreg:$0x1d]  }
0x169: {  	[spmem:s3] =	stream.indirect.scatter.add.f32 [tilespmem:s25], [sflag:$0x3], $0x80, s12, s20, $0xb8;
	[tilespmem:$0x1D000] =	vst v63  }
0x16a: {  	_ =	swait.ge [sflag:s17], $0x4000  }
0x16b: {  	[sflag:s17] =	ssyncset.done $0x0  }
0x16c: {  	[sflag:s17] =	ssyncadd.s32 $0xFFFFC000  }
0x16d: {  	_ =	swait.ge [sflag:s22], $0x4000  }
0x16e: {  	[sflag:s22] =	ssyncset.done $0x0  }
0x16f: {  	s13 =	rddreg [dreg:$0x1e];
	[sflag:s22] =	ssyncadd.s32 $0xFFFFC000  }
0x170: {  	[tilespmem:s25], [sflag:$0x1] =	stream.indirect.gather [hbm4b:s5+s20], $0x80, s13, s20, $0xb8;
	[tilespmem:$0x1D000] =	vst v63  }
0x171: {  	_ = 	snop  }
0x172: {  	[spmem:s3] =	stream.indirect.scatter.add.f32 [tilespmem:s21], [sflag:$0x3], $0x80, s28, s20, $0xb8;
	[tilespmem:$0x1D000] =	vst v63  }
0x173: {  	_ =	swait.ge [sflag:s17], $0x4000  }
0x174: {  	[sflag:s17] =	ssyncset.done $0x0  }
0x175: {  	[sflag:s17] =	ssyncadd.s32 $0xFFFFC000  }
0x176: {  	_ =	swait.ge [sflag:s22], $0x4000  }
0x177: {  	[sflag:s22] =	ssyncset.done $0x0  }
0x178: {  	s10 =	simm.s32 @!p1 $0x2;
	[sflag:s22] =	ssyncadd.s32 $0xFFFFC000  }
0x179: {  	_ =	swait.ge @!p1 [sflag:s10], $0x400  }
0x17a: {  	[sflag:s10] =	ssyncset.done @!p1 $0x0  }
0x17b: {  	[sflag:s10] =	ssyncadd.s32 @!p1 $0xFFFFFC00  }
0x17c: {  	s31 =	sadd.s32 $0x1, s31;
	_ =	swait.ge @!p1 [sflag:s10], $0x400  }
0x17d: {  	p0 =	sne.s32 s7, s31;
	s11 =	simm.s32 @!p1 $0x80;
	[sflag:s10] =	ssyncset.done @!p1 $0x0  }
.Ltmp1:
0x17e: {  	s12 =	simm.s32 @!p1 $0x15000;
	[sflag:s10] =	ssyncadd.s32 @!p1 $0xFFFFFC00;
	(pc) =	sbr.rel @p0 .LBB2_2-.Ltmp1, $4  }
0x17f: {  	[tilespmem:s12], [sflag:$0x1] =	stream.indirect.gather @!p1 [hbm4b:s5+s11], $0x80, s8, s11, $0xb8;
	[tilespmem:$0x1D000] =	vst v63  }
0x180: {  	_ = 	snop  }
0x181: {  	[spmem:s3] =	stream.indirect.scatter.add.f32 [tilespmem:s25], [sflag:$0x3], $0x80, s29, s20, $0xb8;
	[tilespmem:$0x1D000] =	vst v63  }
0x182: {  	s0 =	sadd.s32 $0x100, s0;
	_ =	swait.ge [sflag:s17], $0x4000  }
.LBB2_3:
0x183: {  	[sflag:s17] =	ssyncset.done $0x0  }
0x184: {  	[sflag:s17] =	ssyncadd.s32 $0xFFFFC000  }
0x185: {  	[bflag:$0x0] =	sbarrier.arrive $0xFFFF  }
0x186: {  	s0 =	sld [smem:$0x7FC];
	_ =	sdelay $0x2  }
0x187: {  	[hbm:s0], [sflag:s9] =	dma.local [spmem:s16], $0x2800  }
0x188: {  	_ =	swait.ge [sflag:s17], $0x2800  }
0x189: {  	s31 =	sld [smem:$0x7FD];
	_ =	sdelay $0x1  }
0x18a: {  	s30 =	sadd.s32 $0x1, s30  }
0x18b: {  	p0 =	sne.s32 s30, s31  }
.Ltmp2:
0x18c: {  	_ = 	snop;
	(pc) =	sbr.rel @p0 .LBB2_1-.Ltmp2, $3  }
0x18d: {  	_ =	sdelay $0x1  }
0x18e: {  	[sflag:s17] =	ssyncset.done $0x0  }
0x18f: {  	[sflag:s17] =	ssyncadd.s32 $0xFFFFD800  }
0x190: {  	_ =	sfence.sel $0x180000  }
0x191: {  	[bflag:$0x0] =	sbarrier.arrive $0xFFFF  }
0x192: {  	_ =	strace $0x9000004D  }
0x193: {  	s0 =	stileid.u32;
	[bflag:$0x2] =	sbarrier.arrive $0xFFFF  }
0x194: {  	p0 =	sne.s32 s0, $0x0;
	s0 =	rddreg [dreg:$0x3]  }
0x195: {  	s0 =	sadd.s32 @!p0 $0x100000, s0  }
0x196: {  	[sflag:s0] =	ssyncadd.tile.s32 @!p0 $0x1;
	_ =	shalt  }
.Lfunc_end2:
_tile_overlayer_lowered:
.L_overlay_start_2:
0x197: {  	(tag) =	ssettag $0x2  }
0x198: {  	s0 =	rddreg [dreg:$0x0];
	s2 =	stileid.u32  }
0x199: {  	s1 =	rddreg [dreg:$0x1];
	p0 =	sne.s32 s2, $0x0  }
0x19a: {  	s3 =	rddreg [dreg:$0x2];
	[bflag:$0x3] =	sbarrier.arrive $0xFFFF;
	s2 =	simm.s32 @!p0 $0x1C03  }
0x19b: {  	[timem:s3], [sflag:s2] =	dma.local @!p0 [hbm:s0], s1  }
0x19c: {  	s0 =	simm.s32 @!p0 $0x3  }
0x19d: {  	_ =	swait.ge @!p0 [sflag:s0], s1  }
0x19e: {  	s1 =	ssub.s32 @!p0 $0x0, s1;
	[sflag:s0] =	ssyncset.done @!p0 $0x0  }
0x19f: {  	[sflag:s0] =	ssyncadd.s32 @!p0 s1  }
0x1a0: {  	[bflag:$0x3] =	sbarrier.arrive $0xFFFF  }
0x1a1: {  	_ =	shalt  }

// kernel: kernel.8.cloned.1.call-start
scs
__scs_entry_jumppad:
0x0: {  	(pc) =	sbr.rel $0x88, $3  }
0x1: {  	(tag) =	ssettag $0x0;
	lr =	simm.s32 $0x1  }
0x2: {  	[smem:$0x3F9B] =	sst lr;
	_ =	strace $0xD0000000  }
0x3: {  	_ = 	snop  }
0x4: {  	_ = 	snop  }
0x5: {  	_ = 	snop  }
0x6: {  	_ = 	snop  }
0x7: {  	_ = 	snop  }
__scs_overlays_trampoline_lowered:
0x8: {  	[smem:$0x3FAA] =	sst s0  }
0x9: {  	[smem:$0x3FAB] =	sst s1  }
0xa: {  	[smem:$0x3FAC] =	sst s2  }
0xb: {  	[smem:$0x3FAD] =	sst s3  }
0xc: {  	[smem:$0x3FAE] =	sst s4  }
0xd: {  	[smem:$0x3FAF] =	sst s5  }
0xe: {  	[smem:$0x3FB0] =	sst s6  }
0xf: {  	[smem:$0x3FB1] =	sst s7  }
0x10: {  	[smem:$0x3FB2] =	sst s8  }
0x11: {  	[smem:$0x3FB3] =	sst s9;
	s0 =	simm.s32 @!p0 $0x0  }
0x12: {  	s1 =	sld [smem:$0x3F99];
	s0 =	simm.s32 @p0 $0x1  }
0x13: {  	[smem:$0x3FB4] =	sst s0;
	s0 =	simm.s32 @!p1 $0x0  }
0x14: {  	s2 =	sld [smem:$0x3F98];
	s0 =	simm.s32 @p1 $0x1  }
0x15: {  	[smem:$0x3FB5] =	sst s0;
	s0 =	simm.s32 @!p2 $0x0  }
0x16: {  	s3 =	sld [smem:$0x3FDB];
	s0 =	simm.s32 @p2 $0x1  }
0x17: {  	s4 =	simm.s32 $0x1BF5;
	[smem:$0x3FB7] =	sst s0  }
0x18: {  	s0 =	sld [smem:$0x3F9A];
	_ =	swait.ge [sflag:s4], $0x0  }
0x19: {  	s7 =	sld [smem:$0x3F9B]  }
0x1a: {  	s8 =	sadd.s32 $0xFFFFE003, lr  }
0x1b: {  	s9 =	sadd.s32 $0xFFFFFEF7, lr;
	s5 =	simm.s32 $0xFFFFFFFF;
	p2 =	slt.u32 s8, $0xFFFFF086  }
0x1c: {  	p1 =	slt.u32 s9, $0xF7A;
	s5 =	simm.s32 @!p2 $0x0  }
0x1d: {  	s5 =	simm.s32 @p1 $0x1;
	p0 =	seq.s32 s7, s2  }
0x1e: {  	s7 =	smul.u32 @!p0 $0xF7A, s2;
	p2 =	seq.s32 @!p0 s5, $0x0  }
0x1f: {  	s9 =	smul.u32 $0xF7A, s1;
	s8 =	simm.s32 @!p0 $0x1BF5;
	p2 =	por !p2, p0  }
0x20: {  	[sflag:s8] =	ssyncset.s32 @!p0 $0xFFFFF086;
	s6 =	sadd.s32 @!p0 s3, s7;
	s7 =	simm.s32 @!p0 $0x108  }
0x21: {  	s3 =	sadd.s32 s3, s9;
	s6 =	sadd.s32 @!p0 $0x88, s6;
	s7 =	simm.s32 @p2 $0x1082  }
0x22: {  	[simem:s7], [sflag:s8] =	dma.local @!p0 [hbm:s6], $0xF7A  }
0x23: {  	s9 =	sor.u32 $0xD0000000, s2;
	s6 =	simm.s32 $0x108;
	_ =	swait.ge @!p0 [sflag:s8], $0x0  }
0x24: {  	s3 =	sadd.s32 $0x88, s3;
	s6 =	simm.s32 @!p1 $0x1082;
	[sflag:s4] =	ssyncset.s32 $0xFFFFF086  }
0x25: {  	[simem:s6], [sflag:s4] =	dma.local [hbm:s3], $0xF7A  }
0x26: {  	[smem:$0x3F9B] =	sst s1;
	(tag) =	ssettag s2;
	_ =	strace s9  }
0x27: {  	s1 =	sld [smem:$0x3FAB]  }
0x28: {  	s2 =	sld [smem:$0x3FAC]  }
0x29: {  	s4 =	sld [smem:$0x3FAE]  }
0x2a: {  	p0 =	seq.s32 s5, $0x0;
	s5 =	sld [smem:$0x3FAF]  }
0x2b: {  	s6 =	sld [smem:$0x3FB0]  }
0x2c: {  	s7 =	sld [smem:$0x3FB1]  }
0x2d: {  	s3 =	simm.s32 $0x108;
	s8 =	sld [smem:$0x3FB2]  }
0x2e: {  	s3 =	simm.s32 @!p0 $0x1082;
	s9 =	sld [smem:$0x3FB3]  }
0x2f: {  	lr =	sadd.s32 s0, s3;
	s0 =	sld [smem:$0x3FAA]  }
0x30: {  	s3 =	sld [smem:$0x3FAD]  }
0x31: {  	[smem:$0x3FB6] =	sst s10  }
0x32: {  	s10 =	sld [smem:$0x3FB4];
	_ =	sdelay $0x3  }
0x33: {  	p0 =	seq.s32 s10, $0x1;
	s10 =	sld [smem:$0x3FB6];
	_ =	sdelay $0x3  }
0x34: {  	[smem:$0x3FB6] =	sst s10  }
0x35: {  	s10 =	sld [smem:$0x3FB5];
	_ =	sdelay $0x3  }
0x36: {  	p1 =	seq.s32 s10, $0x1;
	s10 =	sld [smem:$0x3FB6];
	_ =	sdelay $0x3  }
0x37: {  	[smem:$0x3FB6] =	sst s10  }
0x38: {  	s10 =	sld [smem:$0x3FB7]  }
0x39: {  	_ = 	snop;
	(pc) =	sbr.ind lr, $3  }
0x3a: {  	_ = 	snop  }
0x3b: {  	_ = 	snop  }
0x3c: {  	p2 =	seq.s32 s10, $0x1;
	s10 =	sld [smem:$0x3FB6]  }
0x3d: {  	_ =	shalt  }
0x3e: {  	_ =	shalt  }
0x3f: {  	_ =	shalt  }
0x40: {  	_ =	shalt  }
0x41: {  	_ =	shalt  }
0x42: {  	_ =	shalt  }
0x43: {  	_ =	shalt  }
0x44: {  	_ =	shalt  }
0x45: {  	_ =	shalt  }
0x46: {  	_ =	shalt  }
0x47: {  	_ =	shalt  }
0x48: {  	_ =	shalt  }
0x49: {  	_ =	shalt  }
0x4a: {  	_ =	shalt  }
0x4b: {  	_ =	shalt  }
0x4c: {  	_ =	shalt  }
0x4d: {  	_ =	shalt  }
0x4e: {  	_ =	shalt  }
0x4f: {  	_ =	shalt  }
0x50: {  	_ =	shalt  }
0x51: {  	_ =	shalt  }
0x52: {  	_ =	shalt  }
0x53: {  	_ =	shalt  }
0x54: {  	_ =	shalt  }
0x55: {  	_ =	shalt  }
0x56: {  	_ =	shalt  }
0x57: {  	_ =	shalt  }
0x58: {  	_ =	shalt  }
0x59: {  	_ =	shalt  }
0x5a: {  	_ =	shalt  }
0x5b: {  	_ =	shalt  }
0x5c: {  	_ =	shalt  }
0x5d: {  	_ =	shalt  }
0x5e: {  	_ =	shalt  }
0x5f: {  	_ =	shalt  }
0x60: {  	_ =	shalt  }
0x61: {  	_ =	shalt  }
0x62: {  	_ =	shalt  }
0x63: {  	_ =	shalt  }
0x64: {  	_ =	shalt  }
0x65: {  	_ =	shalt  }
0x66: {  	_ =	shalt  }
0x67: {  	_ =	shalt  }
0x68: {  	_ =	shalt  }
0x69: {  	_ =	shalt  }
0x6a: {  	_ =	shalt  }
0x6b: {  	_ =	shalt  }
0x6c: {  	_ =	shalt  }
0x6d: {  	_ =	shalt  }
0x6e: {  	_ =	shalt  }
0x6f: {  	_ =	shalt  }
0x70: {  	_ =	shalt  }
0x71: {  	_ =	shalt  }
0x72: {  	_ =	shalt  }
0x73: {  	_ =	shalt  }
0x74: {  	_ =	shalt  }
0x75: {  	_ =	shalt  }
0x76: {  	_ =	shalt  }
0x77: {  	_ =	shalt  }
0x78: {  	_ =	shalt  }
0x79: {  	_ =	shalt  }
0x7a: {  	_ =	shalt  }
0x7b: {  	_ =	shalt  }
0x7c: {  	_ =	shalt  }
0x7d: {  	_ =	shalt  }
0x7e: {  	_ =	shalt  }
0x7f: {  	_ =	shalt  }
0x80: {  	_ =	shalt  }
0x81: {  	_ =	shalt  }
0x82: {  	_ =	shalt  }
0x83: {  	_ =	shalt  }
0x84: {  	_ =	shalt  }
0x85: {  	_ =	shalt  }
0x86: {  	_ =	shalt  }
0x87: {  	_ =	shalt  }
.Lfunc_end0:
.L_simem_size_0:
called_computation_lowered:
.L_overlay_start_0:
0x88: {  	s2 =	sld [smem:$0x3FD9]  }
0x89: {  	s3 =	sld [smem:$0x3FFE];
	_ =	sdelay $0x1  }
0x8a: {  	s1 =	srdreg.scid  }
0x8b: {  	s0 =	sand.u32 $0x1, s1  }
0x8c: {  	s17 =	sshll.u32 s0, $0xA;
	s2 =	sadd.s32 s3, s2  }
0x8d: {  	s2 =	sadd.s32 s2, s17  }
0x8e: {  	[smem:$0x3FC2] =	sst s2  }
0x8f: {  	_ = 	snop  }
0x90: {  	s2 =	sld [smem:$0x3FD0];
	(tm) =	ssettm $0x1  }
0x91: {  	s18 =	sld [smem:$0x3FFB];
	_ =	sdelay $0x3  }
0x92: {  	_ =	strace s18  }
0x93: {  	s3 =	sld [smem:$0x3FFC];
	_ =	sdelay $0x3  }
0x94: {  	_ =	strace s3  }
0x95: {  	s3 =	sld [smem:$0x3FFD];
	_ =	sdelay $0x3  }
0x96: {  	_ =	strace s3  }
0x97: {  	_ =	strace $0x8FFFFFFF  }
0x98: {  	s19 =	sld [smem:$0x3FDB];
	_ =	sdelay $0x1  }
0x99: {  	s4 =	simm.s32 $_scs_section_size  }
0x9a: {  	s5 =	simm.s32 $_size__tile_overlayer_lowered;
	s6 =	simm.s32 $_tile_overlayer_lowered  }
0x9b: {  	s22 =	simm.s32 $0x1BFF;
	s21 =	sshll.u32 s6, $0x1;
	s3 =	sadd.s32 s4, s19  }
0x9c: {  	s7 =	simm.s32 $0x0;
	s20 =	sshll.u32 s5, $0x1;
	s5 =	sadd.s32 s21, s3  }
0x9d: {  	[timem:s7], [sflag:s22] =	dma.local [hbm:s5], s20  }
0x9e: {  	_ =	swait.ge [sflag:s22], s20  }
0x9f: {  	s4 =	ssub.s32 $0x0, s20;
	[sflag:s22] =	ssyncset.done $0x0  }
0xa0: {  	[sflag:s22] =	ssyncadd.s32 s4;
	_ =	sdelay $0x1  }
0xa1: {  	s23 =	simm.s32 $0x1B8B  }
0xa2: {  	_ =	swait.ge [sflag:s23], $0x1  }
0xa3: {  	[sflag:s23] =	ssyncset.done $0x0  }
0xa4: {  	s25 =	simm.s32 $0x1B8E;
	s24 =	sld [smem:$0x3FFE];
	[sflag:s23] =	ssyncadd.s32 $0xFFFFFFFF  }
0xa5: {  	s26 =	simm.s32 $execute0_lowered;
	[smem:$0x3FD2] =	sst s25  }
0xa6: {  	s5 =	sshll.u32 s26, $0x1;
	_ =	strace $0x80000046;
	[dreg:$0x1] =	wrdreg $0xFFFFFFFF  }
0xa7: {  	s28 =	simm.s32 $_size_execute0_lowered;
	s3 =	sadd.s32 s3, s5;
	[dreg:$0x0] =	wrdreg $0x0  }
0xa8: {  	s5 =	sshll.u32 s28, $0x1;
	[dreg:$0x2] =	wrdreg s3  }
0xa9: {  	[dreg:$0x3] =	wrdreg s5  }
0xaa: {  	[dreg:$0x4] =	wrdreg $0xC0  }
0xab: {  	_ =	task [dreg:s7], $0x5FFFF  }
0xac: {  	[dreg:$0x1] =	wrdreg $0xFFFFFFFF  }
0xad: {  	[dreg:$0x0] =	wrdreg $0x60  }
0xae: {  	[dreg:$0x2] =	wrdreg s2  }
0xaf: {  	[dreg:$0x3] =	wrdreg s24  }
0xb0: {  	[dreg:$0x4] =	wrdreg $0x9  }
0xb1: {  	_ =	task.clear_ibuf [dreg:s7], $0x5FFFF;
	_ =	strace $0x90000046  }
0xb2: {  	s29 =	simm.s32 $0x9;
	_ =	strace $0x80000048  }
0xb3: {  	_ =	swait.ge [sflag:s29], $0x1  }
0xb4: {  	[sflag:s29] =	ssyncadd.s32 $0xFFFFFFFF  }
0xb5: {  	_ =	strace $0x90000048  }
0xb6: {  	_ =	sfence  }
0xb7: {  	s30 =	sld [smem:$0x0];
	_ =	sdelay $0x2  }
0xb8: {  	s31 =	sshll.u32 s1, $0xD;
	s1 =	sshrl.u32 s1, $0x2  }
0xb9: {  	s3 =	sand.u32 $0x4000, s31;
	s1 =	sadd.s32 s1, s30  }
0xba: {  	s0 =	sor.u32 s3, s0;
	s1 =	sshll.u32 s1, $0x11  }
0xbb: {  	s0 =	sor.u32 s1, s0  }
0xbc: {  	s0 =	sadd.s32 $0x8F2B, s0  }
0xbd: {  	[sflag:s0] =	ssyncadd.remote.s32 $0x1  }
0xbe: {  	_ =	sfence.sel $0xFFFF  }
0xbf: {  	[dreg:$0x0] =	wrdreg $0xFFFFFFFF;
	(pc) =	sbr.abs _section_cstart, $3  }
0xc0: {  	[dreg:$0x1] =	wrdreg $0xFFFFFFFF  }
0xc1: {  	_ =	task.clear_ibuf [dreg:s7], $0x2FFFF;
	_ =	strace $0x9FFFFFFF  }
0xc2: {  	(tm) =	ssettm $0x7FFFFFFF  }
0xc3: {  	_ =	shalt  }
tec
execute0_lowered:
.L_overlay_start_1:
0x0: {  	(tag) =	ssettag $0x1  }
0x1: {  	s0 =	srdreg.scid;
	s4 =	rddreg [dreg:$0x0]  }
0x2: {  	s5 =	rddreg [dreg:$0x1];
	s3 =	sand.u32 $0x1, s0  }
0x3: {  	s2 =	simm.s32 $0x0;
	s0 =	stileid.u32;
	s1 =	sshll.u32 s3, $0x4  }
0x4: {  	s9 =	simm.s32 $0x80;
	s10 =	simm.s32 $0x400;
	s6 =	sor.u32 s0, s1  }
0x5: {  	s11 =	simm.s32 $0x0;
	[smem:$0x7FF] =	sst s2;
	s7 =	sshrl.u32 s6, $0x3  }
0x6: {  	s8 =	sshll.u32 s0, $0x7;
	s30 =	ssub.s32 $0x2, s3;
	s7 =	smul.u32 $0x14000, s7  }
0x7: {  	s3 =	sadd.s32 $0xC200, s5;
	s8 =	sand.u32 $0x380, s8;
	s6 =	smul.u32 $0x500, s6  }
0x8: {  	s1 =	rddreg [dreg:$0x2];
	_ =	strace $0x80000047;
	s7 =	sor.u32 s8, s7  }
0x9: {  	s31 =	sshrl.u32 s30, $0x1;
	s4 =	sadd.s32 s4, s6;
	s7 =	sshrl.u32 s7, $0x3  }
0xa: {  	s8 =	simm.s32 $0x1;
	s5 =	sadd.s32 s7, s5;
	s7 =	ssub.s32 s30, s31  }
0xb: {  	v0 =	vimm.f32 $1.000000000e+00;
	s5 =	sadd.s32 $0xC800, s5;
	s6 =	smax.u32 s7, $0x1;
	s7 =	simm.s32 $0x2800  }
.LBB2_1:
0xc: {  	[tilespmem:s7], [sflag:$0x1] =	stream.linear.gather [hbm4b:s3+s2], $0x2800, $0x38;
	[tilespmem:$0x5000] =	vst v63  }
0xd: {  	_ =	swait.ge [sflag:s8], $0x2800  }
0xe: {  	[sflag:s8] =	ssyncset.done $0x0  }
0xf: {  	[sflag:s8] =	ssyncadd.s32 $0xFFFFD800  }
0x10: {  	[tilespmem:s2], [sflag:$0x1] =	stream.linear.gather [hbm4b:s4+s2], $0x2800, $0x38;
	[tilespmem:$0x5000] =	vst v63  }
0x11: {  	_ =	swait.ge [sflag:s8], $0x2800  }
0x12: {  	[sflag:s8] =	ssyncset.done $0x0  }
0x13: {  	s12 =	simm.s32 $0x0;
	[sflag:s8] =	ssyncadd.s32 $0xFFFFD800  }
.LBB2_2:
0x14: {  	s13 =	sshra.s32 s12, $0x2  }
0x15: {  	v1 =	vld [tilespmem:s13+$0x0];
	_ =	sdelay $0x7  }
0x16: {  	[tilespmem:v1+s7+$0x0] =	vst.idx.add.f32.msk $0xffff, v0  }
0x17: {  	v1 =	vld [tilespmem:s13+$0x10];
	_ =	sdelay $0x7  }
0x18: {  	[tilespmem:v1+s7+$0x0] =	vst.idx.add.f32.msk $0xffff, v0  }
0x19: {  	v1 =	vld [tilespmem:s13+$0x20];
	_ =	sdelay $0x7  }
0x1a: {  	[tilespmem:v1+s7+$0x0] =	vst.idx.add.f32.msk $0xffff, v0  }
0x1b: {  	v1 =	vld [tilespmem:s13+$0x30];
	_ =	sdelay $0x7  }
0x1c: {  	[tilespmem:v1+s7+$0x0] =	vst.idx.add.f32.msk $0xffff, v0  }
0x1d: {  	v1 =	vld [tilespmem:s13+$0x40];
	_ =	sdelay $0x7  }
0x1e: {  	[tilespmem:v1+s7+$0x0] =	vst.idx.add.f32.msk $0xffff, v0  }
0x1f: {  	v1 =	vld [tilespmem:s13+$0x50];
	_ =	sdelay $0x7  }
0x20: {  	[tilespmem:v1+s7+$0x0] =	vst.idx.add.f32.msk $0xffff, v0  }
0x21: {  	v1 =	vld [tilespmem:s13+$0x60];
	_ =	sdelay $0x7  }
0x22: {  	[tilespmem:v1+s7+$0x0] =	vst.idx.add.f32.msk $0xffff, v0  }
0x23: {  	v1 =	vld [tilespmem:s13+$0x70];
	_ =	sdelay $0x2  }
0x24: {  	p0 =	sne.s32 s12, $0x9E00  }
.Ltmp0:
0x25: {  	_ = 	snop;
	(pc) =	sbr.rel @p0 .LBB2_2-.Ltmp0, $2  }
0x26: {  	_ =	sdelay $0x2  }
0x27: {  	s12 =	sadd.s32 $0x200, s12;
	[tilespmem:v1+s7+$0x0] =	vst.idx.add.f32.msk $0xffff, v0  }
0x28: {  	s11 =	sadd.s32 $0x1, s11  }
0x29: {  	p0 =	sne.s32 s11, s6  }
.Ltmp1:
0x2a: {  	_ = 	snop;
	(pc) =	sbr.rel @p0 .LBB2_1-.Ltmp1, $4  }
0x2b: {  	[hbm4b:s5+s9] =	stream.strided.scatter [tilespmem:s7], [sflag:$0x1], $0x2800, s10, s9, $0x38;
	[tilespmem:$0x5000] =	vst v63  }
0x2c: {  	_ =	swait.ge [sflag:s8], $0x2800  }
0x2d: {  	[sflag:s8] =	ssyncset.done $0x0  }
0x2e: {  	[sflag:s8] =	ssyncadd.s32 $0xFFFFD800  }
0x2f: {  	_ =	sfence.sel $0x180000  }
0x30: {  	[bflag:$0x0] =	sbarrier.arrive $0xFFFF  }
0x31: {  	p0 =	sne.s32 s0, $0x0;
	_ =	strace $0x90000047  }
0x32: {  	s0 =	sadd.s32 @!p0 $0x100000, s1;
	[bflag:$0x2] =	sbarrier.arrive $0xFFFF  }
0x33: {  	[sflag:s0] =	ssyncadd.tile.s32 @!p0 $0x1;
	_ =	shalt  }
.Lfunc_end2:
_tile_overlayer_lowered:
.L_overlay_start_2:
0x34: {  	(tag) =	ssettag $0x2  }
0x35: {  	s0 =	rddreg [dreg:$0x0];
	s2 =	stileid.u32  }
0x36: {  	s1 =	rddreg [dreg:$0x1];
	p0 =	sne.s32 s2, $0x0  }
0x37: {  	s3 =	rddreg [dreg:$0x2];
	[bflag:$0x3] =	sbarrier.arrive $0xFFFF;
	s2 =	simm.s32 @!p0 $0x1C01  }
0x38: {  	[timem:s3], [sflag:s2] =	dma.local @!p0 [hbm:s0], s1  }
0x39: {  	s0 =	simm.s32 @!p0 $0x1  }
0x3a: {  	_ =	swait.ge @!p0 [sflag:s0], s1  }
0x3b: {  	s1 =	ssub.s32 @!p0 $0x0, s1;
	[sflag:s0] =	ssyncset.done @!p0 $0x0  }
0x3c: {  	[sflag:s0] =	ssyncadd.s32 @!p0 s1  }
0x3d: {  	[bflag:$0x3] =	sbarrier.arrive $0xFFFF  }
0x3e: {  	_ =	shalt  }

</sc_bundles>
